<compile_context>
chip_gen: v7x
topology: tpu7x:2x2x1
jax: 0.10.2.dev20260603
libtpu: 0.0.44.dev20260713+nightly
codegen_flags: <defaults>
</compile_context>

<pallas_src>
import jax
import jax.numpy as jnp
from jax import lax
from jax.experimental import pallas as pl
from jax.experimental.pallas import tpu as pltpu
from jax.experimental.pallas import tpu_sc as plsc

K = 32
DT = 0.001
NC, NS, L = 2, 16, 16
NW = NC * NS
CHUNK = 128
UNROLL = 8


def _body(in_hbm, out_hbm, buf, out_buf, cnt_buf, done_smem,
          sem_out, *in_sems):
    B, T, O = in_hbm.shape
    ngroups = O // L
    per_w = B // NW
    wid = lax.axis_index("s") * NC + lax.axis_index("c")

    lane_ids = [lax.iota(jnp.int32, L) + g * L for g in range(ngroups)]
    inf_vec = jnp.full((L,), jnp.inf, dtype=jnp.float32)
    zero = jnp.zeros((L,), jnp.int32)

    for i in range(per_w):
        pltpu.async_copy(in_hbm.at[wid * per_w + i, pl.ds(0, CHUNK), :],
                         buf.at[i], in_sems[i])

    def process_chunk(slot, t):
        cnts0 = tuple(cnt_buf[g, :] for g in range(ngroups))

        @plsc.parallel_loop(0, CHUNK, unroll=UNROLL, carry=cnts0)
        def cnts(j, cnts):
            cnts = list(cnts)
            tval = ((t + j).astype(jnp.float32) * DT)
            val = lax.broadcast(tval, (L,))
            for g in range(ngroups):
                x = buf[slot, j, pl.ds(g * L, L)]
                m = x != 0.0
                cg = cnts[g]
                ok = jnp.logical_and(m, cg < K)
                plsc.store_scatter(out_buf.at[slot],
                                   [cg, lane_ids[g]], val, mask=ok)
                cnts[g] = cg + ok.astype(jnp.int32)
            return tuple(cnts)
        for g in range(ngroups):
            cnt_buf[g, :] = cnts[g]
        mnv = cnts[0]
        for g in range(1, ngroups):
            mnv = jnp.minimum(mnv, cnts[g])
        mn = mnv[0]
        for l in range(1, L):
            mn = jnp.minimum(mn, mnv[l])
        done_smem[0] = (mn >= K).astype(jnp.int32)

    for i in range(per_w):
        b = wid * per_w + i

        for k in range(K):
            for g in range(ngroups):
                out_buf[i, k, pl.ds(g * L, L)] = inf_vec
        for g in range(ngroups):
            cnt_buf[g, :] = zero

        pltpu.make_async_copy(in_hbm.at[b, pl.ds(0, CHUNK), :],
                              buf.at[i], in_sems[i]).wait()
        process_chunk(i, jnp.int32(0))

        @pl.when(done_smem[0] == 0)
        def _():
            def chunk_iter(c, _):
                @pl.when(done_smem[0] == 0)
                def _():
                    t = pl.multiple_of(c * CHUNK, CHUNK)
                    pltpu.sync_copy(in_hbm.at[b, pl.ds(t, CHUNK), :],
                                    buf.at[i])
                    process_chunk(i, t)
                return 0

            lax.fori_loop(1, T // CHUNK, chunk_iter, 0)
        pltpu.async_copy(out_buf.at[i], out_hbm.at[b], sem_out)

    for i in range(per_w):
        pltpu.make_async_copy(out_buf.at[i],
                              out_hbm.at[wid * per_w + i], sem_out).wait()


@jax.jit
def kernel(spike_input):
    B, T, O = spike_input.shape
    per_w = B // NW
    mesh = plsc.VectorSubcoreMesh(core_axis_name="c", subcore_axis_name="s",
                                  num_cores=NC, num_subcores=NS)
    f = pl.kernel(
        _body,
        out_type=jax.ShapeDtypeStruct((B, K, O), jnp.float32),
        mesh=mesh,
        scratch_types=[
            pltpu.VMEM((per_w, CHUNK, O), jnp.float32),
            pltpu.VMEM((per_w, K, O), jnp.float32),
            pltpu.VMEM((O // L, L), jnp.int32),
            pltpu.SMEM((1,), jnp.int32),
        ] + [pltpu.SemaphoreType.DMA] * (1 + per_w),
        compiler_params=pltpu.CompilerParams(needs_layout_passes=False),
    )
    return f(spike_input)

# --- scband reference (transcript-rebuilt; emitter-appended) ---
"""Pipeline reference for scband-spikes-to-times-decoder-42777874268317 (READ-ONLY COPY).

The authoritative reference and input builder live on the scoring server;
editing this copy changes nothing except your own understanding.
"""

import jax, jax.numpy as jnp
import numpy as np

SPIKE_COUNT = 32
DT = 0.001

def setup_inputs(seed: int = 0) -> dict:
    key = jax.random.key(seed)
    spike_input = jax.random.randint(key, (64, 4096, 64), 0, 2).astype(jnp.float32)
    return {"spike_input": spike_input}

def reference(spike_input):
    # shape: (batch_size, time_steps, output_size); time dim is axis 1
    T = spike_input.shape[1]
    t_idx = jnp.arange(1, T + 1, dtype=spike_input.dtype)[None, :, None]
    indexed = spike_input * t_idx - 1.0
    # non-spike entries (value -1.0) become inf
    indexed = jnp.where(indexed == -1.0, jnp.inf, indexed)
    k = SPIKE_COUNT if SPIKE_COUNT < T else T
    spike_indices = jnp.sort(indexed, axis=1)[:, :k]
    return spike_indices * DT

if __name__ == "__main__":
    import jax
    _d = setup_inputs()
    print(jax.jit(kernel)(*tuple(_d.values())))

</pallas_src>

<mosaic_0001>
#map = affine_map<(d0, d1) -> (0, 0, 0)>
module attributes {stable_mosaic.version = 14 : i64} {
  func.func @_body(%arg0: i32, %arg1: i32, %arg2: memref<64x4096x64xf32, #tpu.memory_space<hbm>>, %arg3: memref<64x32x64xf32, #tpu.memory_space<hbm>>, %arg4: memref<2x128x64xf32, #tpu.memory_space<vmem>>, %arg5: memref<2x32x64xf32, #tpu.memory_space<vmem>>, %arg6: memref<4x16xi32, #tpu.memory_space<vmem>>, %arg7: memref<1xi32, #tpu.memory_space<smem>>, %arg8: memref<!tpu.dma_semaphore, #tpu.memory_space<semaphore_mem>>, %arg9: memref<!tpu.dma_semaphore, #tpu.memory_space<semaphore_mem>>, %arg10: memref<!tpu.dma_semaphore, #tpu.memory_space<semaphore_mem>>) attributes {dimension_semantics = [#tpu.dimension_semantics<core_parallel>, #tpu.dimension_semantics<subcore_parallel>], iteration_bounds = array<i64: 2, 16>, scalar_prefetch = 0 : i64, scratch_operands = 7 : i64, tpu.core_type = #tpu.core_type<sc_vector_subcore>, window_params = [{transform_indices = #map}, {transform_indices = #map}]} {
    %mul3A = arith.constant 2 : i32
    %mul3A_0 = arith.muli %arg1, %mul3A : i32
    %add3A = arith.addi %mul3A_0, %arg0 : i32
    %iota3A = tpu.iota {dimensions = array<i32: 0>} : vector<16xi32>
    %add3A_1 = arith.constant 0 : i32
    %add3A_2 = vector.broadcast %add3A_1 : i32 to vector<16xi32>
    %add3A_3 = arith.addi %iota3A, %add3A_2 : vector<16xi32>
    %iota3A_4 = tpu.iota {dimensions = array<i32: 0>} : vector<16xi32>
    %add3A_5 = arith.constant 16 : i32
    %add3A_6 = vector.broadcast %add3A_5 : i32 to vector<16xi32>
    %add3A_7 = arith.addi %iota3A_4, %add3A_6 : vector<16xi32>
    %iota3A_8 = tpu.iota {dimensions = array<i32: 0>} : vector<16xi32>
    %add3A_9 = arith.constant 32 : i32
    %add3A_10 = vector.broadcast %add3A_9 : i32 to vector<16xi32>
    %add3A_11 = arith.addi %iota3A_8, %add3A_10 : vector<16xi32>
    %iota3A_12 = tpu.iota {dimensions = array<i32: 0>} : vector<16xi32>
    %add3A_13 = arith.constant 48 : i32
    %add3A_14 = vector.broadcast %add3A_13 : i32 to vector<16xi32>
    %add3A_15 = arith.addi %iota3A_12, %add3A_14 : vector<16xi32>
    %broadcast_in_dim3A = arith.constant 0x7F800000 : f32
    %broadcast_in_dim3A_16 = vector.broadcast %broadcast_in_dim3A : f32 to vector<16xf32>
    %broadcast_in_dim3A_17 = arith.constant 0 : i32
    %broadcast_in_dim3A_18 = vector.broadcast %broadcast_in_dim3A_17 : i32 to vector<16xi32>
    %mul3A_19 = arith.constant 2 : i32
    %mul3A_20 = arith.muli %add3A, %mul3A_19 : i32
    %add3A_21 = arith.constant 0 : i32
    %add3A_22 = arith.addi %mul3A_20, %add3A_21 : i32
    %dma_start3A = arith.constant 0 : i32
    %dma_start3A_23 = arith.constant 0 : i32
    %dma_start3A_24 = arith.constant 0 : i32
    %dma_start3A_25 = tpu.memref_slice %arg4[%dma_start3A, %dma_start3A_23, %dma_start3A_24] : memref<2x128x64xf32, #tpu.memory_space<vmem>> -> memref<1x128x64xf32, #tpu.memory_space<vmem>>
    %dma_start3A_26 = tpu.memref_squeeze %dma_start3A_25 : memref<1x128x64xf32, #tpu.memory_space<vmem>> -> memref<128x64xf32, #tpu.memory_space<vmem>>
    %dma_start3A_27 = arith.constant 0 : i32
    %dma_start3A_28 = arith.constant 0 : i32
    %dma_start3A_29 = tpu.memref_slice %arg2[%add3A_22, %dma_start3A_27, %dma_start3A_28] : memref<64x4096x64xf32, #tpu.memory_space<hbm>> -> memref<1x128x64xf32, #tpu.memory_space<hbm>>
    %dma_start3A_30 = tpu.memref_squeeze %dma_start3A_29 : memref<1x128x64xf32, #tpu.memory_space<hbm>> -> memref<128x64xf32, #tpu.memory_space<hbm>>
    %dma_start3A_31 = arith.constant 0 : i32
    %dma_start3A_32 = arith.constant 0 : i32
    %dma_start3A_33 = tpu.memref_slice %arg4[%dma_start3A, %dma_start3A_31, %dma_start3A_32] : memref<2x128x64xf32, #tpu.memory_space<vmem>> -> memref<1x128x64xf32, #tpu.memory_space<vmem>>
    %dma_start3A_34 = tpu.memref_squeeze %dma_start3A_33 : memref<1x128x64xf32, #tpu.memory_space<vmem>> -> memref<128x64xf32, #tpu.memory_space<vmem>>
    %dma_start3A_35 = arith.constant 0 : i32
    %dma_start3A_36 = arith.constant 0 : i32
    %dma_start3A_37 = tpu.memref_slice %arg2[%add3A_22, %dma_start3A_35, %dma_start3A_36] : memref<64x4096x64xf32, #tpu.memory_space<hbm>> -> memref<1x128x64xf32, #tpu.memory_space<hbm>>
    %dma_start3A_38 = tpu.memref_squeeze %dma_start3A_37 : memref<1x128x64xf32, #tpu.memory_space<hbm>> -> memref<128x64xf32, #tpu.memory_space<hbm>>
    tpu.enqueue_dma source(%dma_start3A_38 : memref<128x64xf32, #tpu.memory_space<hbm>>) target(%dma_start3A_34 : memref<128x64xf32, #tpu.memory_space<vmem>>) target_semaphore(%arg9 : memref<!tpu.dma_semaphore, #tpu.memory_space<semaphore_mem>>)
    %mul3A_39 = arith.constant 2 : i32
    %mul3A_40 = arith.muli %add3A, %mul3A_39 : i32
    %add3A_41 = arith.constant 1 : i32
    %add3A_42 = arith.addi %mul3A_40, %add3A_41 : i32
    %dma_start3A_43 = arith.constant 1 : i32
    %dma_start3A_44 = arith.constant 0 : i32
    %dma_start3A_45 = arith.constant 0 : i32
    %dma_start3A_46 = tpu.memref_slice %arg4[%dma_start3A_43, %dma_start3A_44, %dma_start3A_45] : memref<2x128x64xf32, #tpu.memory_space<vmem>> -> memref<1x128x64xf32, #tpu.memory_space<vmem>>
    %dma_start3A_47 = tpu.memref_squeeze %dma_start3A_46 : memref<1x128x64xf32, #tpu.memory_space<vmem>> -> memref<128x64xf32, #tpu.memory_space<vmem>>
    %dma_start3A_48 = arith.constant 0 : i32
    %dma_start3A_49 = arith.constant 0 : i32
    %dma_start3A_50 = tpu.memref_slice %arg2[%add3A_42, %dma_start3A_48, %dma_start3A_49] : memref<64x4096x64xf32, #tpu.memory_space<hbm>> -> memref<1x128x64xf32, #tpu.memory_space<hbm>>
    %dma_start3A_51 = tpu.memref_squeeze %dma_start3A_50 : memref<1x128x64xf32, #tpu.memory_space<hbm>> -> memref<128x64xf32, #tpu.memory_space<hbm>>
    %dma_start3A_52 = arith.constant 0 : i32
    %dma_start3A_53 = arith.constant 0 : i32
    %dma_start3A_54 = tpu.memref_slice %arg4[%dma_start3A_43, %dma_start3A_52, %dma_start3A_53] : memref<2x128x64xf32, #tpu.memory_space<vmem>> -> memref<1x128x64xf32, #tpu.memory_space<vmem>>
    %dma_start3A_55 = tpu.memref_squeeze %dma_start3A_54 : memref<1x128x64xf32, #tpu.memory_space<vmem>> -> memref<128x64xf32, #tpu.memory_space<vmem>>
    %dma_start3A_56 = arith.constant 0 : i32
    %dma_start3A_57 = arith.constant 0 : i32
    %dma_start3A_58 = tpu.memref_slice %arg2[%add3A_42, %dma_start3A_56, %dma_start3A_57] : memref<64x4096x64xf32, #tpu.memory_space<hbm>> -> memref<1x128x64xf32, #tpu.memory_space<hbm>>
    %dma_start3A_59 = tpu.memref_squeeze %dma_start3A_58 : memref<1x128x64xf32, #tpu.memory_space<hbm>> -> memref<128x64xf32, #tpu.memory_space<hbm>>
    tpu.enqueue_dma source(%dma_start3A_59 : memref<128x64xf32, #tpu.memory_space<hbm>>) target(%dma_start3A_55 : memref<128x64xf32, #tpu.memory_space<vmem>>) target_semaphore(%arg10 : memref<!tpu.dma_semaphore, #tpu.memory_space<semaphore_mem>>)
    %mul3A_60 = arith.constant 2 : i32
    %mul3A_61 = arith.muli %add3A, %mul3A_60 : i32
    %add3A_62 = arith.constant 0 : i32
    %add3A_63 = arith.addi %mul3A_61, %add3A_62 : i32
    %swap3A = arith.constant 0 : i32
    %swap3A_64 = arith.constant 0 : i32
    %swap3A_65 = arith.index_cast %swap3A : i32 to index
    %swap3A_66 = arith.index_cast %swap3A_64 : i32 to index
    %swap3A_67 = arith.constant 0 : index
    %swap3A_68 = tpu.vector_load %arg5[%swap3A_65, %swap3A_66, %swap3A_67] {strides = array<i32>} : memref<2x32x64xf32, #tpu.memory_space<vmem>>, vector<16xf32>,
    tpu.vector_store %arg5[%swap3A_65, %swap3A_66, %swap3A_67], %broadcast_in_dim3A_16 {strides = array<i32>} : memref<2x32x64xf32, #tpu.memory_space<vmem>>, vector<16xf32>,
    %swap3A_69 = arith.constant 0 : i32
    %swap3A_70 = arith.constant 0 : i32
    %swap3A_71 = arith.index_cast %swap3A_69 : i32 to index
    %swap3A_72 = arith.index_cast %swap3A_70 : i32 to index
    %swap3A_73 = arith.constant 16 : index
    %swap3A_74 = tpu.vector_load %arg5[%swap3A_71, %swap3A_72, %swap3A_73] {strides = array<i32>} : memref<2x32x64xf32, #tpu.memory_space<vmem>>, vector<16xf32>,
    tpu.vector_store %arg5[%swap3A_71, %swap3A_72, %swap3A_73], %broadcast_in_dim3A_16 {strides = array<i32>} : memref<2x32x64xf32, #tpu.memory_space<vmem>>, vector<16xf32>,
    %swap3A_75 = arith.constant 0 : i32
    %swap3A_76 = arith.constant 0 : i32
    %swap3A_77 = arith.index_cast %swap3A_75 : i32 to index
    %swap3A_78 = arith.index_cast %swap3A_76 : i32 to index
    %swap3A_79 = arith.constant 32 : index
    %swap3A_80 = tpu.vector_load %arg5[%swap3A_77, %swap3A_78, %swap3A_79] {strides = array<i32>} : memref<2x32x64xf32, #tpu.memory_space<vmem>>, vector<16xf32>,
    tpu.vector_store %arg5[%swap3A_77, %swap3A_78, %swap3A_79], %broadcast_in_dim3A_16 {strides = array<i32>} : memref<2x32x64xf32, #tpu.memory_space<vmem>>, vector<16xf32>,
    %swap3A_81 = arith.constant 0 : i32
    %swap3A_82 = arith.constant 0 : i32
    %swap3A_83 = arith.index_cast %swap3A_81 : i32 to index
    %swap3A_84 = arith.index_cast %swap3A_82 : i32 to index
    %swap3A_85 = arith.constant 48 : index
    %swap3A_86 = tpu.vector_load %arg5[%swap3A_83, %swap3A_84, %swap3A_85] {strides = array<i32>} : memref<2x32x64xf32, #tpu.memory_space<vmem>>, vector<16xf32>,
    tpu.vector_store %arg5[%swap3A_83, %swap3A_84, %swap3A_85], %broadcast_in_dim3A_16 {strides = array<i32>} : memref<2x32x64xf32, #tpu.memory_space<vmem>>, vector<16xf32>,
    %swap3A_87 = arith.constant 0 : i32
    %swap3A_88 = arith.constant 1 : i32
    %swap3A_89 = arith.index_cast %swap3A_87 : i32 to index
    %swap3A_90 = arith.index_cast %swap3A_88 : i32 to index
    %swap3A_91 = arith.constant 0 : index
    %swap3A_92 = tpu.vector_load %arg5[%swap3A_89, %swap3A_90, %swap3A_91] {strides = array<i32>} : memref<2x32x64xf32, #tpu.memory_space<vmem>>, vector<16xf32>,
    tpu.vector_store %arg5[%swap3A_89, %swap3A_90, %swap3A_91], %broadcast_in_dim3A_16 {strides = array<i32>} : memref<2x32x64xf32, #tpu.memory_space<vmem>>, vector<16xf32>,
    %swap3A_93 = arith.constant 0 : i32
    %swap3A_94 = arith.constant 1 : i32
    %swap3A_95 = arith.index_cast %swap3A_93 : i32 to index
    %swap3A_96 = arith.index_cast %swap3A_94 : i32 to index
    %swap3A_97 = arith.constant 16 : index
    %swap3A_98 = tpu.vector_load %arg5[%swap3A_95, %swap3A_96, %swap3A_97] {strides = array<i32>} : memref<2x32x64xf32, #tpu.memory_space<vmem>>, vector<16xf32>,
    tpu.vector_store %arg5[%swap3A_95, %swap3A_96, %swap3A_97], %broadcast_in_dim3A_16 {strides = array<i32>} : memref<2x32x64xf32, #tpu.memory_space<vmem>>, vector<16xf32>,
    %swap3A_99 = arith.constant 0 : i32
    %swap3A_100 = arith.constant 1 : i32
    %swap3A_101 = arith.index_cast %swap3A_99 : i32 to index
    %swap3A_102 = arith.index_cast %swap3A_100 : i32 to index
    %swap3A_103 = arith.constant 32 : index
    %swap3A_104 = tpu.vector_load %arg5[%swap3A_101, %swap3A_102, %swap3A_103] {strides = array<i32>} : memref<2x32x64xf32, #tpu.memory_space<vmem>>, vector<16xf32>,
    tpu.vector_store %arg5[%swap3A_101, %swap3A_102, %swap3A_103], %broadcast_in_dim3A_16 {strides = array<i32>} : memref<2x32x64xf32, #tpu.memory_space<vmem>>, vector<16xf32>,
    %swap3A_105 = arith.constant 0 : i32
    %swap3A_106 = arith.constant 1 : i32
    %swap3A_107 = arith.index_cast %swap3A_105 : i32 to index
    %swap3A_108 = arith.index_cast %swap3A_106 : i32 to index
    %swap3A_109 = arith.constant 48 : index
    %swap3A_110 = tpu.vector_load %arg5[%swap3A_107, %swap3A_108, %swap3A_109] {strides = array<i32>} : memref<2x32x64xf32, #tpu.memory_space<vmem>>, vector<16xf32>,
    tpu.vector_store %arg5[%swap3A_107, %swap3A_108, %swap3A_109], %broadcast_in_dim3A_16 {strides = array<i32>} : memref<2x32x64xf32, #tpu.memory_space<vmem>>, vector<16xf32>,
    %swap3A_111 = arith.constant 0 : i32
    %swap3A_112 = arith.constant 2 : i32
    %swap3A_113 = arith.index_cast %swap3A_111 : i32 to index
    %swap3A_114 = arith.index_cast %swap3A_112 : i32 to index
    %swap3A_115 = arith.constant 0 : index
    %swap3A_116 = tpu.vector_load %arg5[%swap3A_113, %swap3A_114, %swap3A_115] {strides = array<i32>} : memref<2x32x64xf32, #tpu.memory_space<vmem>>, vector<16xf32>,
    tpu.vector_store %arg5[%swap3A_113, %swap3A_114, %swap3A_115], %broadcast_in_dim3A_16 {strides = array<i32>} : memref<2x32x64xf32, #tpu.memory_space<vmem>>, vector<16xf32>,
    %swap3A_117 = arith.constant 0 : i32
    %swap3A_118 = arith.constant 2 : i32
    %swap3A_119 = arith.index_cast %swap3A_117 : i32 to index
    %swap3A_120 = arith.index_cast %swap3A_118 : i32 to index
    %swap3A_121 = arith.constant 16 : index
    %swap3A_122 = tpu.vector_load %arg5[%swap3A_119, %swap3A_120, %swap3A_121] {strides = array<i32>} : memref<2x32x64xf32, #tpu.memory_space<vmem>>, vector<16xf32>,
    tpu.vector_store %arg5[%swap3A_119, %swap3A_120, %swap3A_121], %broadcast_in_dim3A_16 {strides = array<i32>} : memref<2x32x64xf32, #tpu.memory_space<vmem>>, vector<16xf32>,
    %swap3A_123 = arith.constant 0 : i32
    %swap3A_124 = arith.constant 2 : i32
    %swap3A_125 = arith.index_cast %swap3A_123 : i32 to index
    %swap3A_126 = arith.index_cast %swap3A_124 : i32 to index
    %swap3A_127 = arith.constant 32 : index
    %swap3A_128 = tpu.vector_load %arg5[%swap3A_125, %swap3A_126, %swap3A_127] {strides = array<i32>} : memref<2x32x64xf32, #tpu.memory_space<vmem>>, vector<16xf32>,
    tpu.vector_store %arg5[%swap3A_125, %swap3A_126, %swap3A_127], %broadcast_in_dim3A_16 {strides = array<i32>} : memref<2x32x64xf32, #tpu.memory_space<vmem>>, vector<16xf32>,
    %swap3A_129 = arith.constant 0 : i32
    %swap3A_130 = arith.constant 2 : i32
    %swap3A_131 = arith.index_cast %swap3A_129 : i32 to index
    %swap3A_132 = arith.index_cast %swap3A_130 : i32 to index
    %swap3A_133 = arith.constant 48 : index
    %swap3A_134 = tpu.vector_load %arg5[%swap3A_131, %swap3A_132, %swap3A_133] {strides = array<i32>} : memref<2x32x64xf32, #tpu.memory_space<vmem>>, vector<16xf32>,
    tpu.vector_store %arg5[%swap3A_131, %swap3A_132, %swap3A_133], %broadcast_in_dim3A_16 {strides = array<i32>} : memref<2x32x64xf32, #tpu.memory_space<vmem>>, vector<16xf32>,
    %swap3A_135 = arith.constant 0 : i32
    %swap3A_136 = arith.constant 3 : i32
    %swap3A_137 = arith.index_cast %swap3A_135 : i32 to index
    %swap3A_138 = arith.index_cast %swap3A_136 : i32 to index
    %swap3A_139 = arith.constant 0 : index
    %swap3A_140 = tpu.vector_load %arg5[%swap3A_137, %swap3A_138, %swap3A_139] {strides = array<i32>} : memref<2x32x64xf32, #tpu.memory_space<vmem>>, vector<16xf32>,
    tpu.vector_store %arg5[%swap3A_137, %swap3A_138, %swap3A_139], %broadcast_in_dim3A_16 {strides = array<i32>} : memref<2x32x64xf32, #tpu.memory_space<vmem>>, vector<16xf32>,
    %swap3A_141 = arith.constant 0 : i32
    %swap3A_142 = arith.constant 3 : i32
    %swap3A_143 = arith.index_cast %swap3A_141 : i32 to index
    %swap3A_144 = arith.index_cast %swap3A_142 : i32 to index
    %swap3A_145 = arith.constant 16 : index
    %swap3A_146 = tpu.vector_load %arg5[%swap3A_143, %swap3A_144, %swap3A_145] {strides = array<i32>} : memref<2x32x64xf32, #tpu.memory_space<vmem>>, vector<16xf32>,
    tpu.vector_store %arg5[%swap3A_143, %swap3A_144, %swap3A_145], %broadcast_in_dim3A_16 {strides = array<i32>} : memref<2x32x64xf32, #tpu.memory_space<vmem>>, vector<16xf32>,
    %swap3A_147 = arith.constant 0 : i32
    %swap3A_148 = arith.constant 3 : i32
    %swap3A_149 = arith.index_cast %swap3A_147 : i32 to index
    %swap3A_150 = arith.index_cast %swap3A_148 : i32 to index
    %swap3A_151 = arith.constant 32 : index
    %swap3A_152 = tpu.vector_load %arg5[%swap3A_149, %swap3A_150, %swap3A_151] {strides = array<i32>} : memref<2x32x64xf32, #tpu.memory_space<vmem>>, vector<16xf32>,
    tpu.vector_store %arg5[%swap3A_149, %swap3A_150, %swap3A_151], %broadcast_in_dim3A_16 {strides = array<i32>} : memref<2x32x64xf32, #tpu.memory_space<vmem>>, vector<16xf32>,
    %swap3A_153 = arith.constant 0 : i32
    %swap3A_154 = arith.constant 3 : i32
    %swap3A_155 = arith.index_cast %swap3A_153 : i32 to index
    %swap3A_156 = arith.index_cast %swap3A_154 : i32 to index
    %swap3A_157 = arith.constant 48 : index
    %swap3A_158 = tpu.vector_load %arg5[%swap3A_155, %swap3A_156, %swap3A_157] {strides = array<i32>} : memref<2x32x64xf32, #tpu.memory_space<vmem>>, vector<16xf32>,
    tpu.vector_store %arg5[%swap3A_155, %swap3A_156, %swap3A_157], %broadcast_in_dim3A_16 {strides = array<i32>} : memref<2x32x64xf32, #tpu.memory_space<vmem>>, vector<16xf32>,
    %swap3A_159 = arith.constant 0 : i32
    %swap3A_160 = arith.constant 4 : i32
    %swap3A_161 = arith.index_cast %swap3A_159 : i32 to index
    %swap3A_162 = arith.index_cast %swap3A_160 : i32 to index
    %swap3A_163 = arith.constant 0 : index
    %swap3A_164 = tpu.vector_load %arg5[%swap3A_161, %swap3A_162, %swap3A_163] {strides = array<i32>} : memref<2x32x64xf32, #tpu.memory_space<vmem>>, vector<16xf32>,
    tpu.vector_store %arg5[%swap3A_161, %swap3A_162, %swap3A_163], %broadcast_in_dim3A_16 {strides = array<i32>} : memref<2x32x64xf32, #tpu.memory_space<vmem>>, vector<16xf32>,
    %swap3A_165 = arith.constant 0 : i32
    %swap3A_166 = arith.constant 4 : i32
    %swap3A_167 = arith.index_cast %swap3A_165 : i32 to index
    %swap3A_168 = arith.index_cast %swap3A_166 : i32 to index
    %swap3A_169 = arith.constant 16 : index
    %swap3A_170 = tpu.vector_load %arg5[%swap3A_167, %swap3A_168, %swap3A_169] {strides = array<i32>} : memref<2x32x64xf32, #tpu.memory_space<vmem>>, vector<16xf32>,
    tpu.vector_store %arg5[%swap3A_167, %swap3A_168, %swap3A_169], %broadcast_in_dim3A_16 {strides = array<i32>} : memref<2x32x64xf32, #tpu.memory_space<vmem>>, vector<16xf32>,
    %swap3A_171 = arith.constant 0 : i32
    %swap3A_172 = arith.constant 4 : i32
    %swap3A_173 = arith.index_cast %swap3A_171 : i32 to index
    %swap3A_174 = arith.index_cast %swap3A_172 : i32 to index
    %swap3A_175 = arith.constant 32 : index
    %swap3A_176 = tpu.vector_load %arg5[%swap3A_173, %swap3A_174, %swap3A_175] {strides = array<i32>} : memref<2x32x64xf32, #tpu.memory_space<vmem>>, vector<16xf32>,
    tpu.vector_store %arg5[%swap3A_173, %swap3A_174, %swap3A_175], %broadcast_in_dim3A_16 {strides = array<i32>} : memref<2x32x64xf32, #tpu.memory_space<vmem>>, vector<16xf32>,
    %swap3A_177 = arith.constant 0 : i32
    %swap3A_178 = arith.constant 4 : i32
    %swap3A_179 = arith.index_cast %swap3A_177 : i32 to index
    %swap3A_180 = arith.index_cast %swap3A_178 : i32 to index
    %swap3A_181 = arith.constant 48 : index
    %swap3A_182 = tpu.vector_load %arg5[%swap3A_179, %swap3A_180, %swap3A_181] {strides = array<i32>} : memref<2x32x64xf32, #tpu.memory_space<vmem>>, vector<16xf32>,
    tpu.vector_store %arg5[%swap3A_179, %swap3A_180, %swap3A_181], %broadcast_in_dim3A_16 {strides = array<i32>} : memref<2x32x64xf32, #tpu.memory_space<vmem>>, vector<16xf32>,
    %swap3A_183 = arith.constant 0 : i32
    %swap3A_184 = arith.constant 5 : i32
    %swap3A_185 = arith.index_cast %swap3A_183 : i32 to index
    %swap3A_186 = arith.index_cast %swap3A_184 : i32 to index
    %swap3A_187 = arith.constant 0 : index
    %swap3A_188 = tpu.vector_load %arg5[%swap3A_185, %swap3A_186, %swap3A_187] {strides = array<i32>} : memref<2x32x64xf32, #tpu.memory_space<vmem>>, vector<16xf32>,
    tpu.vector_store %arg5[%swap3A_185, %swap3A_186, %swap3A_187], %broadcast_in_dim3A_16 {strides = array<i32>} : memref<2x32x64xf32, #tpu.memory_space<vmem>>, vector<16xf32>,
    %swap3A_189 = arith.constant 0 : i32
    %swap3A_190 = arith.constant 5 : i32
    %swap3A_191 = arith.index_cast %swap3A_189 : i32 to index
    %swap3A_192 = arith.index_cast %swap3A_190 : i32 to index
    %swap3A_193 = arith.constant 16 : index
    %swap3A_194 = tpu.vector_load %arg5[%swap3A_191, %swap3A_192, %swap3A_193] {strides = array<i32>} : memref<2x32x64xf32, #tpu.memory_space<vmem>>, vector<16xf32>,
    tpu.vector_store %arg5[%swap3A_191, %swap3A_192, %swap3A_193], %broadcast_in_dim3A_16 {strides = array<i32>} : memref<2x32x64xf32, #tpu.memory_space<vmem>>, vector<16xf32>,
    %swap3A_195 = arith.constant 0 : i32
    %swap3A_196 = arith.constant 5 : i32
    %swap3A_197 = arith.index_cast %swap3A_195 : i32 to index
    %swap3A_198 = arith.index_cast %swap3A_196 : i32 to index
    %swap3A_199 = arith.constant 32 : index
    %swap3A_200 = tpu.vector_load %arg5[%swap3A_197, %swap3A_198, %swap3A_199] {strides = array<i32>} : memref<2x32x64xf32, #tpu.memory_space<vmem>>, vector<16xf32>,
    tpu.vector_store %arg5[%swap3A_197, %swap3A_198, %swap3A_199], %broadcast_in_dim3A_16 {strides = array<i32>} : memref<2x32x64xf32, #tpu.memory_space<vmem>>, vector<16xf32>,
    %swap3A_201 = arith.constant 0 : i32
    %swap3A_202 = arith.constant 5 : i32
    %swap3A_203 = arith.index_cast %swap3A_201 : i32 to index
    %swap3A_204 = arith.index_cast %swap3A_202 : i32 to index
    %swap3A_205 = arith.constant 48 : index
    %swap3A_206 = tpu.vector_load %arg5[%swap3A_203, %swap3A_204, %swap3A_205] {strides = array<i32>} : memref<2x32x64xf32, #tpu.memory_space<vmem>>, vector<16xf32>,
    tpu.vector_store %arg5[%swap3A_203, %swap3A_204, %swap3A_205], %broadcast_in_dim3A_16 {strides = array<i32>} : memref<2x32x64xf32, #tpu.memory_space<vmem>>, vector<16xf32>,
    %swap3A_207 = arith.constant 0 : i32
    %swap3A_208 = arith.constant 6 : i32
    %swap3A_209 = arith.index_cast %swap3A_207 : i32 to index
    %swap3A_210 = arith.index_cast %swap3A_208 : i32 to index
    %swap3A_211 = arith.constant 0 : index
    %swap3A_212 = tpu.vector_load %arg5[%swap3A_209, %swap3A_210, %swap3A_211] {strides = array<i32>} : memref<2x32x64xf32, #tpu.memory_space<vmem>>, vector<16xf32>,
    tpu.vector_store %arg5[%swap3A_209, %swap3A_210, %swap3A_211], %broadcast_in_dim3A_16 {strides = array<i32>} : memref<2x32x64xf32, #tpu.memory_space<vmem>>, vector<16xf32>,
    %swap3A_213 = arith.constant 0 : i32
    %swap3A_214 = arith.constant 6 : i32
    %swap3A_215 = arith.index_cast %swap3A_213 : i32 to index
    %swap3A_216 = arith.index_cast %swap3A_214 : i32 to index
    %swap3A_217 = arith.constant 16 : index
    %swap3A_218 = tpu.vector_load %arg5[%swap3A_215, %swap3A_216, %swap3A_217] {strides = array<i32>} : memref<2x32x64xf32, #tpu.memory_space<vmem>>, vector<16xf32>,
    tpu.vector_store %arg5[%swap3A_215, %swap3A_216, %swap3A_217], %broadcast_in_dim3A_16 {strides = array<i32>} : memref<2x32x64xf32, #tpu.memory_space<vmem>>, vector<16xf32>,
    %swap3A_219 = arith.constant 0 : i32
    %swap3A_220 = arith.constant 6 : i32
    %swap3A_221 = arith.index_cast %swap3A_219 : i32 to index
    %swap3A_222 = arith.index_cast %swap3A_220 : i32 to index
    %swap3A_223 = arith.constant 32 : index
    %swap3A_224 = tpu.vector_load %arg5[%swap3A_221, %swap3A_222, %swap3A_223] {strides = array<i32>} : memref<2x32x64xf32, #tpu.memory_space<vmem>>, vector<16xf32>,
    tpu.vector_store %arg5[%swap3A_221, %swap3A_222, %swap3A_223], %broadcast_in_dim3A_16 {strides = array<i32>} : memref<2x32x64xf32, #tpu.memory_space<vmem>>, vector<16xf32>,
    %swap3A_225 = arith.constant 0 : i32
    %swap3A_226 = arith.constant 6 : i32
    %swap3A_227 = arith.index_cast %swap3A_225 : i32 to index
    %swap3A_228 = arith.index_cast %swap3A_226 : i32 to index
    %swap3A_229 = arith.constant 48 : index
    %swap3A_230 = tpu.vector_load %arg5[%swap3A_227, %swap3A_228, %swap3A_229] {strides = array<i32>} : memref<2x32x64xf32, #tpu.memory_space<vmem>>, vector<16xf32>,
    tpu.vector_store %arg5[%swap3A_227, %swap3A_228, %swap3A_229], %broadcast_in_dim3A_16 {strides = array<i32>} : memref<2x32x64xf32, #tpu.memory_space<vmem>>, vector<16xf32>,
    %swap3A_231 = arith.constant 0 : i32
    %swap3A_232 = arith.constant 7 : i32
    %swap3A_233 = arith.index_cast %swap3A_231 : i32 to index
    %swap3A_234 = arith.index_cast %swap3A_232 : i32 to index
    %swap3A_235 = arith.constant 0 : index
    %swap3A_236 = tpu.vector_load %arg5[%swap3A_233, %swap3A_234, %swap3A_235] {strides = array<i32>} : memref<2x32x64xf32, #tpu.memory_space<vmem>>, vector<16xf32>,
    tpu.vector_store %arg5[%swap3A_233, %swap3A_234, %swap3A_235], %broadcast_in_dim3A_16 {strides = array<i32>} : memref<2x32x64xf32, #tpu.memory_space<vmem>>, vector<16xf32>,
    %swap3A_237 = arith.constant 0 : i32
    %swap3A_238 = arith.constant 7 : i32
    %swap3A_239 = arith.index_cast %swap3A_237 : i32 to index
    %swap3A_240 = arith.index_cast %swap3A_238 : i32 to index
    %swap3A_241 = arith.constant 16 : index
    %swap3A_242 = tpu.vector_load %arg5[%swap3A_239, %swap3A_240, %swap3A_241] {strides = array<i32>} : memref<2x32x64xf32, #tpu.memory_space<vmem>>, vector<16xf32>,
    tpu.vector_store %arg5[%swap3A_239, %swap3A_240, %swap3A_241], %broadcast_in_dim3A_16 {strides = array<i32>} : memref<2x32x64xf32, #tpu.memory_space<vmem>>, vector<16xf32>,
    %swap3A_243 = arith.constant 0 : i32
    %swap3A_244 = arith.constant 7 : i32
    %swap3A_245 = arith.index_cast %swap3A_243 : i32 to index
    %swap3A_246 = arith.index_cast %swap3A_244 : i32 to index
    %swap3A_247 = arith.constant 32 : index
    %swap3A_248 = tpu.vector_load %arg5[%swap3A_245, %swap3A_246, %swap3A_247] {strides = array<i32>} : memref<2x32x64xf32, #tpu.memory_space<vmem>>, vector<16xf32>,
    tpu.vector_store %arg5[%swap3A_245, %swap3A_246, %swap3A_247], %broadcast_in_dim3A_16 {strides = array<i32>} : memref<2x32x64xf32, #tpu.memory_space<vmem>>, vector<16xf32>,
    %swap3A_249 = arith.constant 0 : i32
    %swap3A_250 = arith.constant 7 : i32
    %swap3A_251 = arith.index_cast %swap3A_249 : i32 to index
    %swap3A_252 = arith.index_cast %swap3A_250 : i32 to index
    %swap3A_253 = arith.constant 48 : index
    %swap3A_254 = tpu.vector_load %arg5[%swap3A_251, %swap3A_252, %swap3A_253] {strides = array<i32>} : memref<2x32x64xf32, #tpu.memory_space<vmem>>, vector<16xf32>,
    tpu.vector_store %arg5[%swap3A_251, %swap3A_252, %swap3A_253], %broadcast_in_dim3A_16 {strides = array<i32>} : memref<2x32x64xf32, #tpu.memory_space<vmem>>, vector<16xf32>,
    %swap3A_255 = arith.constant 0 : i32
    %swap3A_256 = arith.constant 8 : i32
    %swap3A_257 = arith.index_cast %swap3A_255 : i32 to index
    %swap3A_258 = arith.index_cast %swap3A_256 : i32 to index
    %swap3A_259 = arith.constant 0 : index
    %swap3A_260 = tpu.vector_load %arg5[%swap3A_257, %swap3A_258, %swap3A_259] {strides = array<i32>} : memref<2x32x64xf32, #tpu.memory_space<vmem>>, vector<16xf32>,
    tpu.vector_store %arg5[%swap3A_257, %swap3A_258, %swap3A_259], %broadcast_in_dim3A_16 {strides = array<i32>} : memref<2x32x64xf32, #tpu.memory_space<vmem>>, vector<16xf32>,
    %swap3A_261 = arith.constant 0 : i32
    %swap3A_262 = arith.constant 8 : i32
    %swap3A_263 = arith.index_cast %swap3A_261 : i32 to index
    %swap3A_264 = arith.index_cast %swap3A_262 : i32 to index
    %swap3A_265 = arith.constant 16 : index
    %swap3A_266 = tpu.vector_load %arg5[%swap3A_263, %swap3A_264, %swap3A_265] {strides = array<i32>} : memref<2x32x64xf32, #tpu.memory_space<vmem>>, vector<16xf32>,
    tpu.vector_store %arg5[%swap3A_263, %swap3A_264, %swap3A_265], %broadcast_in_dim3A_16 {strides = array<i32>} : memref<2x32x64xf32, #tpu.memory_space<vmem>>, vector<16xf32>,
    %swap3A_267 = arith.constant 0 : i32
    %swap3A_268 = arith.constant 8 : i32
    %swap3A_269 = arith.index_cast %swap3A_267 : i32 to index
    %swap3A_270 = arith.index_cast %swap3A_268 : i32 to index
    %swap3A_271 = arith.constant 32 : index
    %swap3A_272 = tpu.vector_load %arg5[%swap3A_269, %swap3A_270, %swap3A_271] {strides = array<i32>} : memref<2x32x64xf32, #tpu.memory_space<vmem>>, vector<16xf32>,
    tpu.vector_store %arg5[%swap3A_269, %swap3A_270, %swap3A_271], %broadcast_in_dim3A_16 {strides = array<i32>} : memref<2x32x64xf32, #tpu.memory_space<vmem>>, vector<16xf32>,
    %swap3A_273 = arith.constant 0 : i32
    %swap3A_274 = arith.constant 8 : i32
    %swap3A_275 = arith.index_cast %swap3A_273 : i32 to index
    %swap3A_276 = arith.index_cast %swap3A_274 : i32 to index
    %swap3A_277 = arith.constant 48 : index
    %swap3A_278 = tpu.vector_load %arg5[%swap3A_275, %swap3A_276, %swap3A_277] {strides = array<i32>} : memref<2x32x64xf32, #tpu.memory_space<vmem>>, vector<16xf32>,
    tpu.vector_store %arg5[%swap3A_275, %swap3A_276, %swap3A_277], %broadcast_in_dim3A_16 {strides = array<i32>} : memref<2x32x64xf32, #tpu.memory_space<vmem>>, vector<16xf32>,
    %swap3A_279 = arith.constant 0 : i32
    %swap3A_280 = arith.constant 9 : i32
    %swap3A_281 = arith.index_cast %swap3A_279 : i32 to index
    %swap3A_282 = arith.index_cast %swap3A_280 : i32 to index
    %swap3A_283 = arith.constant 0 : index
    %swap3A_284 = tpu.vector_load %arg5[%swap3A_281, %swap3A_282, %swap3A_283] {strides = array<i32>} : memref<2x32x64xf32, #tpu.memory_space<vmem>>, vector<16xf32>,
    tpu.vector_store %arg5[%swap3A_281, %swap3A_282, %swap3A_283], %broadcast_in_dim3A_16 {strides = array<i32>} : memref<2x32x64xf32, #tpu.memory_space<vmem>>, vector<16xf32>,
    %swap3A_285 = arith.constant 0 : i32
    %swap3A_286 = arith.constant 9 : i32
    %swap3A_287 = arith.index_cast %swap3A_285 : i32 to index
    %swap3A_288 = arith.index_cast %swap3A_286 : i32 to index
    %swap3A_289 = arith.constant 16 : index
    %swap3A_290 = tpu.vector_load %arg5[%swap3A_287, %swap3A_288, %swap3A_289] {strides = array<i32>} : memref<2x32x64xf32, #tpu.memory_space<vmem>>, vector<16xf32>,
    tpu.vector_store %arg5[%swap3A_287, %swap3A_288, %swap3A_289], %broadcast_in_dim3A_16 {strides = array<i32>} : memref<2x32x64xf32, #tpu.memory_space<vmem>>, vector<16xf32>,
    %swap3A_291 = arith.constant 0 : i32
    %swap3A_292 = arith.constant 9 : i32
    %swap3A_293 = arith.index_cast %swap3A_291 : i32 to index
    %swap3A_294 = arith.index_cast %swap3A_292 : i32 to index
    %swap3A_295 = arith.constant 32 : index
    %swap3A_296 = tpu.vector_load %arg5[%swap3A_293, %swap3A_294, %swap3A_295] {strides = array<i32>} : memref<2x32x64xf32, #tpu.memory_space<vmem>>, vector<16xf32>,
    tpu.vector_store %arg5[%swap3A_293, %swap3A_294, %swap3A_295], %broadcast_in_dim3A_16 {strides = array<i32>} : memref<2x32x64xf32, #tpu.memory_space<vmem>>, vector<16xf32>,
    %swap3A_297 = arith.constant 0 : i32
    %swap3A_298 = arith.constant 9 : i32
    %swap3A_299 = arith.index_cast %swap3A_297 : i32 to index
    %swap3A_300 = arith.index_cast %swap3A_298 : i32 to index
    %swap3A_301 = arith.constant 48 : index
    %swap3A_302 = tpu.vector_load %arg5[%swap3A_299, %swap3A_300, %swap3A_301] {strides = array<i32>} : memref<2x32x64xf32, #tpu.memory_space<vmem>>, vector<16xf32>,
    tpu.vector_store %arg5[%swap3A_299, %swap3A_300, %swap3A_301], %broadcast_in_dim3A_16 {strides = array<i32>} : memref<2x32x64xf32, #tpu.memory_space<vmem>>, vector<16xf32>,
    %swap3A_303 = arith.constant 0 : i32
    %swap3A_304 = arith.constant 10 : i32
    %swap3A_305 = arith.index_cast %swap3A_303 : i32 to index
    %swap3A_306 = arith.index_cast %swap3A_304 : i32 to index
    %swap3A_307 = arith.constant 0 : index
    %swap3A_308 = tpu.vector_load %arg5[%swap3A_305, %swap3A_306, %swap3A_307] {strides = array<i32>} : memref<2x32x64xf32, #tpu.memory_space<vmem>>, vector<16xf32>,
    tpu.vector_store %arg5[%swap3A_305, %swap3A_306, %swap3A_307], %broadcast_in_dim3A_16 {strides = array<i32>} : memref<2x32x64xf32, #tpu.memory_space<vmem>>, vector<16xf32>,
    %swap3A_309 = arith.constant 0 : i32
    %swap3A_310 = arith.constant 10 : i32
    %swap3A_311 = arith.index_cast %swap3A_309 : i32 to index
    %swap3A_312 = arith.index_cast %swap3A_310 : i32 to index
    %swap3A_313 = arith.constant 16 : index
    %swap3A_314 = tpu.vector_load %arg5[%swap3A_311, %swap3A_312, %swap3A_313] {strides = array<i32>} : memref<2x32x64xf32, #tpu.memory_space<vmem>>, vector<16xf32>,
    tpu.vector_store %arg5[%swap3A_311, %swap3A_312, %swap3A_313], %broadcast_in_dim3A_16 {strides = array<i32>} : memref<2x32x64xf32, #tpu.memory_space<vmem>>, vector<16xf32>,
    %swap3A_315 = arith.constant 0 : i32
    %swap3A_316 = arith.constant 10 : i32
    %swap3A_317 = arith.index_cast %swap3A_315 : i32 to index
    %swap3A_318 = arith.index_cast %swap3A_316 : i32 to index
    %swap3A_319 = arith.constant 32 : index
    %swap3A_320 = tpu.vector_load %arg5[%swap3A_317, %swap3A_318, %swap3A_319] {strides = array<i32>} : memref<2x32x64xf32, #tpu.memory_space<vmem>>, vector<16xf32>,
    tpu.vector_store %arg5[%swap3A_317, %swap3A_318, %swap3A_319], %broadcast_in_dim3A_16 {strides = array<i32>} : memref<2x32x64xf32, #tpu.memory_space<vmem>>, vector<16xf32>,
    %swap3A_321 = arith.constant 0 : i32
    %swap3A_322 = arith.constant 10 : i32
    %swap3A_323 = arith.index_cast %swap3A_321 : i32 to index
    %swap3A_324 = arith.index_cast %swap3A_322 : i32 to index
    %swap3A_325 = arith.constant 48 : index
    %swap3A_326 = tpu.vector_load %arg5[%swap3A_323, %swap3A_324, %swap3A_325] {strides = array<i32>} : memref<2x32x64xf32, #tpu.memory_space<vmem>>, vector<16xf32>,
    tpu.vector_store %arg5[%swap3A_323, %swap3A_324, %swap3A_325], %broadcast_in_dim3A_16 {strides = array<i32>} : memref<2x32x64xf32, #tpu.memory_space<vmem>>, vector<16xf32>,
    %swap3A_327 = arith.constant 0 : i32
    %swap3A_328 = arith.constant 11 : i32
    %swap3A_329 = arith.index_cast %swap3A_327 : i32 to index
    %swap3A_330 = arith.index_cast %swap3A_328 : i32 to index
    %swap3A_331 = arith.constant 0 : index
    %swap3A_332 = tpu.vector_load %arg5[%swap3A_329, %swap3A_330, %swap3A_331] {strides = array<i32>} : memref<2x32x64xf32, #tpu.memory_space<vmem>>, vector<16xf32>,
    tpu.vector_store %arg5[%swap3A_329, %swap3A_330, %swap3A_331], %broadcast_in_dim3A_16 {strides = array<i32>} : memref<2x32x64xf32, #tpu.memory_space<vmem>>, vector<16xf32>,
    %swap3A_333 = arith.constant 0 : i32
    %swap3A_334 = arith.constant 11 : i32
    %swap3A_335 = arith.index_cast %swap3A_333 : i32 to index
    %swap3A_336 = arith.index_cast %swap3A_334 : i32 to index
    %swap3A_337 = arith.constant 16 : index
    %swap3A_338 = tpu.vector_load %arg5[%swap3A_335, %swap3A_336, %swap3A_337] {strides = array<i32>} : memref<2x32x64xf32, #tpu.memory_space<vmem>>, vector<16xf32>,
    tpu.vector_store %arg5[%swap3A_335, %swap3A_336, %swap3A_337], %broadcast_in_dim3A_16 {strides = array<i32>} : memref<2x32x64xf32, #tpu.memory_space<vmem>>, vector<16xf32>,
    %swap3A_339 = arith.constant 0 : i32
    %swap3A_340 = arith.constant 11 : i32
    %swap3A_341 = arith.index_cast %swap3A_339 : i32 to index
    %swap3A_342 = arith.index_cast %swap3A_340 : i32 to index
    %swap3A_343 = arith.constant 32 : index
    %swap3A_344 = tpu.vector_load %arg5[%swap3A_341, %swap3A_342, %swap3A_343] {strides = array<i32>} : memref<2x32x64xf32, #tpu.memory_space<vmem>>, vector<16xf32>,
    tpu.vector_store %arg5[%swap3A_341, %swap3A_342, %swap3A_343], %broadcast_in_dim3A_16 {strides = array<i32>} : memref<2x32x64xf32, #tpu.memory_space<vmem>>, vector<16xf32>,
    %swap3A_345 = arith.constant 0 : i32
    %swap3A_346 = arith.constant 11 : i32
    %swap3A_347 = arith.index_cast %swap3A_345 : i32 to index
    %swap3A_348 = arith.index_cast %swap3A_346 : i32 to index
    %swap3A_349 = arith.constant 48 : index
    %swap3A_350 = tpu.vector_load %arg5[%swap3A_347, %swap3A_348, %swap3A_349] {strides = array<i32>} : memref<2x32x64xf32, #tpu.memory_space<vmem>>, vector<16xf32>,
    tpu.vector_store %arg5[%swap3A_347, %swap3A_348, %swap3A_349], %broadcast_in_dim3A_16 {strides = array<i32>} : memref<2x32x64xf32, #tpu.memory_space<vmem>>, vector<16xf32>,
    %swap3A_351 = arith.constant 0 : i32
    %swap3A_352 = arith.constant 12 : i32
    %swap3A_353 = arith.index_cast %swap3A_351 : i32 to index
    %swap3A_354 = arith.index_cast %swap3A_352 : i32 to index
    %swap3A_355 = arith.constant 0 : index
    %swap3A_356 = tpu.vector_load %arg5[%swap3A_353, %swap3A_354, %swap3A_355] {strides = array<i32>} : memref<2x32x64xf32, #tpu.memory_space<vmem>>, vector<16xf32>,
    tpu.vector_store %arg5[%swap3A_353, %swap3A_354, %swap3A_355], %broadcast_in_dim3A_16 {strides = array<i32>} : memref<2x32x64xf32, #tpu.memory_space<vmem>>, vector<16xf32>,
    %swap3A_357 = arith.constant 0 : i32
    %swap3A_358 = arith.constant 12 : i32
    %swap3A_359 = arith.index_cast %swap3A_357 : i32 to index
    %swap3A_360 = arith.index_cast %swap3A_358 : i32 to index
    %swap3A_361 = arith.constant 16 : index
    %swap3A_362 = tpu.vector_load %arg5[%swap3A_359, %swap3A_360, %swap3A_361] {strides = array<i32>} : memref<2x32x64xf32, #tpu.memory_space<vmem>>, vector<16xf32>,
    tpu.vector_store %arg5[%swap3A_359, %swap3A_360, %swap3A_361], %broadcast_in_dim3A_16 {strides = array<i32>} : memref<2x32x64xf32, #tpu.memory_space<vmem>>, vector<16xf32>,
    %swap3A_363 = arith.constant 0 : i32
    %swap3A_364 = arith.constant 12 : i32
    %swap3A_365 = arith.index_cast %swap3A_363 : i32 to index
    %swap3A_366 = arith.index_cast %swap3A_364 : i32 to index
    %swap3A_367 = arith.constant 32 : index
    %swap3A_368 = tpu.vector_load %arg5[%swap3A_365, %swap3A_366, %swap3A_367] {strides = array<i32>} : memref<2x32x64xf32, #tpu.memory_space<vmem>>, vector<16xf32>,
    tpu.vector_store %arg5[%swap3A_365, %swap3A_366, %swap3A_367], %broadcast_in_dim3A_16 {strides = array<i32>} : memref<2x32x64xf32, #tpu.memory_space<vmem>>, vector<16xf32>,
    %swap3A_369 = arith.constant 0 : i32
    %swap3A_370 = arith.constant 12 : i32
    %swap3A_371 = arith.index_cast %swap3A_369 : i32 to index
    %swap3A_372 = arith.index_cast %swap3A_370 : i32 to index
    %swap3A_373 = arith.constant 48 : index
    %swap3A_374 = tpu.vector_load %arg5[%swap3A_371, %swap3A_372, %swap3A_373] {strides = array<i32>} : memref<2x32x64xf32, #tpu.memory_space<vmem>>, vector<16xf32>,
    tpu.vector_store %arg5[%swap3A_371, %swap3A_372, %swap3A_373], %broadcast_in_dim3A_16 {strides = array<i32>} : memref<2x32x64xf32, #tpu.memory_space<vmem>>, vector<16xf32>,
    %swap3A_375 = arith.constant 0 : i32
    %swap3A_376 = arith.constant 13 : i32
    %swap3A_377 = arith.index_cast %swap3A_375 : i32 to index
    %swap3A_378 = arith.index_cast %swap3A_376 : i32 to index
    %swap3A_379 = arith.constant 0 : index
    %swap3A_380 = tpu.vector_load %arg5[%swap3A_377, %swap3A_378, %swap3A_379] {strides = array<i32>} : memref<2x32x64xf32, #tpu.memory_space<vmem>>, vector<16xf32>,
    tpu.vector_store %arg5[%swap3A_377, %swap3A_378, %swap3A_379], %broadcast_in_dim3A_16 {strides = array<i32>} : memref<2x32x64xf32, #tpu.memory_space<vmem>>, vector<16xf32>,
    %swap3A_381 = arith.constant 0 : i32
    %swap3A_382 = arith.constant 13 : i32
    %swap3A_383 = arith.index_cast %swap3A_381 : i32 to index
    %swap3A_384 = arith.index_cast %swap3A_382 : i32 to index
    %swap3A_385 = arith.constant 16 : index
    %swap3A_386 = tpu.vector_load %arg5[%swap3A_383, %swap3A_384, %swap3A_385] {strides = array<i32>} : memref<2x32x64xf32, #tpu.memory_space<vmem>>, vector<16xf32>,
    tpu.vector_store %arg5[%swap3A_383, %swap3A_384, %swap3A_385], %broadcast_in_dim3A_16 {strides = array<i32>} : memref<2x32x64xf32, #tpu.memory_space<vmem>>, vector<16xf32>,
    %swap3A_387 = arith.constant 0 : i32
    %swap3A_388 = arith.constant 13 : i32
    %swap3A_389 = arith.index_cast %swap3A_387 : i32 to index
    %swap3A_390 = arith.index_cast %swap3A_388 : i32 to index
    %swap3A_391 = arith.constant 32 : index
    %swap3A_392 = tpu.vector_load %arg5[%swap3A_389, %swap3A_390, %swap3A_391] {strides = array<i32>} : memref<2x32x64xf32, #tpu.memory_space<vmem>>, vector<16xf32>,
    tpu.vector_store %arg5[%swap3A_389, %swap3A_390, %swap3A_391], %broadcast_in_dim3A_16 {strides = array<i32>} : memref<2x32x64xf32, #tpu.memory_space<vmem>>, vector<16xf32>,
    %swap3A_393 = arith.constant 0 : i32
    %swap3A_394 = arith.constant 13 : i32
    %swap3A_395 = arith.index_cast %swap3A_393 : i32 to index
    %swap3A_396 = arith.index_cast %swap3A_394 : i32 to index
    %swap3A_397 = arith.constant 48 : index
    %swap3A_398 = tpu.vector_load %arg5[%swap3A_395, %swap3A_396, %swap3A_397] {strides = array<i32>} : memref<2x32x64xf32, #tpu.memory_space<vmem>>, vector<16xf32>,
    tpu.vector_store %arg5[%swap3A_395, %swap3A_396, %swap3A_397], %broadcast_in_dim3A_16 {strides = array<i32>} : memref<2x32x64xf32, #tpu.memory_space<vmem>>, vector<16xf32>,
    %swap3A_399 = arith.constant 0 : i32
    %swap3A_400 = arith.constant 14 : i32
    %swap3A_401 = arith.index_cast %swap3A_399 : i32 to index
    %swap3A_402 = arith.index_cast %swap3A_400 : i32 to index
    %swap3A_403 = arith.constant 0 : index
    %swap3A_404 = tpu.vector_load %arg5[%swap3A_401, %swap3A_402, %swap3A_403] {strides = array<i32>} : memref<2x32x64xf32, #tpu.memory_space<vmem>>, vector<16xf32>,
    tpu.vector_store %arg5[%swap3A_401, %swap3A_402, %swap3A_403], %broadcast_in_dim3A_16 {strides = array<i32>} : memref<2x32x64xf32, #tpu.memory_space<vmem>>, vector<16xf32>,
    %swap3A_405 = arith.constant 0 : i32
    %swap3A_406 = arith.constant 14 : i32
    %swap3A_407 = arith.index_cast %swap3A_405 : i32 to index
    %swap3A_408 = arith.index_cast %swap3A_406 : i32 to index
    %swap3A_409 = arith.constant 16 : index
    %swap3A_410 = tpu.vector_load %arg5[%swap3A_407, %swap3A_408, %swap3A_409] {strides = array<i32>} : memref<2x32x64xf32, #tpu.memory_space<vmem>>, vector<16xf32>,
    tpu.vector_store %arg5[%swap3A_407, %swap3A_408, %swap3A_409], %broadcast_in_dim3A_16 {strides = array<i32>} : memref<2x32x64xf32, #tpu.memory_space<vmem>>, vector<16xf32>,
    %swap3A_411 = arith.constant 0 : i32
    %swap3A_412 = arith.constant 14 : i32
    %swap3A_413 = arith.index_cast %swap3A_411 : i32 to index
    %swap3A_414 = arith.index_cast %swap3A_412 : i32 to index
    %swap3A_415 = arith.constant 32 : index
    %swap3A_416 = tpu.vector_load %arg5[%swap3A_413, %swap3A_414, %swap3A_415] {strides = array<i32>} : memref<2x32x64xf32, #tpu.memory_space<vmem>>, vector<16xf32>,
    tpu.vector_store %arg5[%swap3A_413, %swap3A_414, %swap3A_415], %broadcast_in_dim3A_16 {strides = array<i32>} : memref<2x32x64xf32, #tpu.memory_space<vmem>>, vector<16xf32>,
    %swap3A_417 = arith.constant 0 : i32
    %swap3A_418 = arith.constant 14 : i32
    %swap3A_419 = arith.index_cast %swap3A_417 : i32 to index
    %swap3A_420 = arith.index_cast %swap3A_418 : i32 to index
    %swap3A_421 = arith.constant 48 : index
    %swap3A_422 = tpu.vector_load %arg5[%swap3A_419, %swap3A_420, %swap3A_421] {strides = array<i32>} : memref<2x32x64xf32, #tpu.memory_space<vmem>>, vector<16xf32>,
    tpu.vector_store %arg5[%swap3A_419, %swap3A_420, %swap3A_421], %broadcast_in_dim3A_16 {strides = array<i32>} : memref<2x32x64xf32, #tpu.memory_space<vmem>>, vector<16xf32>,
    %swap3A_423 = arith.constant 0 : i32
    %swap3A_424 = arith.constant 15 : i32
    %swap3A_425 = arith.index_cast %swap3A_423 : i32 to index
    %swap3A_426 = arith.index_cast %swap3A_424 : i32 to index
    %swap3A_427 = arith.constant 0 : index
    %swap3A_428 = tpu.vector_load %arg5[%swap3A_425, %swap3A_426, %swap3A_427] {strides = array<i32>} : memref<2x32x64xf32, #tpu.memory_space<vmem>>, vector<16xf32>,
    tpu.vector_store %arg5[%swap3A_425, %swap3A_426, %swap3A_427], %broadcast_in_dim3A_16 {strides = array<i32>} : memref<2x32x64xf32, #tpu.memory_space<vmem>>, vector<16xf32>,
    %swap3A_429 = arith.constant 0 : i32
    %swap3A_430 = arith.constant 15 : i32
    %swap3A_431 = arith.index_cast %swap3A_429 : i32 to index
    %swap3A_432 = arith.index_cast %swap3A_430 : i32 to index
    %swap3A_433 = arith.constant 16 : index
    %swap3A_434 = tpu.vector_load %arg5[%swap3A_431, %swap3A_432, %swap3A_433] {strides = array<i32>} : memref<2x32x64xf32, #tpu.memory_space<vmem>>, vector<16xf32>,
    tpu.vector_store %arg5[%swap3A_431, %swap3A_432, %swap3A_433], %broadcast_in_dim3A_16 {strides = array<i32>} : memref<2x32x64xf32, #tpu.memory_space<vmem>>, vector<16xf32>,
    %swap3A_435 = arith.constant 0 : i32
    %swap3A_436 = arith.constant 15 : i32
    %swap3A_437 = arith.index_cast %swap3A_435 : i32 to index
    %swap3A_438 = arith.index_cast %swap3A_436 : i32 to index
    %swap3A_439 = arith.constant 32 : index
    %swap3A_440 = tpu.vector_load %arg5[%swap3A_437, %swap3A_438, %swap3A_439] {strides = array<i32>} : memref<2x32x64xf32, #tpu.memory_space<vmem>>, vector<16xf32>,
    tpu.vector_store %arg5[%swap3A_437, %swap3A_438, %swap3A_439], %broadcast_in_dim3A_16 {strides = array<i32>} : memref<2x32x64xf32, #tpu.memory_space<vmem>>, vector<16xf32>,
    %swap3A_441 = arith.constant 0 : i32
    %swap3A_442 = arith.constant 15 : i32
    %swap3A_443 = arith.index_cast %swap3A_441 : i32 to index
    %swap3A_444 = arith.index_cast %swap3A_442 : i32 to index
    %swap3A_445 = arith.constant 48 : index
    %swap3A_446 = tpu.vector_load %arg5[%swap3A_443, %swap3A_444, %swap3A_445] {strides = array<i32>} : memref<2x32x64xf32, #tpu.memory_space<vmem>>, vector<16xf32>,
    tpu.vector_store %arg5[%swap3A_443, %swap3A_444, %swap3A_445], %broadcast_in_dim3A_16 {strides = array<i32>} : memref<2x32x64xf32, #tpu.memory_space<vmem>>, vector<16xf32>,
    %swap3A_447 = arith.constant 0 : i32
    %swap3A_448 = arith.constant 16 : i32
    %swap3A_449 = arith.index_cast %swap3A_447 : i32 to index
    %swap3A_450 = arith.index_cast %swap3A_448 : i32 to index
    %swap3A_451 = arith.constant 0 : index
    %swap3A_452 = tpu.vector_load %arg5[%swap3A_449, %swap3A_450, %swap3A_451] {strides = array<i32>} : memref<2x32x64xf32, #tpu.memory_space<vmem>>, vector<16xf32>,
    tpu.vector_store %arg5[%swap3A_449, %swap3A_450, %swap3A_451], %broadcast_in_dim3A_16 {strides = array<i32>} : memref<2x32x64xf32, #tpu.memory_space<vmem>>, vector<16xf32>,
    %swap3A_453 = arith.constant 0 : i32
    %swap3A_454 = arith.constant 16 : i32
    %swap3A_455 = arith.index_cast %swap3A_453 : i32 to index
    %swap3A_456 = arith.index_cast %swap3A_454 : i32 to index
    %swap3A_457 = arith.constant 16 : index
    %swap3A_458 = tpu.vector_load %arg5[%swap3A_455, %swap3A_456, %swap3A_457] {strides = array<i32>} : memref<2x32x64xf32, #tpu.memory_space<vmem>>, vector<16xf32>,
    tpu.vector_store %arg5[%swap3A_455, %swap3A_456, %swap3A_457], %broadcast_in_dim3A_16 {strides = array<i32>} : memref<2x32x64xf32, #tpu.memory_space<vmem>>, vector<16xf32>,
    %swap3A_459 = arith.constant 0 : i32
    %swap3A_460 = arith.constant 16 : i32
    %swap3A_461 = arith.index_cast %swap3A_459 : i32 to index
    %swap3A_462 = arith.index_cast %swap3A_460 : i32 to index
    %swap3A_463 = arith.constant 32 : index
    %swap3A_464 = tpu.vector_load %arg5[%swap3A_461, %swap3A_462, %swap3A_463] {strides = array<i32>} : memref<2x32x64xf32, #tpu.memory_space<vmem>>, vector<16xf32>,
    tpu.vector_store %arg5[%swap3A_461, %swap3A_462, %swap3A_463], %broadcast_in_dim3A_16 {strides = array<i32>} : memref<2x32x64xf32, #tpu.memory_space<vmem>>, vector<16xf32>,
    %swap3A_465 = arith.constant 0 : i32
    %swap3A_466 = arith.constant 16 : i32
    %swap3A_467 = arith.index_cast %swap3A_465 : i32 to index
    %swap3A_468 = arith.index_cast %swap3A_466 : i32 to index
    %swap3A_469 = arith.constant 48 : index
    %swap3A_470 = tpu.vector_load %arg5[%swap3A_467, %swap3A_468, %swap3A_469] {strides = array<i32>} : memref<2x32x64xf32, #tpu.memory_space<vmem>>, vector<16xf32>,
    tpu.vector_store %arg5[%swap3A_467, %swap3A_468, %swap3A_469], %broadcast_in_dim3A_16 {strides = array<i32>} : memref<2x32x64xf32, #tpu.memory_space<vmem>>, vector<16xf32>,
    %swap3A_471 = arith.constant 0 : i32
    %swap3A_472 = arith.constant 17 : i32
    %swap3A_473 = arith.index_cast %swap3A_471 : i32 to index
    %swap3A_474 = arith.index_cast %swap3A_472 : i32 to index
    %swap3A_475 = arith.constant 0 : index
    %swap3A_476 = tpu.vector_load %arg5[%swap3A_473, %swap3A_474, %swap3A_475] {strides = array<i32>} : memref<2x32x64xf32, #tpu.memory_space<vmem>>, vector<16xf32>,
    tpu.vector_store %arg5[%swap3A_473, %swap3A_474, %swap3A_475], %broadcast_in_dim3A_16 {strides = array<i32>} : memref<2x32x64xf32, #tpu.memory_space<vmem>>, vector<16xf32>,
    %swap3A_477 = arith.constant 0 : i32
    %swap3A_478 = arith.constant 17 : i32
    %swap3A_479 = arith.index_cast %swap3A_477 : i32 to index
    %swap3A_480 = arith.index_cast %swap3A_478 : i32 to index
    %swap3A_481 = arith.constant 16 : index
    %swap3A_482 = tpu.vector_load %arg5[%swap3A_479, %swap3A_480, %swap3A_481] {strides = array<i32>} : memref<2x32x64xf32, #tpu.memory_space<vmem>>, vector<16xf32>,
    tpu.vector_store %arg5[%swap3A_479, %swap3A_480, %swap3A_481], %broadcast_in_dim3A_16 {strides = array<i32>} : memref<2x32x64xf32, #tpu.memory_space<vmem>>, vector<16xf32>,
    %swap3A_483 = arith.constant 0 : i32
    %swap3A_484 = arith.constant 17 : i32
    %swap3A_485 = arith.index_cast %swap3A_483 : i32 to index
    %swap3A_486 = arith.index_cast %swap3A_484 : i32 to index
    %swap3A_487 = arith.constant 32 : index
    %swap3A_488 = tpu.vector_load %arg5[%swap3A_485, %swap3A_486, %swap3A_487] {strides = array<i32>} : memref<2x32x64xf32, #tpu.memory_space<vmem>>, vector<16xf32>,
    tpu.vector_store %arg5[%swap3A_485, %swap3A_486, %swap3A_487], %broadcast_in_dim3A_16 {strides = array<i32>} : memref<2x32x64xf32, #tpu.memory_space<vmem>>, vector<16xf32>,
    %swap3A_489 = arith.constant 0 : i32
    %swap3A_490 = arith.constant 17 : i32
    %swap3A_491 = arith.index_cast %swap3A_489 : i32 to index
    %swap3A_492 = arith.index_cast %swap3A_490 : i32 to index
    %swap3A_493 = arith.constant 48 : index
    %swap3A_494 = tpu.vector_load %arg5[%swap3A_491, %swap3A_492, %swap3A_493] {strides = array<i32>} : memref<2x32x64xf32, #tpu.memory_space<vmem>>, vector<16xf32>,
    tpu.vector_store %arg5[%swap3A_491, %swap3A_492, %swap3A_493], %broadcast_in_dim3A_16 {strides = array<i32>} : memref<2x32x64xf32, #tpu.memory_space<vmem>>, vector<16xf32>,
    %swap3A_495 = arith.constant 0 : i32
    %swap3A_496 = arith.constant 18 : i32
    %swap3A_497 = arith.index_cast %swap3A_495 : i32 to index
    %swap3A_498 = arith.index_cast %swap3A_496 : i32 to index
    %swap3A_499 = arith.constant 0 : index
    %swap3A_500 = tpu.vector_load %arg5[%swap3A_497, %swap3A_498, %swap3A_499] {strides = array<i32>} : memref<2x32x64xf32, #tpu.memory_space<vmem>>, vector<16xf32>,
    tpu.vector_store %arg5[%swap3A_497, %swap3A_498, %swap3A_499], %broadcast_in_dim3A_16 {strides = array<i32>} : memref<2x32x64xf32, #tpu.memory_space<vmem>>, vector<16xf32>,
    %swap3A_501 = arith.constant 0 : i32
    %swap3A_502 = arith.constant 18 : i32
    %swap3A_503 = arith.index_cast %swap3A_501 : i32 to index
    %swap3A_504 = arith.index_cast %swap3A_502 : i32 to index
    %swap3A_505 = arith.constant 16 : index
    %swap3A_506 = tpu.vector_load %arg5[%swap3A_503, %swap3A_504, %swap3A_505] {strides = array<i32>} : memref<2x32x64xf32, #tpu.memory_space<vmem>>, vector<16xf32>,
    tpu.vector_store %arg5[%swap3A_503, %swap3A_504, %swap3A_505], %broadcast_in_dim3A_16 {strides = array<i32>} : memref<2x32x64xf32, #tpu.memory_space<vmem>>, vector<16xf32>,
    %swap3A_507 = arith.constant 0 : i32
    %swap3A_508 = arith.constant 18 : i32
    %swap3A_509 = arith.index_cast %swap3A_507 : i32 to index
    %swap3A_510 = arith.index_cast %swap3A_508 : i32 to index
    %swap3A_511 = arith.constant 32 : index
    %swap3A_512 = tpu.vector_load %arg5[%swap3A_509, %swap3A_510, %swap3A_511] {strides = array<i32>} : memref<2x32x64xf32, #tpu.memory_space<vmem>>, vector<16xf32>,
    tpu.vector_store %arg5[%swap3A_509, %swap3A_510, %swap3A_511], %broadcast_in_dim3A_16 {strides = array<i32>} : memref<2x32x64xf32, #tpu.memory_space<vmem>>, vector<16xf32>,
    %swap3A_513 = arith.constant 0 : i32
    %swap3A_514 = arith.constant 18 : i32
    %swap3A_515 = arith.index_cast %swap3A_513 : i32 to index
    %swap3A_516 = arith.index_cast %swap3A_514 : i32 to index
    %swap3A_517 = arith.constant 48 : index
    %swap3A_518 = tpu.vector_load %arg5[%swap3A_515, %swap3A_516, %swap3A_517] {strides = array<i32>} : memref<2x32x64xf32, #tpu.memory_space<vmem>>, vector<16xf32>,
    tpu.vector_store %arg5[%swap3A_515, %swap3A_516, %swap3A_517], %broadcast_in_dim3A_16 {strides = array<i32>} : memref<2x32x64xf32, #tpu.memory_space<vmem>>, vector<16xf32>,
    %swap3A_519 = arith.constant 0 : i32
    %swap3A_520 = arith.constant 19 : i32
    %swap3A_521 = arith.index_cast %swap3A_519 : i32 to index
    %swap3A_522 = arith.index_cast %swap3A_520 : i32 to index
    %swap3A_523 = arith.constant 0 : index
    %swap3A_524 = tpu.vector_load %arg5[%swap3A_521, %swap3A_522, %swap3A_523] {strides = array<i32>} : memref<2x32x64xf32, #tpu.memory_space<vmem>>, vector<16xf32>,
    tpu.vector_store %arg5[%swap3A_521, %swap3A_522, %swap3A_523], %broadcast_in_dim3A_16 {strides = array<i32>} : memref<2x32x64xf32, #tpu.memory_space<vmem>>, vector<16xf32>,
    %swap3A_525 = arith.constant 0 : i32
    %swap3A_526 = arith.constant 19 : i32
    %swap3A_527 = arith.index_cast %swap3A_525 : i32 to index
    %swap3A_528 = arith.index_cast %swap3A_526 : i32 to index
    %swap3A_529 = arith.constant 16 : index
    %swap3A_530 = tpu.vector_load %arg5[%swap3A_527, %swap3A_528, %swap3A_529] {strides = array<i32>} : memref<2x32x64xf32, #tpu.memory_space<vmem>>, vector<16xf32>,
    tpu.vector_store %arg5[%swap3A_527, %swap3A_528, %swap3A_529], %broadcast_in_dim3A_16 {strides = array<i32>} : memref<2x32x64xf32, #tpu.memory_space<vmem>>, vector<16xf32>,
    %swap3A_531 = arith.constant 0 : i32
    %swap3A_532 = arith.constant 19 : i32
    %swap3A_533 = arith.index_cast %swap3A_531 : i32 to index
    %swap3A_534 = arith.index_cast %swap3A_532 : i32 to index
    %swap3A_535 = arith.constant 32 : index
    %swap3A_536 = tpu.vector_load %arg5[%swap3A_533, %swap3A_534, %swap3A_535] {strides = array<i32>} : memref<2x32x64xf32, #tpu.memory_space<vmem>>, vector<16xf32>,
    tpu.vector_store %arg5[%swap3A_533, %swap3A_534, %swap3A_535], %broadcast_in_dim3A_16 {strides = array<i32>} : memref<2x32x64xf32, #tpu.memory_space<vmem>>, vector<16xf32>,
    %swap3A_537 = arith.constant 0 : i32
    %swap3A_538 = arith.constant 19 : i32
    %swap3A_539 = arith.index_cast %swap3A_537 : i32 to index
    %swap3A_540 = arith.index_cast %swap3A_538 : i32 to index
    %swap3A_541 = arith.constant 48 : index
    %swap3A_542 = tpu.vector_load %arg5[%swap3A_539, %swap3A_540, %swap3A_541] {strides = array<i32>} : memref<2x32x64xf32, #tpu.memory_space<vmem>>, vector<16xf32>,
    tpu.vector_store %arg5[%swap3A_539, %swap3A_540, %swap3A_541], %broadcast_in_dim3A_16 {strides = array<i32>} : memref<2x32x64xf32, #tpu.memory_space<vmem>>, vector<16xf32>,
    %swap3A_543 = arith.constant 0 : i32
    %swap3A_544 = arith.constant 20 : i32
    %swap3A_545 = arith.index_cast %swap3A_543 : i32 to index
    %swap3A_546 = arith.index_cast %swap3A_544 : i32 to index
    %swap3A_547 = arith.constant 0 : index
    %swap3A_548 = tpu.vector_load %arg5[%swap3A_545, %swap3A_546, %swap3A_547] {strides = array<i32>} : memref<2x32x64xf32, #tpu.memory_space<vmem>>, vector<16xf32>,
    tpu.vector_store %arg5[%swap3A_545, %swap3A_546, %swap3A_547], %broadcast_in_dim3A_16 {strides = array<i32>} : memref<2x32x64xf32, #tpu.memory_space<vmem>>, vector<16xf32>,
    %swap3A_549 = arith.constant 0 : i32
    %swap3A_550 = arith.constant 20 : i32
    %swap3A_551 = arith.index_cast %swap3A_549 : i32 to index
    %swap3A_552 = arith.index_cast %swap3A_550 : i32 to index
    %swap3A_553 = arith.constant 16 : index
    %swap3A_554 = tpu.vector_load %arg5[%swap3A_551, %swap3A_552, %swap3A_553] {strides = array<i32>} : memref<2x32x64xf32, #tpu.memory_space<vmem>>, vector<16xf32>,
    tpu.vector_store %arg5[%swap3A_551, %swap3A_552, %swap3A_553], %broadcast_in_dim3A_16 {strides = array<i32>} : memref<2x32x64xf32, #tpu.memory_space<vmem>>, vector<16xf32>,
    %swap3A_555 = arith.constant 0 : i32
    %swap3A_556 = arith.constant 20 : i32
    %swap3A_557 = arith.index_cast %swap3A_555 : i32 to index
    %swap3A_558 = arith.index_cast %swap3A_556 : i32 to index
    %swap3A_559 = arith.constant 32 : index
    %swap3A_560 = tpu.vector_load %arg5[%swap3A_557, %swap3A_558, %swap3A_559] {strides = array<i32>} : memref<2x32x64xf32, #tpu.memory_space<vmem>>, vector<16xf32>,
    tpu.vector_store %arg5[%swap3A_557, %swap3A_558, %swap3A_559], %broadcast_in_dim3A_16 {strides = array<i32>} : memref<2x32x64xf32, #tpu.memory_space<vmem>>, vector<16xf32>,
    %swap3A_561 = arith.constant 0 : i32
    %swap3A_562 = arith.constant 20 : i32
    %swap3A_563 = arith.index_cast %swap3A_561 : i32 to index
    %swap3A_564 = arith.index_cast %swap3A_562 : i32 to index
    %swap3A_565 = arith.constant 48 : index
    %swap3A_566 = tpu.vector_load %arg5[%swap3A_563, %swap3A_564, %swap3A_565] {strides = array<i32>} : memref<2x32x64xf32, #tpu.memory_space<vmem>>, vector<16xf32>,
    tpu.vector_store %arg5[%swap3A_563, %swap3A_564, %swap3A_565], %broadcast_in_dim3A_16 {strides = array<i32>} : memref<2x32x64xf32, #tpu.memory_space<vmem>>, vector<16xf32>,
    %swap3A_567 = arith.constant 0 : i32
    %swap3A_568 = arith.constant 21 : i32
    %swap3A_569 = arith.index_cast %swap3A_567 : i32 to index
    %swap3A_570 = arith.index_cast %swap3A_568 : i32 to index
    %swap3A_571 = arith.constant 0 : index
    %swap3A_572 = tpu.vector_load %arg5[%swap3A_569, %swap3A_570, %swap3A_571] {strides = array<i32>} : memref<2x32x64xf32, #tpu.memory_space<vmem>>, vector<16xf32>,
    tpu.vector_store %arg5[%swap3A_569, %swap3A_570, %swap3A_571], %broadcast_in_dim3A_16 {strides = array<i32>} : memref<2x32x64xf32, #tpu.memory_space<vmem>>, vector<16xf32>,
    %swap3A_573 = arith.constant 0 : i32
    %swap3A_574 = arith.constant 21 : i32
    %swap3A_575 = arith.index_cast %swap3A_573 : i32 to index
    %swap3A_576 = arith.index_cast %swap3A_574 : i32 to index
    %swap3A_577 = arith.constant 16 : index
    %swap3A_578 = tpu.vector_load %arg5[%swap3A_575, %swap3A_576, %swap3A_577] {strides = array<i32>} : memref<2x32x64xf32, #tpu.memory_space<vmem>>, vector<16xf32>,
    tpu.vector_store %arg5[%swap3A_575, %swap3A_576, %swap3A_577], %broadcast_in_dim3A_16 {strides = array<i32>} : memref<2x32x64xf32, #tpu.memory_space<vmem>>, vector<16xf32>,
    %swap3A_579 = arith.constant 0 : i32
    %swap3A_580 = arith.constant 21 : i32
    %swap3A_581 = arith.index_cast %swap3A_579 : i32 to index
    %swap3A_582 = arith.index_cast %swap3A_580 : i32 to index
    %swap3A_583 = arith.constant 32 : index
    %swap3A_584 = tpu.vector_load %arg5[%swap3A_581, %swap3A_582, %swap3A_583] {strides = array<i32>} : memref<2x32x64xf32, #tpu.memory_space<vmem>>, vector<16xf32>,
    tpu.vector_store %arg5[%swap3A_581, %swap3A_582, %swap3A_583], %broadcast_in_dim3A_16 {strides = array<i32>} : memref<2x32x64xf32, #tpu.memory_space<vmem>>, vector<16xf32>,
    %swap3A_585 = arith.constant 0 : i32
    %swap3A_586 = arith.constant 21 : i32
    %swap3A_587 = arith.index_cast %swap3A_585 : i32 to index
    %swap3A_588 = arith.index_cast %swap3A_586 : i32 to index
    %swap3A_589 = arith.constant 48 : index
    %swap3A_590 = tpu.vector_load %arg5[%swap3A_587, %swap3A_588, %swap3A_589] {strides = array<i32>} : memref<2x32x64xf32, #tpu.memory_space<vmem>>, vector<16xf32>,
    tpu.vector_store %arg5[%swap3A_587, %swap3A_588, %swap3A_589], %broadcast_in_dim3A_16 {strides = array<i32>} : memref<2x32x64xf32, #tpu.memory_space<vmem>>, vector<16xf32>,
    %swap3A_591 = arith.constant 0 : i32
    %swap3A_592 = arith.constant 22 : i32
    %swap3A_593 = arith.index_cast %swap3A_591 : i32 to index
    %swap3A_594 = arith.index_cast %swap3A_592 : i32 to index
    %swap3A_595 = arith.constant 0 : index
    %swap3A_596 = tpu.vector_load %arg5[%swap3A_593, %swap3A_594, %swap3A_595] {strides = array<i32>} : memref<2x32x64xf32, #tpu.memory_space<vmem>>, vector<16xf32>,
    tpu.vector_store %arg5[%swap3A_593, %swap3A_594, %swap3A_595], %broadcast_in_dim3A_16 {strides = array<i32>} : memref<2x32x64xf32, #tpu.memory_space<vmem>>, vector<16xf32>,
    %swap3A_597 = arith.constant 0 : i32
    %swap3A_598 = arith.constant 22 : i32
    %swap3A_599 = arith.index_cast %swap3A_597 : i32 to index
    %swap3A_600 = arith.index_cast %swap3A_598 : i32 to index
    %swap3A_601 = arith.constant 16 : index
    %swap3A_602 = tpu.vector_load %arg5[%swap3A_599, %swap3A_600, %swap3A_601] {strides = array<i32>} : memref<2x32x64xf32, #tpu.memory_space<vmem>>, vector<16xf32>,
    tpu.vector_store %arg5[%swap3A_599, %swap3A_600, %swap3A_601], %broadcast_in_dim3A_16 {strides = array<i32>} : memref<2x32x64xf32, #tpu.memory_space<vmem>>, vector<16xf32>,
    %swap3A_603 = arith.constant 0 : i32
    %swap3A_604 = arith.constant 22 : i32
    %swap3A_605 = arith.index_cast %swap3A_603 : i32 to index
    %swap3A_606 = arith.index_cast %swap3A_604 : i32 to index
    %swap3A_607 = arith.constant 32 : index
    %swap3A_608 = tpu.vector_load %arg5[%swap3A_605, %swap3A_606, %swap3A_607] {strides = array<i32>} : memref<2x32x64xf32, #tpu.memory_space<vmem>>, vector<16xf32>,
    tpu.vector_store %arg5[%swap3A_605, %swap3A_606, %swap3A_607], %broadcast_in_dim3A_16 {strides = array<i32>} : memref<2x32x64xf32, #tpu.memory_space<vmem>>, vector<16xf32>,
    %swap3A_609 = arith.constant 0 : i32
    %swap3A_610 = arith.constant 22 : i32
    %swap3A_611 = arith.index_cast %swap3A_609 : i32 to index
    %swap3A_612 = arith.index_cast %swap3A_610 : i32 to index
    %swap3A_613 = arith.constant 48 : index
    %swap3A_614 = tpu.vector_load %arg5[%swap3A_611, %swap3A_612, %swap3A_613] {strides = array<i32>} : memref<2x32x64xf32, #tpu.memory_space<vmem>>, vector<16xf32>,
    tpu.vector_store %arg5[%swap3A_611, %swap3A_612, %swap3A_613], %broadcast_in_dim3A_16 {strides = array<i32>} : memref<2x32x64xf32, #tpu.memory_space<vmem>>, vector<16xf32>,
    %swap3A_615 = arith.constant 0 : i32
    %swap3A_616 = arith.constant 23 : i32
    %swap3A_617 = arith.index_cast %swap3A_615 : i32 to index
    %swap3A_618 = arith.index_cast %swap3A_616 : i32 to index
    %swap3A_619 = arith.constant 0 : index
    %swap3A_620 = tpu.vector_load %arg5[%swap3A_617, %swap3A_618, %swap3A_619] {strides = array<i32>} : memref<2x32x64xf32, #tpu.memory_space<vmem>>, vector<16xf32>,
    tpu.vector_store %arg5[%swap3A_617, %swap3A_618, %swap3A_619], %broadcast_in_dim3A_16 {strides = array<i32>} : memref<2x32x64xf32, #tpu.memory_space<vmem>>, vector<16xf32>,
    %swap3A_621 = arith.constant 0 : i32
    %swap3A_622 = arith.constant 23 : i32
    %swap3A_623 = arith.index_cast %swap3A_621 : i32 to index
    %swap3A_624 = arith.index_cast %swap3A_622 : i32 to index
    %swap3A_625 = arith.constant 16 : index
    %swap3A_626 = tpu.vector_load %arg5[%swap3A_623, %swap3A_624, %swap3A_625] {strides = array<i32>} : memref<2x32x64xf32, #tpu.memory_space<vmem>>, vector<16xf32>,
    tpu.vector_store %arg5[%swap3A_623, %swap3A_624, %swap3A_625], %broadcast_in_dim3A_16 {strides = array<i32>} : memref<2x32x64xf32, #tpu.memory_space<vmem>>, vector<16xf32>,
    %swap3A_627 = arith.constant 0 : i32
    %swap3A_628 = arith.constant 23 : i32
    %swap3A_629 = arith.index_cast %swap3A_627 : i32 to index
    %swap3A_630 = arith.index_cast %swap3A_628 : i32 to index
    %swap3A_631 = arith.constant 32 : index
    %swap3A_632 = tpu.vector_load %arg5[%swap3A_629, %swap3A_630, %swap3A_631] {strides = array<i32>} : memref<2x32x64xf32, #tpu.memory_space<vmem>>, vector<16xf32>,
    tpu.vector_store %arg5[%swap3A_629, %swap3A_630, %swap3A_631], %broadcast_in_dim3A_16 {strides = array<i32>} : memref<2x32x64xf32, #tpu.memory_space<vmem>>, vector<16xf32>,
    %swap3A_633 = arith.constant 0 : i32
    %swap3A_634 = arith.constant 23 : i32
    %swap3A_635 = arith.index_cast %swap3A_633 : i32 to index
    %swap3A_636 = arith.index_cast %swap3A_634 : i32 to index
    %swap3A_637 = arith.constant 48 : index
    %swap3A_638 = tpu.vector_load %arg5[%swap3A_635, %swap3A_636, %swap3A_637] {strides = array<i32>} : memref<2x32x64xf32, #tpu.memory_space<vmem>>, vector<16xf32>,
    tpu.vector_store %arg5[%swap3A_635, %swap3A_636, %swap3A_637], %broadcast_in_dim3A_16 {strides = array<i32>} : memref<2x32x64xf32, #tpu.memory_space<vmem>>, vector<16xf32>,
    %swap3A_639 = arith.constant 0 : i32
    %swap3A_640 = arith.constant 24 : i32
    %swap3A_641 = arith.index_cast %swap3A_639 : i32 to index
    %swap3A_642 = arith.index_cast %swap3A_640 : i32 to index
    %swap3A_643 = arith.constant 0 : index
    %swap3A_644 = tpu.vector_load %arg5[%swap3A_641, %swap3A_642, %swap3A_643] {strides = array<i32>} : memref<2x32x64xf32, #tpu.memory_space<vmem>>, vector<16xf32>,
    tpu.vector_store %arg5[%swap3A_641, %swap3A_642, %swap3A_643], %broadcast_in_dim3A_16 {strides = array<i32>} : memref<2x32x64xf32, #tpu.memory_space<vmem>>, vector<16xf32>,
    %swap3A_645 = arith.constant 0 : i32
    %swap3A_646 = arith.constant 24 : i32
    %swap3A_647 = arith.index_cast %swap3A_645 : i32 to index
    %swap3A_648 = arith.index_cast %swap3A_646 : i32 to index
    %swap3A_649 = arith.constant 16 : index
    %swap3A_650 = tpu.vector_load %arg5[%swap3A_647, %swap3A_648, %swap3A_649] {strides = array<i32>} : memref<2x32x64xf32, #tpu.memory_space<vmem>>, vector<16xf32>,
    tpu.vector_store %arg5[%swap3A_647, %swap3A_648, %swap3A_649], %broadcast_in_dim3A_16 {strides = array<i32>} : memref<2x32x64xf32, #tpu.memory_space<vmem>>, vector<16xf32>,
    %swap3A_651 = arith.constant 0 : i32
    %swap3A_652 = arith.constant 24 : i32
    %swap3A_653 = arith.index_cast %swap3A_651 : i32 to index
    %swap3A_654 = arith.index_cast %swap3A_652 : i32 to index
    %swap3A_655 = arith.constant 32 : index
    %swap3A_656 = tpu.vector_load %arg5[%swap3A_653, %swap3A_654, %swap3A_655] {strides = array<i32>} : memref<2x32x64xf32, #tpu.memory_space<vmem>>, vector<16xf32>,
    tpu.vector_store %arg5[%swap3A_653, %swap3A_654, %swap3A_655], %broadcast_in_dim3A_16 {strides = array<i32>} : memref<2x32x64xf32, #tpu.memory_space<vmem>>, vector<16xf32>,
    %swap3A_657 = arith.constant 0 : i32
    %swap3A_658 = arith.constant 24 : i32
    %swap3A_659 = arith.index_cast %swap3A_657 : i32 to index
    %swap3A_660 = arith.index_cast %swap3A_658 : i32 to index
    %swap3A_661 = arith.constant 48 : index
    %swap3A_662 = tpu.vector_load %arg5[%swap3A_659, %swap3A_660, %swap3A_661] {strides = array<i32>} : memref<2x32x64xf32, #tpu.memory_space<vmem>>, vector<16xf32>,
    tpu.vector_store %arg5[%swap3A_659, %swap3A_660, %swap3A_661], %broadcast_in_dim3A_16 {strides = array<i32>} : memref<2x32x64xf32, #tpu.memory_space<vmem>>, vector<16xf32>,
    %swap3A_663 = arith.constant 0 : i32
    %swap3A_664 = arith.constant 25 : i32
    %swap3A_665 = arith.index_cast %swap3A_663 : i32 to index
    %swap3A_666 = arith.index_cast %swap3A_664 : i32 to index
    %swap3A_667 = arith.constant 0 : index
    %swap3A_668 = tpu.vector_load %arg5[%swap3A_665, %swap3A_666, %swap3A_667] {strides = array<i32>} : memref<2x32x64xf32, #tpu.memory_space<vmem>>, vector<16xf32>,
    tpu.vector_store %arg5[%swap3A_665, %swap3A_666, %swap3A_667], %broadcast_in_dim3A_16 {strides = array<i32>} : memref<2x32x64xf32, #tpu.memory_space<vmem>>, vector<16xf32>,
    %swap3A_669 = arith.constant 0 : i32
    %swap3A_670 = arith.constant 25 : i32
    %swap3A_671 = arith.index_cast %swap3A_669 : i32 to index
    %swap3A_672 = arith.index_cast %swap3A_670 : i32 to index
    %swap3A_673 = arith.constant 16 : index
    %swap3A_674 = tpu.vector_load %arg5[%swap3A_671, %swap3A_672, %swap3A_673] {strides = array<i32>} : memref<2x32x64xf32, #tpu.memory_space<vmem>>, vector<16xf32>,
    tpu.vector_store %arg5[%swap3A_671, %swap3A_672, %swap3A_673], %broadcast_in_dim3A_16 {strides = array<i32>} : memref<2x32x64xf32, #tpu.memory_space<vmem>>, vector<16xf32>,
    %swap3A_675 = arith.constant 0 : i32
    %swap3A_676 = arith.constant 25 : i32
    %swap3A_677 = arith.index_cast %swap3A_675 : i32 to index
    %swap3A_678 = arith.index_cast %swap3A_676 : i32 to index
    %swap3A_679 = arith.constant 32 : index
    %swap3A_680 = tpu.vector_load %arg5[%swap3A_677, %swap3A_678, %swap3A_679] {strides = array<i32>} : memref<2x32x64xf32, #tpu.memory_space<vmem>>, vector<16xf32>,
    tpu.vector_store %arg5[%swap3A_677, %swap3A_678, %swap3A_679], %broadcast_in_dim3A_16 {strides = array<i32>} : memref<2x32x64xf32, #tpu.memory_space<vmem>>, vector<16xf32>,
    %swap3A_681 = arith.constant 0 : i32
    %swap3A_682 = arith.constant 25 : i32
    %swap3A_683 = arith.index_cast %swap3A_681 : i32 to index
    %swap3A_684 = arith.index_cast %swap3A_682 : i32 to index
    %swap3A_685 = arith.constant 48 : index
    %swap3A_686 = tpu.vector_load %arg5[%swap3A_683, %swap3A_684, %swap3A_685] {strides = array<i32>} : memref<2x32x64xf32, #tpu.memory_space<vmem>>, vector<16xf32>,
    tpu.vector_store %arg5[%swap3A_683, %swap3A_684, %swap3A_685], %broadcast_in_dim3A_16 {strides = array<i32>} : memref<2x32x64xf32, #tpu.memory_space<vmem>>, vector<16xf32>,
    %swap3A_687 = arith.constant 0 : i32
    %swap3A_688 = arith.constant 26 : i32
    %swap3A_689 = arith.index_cast %swap3A_687 : i32 to index
    %swap3A_690 = arith.index_cast %swap3A_688 : i32 to index
    %swap3A_691 = arith.constant 0 : index
    %swap3A_692 = tpu.vector_load %arg5[%swap3A_689, %swap3A_690, %swap3A_691] {strides = array<i32>} : memref<2x32x64xf32, #tpu.memory_space<vmem>>, vector<16xf32>,
    tpu.vector_store %arg5[%swap3A_689, %swap3A_690, %swap3A_691], %broadcast_in_dim3A_16 {strides = array<i32>} : memref<2x32x64xf32, #tpu.memory_space<vmem>>, vector<16xf32>,
    %swap3A_693 = arith.constant 0 : i32
    %swap3A_694 = arith.constant 26 : i32
    %swap3A_695 = arith.index_cast %swap3A_693 : i32 to index
    %swap3A_696 = arith.index_cast %swap3A_694 : i32 to index
    %swap3A_697 = arith.constant 16 : index
    %swap3A_698 = tpu.vector_load %arg5[%swap3A_695, %swap3A_696, %swap3A_697] {strides = array<i32>} : memref<2x32x64xf32, #tpu.memory_space<vmem>>, vector<16xf32>,
    tpu.vector_store %arg5[%swap3A_695, %swap3A_696, %swap3A_697], %broadcast_in_dim3A_16 {strides = array<i32>} : memref<2x32x64xf32, #tpu.memory_space<vmem>>, vector<16xf32>,
    %swap3A_699 = arith.constant 0 : i32
    %swap3A_700 = arith.constant 26 : i32
    %swap3A_701 = arith.index_cast %swap3A_699 : i32 to index
    %swap3A_702 = arith.index_cast %swap3A_700 : i32 to index
    %swap3A_703 = arith.constant 32 : index
    %swap3A_704 = tpu.vector_load %arg5[%swap3A_701, %swap3A_702, %swap3A_703] {strides = array<i32>} : memref<2x32x64xf32, #tpu.memory_space<vmem>>, vector<16xf32>,
    tpu.vector_store %arg5[%swap3A_701, %swap3A_702, %swap3A_703], %broadcast_in_dim3A_16 {strides = array<i32>} : memref<2x32x64xf32, #tpu.memory_space<vmem>>, vector<16xf32>,
    %swap3A_705 = arith.constant 0 : i32
    %swap3A_706 = arith.constant 26 : i32
    %swap3A_707 = arith.index_cast %swap3A_705 : i32 to index
    %swap3A_708 = arith.index_cast %swap3A_706 : i32 to index
    %swap3A_709 = arith.constant 48 : index
    %swap3A_710 = tpu.vector_load %arg5[%swap3A_707, %swap3A_708, %swap3A_709] {strides = array<i32>} : memref<2x32x64xf32, #tpu.memory_space<vmem>>, vector<16xf32>,
    tpu.vector_store %arg5[%swap3A_707, %swap3A_708, %swap3A_709], %broadcast_in_dim3A_16 {strides = array<i32>} : memref<2x32x64xf32, #tpu.memory_space<vmem>>, vector<16xf32>,
    %swap3A_711 = arith.constant 0 : i32
    %swap3A_712 = arith.constant 27 : i32
    %swap3A_713 = arith.index_cast %swap3A_711 : i32 to index
    %swap3A_714 = arith.index_cast %swap3A_712 : i32 to index
    %swap3A_715 = arith.constant 0 : index
    %swap3A_716 = tpu.vector_load %arg5[%swap3A_713, %swap3A_714, %swap3A_715] {strides = array<i32>} : memref<2x32x64xf32, #tpu.memory_space<vmem>>, vector<16xf32>,
    tpu.vector_store %arg5[%swap3A_713, %swap3A_714, %swap3A_715], %broadcast_in_dim3A_16 {strides = array<i32>} : memref<2x32x64xf32, #tpu.memory_space<vmem>>, vector<16xf32>,
    %swap3A_717 = arith.constant 0 : i32
    %swap3A_718 = arith.constant 27 : i32
    %swap3A_719 = arith.index_cast %swap3A_717 : i32 to index
    %swap3A_720 = arith.index_cast %swap3A_718 : i32 to index
    %swap3A_721 = arith.constant 16 : index
    %swap3A_722 = tpu.vector_load %arg5[%swap3A_719, %swap3A_720, %swap3A_721] {strides = array<i32>} : memref<2x32x64xf32, #tpu.memory_space<vmem>>, vector<16xf32>,
    tpu.vector_store %arg5[%swap3A_719, %swap3A_720, %swap3A_721], %broadcast_in_dim3A_16 {strides = array<i32>} : memref<2x32x64xf32, #tpu.memory_space<vmem>>, vector<16xf32>,
    %swap3A_723 = arith.constant 0 : i32
    %swap3A_724 = arith.constant 27 : i32
    %swap3A_725 = arith.index_cast %swap3A_723 : i32 to index
    %swap3A_726 = arith.index_cast %swap3A_724 : i32 to index
    %swap3A_727 = arith.constant 32 : index
    %swap3A_728 = tpu.vector_load %arg5[%swap3A_725, %swap3A_726, %swap3A_727] {strides = array<i32>} : memref<2x32x64xf32, #tpu.memory_space<vmem>>, vector<16xf32>,
    tpu.vector_store %arg5[%swap3A_725, %swap3A_726, %swap3A_727], %broadcast_in_dim3A_16 {strides = array<i32>} : memref<2x32x64xf32, #tpu.memory_space<vmem>>, vector<16xf32>,
    %swap3A_729 = arith.constant 0 : i32
    %swap3A_730 = arith.constant 27 : i32
    %swap3A_731 = arith.index_cast %swap3A_729 : i32 to index
    %swap3A_732 = arith.index_cast %swap3A_730 : i32 to index
    %swap3A_733 = arith.constant 48 : index
    %swap3A_734 = tpu.vector_load %arg5[%swap3A_731, %swap3A_732, %swap3A_733] {strides = array<i32>} : memref<2x32x64xf32, #tpu.memory_space<vmem>>, vector<16xf32>,
    tpu.vector_store %arg5[%swap3A_731, %swap3A_732, %swap3A_733], %broadcast_in_dim3A_16 {strides = array<i32>} : memref<2x32x64xf32, #tpu.memory_space<vmem>>, vector<16xf32>,
    %swap3A_735 = arith.constant 0 : i32
    %swap3A_736 = arith.constant 28 : i32
    %swap3A_737 = arith.index_cast %swap3A_735 : i32 to index
    %swap3A_738 = arith.index_cast %swap3A_736 : i32 to index
    %swap3A_739 = arith.constant 0 : index
    %swap3A_740 = tpu.vector_load %arg5[%swap3A_737, %swap3A_738, %swap3A_739] {strides = array<i32>} : memref<2x32x64xf32, #tpu.memory_space<vmem>>, vector<16xf32>,
    tpu.vector_store %arg5[%swap3A_737, %swap3A_738, %swap3A_739], %broadcast_in_dim3A_16 {strides = array<i32>} : memref<2x32x64xf32, #tpu.memory_space<vmem>>, vector<16xf32>,
    %swap3A_741 = arith.constant 0 : i32
    %swap3A_742 = arith.constant 28 : i32
    %swap3A_743 = arith.index_cast %swap3A_741 : i32 to index
    %swap3A_744 = arith.index_cast %swap3A_742 : i32 to index
    %swap3A_745 = arith.constant 16 : index
    %swap3A_746 = tpu.vector_load %arg5[%swap3A_743, %swap3A_744, %swap3A_745] {strides = array<i32>} : memref<2x32x64xf32, #tpu.memory_space<vmem>>, vector<16xf32>,
    tpu.vector_store %arg5[%swap3A_743, %swap3A_744, %swap3A_745], %broadcast_in_dim3A_16 {strides = array<i32>} : memref<2x32x64xf32, #tpu.memory_space<vmem>>, vector<16xf32>,
    %swap3A_747 = arith.constant 0 : i32
    %swap3A_748 = arith.constant 28 : i32
    %swap3A_749 = arith.index_cast %swap3A_747 : i32 to index
    %swap3A_750 = arith.index_cast %swap3A_748 : i32 to index
    %swap3A_751 = arith.constant 32 : index
    %swap3A_752 = tpu.vector_load %arg5[%swap3A_749, %swap3A_750, %swap3A_751] {strides = array<i32>} : memref<2x32x64xf32, #tpu.memory_space<vmem>>, vector<16xf32>,
    tpu.vector_store %arg5[%swap3A_749, %swap3A_750, %swap3A_751], %broadcast_in_dim3A_16 {strides = array<i32>} : memref<2x32x64xf32, #tpu.memory_space<vmem>>, vector<16xf32>,
    %swap3A_753 = arith.constant 0 : i32
    %swap3A_754 = arith.constant 28 : i32
    %swap3A_755 = arith.index_cast %swap3A_753 : i32 to index
    %swap3A_756 = arith.index_cast %swap3A_754 : i32 to index
    %swap3A_757 = arith.constant 48 : index
    %swap3A_758 = tpu.vector_load %arg5[%swap3A_755, %swap3A_756, %swap3A_757] {strides = array<i32>} : memref<2x32x64xf32, #tpu.memory_space<vmem>>, vector<16xf32>,
    tpu.vector_store %arg5[%swap3A_755, %swap3A_756, %swap3A_757], %broadcast_in_dim3A_16 {strides = array<i32>} : memref<2x32x64xf32, #tpu.memory_space<vmem>>, vector<16xf32>,
    %swap3A_759 = arith.constant 0 : i32
    %swap3A_760 = arith.constant 29 : i32
    %swap3A_761 = arith.index_cast %swap3A_759 : i32 to index
    %swap3A_762 = arith.index_cast %swap3A_760 : i32 to index
    %swap3A_763 = arith.constant 0 : index
    %swap3A_764 = tpu.vector_load %arg5[%swap3A_761, %swap3A_762, %swap3A_763] {strides = array<i32>} : memref<2x32x64xf32, #tpu.memory_space<vmem>>, vector<16xf32>,
    tpu.vector_store %arg5[%swap3A_761, %swap3A_762, %swap3A_763], %broadcast_in_dim3A_16 {strides = array<i32>} : memref<2x32x64xf32, #tpu.memory_space<vmem>>, vector<16xf32>,
    %swap3A_765 = arith.constant 0 : i32
    %swap3A_766 = arith.constant 29 : i32
    %swap3A_767 = arith.index_cast %swap3A_765 : i32 to index
    %swap3A_768 = arith.index_cast %swap3A_766 : i32 to index
    %swap3A_769 = arith.constant 16 : index
    %swap3A_770 = tpu.vector_load %arg5[%swap3A_767, %swap3A_768, %swap3A_769] {strides = array<i32>} : memref<2x32x64xf32, #tpu.memory_space<vmem>>, vector<16xf32>,
    tpu.vector_store %arg5[%swap3A_767, %swap3A_768, %swap3A_769], %broadcast_in_dim3A_16 {strides = array<i32>} : memref<2x32x64xf32, #tpu.memory_space<vmem>>, vector<16xf32>,
    %swap3A_771 = arith.constant 0 : i32
    %swap3A_772 = arith.constant 29 : i32
    %swap3A_773 = arith.index_cast %swap3A_771 : i32 to index
    %swap3A_774 = arith.index_cast %swap3A_772 : i32 to index
    %swap3A_775 = arith.constant 32 : index
    %swap3A_776 = tpu.vector_load %arg5[%swap3A_773, %swap3A_774, %swap3A_775] {strides = array<i32>} : memref<2x32x64xf32, #tpu.memory_space<vmem>>, vector<16xf32>,
    tpu.vector_store %arg5[%swap3A_773, %swap3A_774, %swap3A_775], %broadcast_in_dim3A_16 {strides = array<i32>} : memref<2x32x64xf32, #tpu.memory_space<vmem>>, vector<16xf32>,
    %swap3A_777 = arith.constant 0 : i32
    %swap3A_778 = arith.constant 29 : i32
    %swap3A_779 = arith.index_cast %swap3A_777 : i32 to index
    %swap3A_780 = arith.index_cast %swap3A_778 : i32 to index
    %swap3A_781 = arith.constant 48 : index
    %swap3A_782 = tpu.vector_load %arg5[%swap3A_779, %swap3A_780, %swap3A_781] {strides = array<i32>} : memref<2x32x64xf32, #tpu.memory_space<vmem>>, vector<16xf32>,
    tpu.vector_store %arg5[%swap3A_779, %swap3A_780, %swap3A_781], %broadcast_in_dim3A_16 {strides = array<i32>} : memref<2x32x64xf32, #tpu.memory_space<vmem>>, vector<16xf32>,
    %swap3A_783 = arith.constant 0 : i32
    %swap3A_784 = arith.constant 30 : i32
    %swap3A_785 = arith.index_cast %swap3A_783 : i32 to index
    %swap3A_786 = arith.index_cast %swap3A_784 : i32 to index
    %swap3A_787 = arith.constant 0 : index
    %swap3A_788 = tpu.vector_load %arg5[%swap3A_785, %swap3A_786, %swap3A_787] {strides = array<i32>} : memref<2x32x64xf32, #tpu.memory_space<vmem>>, vector<16xf32>,
    tpu.vector_store %arg5[%swap3A_785, %swap3A_786, %swap3A_787], %broadcast_in_dim3A_16 {strides = array<i32>} : memref<2x32x64xf32, #tpu.memory_space<vmem>>, vector<16xf32>,
    %swap3A_789 = arith.constant 0 : i32
    %swap3A_790 = arith.constant 30 : i32
    %swap3A_791 = arith.index_cast %swap3A_789 : i32 to index
    %swap3A_792 = arith.index_cast %swap3A_790 : i32 to index
    %swap3A_793 = arith.constant 16 : index
    %swap3A_794 = tpu.vector_load %arg5[%swap3A_791, %swap3A_792, %swap3A_793] {strides = array<i32>} : memref<2x32x64xf32, #tpu.memory_space<vmem>>, vector<16xf32>,
    tpu.vector_store %arg5[%swap3A_791, %swap3A_792, %swap3A_793], %broadcast_in_dim3A_16 {strides = array<i32>} : memref<2x32x64xf32, #tpu.memory_space<vmem>>, vector<16xf32>,
    %swap3A_795 = arith.constant 0 : i32
    %swap3A_796 = arith.constant 30 : i32
    %swap3A_797 = arith.index_cast %swap3A_795 : i32 to index
    %swap3A_798 = arith.index_cast %swap3A_796 : i32 to index
    %swap3A_799 = arith.constant 32 : index
    %swap3A_800 = tpu.vector_load %arg5[%swap3A_797, %swap3A_798, %swap3A_799] {strides = array<i32>} : memref<2x32x64xf32, #tpu.memory_space<vmem>>, vector<16xf32>,
    tpu.vector_store %arg5[%swap3A_797, %swap3A_798, %swap3A_799], %broadcast_in_dim3A_16 {strides = array<i32>} : memref<2x32x64xf32, #tpu.memory_space<vmem>>, vector<16xf32>,
    %swap3A_801 = arith.constant 0 : i32
    %swap3A_802 = arith.constant 30 : i32
    %swap3A_803 = arith.index_cast %swap3A_801 : i32 to index
    %swap3A_804 = arith.index_cast %swap3A_802 : i32 to index
    %swap3A_805 = arith.constant 48 : index
    %swap3A_806 = tpu.vector_load %arg5[%swap3A_803, %swap3A_804, %swap3A_805] {strides = array<i32>} : memref<2x32x64xf32, #tpu.memory_space<vmem>>, vector<16xf32>,
    tpu.vector_store %arg5[%swap3A_803, %swap3A_804, %swap3A_805], %broadcast_in_dim3A_16 {strides = array<i32>} : memref<2x32x64xf32, #tpu.memory_space<vmem>>, vector<16xf32>,
    %swap3A_807 = arith.constant 0 : i32
    %swap3A_808 = arith.constant 31 : i32
    %swap3A_809 = arith.index_cast %swap3A_807 : i32 to index
    %swap3A_810 = arith.index_cast %swap3A_808 : i32 to index
    %swap3A_811 = arith.constant 0 : index
    %swap3A_812 = tpu.vector_load %arg5[%swap3A_809, %swap3A_810, %swap3A_811] {strides = array<i32>} : memref<2x32x64xf32, #tpu.memory_space<vmem>>, vector<16xf32>,
    tpu.vector_store %arg5[%swap3A_809, %swap3A_810, %swap3A_811], %broadcast_in_dim3A_16 {strides = array<i32>} : memref<2x32x64xf32, #tpu.memory_space<vmem>>, vector<16xf32>,
    %swap3A_813 = arith.constant 0 : i32
    %swap3A_814 = arith.constant 31 : i32
    %swap3A_815 = arith.index_cast %swap3A_813 : i32 to index
    %swap3A_816 = arith.index_cast %swap3A_814 : i32 to index
    %swap3A_817 = arith.constant 16 : index
    %swap3A_818 = tpu.vector_load %arg5[%swap3A_815, %swap3A_816, %swap3A_817] {strides = array<i32>} : memref<2x32x64xf32, #tpu.memory_space<vmem>>, vector<16xf32>,
    tpu.vector_store %arg5[%swap3A_815, %swap3A_816, %swap3A_817], %broadcast_in_dim3A_16 {strides = array<i32>} : memref<2x32x64xf32, #tpu.memory_space<vmem>>, vector<16xf32>,
    %swap3A_819 = arith.constant 0 : i32
    %swap3A_820 = arith.constant 31 : i32
    %swap3A_821 = arith.index_cast %swap3A_819 : i32 to index
    %swap3A_822 = arith.index_cast %swap3A_820 : i32 to index
    %swap3A_823 = arith.constant 32 : index
    %swap3A_824 = tpu.vector_load %arg5[%swap3A_821, %swap3A_822, %swap3A_823] {strides = array<i32>} : memref<2x32x64xf32, #tpu.memory_space<vmem>>, vector<16xf32>,
    tpu.vector_store %arg5[%swap3A_821, %swap3A_822, %swap3A_823], %broadcast_in_dim3A_16 {strides = array<i32>} : memref<2x32x64xf32, #tpu.memory_space<vmem>>, vector<16xf32>,
    %swap3A_825 = arith.constant 0 : i32
    %swap3A_826 = arith.constant 31 : i32
    %swap3A_827 = arith.index_cast %swap3A_825 : i32 to index
    %swap3A_828 = arith.index_cast %swap3A_826 : i32 to index
    %swap3A_829 = arith.constant 48 : index
    %swap3A_830 = tpu.vector_load %arg5[%swap3A_827, %swap3A_828, %swap3A_829] {strides = array<i32>} : memref<2x32x64xf32, #tpu.memory_space<vmem>>, vector<16xf32>,
    tpu.vector_store %arg5[%swap3A_827, %swap3A_828, %swap3A_829], %broadcast_in_dim3A_16 {strides = array<i32>} : memref<2x32x64xf32, #tpu.memory_space<vmem>>, vector<16xf32>,
    %swap3A_831 = arith.constant 0 : i32
    %swap3A_832 = arith.index_cast %swap3A_831 : i32 to index
    %swap3A_833 = arith.constant 0 : index
    %swap3A_834 = tpu.vector_load %arg6[%swap3A_832, %swap3A_833] {strides = array<i32>} : memref<4x16xi32, #tpu.memory_space<vmem>>, vector<16xi32>,
    tpu.vector_store %arg6[%swap3A_832, %swap3A_833], %broadcast_in_dim3A_18 {strides = array<i32>} : memref<4x16xi32, #tpu.memory_space<vmem>>, vector<16xi32>,
    %swap3A_835 = arith.constant 1 : i32
    %swap3A_836 = arith.index_cast %swap3A_835 : i32 to index
    %swap3A_837 = arith.constant 0 : index
    %swap3A_838 = tpu.vector_load %arg6[%swap3A_836, %swap3A_837] {strides = array<i32>} : memref<4x16xi32, #tpu.memory_space<vmem>>, vector<16xi32>,
    tpu.vector_store %arg6[%swap3A_836, %swap3A_837], %broadcast_in_dim3A_18 {strides = array<i32>} : memref<4x16xi32, #tpu.memory_space<vmem>>, vector<16xi32>,
    %swap3A_839 = arith.constant 2 : i32
    %swap3A_840 = arith.index_cast %swap3A_839 : i32 to index
    %swap3A_841 = arith.constant 0 : index
    %swap3A_842 = tpu.vector_load %arg6[%swap3A_840, %swap3A_841] {strides = array<i32>} : memref<4x16xi32, #tpu.memory_space<vmem>>, vector<16xi32>,
    tpu.vector_store %arg6[%swap3A_840, %swap3A_841], %broadcast_in_dim3A_18 {strides = array<i32>} : memref<4x16xi32, #tpu.memory_space<vmem>>, vector<16xi32>,
    %swap3A_843 = arith.constant 3 : i32
    %swap3A_844 = arith.index_cast %swap3A_843 : i32 to index
    %swap3A_845 = arith.constant 0 : index
    %swap3A_846 = tpu.vector_load %arg6[%swap3A_844, %swap3A_845] {strides = array<i32>} : memref<4x16xi32, #tpu.memory_space<vmem>>, vector<16xi32>,
    tpu.vector_store %arg6[%swap3A_844, %swap3A_845], %broadcast_in_dim3A_18 {strides = array<i32>} : memref<4x16xi32, #tpu.memory_space<vmem>>, vector<16xi32>,
    %dma_wait3A = arith.constant 0 : i32
    %dma_wait3A_847 = arith.constant 0 : i32
    %dma_wait3A_848 = arith.constant 0 : i32
    %dma_wait3A_849 = tpu.memref_slice %arg4[%dma_wait3A, %dma_wait3A_847, %dma_wait3A_848] : memref<2x128x64xf32, #tpu.memory_space<vmem>> -> memref<1x128x64xf32, #tpu.memory_space<vmem>>
    %dma_wait3A_850 = tpu.memref_squeeze %dma_wait3A_849 : memref<1x128x64xf32, #tpu.memory_space<vmem>> -> memref<128x64xf32, #tpu.memory_space<vmem>>
    %dma_wait3A_851 = arith.constant 0 : i32
    %dma_wait3A_852 = arith.constant 0 : i32
    %dma_wait3A_853 = tpu.memref_slice %arg2[%add3A_63, %dma_wait3A_851, %dma_wait3A_852] : memref<64x4096x64xf32, #tpu.memory_space<hbm>> -> memref<1x128x64xf32, #tpu.memory_space<hbm>>
    %dma_wait3A_854 = tpu.memref_squeeze %dma_wait3A_853 : memref<1x128x64xf32, #tpu.memory_space<hbm>> -> memref<128x64xf32, #tpu.memory_space<hbm>>
    %dma_wait3A_855 = arith.constant 0 : i32
    %dma_wait3A_856 = arith.constant 0 : i32
    %dma_wait3A_857 = tpu.memref_slice %arg4[%dma_wait3A, %dma_wait3A_855, %dma_wait3A_856] : memref<2x128x64xf32, #tpu.memory_space<vmem>> -> memref<1x128x64xf32, #tpu.memory_space<vmem>>
    %dma_wait3A_858 = tpu.memref_squeeze %dma_wait3A_857 : memref<1x128x64xf32, #tpu.memory_space<vmem>> -> memref<128x64xf32, #tpu.memory_space<vmem>>
    %dma_wait3A_859 = arith.constant 0 : i32
    %dma_wait3A_860 = arith.constant 0 : i32
    %dma_wait3A_861 = tpu.memref_slice %arg2[%add3A_63, %dma_wait3A_859, %dma_wait3A_860] : memref<64x4096x64xf32, #tpu.memory_space<hbm>> -> memref<1x128x64xf32, #tpu.memory_space<hbm>>
    %dma_wait3A_862 = tpu.memref_squeeze %dma_wait3A_861 : memref<1x128x64xf32, #tpu.memory_space<hbm>> -> memref<128x64xf32, #tpu.memory_space<hbm>>
    tpu.wait_dma2 semaphore(%arg9 : memref<!tpu.dma_semaphore, #tpu.memory_space<semaphore_mem>>) src(%dma_wait3A_862 : memref<128x64xf32, #tpu.memory_space<hbm>>) dst(%dma_wait3A_858 : memref<128x64xf32, #tpu.memory_space<vmem>>)
    %get3A = arith.constant 0 : i32
    %get3A_863 = arith.index_cast %get3A : i32 to index
    %get3A_864 = arith.constant 0 : index
    %get3A_865 = tpu.vector_load %arg6[%get3A_863, %get3A_864] {strides = array<i32>} : memref<4x16xi32, #tpu.memory_space<vmem>>, vector<16xi32>,
    %get3A_866 = arith.constant 1 : i32
    %get3A_867 = arith.index_cast %get3A_866 : i32 to index
    %get3A_868 = arith.constant 0 : index
    %get3A_869 = tpu.vector_load %arg6[%get3A_867, %get3A_868] {strides = array<i32>} : memref<4x16xi32, #tpu.memory_space<vmem>>, vector<16xi32>,
    %get3A_870 = arith.constant 2 : i32
    %get3A_871 = arith.index_cast %get3A_870 : i32 to index
    %get3A_872 = arith.constant 0 : index
    %get3A_873 = tpu.vector_load %arg6[%get3A_871, %get3A_872] {strides = array<i32>} : memref<4x16xi32, #tpu.memory_space<vmem>>, vector<16xi32>,
    %get3A_874 = arith.constant 3 : i32
    %get3A_875 = arith.index_cast %get3A_874 : i32 to index
    %get3A_876 = arith.constant 0 : index
    %get3A_877 = tpu.vector_load %arg6[%get3A_875, %get3A_876] {strides = array<i32>} : memref<4x16xi32, #tpu.memory_space<vmem>>, vector<16xi32>,
    %parallel_loop3A = arith.constant 0 : i32
    %parallel_loop3A_878 = arith.constant 128 : i32
    %parallel_loop3A_879 = arith.constant 1 : i32
    %parallel_loop3A_880 = arith.constant 0 : i32
    %parallel_loop3A_881:4 = scf.for %parallel_loop3A_1937 = %parallel_loop3A to %parallel_loop3A_878 step %parallel_loop3A_879 iter_args(%parallel_loop3A_1938 = %get3A_865, %parallel_loop3A_1939 = %get3A_869, %parallel_loop3A_1940 = %get3A_873, %parallel_loop3A_1941 = %get3A_877) -> (vector<16xi32>, vector<16xi32>, vector<16xi32>, vector<16xi32>)  : i32 {
      %parallel_loop3A_1942 = arith.addi %parallel_loop3A_880, %parallel_loop3A_1937 : i32
      %parallel_loop3A_1943 = arith.sitofp %parallel_loop3A_1942 : i32 to f32
      %parallel_loop3A_1944 = arith.constant 1.000000e-03 : f32
      %parallel_loop3A_1945 = arith.mulf %parallel_loop3A_1943, %parallel_loop3A_1944 : f32
      %parallel_loop3A_1946 = vector.broadcast %parallel_loop3A_1945 : f32 to vector<16xf32>
      %parallel_loop3A_1947 = arith.constant 0 : i32
      %parallel_loop3A_1948 = arith.index_cast %parallel_loop3A_1947 : i32 to index
      %parallel_loop3A_1949 = arith.index_cast %parallel_loop3A_1937 : i32 to index
      %parallel_loop3A_1950 = arith.constant 0 : index
      %parallel_loop3A_1951 = tpu.vector_load %arg4[%parallel_loop3A_1948, %parallel_loop3A_1949, %parallel_loop3A_1950] {strides = array<i32>} : memref<2x128x64xf32, #tpu.memory_space<vmem>>, vector<16xf32>,
      %parallel_loop3A_1952 = arith.constant 0.000000e+00 : f32
      %parallel_loop3A_1953 = vector.broadcast %parallel_loop3A_1952 : f32 to vector<16xf32>
      %parallel_loop3A_1954 = arith.cmpf one, %parallel_loop3A_1951, %parallel_loop3A_1953 : vector<16xf32>
      %parallel_loop3A_1955 = arith.constant 32 : i32
      %parallel_loop3A_1956 = vector.broadcast %parallel_loop3A_1955 : i32 to vector<16xi32>
      %parallel_loop3A_1957 = arith.cmpi slt, %parallel_loop3A_1938, %parallel_loop3A_1956 : vector<16xi32>
      %parallel_loop3A_1958 = arith.andi %parallel_loop3A_1954, %parallel_loop3A_1957 : vector<16xi1>
      %parallel_loop3A_1959 = arith.constant 0 : i32
      %parallel_loop3A_1960 = arith.constant 0 : i32
      %parallel_loop3A_1961 = arith.constant 0 : i32
      %parallel_loop3A_1962 = tpu.memref_slice %arg5[%parallel_loop3A_1959, %parallel_loop3A_1960, %parallel_loop3A_1961] : memref<2x32x64xf32, #tpu.memory_space<vmem>> -> memref<1x32x64xf32, #tpu.memory_space<vmem>>
      %parallel_loop3A_1963 = tpu.memref_squeeze %parallel_loop3A_1962 : memref<1x32x64xf32, #tpu.memory_space<vmem>> -> memref<32x64xf32, #tpu.memory_space<vmem>>
      tpu.vector_store_idx %parallel_loop3A_1963[%parallel_loop3A_1938, %add3A_3], %parallel_loop3A_1946 masked %parallel_loop3A_1958 : memref<32x64xf32, #tpu.memory_space<vmem>>[vector<16xi32>, vector<16xi32>], vector<16xf32>, vector<16xi1>
      %parallel_loop3A_1964 = arith.extui %parallel_loop3A_1958 : vector<16xi1> to vector<16xi32>
      %parallel_loop3A_1965 = arith.addi %parallel_loop3A_1938, %parallel_loop3A_1964 : vector<16xi32>
      %parallel_loop3A_1966 = arith.constant 0 : i32
      %parallel_loop3A_1967 = arith.index_cast %parallel_loop3A_1966 : i32 to index
      %parallel_loop3A_1968 = arith.index_cast %parallel_loop3A_1937 : i32 to index
      %parallel_loop3A_1969 = arith.constant 16 : index
      %parallel_loop3A_1970 = tpu.vector_load %arg4[%parallel_loop3A_1967, %parallel_loop3A_1968, %parallel_loop3A_1969] {strides = array<i32>} : memref<2x128x64xf32, #tpu.memory_space<vmem>>, vector<16xf32>,
      %parallel_loop3A_1971 = arith.constant 0.000000e+00 : f32
      %parallel_loop3A_1972 = vector.broadcast %parallel_loop3A_1971 : f32 to vector<16xf32>
      %parallel_loop3A_1973 = arith.cmpf one, %parallel_loop3A_1970, %parallel_loop3A_1972 : vector<16xf32>
      %parallel_loop3A_1974 = arith.constant 32 : i32
      %parallel_loop3A_1975 = vector.broadcast %parallel_loop3A_1974 : i32 to vector<16xi32>
      %parallel_loop3A_1976 = arith.cmpi slt, %parallel_loop3A_1939, %parallel_loop3A_1975 : vector<16xi32>
      %parallel_loop3A_1977 = arith.andi %parallel_loop3A_1973, %parallel_loop3A_1976 : vector<16xi1>
      %parallel_loop3A_1978 = arith.constant 0 : i32
      %parallel_loop3A_1979 = arith.constant 0 : i32
      %parallel_loop3A_1980 = arith.constant 0 : i32
      %parallel_loop3A_1981 = tpu.memref_slice %arg5[%parallel_loop3A_1978, %parallel_loop3A_1979, %parallel_loop3A_1980] : memref<2x32x64xf32, #tpu.memory_space<vmem>> -> memref<1x32x64xf32, #tpu.memory_space<vmem>>
      %parallel_loop3A_1982 = tpu.memref_squeeze %parallel_loop3A_1981 : memref<1x32x64xf32, #tpu.memory_space<vmem>> -> memref<32x64xf32, #tpu.memory_space<vmem>>
      tpu.vector_store_idx %parallel_loop3A_1982[%parallel_loop3A_1939, %add3A_7], %parallel_loop3A_1946 masked %parallel_loop3A_1977 : memref<32x64xf32, #tpu.memory_space<vmem>>[vector<16xi32>, vector<16xi32>], vector<16xf32>, vector<16xi1>
      %parallel_loop3A_1983 = arith.extui %parallel_loop3A_1977 : vector<16xi1> to vector<16xi32>
      %parallel_loop3A_1984 = arith.addi %parallel_loop3A_1939, %parallel_loop3A_1983 : vector<16xi32>
      %parallel_loop3A_1985 = arith.constant 0 : i32
      %parallel_loop3A_1986 = arith.index_cast %parallel_loop3A_1985 : i32 to index
      %parallel_loop3A_1987 = arith.index_cast %parallel_loop3A_1937 : i32 to index
      %parallel_loop3A_1988 = arith.constant 32 : index
      %parallel_loop3A_1989 = tpu.vector_load %arg4[%parallel_loop3A_1986, %parallel_loop3A_1987, %parallel_loop3A_1988] {strides = array<i32>} : memref<2x128x64xf32, #tpu.memory_space<vmem>>, vector<16xf32>,
      %parallel_loop3A_1990 = arith.constant 0.000000e+00 : f32
      %parallel_loop3A_1991 = vector.broadcast %parallel_loop3A_1990 : f32 to vector<16xf32>
      %parallel_loop3A_1992 = arith.cmpf one, %parallel_loop3A_1989, %parallel_loop3A_1991 : vector<16xf32>
      %parallel_loop3A_1993 = arith.constant 32 : i32
      %parallel_loop3A_1994 = vector.broadcast %parallel_loop3A_1993 : i32 to vector<16xi32>
      %parallel_loop3A_1995 = arith.cmpi slt, %parallel_loop3A_1940, %parallel_loop3A_1994 : vector<16xi32>
      %parallel_loop3A_1996 = arith.andi %parallel_loop3A_1992, %parallel_loop3A_1995 : vector<16xi1>
      %parallel_loop3A_1997 = arith.constant 0 : i32
      %parallel_loop3A_1998 = arith.constant 0 : i32
      %parallel_loop3A_1999 = arith.constant 0 : i32
      %parallel_loop3A_2000 = tpu.memref_slice %arg5[%parallel_loop3A_1997, %parallel_loop3A_1998, %parallel_loop3A_1999] : memref<2x32x64xf32, #tpu.memory_space<vmem>> -> memref<1x32x64xf32, #tpu.memory_space<vmem>>
      %parallel_loop3A_2001 = tpu.memref_squeeze %parallel_loop3A_2000 : memref<1x32x64xf32, #tpu.memory_space<vmem>> -> memref<32x64xf32, #tpu.memory_space<vmem>>
      tpu.vector_store_idx %parallel_loop3A_2001[%parallel_loop3A_1940, %add3A_11], %parallel_loop3A_1946 masked %parallel_loop3A_1996 : memref<32x64xf32, #tpu.memory_space<vmem>>[vector<16xi32>, vector<16xi32>], vector<16xf32>, vector<16xi1>
      %parallel_loop3A_2002 = arith.extui %parallel_loop3A_1996 : vector<16xi1> to vector<16xi32>
      %parallel_loop3A_2003 = arith.addi %parallel_loop3A_1940, %parallel_loop3A_2002 : vector<16xi32>
      %parallel_loop3A_2004 = arith.constant 0 : i32
      %parallel_loop3A_2005 = arith.index_cast %parallel_loop3A_2004 : i32 to index
      %parallel_loop3A_2006 = arith.index_cast %parallel_loop3A_1937 : i32 to index
      %parallel_loop3A_2007 = arith.constant 48 : index
      %parallel_loop3A_2008 = tpu.vector_load %arg4[%parallel_loop3A_2005, %parallel_loop3A_2006, %parallel_loop3A_2007] {strides = array<i32>} : memref<2x128x64xf32, #tpu.memory_space<vmem>>, vector<16xf32>,
      %parallel_loop3A_2009 = arith.constant 0.000000e+00 : f32
      %parallel_loop3A_2010 = vector.broadcast %parallel_loop3A_2009 : f32 to vector<16xf32>
      %parallel_loop3A_2011 = arith.cmpf one, %parallel_loop3A_2008, %parallel_loop3A_2010 : vector<16xf32>
      %parallel_loop3A_2012 = arith.constant 32 : i32
      %parallel_loop3A_2013 = vector.broadcast %parallel_loop3A_2012 : i32 to vector<16xi32>
      %parallel_loop3A_2014 = arith.cmpi slt, %parallel_loop3A_1941, %parallel_loop3A_2013 : vector<16xi32>
      %parallel_loop3A_2015 = arith.andi %parallel_loop3A_2011, %parallel_loop3A_2014 : vector<16xi1>
      %parallel_loop3A_2016 = arith.constant 0 : i32
      %parallel_loop3A_2017 = arith.constant 0 : i32
      %parallel_loop3A_2018 = arith.constant 0 : i32
      %parallel_loop3A_2019 = tpu.memref_slice %arg5[%parallel_loop3A_2016, %parallel_loop3A_2017, %parallel_loop3A_2018] : memref<2x32x64xf32, #tpu.memory_space<vmem>> -> memref<1x32x64xf32, #tpu.memory_space<vmem>>
      %parallel_loop3A_2020 = tpu.memref_squeeze %parallel_loop3A_2019 : memref<1x32x64xf32, #tpu.memory_space<vmem>> -> memref<32x64xf32, #tpu.memory_space<vmem>>
      tpu.vector_store_idx %parallel_loop3A_2020[%parallel_loop3A_1941, %add3A_15], %parallel_loop3A_1946 masked %parallel_loop3A_2015 : memref<32x64xf32, #tpu.memory_space<vmem>>[vector<16xi32>, vector<16xi32>], vector<16xf32>, vector<16xi1>
      %parallel_loop3A_2021 = arith.extui %parallel_loop3A_2015 : vector<16xi1> to vector<16xi32>
      %parallel_loop3A_2022 = arith.addi %parallel_loop3A_1941, %parallel_loop3A_2021 : vector<16xi32>
      scf.yield %parallel_loop3A_1965, %parallel_loop3A_1984, %parallel_loop3A_2003, %parallel_loop3A_2022 : vector<16xi32>, vector<16xi32>, vector<16xi32>, vector<16xi32>
    } {sc.loop_unroll_factor = 8 : i64, sc.parallel_access}
    %swap3A_882 = arith.constant 0 : i32
    %swap3A_883 = arith.index_cast %swap3A_882 : i32 to index
    %swap3A_884 = arith.constant 0 : index
    %swap3A_885 = tpu.vector_load %arg6[%swap3A_883, %swap3A_884] {strides = array<i32>} : memref<4x16xi32, #tpu.memory_space<vmem>>, vector<16xi32>,
    tpu.vector_store %arg6[%swap3A_883, %swap3A_884], %parallel_loop3A_881#0 {strides = array<i32>} : memref<4x16xi32, #tpu.memory_space<vmem>>, vector<16xi32>,
    %swap3A_886 = arith.constant 1 : i32
    %swap3A_887 = arith.index_cast %swap3A_886 : i32 to index
    %swap3A_888 = arith.constant 0 : index
    %swap3A_889 = tpu.vector_load %arg6[%swap3A_887, %swap3A_888] {strides = array<i32>} : memref<4x16xi32, #tpu.memory_space<vmem>>, vector<16xi32>,
    tpu.vector_store %arg6[%swap3A_887, %swap3A_888], %parallel_loop3A_881#1 {strides = array<i32>} : memref<4x16xi32, #tpu.memory_space<vmem>>, vector<16xi32>,
    %swap3A_890 = arith.constant 2 : i32
    %swap3A_891 = arith.index_cast %swap3A_890 : i32 to index
    %swap3A_892 = arith.constant 0 : index
    %swap3A_893 = tpu.vector_load %arg6[%swap3A_891, %swap3A_892] {strides = array<i32>} : memref<4x16xi32, #tpu.memory_space<vmem>>, vector<16xi32>,
    tpu.vector_store %arg6[%swap3A_891, %swap3A_892], %parallel_loop3A_881#2 {strides = array<i32>} : memref<4x16xi32, #tpu.memory_space<vmem>>, vector<16xi32>,
    %swap3A_894 = arith.constant 3 : i32
    %swap3A_895 = arith.index_cast %swap3A_894 : i32 to index
    %swap3A_896 = arith.constant 0 : index
    %swap3A_897 = tpu.vector_load %arg6[%swap3A_895, %swap3A_896] {strides = array<i32>} : memref<4x16xi32, #tpu.memory_space<vmem>>, vector<16xi32>,
    tpu.vector_store %arg6[%swap3A_895, %swap3A_896], %parallel_loop3A_881#3 {strides = array<i32>} : memref<4x16xi32, #tpu.memory_space<vmem>>, vector<16xi32>,
    %min3A = arith.minsi %parallel_loop3A_881#0, %parallel_loop3A_881#1 : vector<16xi32>
    %min3A_898 = arith.minsi %min3A, %parallel_loop3A_881#2 : vector<16xi32>
    %min3A_899 = arith.minsi %min3A_898, %parallel_loop3A_881#3 : vector<16xi32>
    %slice3A = vector.extract_strided_slice %min3A_899 {offsets = [0], sizes = [1], strides = [1]} : vector<16xi32> to vector<1xi32>
    %squeeze3A = vector.extract %slice3A[0] : i32 from vector<1xi32>
    %slice3A_900 = vector.extract_strided_slice %min3A_899 {offsets = [1], sizes = [1], strides = [1]} : vector<16xi32> to vector<1xi32>
    %squeeze3A_901 = vector.extract %slice3A_900[0] : i32 from vector<1xi32>
    %min3A_902 = arith.minsi %squeeze3A, %squeeze3A_901 : i32
    %slice3A_903 = vector.extract_strided_slice %min3A_899 {offsets = [2], sizes = [1], strides = [1]} : vector<16xi32> to vector<1xi32>
    %squeeze3A_904 = vector.extract %slice3A_903[0] : i32 from vector<1xi32>
    %min3A_905 = arith.minsi %min3A_902, %squeeze3A_904 : i32
    %slice3A_906 = vector.extract_strided_slice %min3A_899 {offsets = [3], sizes = [1], strides = [1]} : vector<16xi32> to vector<1xi32>
    %squeeze3A_907 = vector.extract %slice3A_906[0] : i32 from vector<1xi32>
    %min3A_908 = arith.minsi %min3A_905, %squeeze3A_907 : i32
    %slice3A_909 = vector.extract_strided_slice %min3A_899 {offsets = [4], sizes = [1], strides = [1]} : vector<16xi32> to vector<1xi32>
    %squeeze3A_910 = vector.extract %slice3A_909[0] : i32 from vector<1xi32>
    %min3A_911 = arith.minsi %min3A_908, %squeeze3A_910 : i32
    %slice3A_912 = vector.extract_strided_slice %min3A_899 {offsets = [5], sizes = [1], strides = [1]} : vector<16xi32> to vector<1xi32>
    %squeeze3A_913 = vector.extract %slice3A_912[0] : i32 from vector<1xi32>
    %min3A_914 = arith.minsi %min3A_911, %squeeze3A_913 : i32
    %slice3A_915 = vector.extract_strided_slice %min3A_899 {offsets = [6], sizes = [1], strides = [1]} : vector<16xi32> to vector<1xi32>
    %squeeze3A_916 = vector.extract %slice3A_915[0] : i32 from vector<1xi32>
    %min3A_917 = arith.minsi %min3A_914, %squeeze3A_916 : i32
    %slice3A_918 = vector.extract_strided_slice %min3A_899 {offsets = [7], sizes = [1], strides = [1]} : vector<16xi32> to vector<1xi32>
    %squeeze3A_919 = vector.extract %slice3A_918[0] : i32 from vector<1xi32>
    %min3A_920 = arith.minsi %min3A_917, %squeeze3A_919 : i32
    %slice3A_921 = vector.extract_strided_slice %min3A_899 {offsets = [8], sizes = [1], strides = [1]} : vector<16xi32> to vector<1xi32>
    %squeeze3A_922 = vector.extract %slice3A_921[0] : i32 from vector<1xi32>
    %min3A_923 = arith.minsi %min3A_920, %squeeze3A_922 : i32
    %slice3A_924 = vector.extract_strided_slice %min3A_899 {offsets = [9], sizes = [1], strides = [1]} : vector<16xi32> to vector<1xi32>
    %squeeze3A_925 = vector.extract %slice3A_924[0] : i32 from vector<1xi32>
    %min3A_926 = arith.minsi %min3A_923, %squeeze3A_925 : i32
    %slice3A_927 = vector.extract_strided_slice %min3A_899 {offsets = [10], sizes = [1], strides = [1]} : vector<16xi32> to vector<1xi32>
    %squeeze3A_928 = vector.extract %slice3A_927[0] : i32 from vector<1xi32>
    %min3A_929 = arith.minsi %min3A_926, %squeeze3A_928 : i32
    %slice3A_930 = vector.extract_strided_slice %min3A_899 {offsets = [11], sizes = [1], strides = [1]} : vector<16xi32> to vector<1xi32>
    %squeeze3A_931 = vector.extract %slice3A_930[0] : i32 from vector<1xi32>
    %min3A_932 = arith.minsi %min3A_929, %squeeze3A_931 : i32
    %slice3A_933 = vector.extract_strided_slice %min3A_899 {offsets = [12], sizes = [1], strides = [1]} : vector<16xi32> to vector<1xi32>
    %squeeze3A_934 = vector.extract %slice3A_933[0] : i32 from vector<1xi32>
    %min3A_935 = arith.minsi %min3A_932, %squeeze3A_934 : i32
    %slice3A_936 = vector.extract_strided_slice %min3A_899 {offsets = [13], sizes = [1], strides = [1]} : vector<16xi32> to vector<1xi32>
    %squeeze3A_937 = vector.extract %slice3A_936[0] : i32 from vector<1xi32>
    %min3A_938 = arith.minsi %min3A_935, %squeeze3A_937 : i32
    %slice3A_939 = vector.extract_strided_slice %min3A_899 {offsets = [14], sizes = [1], strides = [1]} : vector<16xi32> to vector<1xi32>
    %squeeze3A_940 = vector.extract %slice3A_939[0] : i32 from vector<1xi32>
    %min3A_941 = arith.minsi %min3A_938, %squeeze3A_940 : i32
    %slice3A_942 = vector.extract_strided_slice %min3A_899 {offsets = [15], sizes = [1], strides = [1]} : vector<16xi32> to vector<1xi32>
    %squeeze3A_943 = vector.extract %slice3A_942[0] : i32 from vector<1xi32>
    %min3A_944 = arith.minsi %min3A_941, %squeeze3A_943 : i32
    %ge3A = arith.constant 32 : i32
    %ge3A_945 = arith.cmpi sge, %min3A_944, %ge3A : i32
    %convert_element_type3A = arith.extui %ge3A_945 : i1 to i32
    %swap3A_946 = arith.constant 0 : i32
    %swap3A_947 = arith.index_cast %swap3A_946 : i32 to index
    %swap3A_948 = memref.load %arg7[%swap3A_947] : memref<1xi32, #tpu.memory_space<smem>>
    memref.store %convert_element_type3A, %arg7[%swap3A_947] : memref<1xi32, #tpu.memory_space<smem>>
    %get3A_949 = arith.constant 0 : i32
    %get3A_950 = arith.index_cast %get3A_949 : i32 to index
    %get3A_951 = memref.load %arg7[%get3A_950] : memref<1xi32, #tpu.memory_space<smem>>
    %eq3A = arith.constant 0 : i32
    %eq3A_952 = arith.cmpi eq, %get3A_951, %eq3A : i32
    %convert_element_type3A_953 = arith.extui %eq3A_952 : i1 to i32
    %cond3A = arith.constant 0 : i32
    %cond3A_954 = arith.cmpi ne, %convert_element_type3A_953, %cond3A : i32
    scf.if %cond3A_954 {
      %scan3A = arith.constant 0 : i32
      %scan3A_1937 = arith.constant 1 : i32
      %scan3A_1938 = arith.constant 31 : i32
      %scan3A_1939 = arith.addi %scan3A_1937, %scan3A_1938 : i32
      %scan3A_1940 = arith.constant 1 : i32
      %scan3A_1941 = scf.for %scan3A_1943 = %scan3A_1937 to %scan3A_1939 step %scan3A_1940 iter_args(%scan3A_1944 = %scan3A) -> (i32)  : i32 {
        %get3A_1945 = arith.constant 0 : i32
        %get3A_1946 = arith.index_cast %get3A_1945 : i32 to index
        %get3A_1947 = memref.load %arg7[%get3A_1946] : memref<1xi32, #tpu.memory_space<smem>>
        %eq3A_1948 = arith.constant 0 : i32
        %eq3A_1949 = arith.cmpi eq, %get3A_1947, %eq3A_1948 : i32
        %convert_element_type3A_1950 = arith.extui %eq3A_1949 : i1 to i32
        %cond3A_1951 = arith.constant 0 : i32
        %cond3A_1952 = arith.cmpi ne, %convert_element_type3A_1950, %cond3A_1951 : i32
        scf.if %cond3A_1952 {
          %mul3A_1954 = arith.constant 128 : i32
          %mul3A_1955 = arith.muli %scan3A_1943, %mul3A_1954 : i32
          %multiple_of3A = tpu.assume_multiple %mul3A_1955, 128 : i32
          %run_scoped3A = arith.constant 0 : i32
          "tpu.region"() ({
            %run_scoped3A_2048 = tpu.sem_alloc : memref<!tpu.dma_semaphore, #tpu.memory_space<semaphore_mem>>
            %dma_start3A_2049 = arith.constant 0 : i32
            %dma_start3A_2050 = arith.constant 0 : i32
            %dma_start3A_2051 = tpu.memref_slice %arg4[%run_scoped3A, %dma_start3A_2049, %dma_start3A_2050] : memref<2x128x64xf32, #tpu.memory_space<vmem>> -> memref<1x128x64xf32, #tpu.memory_space<vmem>>
            %dma_start3A_2052 = tpu.memref_squeeze %dma_start3A_2051 : memref<1x128x64xf32, #tpu.memory_space<vmem>> -> memref<128x64xf32, #tpu.memory_space<vmem>>
            %dma_start3A_2053 = arith.constant 0 : i32
            %dma_start3A_2054 = tpu.memref_slice %arg2[%add3A_63, %multiple_of3A, %dma_start3A_2053] : memref<64x4096x64xf32, #tpu.memory_space<hbm>> -> memref<1x128x64xf32, #tpu.memory_space<hbm>>
            %dma_start3A_2055 = tpu.memref_squeeze %dma_start3A_2054 : memref<1x128x64xf32, #tpu.memory_space<hbm>> -> memref<128x64xf32, #tpu.memory_space<hbm>>
            %dma_start3A_2056 = arith.constant 0 : i32
            %dma_start3A_2057 = arith.constant 0 : i32
            %dma_start3A_2058 = tpu.memref_slice %arg4[%run_scoped3A, %dma_start3A_2056, %dma_start3A_2057] : memref<2x128x64xf32, #tpu.memory_space<vmem>> -> memref<1x128x64xf32, #tpu.memory_space<vmem>>
            %dma_start3A_2059 = tpu.memref_squeeze %dma_start3A_2058 : memref<1x128x64xf32, #tpu.memory_space<vmem>> -> memref<128x64xf32, #tpu.memory_space<vmem>>
            %dma_start3A_2060 = arith.constant 0 : i32
            %dma_start3A_2061 = tpu.memref_slice %arg2[%add3A_63, %multiple_of3A, %dma_start3A_2060] : memref<64x4096x64xf32, #tpu.memory_space<hbm>> -> memref<1x128x64xf32, #tpu.memory_space<hbm>>
            %dma_start3A_2062 = tpu.memref_squeeze %dma_start3A_2061 : memref<1x128x64xf32, #tpu.memory_space<hbm>> -> memref<128x64xf32, #tpu.memory_space<hbm>>
            tpu.enqueue_dma source(%dma_start3A_2062 : memref<128x64xf32, #tpu.memory_space<hbm>>) target(%dma_start3A_2059 : memref<128x64xf32, #tpu.memory_space<vmem>>) target_semaphore(%run_scoped3A_2048 : memref<!tpu.dma_semaphore, #tpu.memory_space<semaphore_mem>>)
            %dma_wait3A_2063 = arith.constant 0 : i32
            %dma_wait3A_2064 = arith.constant 0 : i32
            %dma_wait3A_2065 = tpu.memref_slice %arg4[%run_scoped3A, %dma_wait3A_2063, %dma_wait3A_2064] : memref<2x128x64xf32, #tpu.memory_space<vmem>> -> memref<1x128x64xf32, #tpu.memory_space<vmem>>
            %dma_wait3A_2066 = tpu.memref_squeeze %dma_wait3A_2065 : memref<1x128x64xf32, #tpu.memory_space<vmem>> -> memref<128x64xf32, #tpu.memory_space<vmem>>
            %dma_wait3A_2067 = arith.constant 0 : i32
            %dma_wait3A_2068 = tpu.memref_slice %arg2[%add3A_63, %multiple_of3A, %dma_wait3A_2067] : memref<64x4096x64xf32, #tpu.memory_space<hbm>> -> memref<1x128x64xf32, #tpu.memory_space<hbm>>
            %dma_wait3A_2069 = tpu.memref_squeeze %dma_wait3A_2068 : memref<1x128x64xf32, #tpu.memory_space<hbm>> -> memref<128x64xf32, #tpu.memory_space<hbm>>
            %dma_wait3A_2070 = arith.constant 0 : i32
            %dma_wait3A_2071 = arith.constant 0 : i32
            %dma_wait3A_2072 = tpu.memref_slice %arg4[%run_scoped3A, %dma_wait3A_2070, %dma_wait3A_2071] : memref<2x128x64xf32, #tpu.memory_space<vmem>> -> memref<1x128x64xf32, #tpu.memory_space<vmem>>
            %dma_wait3A_2073 = tpu.memref_squeeze %dma_wait3A_2072 : memref<1x128x64xf32, #tpu.memory_space<vmem>> -> memref<128x64xf32, #tpu.memory_space<vmem>>
            %dma_wait3A_2074 = arith.constant 0 : i32
            %dma_wait3A_2075 = tpu.memref_slice %arg2[%add3A_63, %multiple_of3A, %dma_wait3A_2074] : memref<64x4096x64xf32, #tpu.memory_space<hbm>> -> memref<1x128x64xf32, #tpu.memory_space<hbm>>
            %dma_wait3A_2076 = tpu.memref_squeeze %dma_wait3A_2075 : memref<1x128x64xf32, #tpu.memory_space<hbm>> -> memref<128x64xf32, #tpu.memory_space<hbm>>
            tpu.wait_dma2 semaphore(%run_scoped3A_2048 : memref<!tpu.dma_semaphore, #tpu.memory_space<semaphore_mem>>) src(%dma_wait3A_2076 : memref<128x64xf32, #tpu.memory_space<hbm>>) dst(%dma_wait3A_2073 : memref<128x64xf32, #tpu.memory_space<vmem>>)
            tpu.yield
          }) : () -> ()
          %get3A_1956 = arith.constant 0 : i32
          %get3A_1957 = arith.index_cast %get3A_1956 : i32 to index
          %get3A_1958 = arith.constant 0 : index
          %get3A_1959 = tpu.vector_load %arg6[%get3A_1957, %get3A_1958] {strides = array<i32>} : memref<4x16xi32, #tpu.memory_space<vmem>>, vector<16xi32>,
          %get3A_1960 = arith.constant 1 : i32
          %get3A_1961 = arith.index_cast %get3A_1960 : i32 to index
          %get3A_1962 = arith.constant 0 : index
          %get3A_1963 = tpu.vector_load %arg6[%get3A_1961, %get3A_1962] {strides = array<i32>} : memref<4x16xi32, #tpu.memory_space<vmem>>, vector<16xi32>,
          %get3A_1964 = arith.constant 2 : i32
          %get3A_1965 = arith.index_cast %get3A_1964 : i32 to index
          %get3A_1966 = arith.constant 0 : index
          %get3A_1967 = tpu.vector_load %arg6[%get3A_1965, %get3A_1966] {strides = array<i32>} : memref<4x16xi32, #tpu.memory_space<vmem>>, vector<16xi32>,
          %get3A_1968 = arith.constant 3 : i32
          %get3A_1969 = arith.index_cast %get3A_1968 : i32 to index
          %get3A_1970 = arith.constant 0 : index
          %get3A_1971 = tpu.vector_load %arg6[%get3A_1969, %get3A_1970] {strides = array<i32>} : memref<4x16xi32, #tpu.memory_space<vmem>>, vector<16xi32>,
          %parallel_loop3A_1972 = arith.constant 0 : i32
          %parallel_loop3A_1973 = arith.constant 128 : i32
          %parallel_loop3A_1974 = arith.constant 1 : i32
          %parallel_loop3A_1975:4 = scf.for %parallel_loop3A_2048 = %parallel_loop3A_1972 to %parallel_loop3A_1973 step %parallel_loop3A_1974 iter_args(%parallel_loop3A_2049 = %get3A_1959, %parallel_loop3A_2050 = %get3A_1963, %parallel_loop3A_2051 = %get3A_1967, %parallel_loop3A_2052 = %get3A_1971) -> (vector<16xi32>, vector<16xi32>, vector<16xi32>, vector<16xi32>)  : i32 {
            %parallel_loop3A_2053 = arith.addi %multiple_of3A, %parallel_loop3A_2048 : i32
            %parallel_loop3A_2054 = arith.sitofp %parallel_loop3A_2053 : i32 to f32
            %parallel_loop3A_2055 = arith.constant 1.000000e-03 : f32
            %parallel_loop3A_2056 = arith.mulf %parallel_loop3A_2054, %parallel_loop3A_2055 : f32
            %parallel_loop3A_2057 = vector.broadcast %parallel_loop3A_2056 : f32 to vector<16xf32>
            %parallel_loop3A_2058 = arith.constant 0 : i32
            %parallel_loop3A_2059 = arith.index_cast %parallel_loop3A_2058 : i32 to index
            %parallel_loop3A_2060 = arith.index_cast %parallel_loop3A_2048 : i32 to index
            %parallel_loop3A_2061 = arith.constant 0 : index
            %parallel_loop3A_2062 = tpu.vector_load %arg4[%parallel_loop3A_2059, %parallel_loop3A_2060, %parallel_loop3A_2061] {strides = array<i32>} : memref<2x128x64xf32, #tpu.memory_space<vmem>>, vector<16xf32>,
            %parallel_loop3A_2063 = arith.constant 0.000000e+00 : f32
            %parallel_loop3A_2064 = vector.broadcast %parallel_loop3A_2063 : f32 to vector<16xf32>
            %parallel_loop3A_2065 = arith.cmpf one, %parallel_loop3A_2062, %parallel_loop3A_2064 : vector<16xf32>
            %parallel_loop3A_2066 = arith.constant 32 : i32
            %parallel_loop3A_2067 = vector.broadcast %parallel_loop3A_2066 : i32 to vector<16xi32>
            %parallel_loop3A_2068 = arith.cmpi slt, %parallel_loop3A_2049, %parallel_loop3A_2067 : vector<16xi32>
            %parallel_loop3A_2069 = arith.andi %parallel_loop3A_2065, %parallel_loop3A_2068 : vector<16xi1>
            %parallel_loop3A_2070 = arith.constant 0 : i32
            %parallel_loop3A_2071 = arith.constant 0 : i32
            %parallel_loop3A_2072 = arith.constant 0 : i32
            %parallel_loop3A_2073 = tpu.memref_slice %arg5[%parallel_loop3A_2070, %parallel_loop3A_2071, %parallel_loop3A_2072] : memref<2x32x64xf32, #tpu.memory_space<vmem>> -> memref<1x32x64xf32, #tpu.memory_space<vmem>>
            %parallel_loop3A_2074 = tpu.memref_squeeze %parallel_loop3A_2073 : memref<1x32x64xf32, #tpu.memory_space<vmem>> -> memref<32x64xf32, #tpu.memory_space<vmem>>
            tpu.vector_store_idx %parallel_loop3A_2074[%parallel_loop3A_2049, %add3A_3], %parallel_loop3A_2057 masked %parallel_loop3A_2069 : memref<32x64xf32, #tpu.memory_space<vmem>>[vector<16xi32>, vector<16xi32>], vector<16xf32>, vector<16xi1>
            %parallel_loop3A_2075 = arith.extui %parallel_loop3A_2069 : vector<16xi1> to vector<16xi32>
            %parallel_loop3A_2076 = arith.addi %parallel_loop3A_2049, %parallel_loop3A_2075 : vector<16xi32>
            %parallel_loop3A_2077 = arith.constant 0 : i32
            %parallel_loop3A_2078 = arith.index_cast %parallel_loop3A_2077 : i32 to index
            %parallel_loop3A_2079 = arith.index_cast %parallel_loop3A_2048 : i32 to index
            %parallel_loop3A_2080 = arith.constant 16 : index
            %parallel_loop3A_2081 = tpu.vector_load %arg4[%parallel_loop3A_2078, %parallel_loop3A_2079, %parallel_loop3A_2080] {strides = array<i32>} : memref<2x128x64xf32, #tpu.memory_space<vmem>>, vector<16xf32>,
            %parallel_loop3A_2082 = arith.constant 0.000000e+00 : f32
            %parallel_loop3A_2083 = vector.broadcast %parallel_loop3A_2082 : f32 to vector<16xf32>
            %parallel_loop3A_2084 = arith.cmpf one, %parallel_loop3A_2081, %parallel_loop3A_2083 : vector<16xf32>
            %parallel_loop3A_2085 = arith.constant 32 : i32
            %parallel_loop3A_2086 = vector.broadcast %parallel_loop3A_2085 : i32 to vector<16xi32>
            %parallel_loop3A_2087 = arith.cmpi slt, %parallel_loop3A_2050, %parallel_loop3A_2086 : vector<16xi32>
            %parallel_loop3A_2088 = arith.andi %parallel_loop3A_2084, %parallel_loop3A_2087 : vector<16xi1>
            %parallel_loop3A_2089 = arith.constant 0 : i32
            %parallel_loop3A_2090 = arith.constant 0 : i32
            %parallel_loop3A_2091 = arith.constant 0 : i32
            %parallel_loop3A_2092 = tpu.memref_slice %arg5[%parallel_loop3A_2089, %parallel_loop3A_2090, %parallel_loop3A_2091] : memref<2x32x64xf32, #tpu.memory_space<vmem>> -> memref<1x32x64xf32, #tpu.memory_space<vmem>>
            %parallel_loop3A_2093 = tpu.memref_squeeze %parallel_loop3A_2092 : memref<1x32x64xf32, #tpu.memory_space<vmem>> -> memref<32x64xf32, #tpu.memory_space<vmem>>
            tpu.vector_store_idx %parallel_loop3A_2093[%parallel_loop3A_2050, %add3A_7], %parallel_loop3A_2057 masked %parallel_loop3A_2088 : memref<32x64xf32, #tpu.memory_space<vmem>>[vector<16xi32>, vector<16xi32>], vector<16xf32>, vector<16xi1>
            %parallel_loop3A_2094 = arith.extui %parallel_loop3A_2088 : vector<16xi1> to vector<16xi32>
            %parallel_loop3A_2095 = arith.addi %parallel_loop3A_2050, %parallel_loop3A_2094 : vector<16xi32>
            %parallel_loop3A_2096 = arith.constant 0 : i32
            %parallel_loop3A_2097 = arith.index_cast %parallel_loop3A_2096 : i32 to index
            %parallel_loop3A_2098 = arith.index_cast %parallel_loop3A_2048 : i32 to index
            %parallel_loop3A_2099 = arith.constant 32 : index
            %parallel_loop3A_2100 = tpu.vector_load %arg4[%parallel_loop3A_2097, %parallel_loop3A_2098, %parallel_loop3A_2099] {strides = array<i32>} : memref<2x128x64xf32, #tpu.memory_space<vmem>>, vector<16xf32>,
            %parallel_loop3A_2101 = arith.constant 0.000000e+00 : f32
            %parallel_loop3A_2102 = vector.broadcast %parallel_loop3A_2101 : f32 to vector<16xf32>
            %parallel_loop3A_2103 = arith.cmpf one, %parallel_loop3A_2100, %parallel_loop3A_2102 : vector<16xf32>
            %parallel_loop3A_2104 = arith.constant 32 : i32
            %parallel_loop3A_2105 = vector.broadcast %parallel_loop3A_2104 : i32 to vector<16xi32>
            %parallel_loop3A_2106 = arith.cmpi slt, %parallel_loop3A_2051, %parallel_loop3A_2105 : vector<16xi32>
            %parallel_loop3A_2107 = arith.andi %parallel_loop3A_2103, %parallel_loop3A_2106 : vector<16xi1>
            %parallel_loop3A_2108 = arith.constant 0 : i32
            %parallel_loop3A_2109 = arith.constant 0 : i32
            %parallel_loop3A_2110 = arith.constant 0 : i32
            %parallel_loop3A_2111 = tpu.memref_slice %arg5[%parallel_loop3A_2108, %parallel_loop3A_2109, %parallel_loop3A_2110] : memref<2x32x64xf32, #tpu.memory_space<vmem>> -> memref<1x32x64xf32, #tpu.memory_space<vmem>>
            %parallel_loop3A_2112 = tpu.memref_squeeze %parallel_loop3A_2111 : memref<1x32x64xf32, #tpu.memory_space<vmem>> -> memref<32x64xf32, #tpu.memory_space<vmem>>
            tpu.vector_store_idx %parallel_loop3A_2112[%parallel_loop3A_2051, %add3A_11], %parallel_loop3A_2057 masked %parallel_loop3A_2107 : memref<32x64xf32, #tpu.memory_space<vmem>>[vector<16xi32>, vector<16xi32>], vector<16xf32>, vector<16xi1>
            %parallel_loop3A_2113 = arith.extui %parallel_loop3A_2107 : vector<16xi1> to vector<16xi32>
            %parallel_loop3A_2114 = arith.addi %parallel_loop3A_2051, %parallel_loop3A_2113 : vector<16xi32>
            %parallel_loop3A_2115 = arith.constant 0 : i32
            %parallel_loop3A_2116 = arith.index_cast %parallel_loop3A_2115 : i32 to index
            %parallel_loop3A_2117 = arith.index_cast %parallel_loop3A_2048 : i32 to index
            %parallel_loop3A_2118 = arith.constant 48 : index
            %parallel_loop3A_2119 = tpu.vector_load %arg4[%parallel_loop3A_2116, %parallel_loop3A_2117, %parallel_loop3A_2118] {strides = array<i32>} : memref<2x128x64xf32, #tpu.memory_space<vmem>>, vector<16xf32>,
            %parallel_loop3A_2120 = arith.constant 0.000000e+00 : f32
            %parallel_loop3A_2121 = vector.broadcast %parallel_loop3A_2120 : f32 to vector<16xf32>
            %parallel_loop3A_2122 = arith.cmpf one, %parallel_loop3A_2119, %parallel_loop3A_2121 : vector<16xf32>
            %parallel_loop3A_2123 = arith.constant 32 : i32
            %parallel_loop3A_2124 = vector.broadcast %parallel_loop3A_2123 : i32 to vector<16xi32>
            %parallel_loop3A_2125 = arith.cmpi slt, %parallel_loop3A_2052, %parallel_loop3A_2124 : vector<16xi32>
            %parallel_loop3A_2126 = arith.andi %parallel_loop3A_2122, %parallel_loop3A_2125 : vector<16xi1>
            %parallel_loop3A_2127 = arith.constant 0 : i32
            %parallel_loop3A_2128 = arith.constant 0 : i32
            %parallel_loop3A_2129 = arith.constant 0 : i32
            %parallel_loop3A_2130 = tpu.memref_slice %arg5[%parallel_loop3A_2127, %parallel_loop3A_2128, %parallel_loop3A_2129] : memref<2x32x64xf32, #tpu.memory_space<vmem>> -> memref<1x32x64xf32, #tpu.memory_space<vmem>>
            %parallel_loop3A_2131 = tpu.memref_squeeze %parallel_loop3A_2130 : memref<1x32x64xf32, #tpu.memory_space<vmem>> -> memref<32x64xf32, #tpu.memory_space<vmem>>
            tpu.vector_store_idx %parallel_loop3A_2131[%parallel_loop3A_2052, %add3A_15], %parallel_loop3A_2057 masked %parallel_loop3A_2126 : memref<32x64xf32, #tpu.memory_space<vmem>>[vector<16xi32>, vector<16xi32>], vector<16xf32>, vector<16xi1>
            %parallel_loop3A_2132 = arith.extui %parallel_loop3A_2126 : vector<16xi1> to vector<16xi32>
            %parallel_loop3A_2133 = arith.addi %parallel_loop3A_2052, %parallel_loop3A_2132 : vector<16xi32>
            scf.yield %parallel_loop3A_2076, %parallel_loop3A_2095, %parallel_loop3A_2114, %parallel_loop3A_2133 : vector<16xi32>, vector<16xi32>, vector<16xi32>, vector<16xi32>
          } {sc.loop_unroll_factor = 8 : i64, sc.parallel_access}
          %swap3A_1976 = arith.constant 0 : i32
          %swap3A_1977 = arith.index_cast %swap3A_1976 : i32 to index
          %swap3A_1978 = arith.constant 0 : index
          %swap3A_1979 = tpu.vector_load %arg6[%swap3A_1977, %swap3A_1978] {strides = array<i32>} : memref<4x16xi32, #tpu.memory_space<vmem>>, vector<16xi32>,
          tpu.vector_store %arg6[%swap3A_1977, %swap3A_1978], %parallel_loop3A_1975#0 {strides = array<i32>} : memref<4x16xi32, #tpu.memory_space<vmem>>, vector<16xi32>,
          %swap3A_1980 = arith.constant 1 : i32
          %swap3A_1981 = arith.index_cast %swap3A_1980 : i32 to index
          %swap3A_1982 = arith.constant 0 : index
          %swap3A_1983 = tpu.vector_load %arg6[%swap3A_1981, %swap3A_1982] {strides = array<i32>} : memref<4x16xi32, #tpu.memory_space<vmem>>, vector<16xi32>,
          tpu.vector_store %arg6[%swap3A_1981, %swap3A_1982], %parallel_loop3A_1975#1 {strides = array<i32>} : memref<4x16xi32, #tpu.memory_space<vmem>>, vector<16xi32>,
          %swap3A_1984 = arith.constant 2 : i32
          %swap3A_1985 = arith.index_cast %swap3A_1984 : i32 to index
          %swap3A_1986 = arith.constant 0 : index
          %swap3A_1987 = tpu.vector_load %arg6[%swap3A_1985, %swap3A_1986] {strides = array<i32>} : memref<4x16xi32, #tpu.memory_space<vmem>>, vector<16xi32>,
          tpu.vector_store %arg6[%swap3A_1985, %swap3A_1986], %parallel_loop3A_1975#2 {strides = array<i32>} : memref<4x16xi32, #tpu.memory_space<vmem>>, vector<16xi32>,
          %swap3A_1988 = arith.constant 3 : i32
          %swap3A_1989 = arith.index_cast %swap3A_1988 : i32 to index
          %swap3A_1990 = arith.constant 0 : index
          %swap3A_1991 = tpu.vector_load %arg6[%swap3A_1989, %swap3A_1990] {strides = array<i32>} : memref<4x16xi32, #tpu.memory_space<vmem>>, vector<16xi32>,
          tpu.vector_store %arg6[%swap3A_1989, %swap3A_1990], %parallel_loop3A_1975#3 {strides = array<i32>} : memref<4x16xi32, #tpu.memory_space<vmem>>, vector<16xi32>,
          %min3A_1992 = arith.minsi %parallel_loop3A_1975#0, %parallel_loop3A_1975#1 : vector<16xi32>
          %min3A_1993 = arith.minsi %min3A_1992, %parallel_loop3A_1975#2 : vector<16xi32>
          %min3A_1994 = arith.minsi %min3A_1993, %parallel_loop3A_1975#3 : vector<16xi32>
          %slice3A_1995 = vector.extract_strided_slice %min3A_1994 {offsets = [0], sizes = [1], strides = [1]} : vector<16xi32> to vector<1xi32>
          %squeeze3A_1996 = vector.extract %slice3A_1995[0] : i32 from vector<1xi32>
          %slice3A_1997 = vector.extract_strided_slice %min3A_1994 {offsets = [1], sizes = [1], strides = [1]} : vector<16xi32> to vector<1xi32>
          %squeeze3A_1998 = vector.extract %slice3A_1997[0] : i32 from vector<1xi32>
          %min3A_1999 = arith.minsi %squeeze3A_1996, %squeeze3A_1998 : i32
          %slice3A_2000 = vector.extract_strided_slice %min3A_1994 {offsets = [2], sizes = [1], strides = [1]} : vector<16xi32> to vector<1xi32>
          %squeeze3A_2001 = vector.extract %slice3A_2000[0] : i32 from vector<1xi32>
          %min3A_2002 = arith.minsi %min3A_1999, %squeeze3A_2001 : i32
          %slice3A_2003 = vector.extract_strided_slice %min3A_1994 {offsets = [3], sizes = [1], strides = [1]} : vector<16xi32> to vector<1xi32>
          %squeeze3A_2004 = vector.extract %slice3A_2003[0] : i32 from vector<1xi32>
          %min3A_2005 = arith.minsi %min3A_2002, %squeeze3A_2004 : i32
          %slice3A_2006 = vector.extract_strided_slice %min3A_1994 {offsets = [4], sizes = [1], strides = [1]} : vector<16xi32> to vector<1xi32>
          %squeeze3A_2007 = vector.extract %slice3A_2006[0] : i32 from vector<1xi32>
          %min3A_2008 = arith.minsi %min3A_2005, %squeeze3A_2007 : i32
          %slice3A_2009 = vector.extract_strided_slice %min3A_1994 {offsets = [5], sizes = [1], strides = [1]} : vector<16xi32> to vector<1xi32>
          %squeeze3A_2010 = vector.extract %slice3A_2009[0] : i32 from vector<1xi32>
          %min3A_2011 = arith.minsi %min3A_2008, %squeeze3A_2010 : i32
          %slice3A_2012 = vector.extract_strided_slice %min3A_1994 {offsets = [6], sizes = [1], strides = [1]} : vector<16xi32> to vector<1xi32>
          %squeeze3A_2013 = vector.extract %slice3A_2012[0] : i32 from vector<1xi32>
          %min3A_2014 = arith.minsi %min3A_2011, %squeeze3A_2013 : i32
          %slice3A_2015 = vector.extract_strided_slice %min3A_1994 {offsets = [7], sizes = [1], strides = [1]} : vector<16xi32> to vector<1xi32>
          %squeeze3A_2016 = vector.extract %slice3A_2015[0] : i32 from vector<1xi32>
          %min3A_2017 = arith.minsi %min3A_2014, %squeeze3A_2016 : i32
          %slice3A_2018 = vector.extract_strided_slice %min3A_1994 {offsets = [8], sizes = [1], strides = [1]} : vector<16xi32> to vector<1xi32>
          %squeeze3A_2019 = vector.extract %slice3A_2018[0] : i32 from vector<1xi32>
          %min3A_2020 = arith.minsi %min3A_2017, %squeeze3A_2019 : i32
          %slice3A_2021 = vector.extract_strided_slice %min3A_1994 {offsets = [9], sizes = [1], strides = [1]} : vector<16xi32> to vector<1xi32>
          %squeeze3A_2022 = vector.extract %slice3A_2021[0] : i32 from vector<1xi32>
          %min3A_2023 = arith.minsi %min3A_2020, %squeeze3A_2022 : i32
          %slice3A_2024 = vector.extract_strided_slice %min3A_1994 {offsets = [10], sizes = [1], strides = [1]} : vector<16xi32> to vector<1xi32>
          %squeeze3A_2025 = vector.extract %slice3A_2024[0] : i32 from vector<1xi32>
          %min3A_2026 = arith.minsi %min3A_2023, %squeeze3A_2025 : i32
          %slice3A_2027 = vector.extract_strided_slice %min3A_1994 {offsets = [11], sizes = [1], strides = [1]} : vector<16xi32> to vector<1xi32>
          %squeeze3A_2028 = vector.extract %slice3A_2027[0] : i32 from vector<1xi32>
          %min3A_2029 = arith.minsi %min3A_2026, %squeeze3A_2028 : i32
          %slice3A_2030 = vector.extract_strided_slice %min3A_1994 {offsets = [12], sizes = [1], strides = [1]} : vector<16xi32> to vector<1xi32>
          %squeeze3A_2031 = vector.extract %slice3A_2030[0] : i32 from vector<1xi32>
          %min3A_2032 = arith.minsi %min3A_2029, %squeeze3A_2031 : i32
          %slice3A_2033 = vector.extract_strided_slice %min3A_1994 {offsets = [13], sizes = [1], strides = [1]} : vector<16xi32> to vector<1xi32>
          %squeeze3A_2034 = vector.extract %slice3A_2033[0] : i32 from vector<1xi32>
          %min3A_2035 = arith.minsi %min3A_2032, %squeeze3A_2034 : i32
          %slice3A_2036 = vector.extract_strided_slice %min3A_1994 {offsets = [14], sizes = [1], strides = [1]} : vector<16xi32> to vector<1xi32>
          %squeeze3A_2037 = vector.extract %slice3A_2036[0] : i32 from vector<1xi32>
          %min3A_2038 = arith.minsi %min3A_2035, %squeeze3A_2037 : i32
          %slice3A_2039 = vector.extract_strided_slice %min3A_1994 {offsets = [15], sizes = [1], strides = [1]} : vector<16xi32> to vector<1xi32>
          %squeeze3A_2040 = vector.extract %slice3A_2039[0] : i32 from vector<1xi32>
          %min3A_2041 = arith.minsi %min3A_2038, %squeeze3A_2040 : i32
          %ge3A_2042 = arith.constant 32 : i32
          %ge3A_2043 = arith.cmpi sge, %min3A_2041, %ge3A_2042 : i32
          %convert_element_type3A_2044 = arith.extui %ge3A_2043 : i1 to i32
          %swap3A_2045 = arith.constant 0 : i32
          %swap3A_2046 = arith.index_cast %swap3A_2045 : i32 to index
          %swap3A_2047 = memref.load %arg7[%swap3A_2046] : memref<1xi32, #tpu.memory_space<smem>>
          memref.store %convert_element_type3A_2044, %arg7[%swap3A_2046] : memref<1xi32, #tpu.memory_space<smem>>
        } else {
        }
        %scan3A_1953 = arith.constant 0 : i32
        scf.yield %scan3A_1953 : i32
      }
      %scan3A_1942 = arith.constant 31 : i32
    } else {
    }
    %dma_start3A_955 = arith.constant 0 : i32
    %dma_start3A_956 = arith.constant 0 : i32
    %dma_start3A_957 = arith.constant 0 : i32
    %dma_start3A_958 = tpu.memref_slice %arg5[%dma_start3A_955, %dma_start3A_956, %dma_start3A_957] : memref<2x32x64xf32, #tpu.memory_space<vmem>> -> memref<1x32x64xf32, #tpu.memory_space<vmem>>
    %dma_start3A_959 = tpu.memref_squeeze %dma_start3A_958 : memref<1x32x64xf32, #tpu.memory_space<vmem>> -> memref<32x64xf32, #tpu.memory_space<vmem>>
    %dma_start3A_960 = arith.constant 0 : i32
    %dma_start3A_961 = arith.constant 0 : i32
    %dma_start3A_962 = tpu.memref_slice %arg3[%add3A_63, %dma_start3A_960, %dma_start3A_961] : memref<64x32x64xf32, #tpu.memory_space<hbm>> -> memref<1x32x64xf32, #tpu.memory_space<hbm>>
    %dma_start3A_963 = tpu.memref_squeeze %dma_start3A_962 : memref<1x32x64xf32, #tpu.memory_space<hbm>> -> memref<32x64xf32, #tpu.memory_space<hbm>>
    %dma_start3A_964 = arith.constant 0 : i32
    %dma_start3A_965 = arith.constant 0 : i32
    %dma_start3A_966 = tpu.memref_slice %arg3[%add3A_63, %dma_start3A_964, %dma_start3A_965] : memref<64x32x64xf32, #tpu.memory_space<hbm>> -> memref<1x32x64xf32, #tpu.memory_space<hbm>>
    %dma_start3A_967 = tpu.memref_squeeze %dma_start3A_966 : memref<1x32x64xf32, #tpu.memory_space<hbm>> -> memref<32x64xf32, #tpu.memory_space<hbm>>
    %dma_start3A_968 = arith.constant 0 : i32
    %dma_start3A_969 = arith.constant 0 : i32
    %dma_start3A_970 = tpu.memref_slice %arg5[%dma_start3A_955, %dma_start3A_968, %dma_start3A_969] : memref<2x32x64xf32, #tpu.memory_space<vmem>> -> memref<1x32x64xf32, #tpu.memory_space<vmem>>
    %dma_start3A_971 = tpu.memref_squeeze %dma_start3A_970 : memref<1x32x64xf32, #tpu.memory_space<vmem>> -> memref<32x64xf32, #tpu.memory_space<vmem>>
    tpu.enqueue_dma source(%dma_start3A_971 : memref<32x64xf32, #tpu.memory_space<vmem>>) target(%dma_start3A_967 : memref<32x64xf32, #tpu.memory_space<hbm>>) target_semaphore(%arg8 : memref<!tpu.dma_semaphore, #tpu.memory_space<semaphore_mem>>)
    %mul3A_972 = arith.constant 2 : i32
    %mul3A_973 = arith.muli %add3A, %mul3A_972 : i32
    %add3A_974 = arith.constant 1 : i32
    %add3A_975 = arith.addi %mul3A_973, %add3A_974 : i32
    %swap3A_976 = arith.constant 1 : i32
    %swap3A_977 = arith.constant 0 : i32
    %swap3A_978 = arith.index_cast %swap3A_976 : i32 to index
    %swap3A_979 = arith.index_cast %swap3A_977 : i32 to index
    %swap3A_980 = arith.constant 0 : index
    %swap3A_981 = tpu.vector_load %arg5[%swap3A_978, %swap3A_979, %swap3A_980] {strides = array<i32>} : memref<2x32x64xf32, #tpu.memory_space<vmem>>, vector<16xf32>,
    tpu.vector_store %arg5[%swap3A_978, %swap3A_979, %swap3A_980], %broadcast_in_dim3A_16 {strides = array<i32>} : memref<2x32x64xf32, #tpu.memory_space<vmem>>, vector<16xf32>,
    %swap3A_982 = arith.constant 1 : i32
    %swap3A_983 = arith.constant 0 : i32
    %swap3A_984 = arith.index_cast %swap3A_982 : i32 to index
    %swap3A_985 = arith.index_cast %swap3A_983 : i32 to index
    %swap3A_986 = arith.constant 16 : index
    %swap3A_987 = tpu.vector_load %arg5[%swap3A_984, %swap3A_985, %swap3A_986] {strides = array<i32>} : memref<2x32x64xf32, #tpu.memory_space<vmem>>, vector<16xf32>,
    tpu.vector_store %arg5[%swap3A_984, %swap3A_985, %swap3A_986], %broadcast_in_dim3A_16 {strides = array<i32>} : memref<2x32x64xf32, #tpu.memory_space<vmem>>, vector<16xf32>,
    %swap3A_988 = arith.constant 1 : i32
    %swap3A_989 = arith.constant 0 : i32
    %swap3A_990 = arith.index_cast %swap3A_988 : i32 to index
    %swap3A_991 = arith.index_cast %swap3A_989 : i32 to index
    %swap3A_992 = arith.constant 32 : index
    %swap3A_993 = tpu.vector_load %arg5[%swap3A_990, %swap3A_991, %swap3A_992] {strides = array<i32>} : memref<2x32x64xf32, #tpu.memory_space<vmem>>, vector<16xf32>,
    tpu.vector_store %arg5[%swap3A_990, %swap3A_991, %swap3A_992], %broadcast_in_dim3A_16 {strides = array<i32>} : memref<2x32x64xf32, #tpu.memory_space<vmem>>, vector<16xf32>,
    %swap3A_994 = arith.constant 1 : i32
    %swap3A_995 = arith.constant 0 : i32
    %swap3A_996 = arith.index_cast %swap3A_994 : i32 to index
    %swap3A_997 = arith.index_cast %swap3A_995 : i32 to index
    %swap3A_998 = arith.constant 48 : index
    %swap3A_999 = tpu.vector_load %arg5[%swap3A_996, %swap3A_997, %swap3A_998] {strides = array<i32>} : memref<2x32x64xf32, #tpu.memory_space<vmem>>, vector<16xf32>,
    tpu.vector_store %arg5[%swap3A_996, %swap3A_997, %swap3A_998], %broadcast_in_dim3A_16 {strides = array<i32>} : memref<2x32x64xf32, #tpu.memory_space<vmem>>, vector<16xf32>,
    %swap3A_1000 = arith.constant 1 : i32
    %swap3A_1001 = arith.constant 1 : i32
    %swap3A_1002 = arith.index_cast %swap3A_1000 : i32 to index
    %swap3A_1003 = arith.index_cast %swap3A_1001 : i32 to index
    %swap3A_1004 = arith.constant 0 : index
    %swap3A_1005 = tpu.vector_load %arg5[%swap3A_1002, %swap3A_1003, %swap3A_1004] {strides = array<i32>} : memref<2x32x64xf32, #tpu.memory_space<vmem>>, vector<16xf32>,
    tpu.vector_store %arg5[%swap3A_1002, %swap3A_1003, %swap3A_1004], %broadcast_in_dim3A_16 {strides = array<i32>} : memref<2x32x64xf32, #tpu.memory_space<vmem>>, vector<16xf32>,
    %swap3A_1006 = arith.constant 1 : i32
    %swap3A_1007 = arith.constant 1 : i32
    %swap3A_1008 = arith.index_cast %swap3A_1006 : i32 to index
    %swap3A_1009 = arith.index_cast %swap3A_1007 : i32 to index
    %swap3A_1010 = arith.constant 16 : index
    %swap3A_1011 = tpu.vector_load %arg5[%swap3A_1008, %swap3A_1009, %swap3A_1010] {strides = array<i32>} : memref<2x32x64xf32, #tpu.memory_space<vmem>>, vector<16xf32>,
    tpu.vector_store %arg5[%swap3A_1008, %swap3A_1009, %swap3A_1010], %broadcast_in_dim3A_16 {strides = array<i32>} : memref<2x32x64xf32, #tpu.memory_space<vmem>>, vector<16xf32>,
    %swap3A_1012 = arith.constant 1 : i32
    %swap3A_1013 = arith.constant 1 : i32
    %swap3A_1014 = arith.index_cast %swap3A_1012 : i32 to index
    %swap3A_1015 = arith.index_cast %swap3A_1013 : i32 to index
    %swap3A_1016 = arith.constant 32 : index
    %swap3A_1017 = tpu.vector_load %arg5[%swap3A_1014, %swap3A_1015, %swap3A_1016] {strides = array<i32>} : memref<2x32x64xf32, #tpu.memory_space<vmem>>, vector<16xf32>,
    tpu.vector_store %arg5[%swap3A_1014, %swap3A_1015, %swap3A_1016], %broadcast_in_dim3A_16 {strides = array<i32>} : memref<2x32x64xf32, #tpu.memory_space<vmem>>, vector<16xf32>,
    %swap3A_1018 = arith.constant 1 : i32
    %swap3A_1019 = arith.constant 1 : i32
    %swap3A_1020 = arith.index_cast %swap3A_1018 : i32 to index
    %swap3A_1021 = arith.index_cast %swap3A_1019 : i32 to index
    %swap3A_1022 = arith.constant 48 : index
    %swap3A_1023 = tpu.vector_load %arg5[%swap3A_1020, %swap3A_1021, %swap3A_1022] {strides = array<i32>} : memref<2x32x64xf32, #tpu.memory_space<vmem>>, vector<16xf32>,
    tpu.vector_store %arg5[%swap3A_1020, %swap3A_1021, %swap3A_1022], %broadcast_in_dim3A_16 {strides = array<i32>} : memref<2x32x64xf32, #tpu.memory_space<vmem>>, vector<16xf32>,
    %swap3A_1024 = arith.constant 1 : i32
    %swap3A_1025 = arith.constant 2 : i32
    %swap3A_1026 = arith.index_cast %swap3A_1024 : i32 to index
    %swap3A_1027 = arith.index_cast %swap3A_1025 : i32 to index
    %swap3A_1028 = arith.constant 0 : index
    %swap3A_1029 = tpu.vector_load %arg5[%swap3A_1026, %swap3A_1027, %swap3A_1028] {strides = array<i32>} : memref<2x32x64xf32, #tpu.memory_space<vmem>>, vector<16xf32>,
    tpu.vector_store %arg5[%swap3A_1026, %swap3A_1027, %swap3A_1028], %broadcast_in_dim3A_16 {strides = array<i32>} : memref<2x32x64xf32, #tpu.memory_space<vmem>>, vector<16xf32>,
    %swap3A_1030 = arith.constant 1 : i32
    %swap3A_1031 = arith.constant 2 : i32
    %swap3A_1032 = arith.index_cast %swap3A_1030 : i32 to index
    %swap3A_1033 = arith.index_cast %swap3A_1031 : i32 to index
    %swap3A_1034 = arith.constant 16 : index
    %swap3A_1035 = tpu.vector_load %arg5[%swap3A_1032, %swap3A_1033, %swap3A_1034] {strides = array<i32>} : memref<2x32x64xf32, #tpu.memory_space<vmem>>, vector<16xf32>,
    tpu.vector_store %arg5[%swap3A_1032, %swap3A_1033, %swap3A_1034], %broadcast_in_dim3A_16 {strides = array<i32>} : memref<2x32x64xf32, #tpu.memory_space<vmem>>, vector<16xf32>,
    %swap3A_1036 = arith.constant 1 : i32
    %swap3A_1037 = arith.constant 2 : i32
    %swap3A_1038 = arith.index_cast %swap3A_1036 : i32 to index
    %swap3A_1039 = arith.index_cast %swap3A_1037 : i32 to index
    %swap3A_1040 = arith.constant 32 : index
    %swap3A_1041 = tpu.vector_load %arg5[%swap3A_1038, %swap3A_1039, %swap3A_1040] {strides = array<i32>} : memref<2x32x64xf32, #tpu.memory_space<vmem>>, vector<16xf32>,
    tpu.vector_store %arg5[%swap3A_1038, %swap3A_1039, %swap3A_1040], %broadcast_in_dim3A_16 {strides = array<i32>} : memref<2x32x64xf32, #tpu.memory_space<vmem>>, vector<16xf32>,
    %swap3A_1042 = arith.constant 1 : i32
    %swap3A_1043 = arith.constant 2 : i32
    %swap3A_1044 = arith.index_cast %swap3A_1042 : i32 to index
    %swap3A_1045 = arith.index_cast %swap3A_1043 : i32 to index
    %swap3A_1046 = arith.constant 48 : index
    %swap3A_1047 = tpu.vector_load %arg5[%swap3A_1044, %swap3A_1045, %swap3A_1046] {strides = array<i32>} : memref<2x32x64xf32, #tpu.memory_space<vmem>>, vector<16xf32>,
    tpu.vector_store %arg5[%swap3A_1044, %swap3A_1045, %swap3A_1046], %broadcast_in_dim3A_16 {strides = array<i32>} : memref<2x32x64xf32, #tpu.memory_space<vmem>>, vector<16xf32>,
    %swap3A_1048 = arith.constant 1 : i32
    %swap3A_1049 = arith.constant 3 : i32
    %swap3A_1050 = arith.index_cast %swap3A_1048 : i32 to index
    %swap3A_1051 = arith.index_cast %swap3A_1049 : i32 to index
    %swap3A_1052 = arith.constant 0 : index
    %swap3A_1053 = tpu.vector_load %arg5[%swap3A_1050, %swap3A_1051, %swap3A_1052] {strides = array<i32>} : memref<2x32x64xf32, #tpu.memory_space<vmem>>, vector<16xf32>,
    tpu.vector_store %arg5[%swap3A_1050, %swap3A_1051, %swap3A_1052], %broadcast_in_dim3A_16 {strides = array<i32>} : memref<2x32x64xf32, #tpu.memory_space<vmem>>, vector<16xf32>,
    %swap3A_1054 = arith.constant 1 : i32
    %swap3A_1055 = arith.constant 3 : i32
    %swap3A_1056 = arith.index_cast %swap3A_1054 : i32 to index
    %swap3A_1057 = arith.index_cast %swap3A_1055 : i32 to index
    %swap3A_1058 = arith.constant 16 : index
    %swap3A_1059 = tpu.vector_load %arg5[%swap3A_1056, %swap3A_1057, %swap3A_1058] {strides = array<i32>} : memref<2x32x64xf32, #tpu.memory_space<vmem>>, vector<16xf32>,
    tpu.vector_store %arg5[%swap3A_1056, %swap3A_1057, %swap3A_1058], %broadcast_in_dim3A_16 {strides = array<i32>} : memref<2x32x64xf32, #tpu.memory_space<vmem>>, vector<16xf32>,
    %swap3A_1060 = arith.constant 1 : i32
    %swap3A_1061 = arith.constant 3 : i32
    %swap3A_1062 = arith.index_cast %swap3A_1060 : i32 to index
    %swap3A_1063 = arith.index_cast %swap3A_1061 : i32 to index
    %swap3A_1064 = arith.constant 32 : index
    %swap3A_1065 = tpu.vector_load %arg5[%swap3A_1062, %swap3A_1063, %swap3A_1064] {strides = array<i32>} : memref<2x32x64xf32, #tpu.memory_space<vmem>>, vector<16xf32>,
    tpu.vector_store %arg5[%swap3A_1062, %swap3A_1063, %swap3A_1064], %broadcast_in_dim3A_16 {strides = array<i32>} : memref<2x32x64xf32, #tpu.memory_space<vmem>>, vector<16xf32>,
    %swap3A_1066 = arith.constant 1 : i32
    %swap3A_1067 = arith.constant 3 : i32
    %swap3A_1068 = arith.index_cast %swap3A_1066 : i32 to index
    %swap3A_1069 = arith.index_cast %swap3A_1067 : i32 to index
    %swap3A_1070 = arith.constant 48 : index
    %swap3A_1071 = tpu.vector_load %arg5[%swap3A_1068, %swap3A_1069, %swap3A_1070] {strides = array<i32>} : memref<2x32x64xf32, #tpu.memory_space<vmem>>, vector<16xf32>,
    tpu.vector_store %arg5[%swap3A_1068, %swap3A_1069, %swap3A_1070], %broadcast_in_dim3A_16 {strides = array<i32>} : memref<2x32x64xf32, #tpu.memory_space<vmem>>, vector<16xf32>,
    %swap3A_1072 = arith.constant 1 : i32
    %swap3A_1073 = arith.constant 4 : i32
    %swap3A_1074 = arith.index_cast %swap3A_1072 : i32 to index
    %swap3A_1075 = arith.index_cast %swap3A_1073 : i32 to index
    %swap3A_1076 = arith.constant 0 : index
    %swap3A_1077 = tpu.vector_load %arg5[%swap3A_1074, %swap3A_1075, %swap3A_1076] {strides = array<i32>} : memref<2x32x64xf32, #tpu.memory_space<vmem>>, vector<16xf32>,
    tpu.vector_store %arg5[%swap3A_1074, %swap3A_1075, %swap3A_1076], %broadcast_in_dim3A_16 {strides = array<i32>} : memref<2x32x64xf32, #tpu.memory_space<vmem>>, vector<16xf32>,
    %swap3A_1078 = arith.constant 1 : i32
    %swap3A_1079 = arith.constant 4 : i32
    %swap3A_1080 = arith.index_cast %swap3A_1078 : i32 to index
    %swap3A_1081 = arith.index_cast %swap3A_1079 : i32 to index
    %swap3A_1082 = arith.constant 16 : index
    %swap3A_1083 = tpu.vector_load %arg5[%swap3A_1080, %swap3A_1081, %swap3A_1082] {strides = array<i32>} : memref<2x32x64xf32, #tpu.memory_space<vmem>>, vector<16xf32>,
    tpu.vector_store %arg5[%swap3A_1080, %swap3A_1081, %swap3A_1082], %broadcast_in_dim3A_16 {strides = array<i32>} : memref<2x32x64xf32, #tpu.memory_space<vmem>>, vector<16xf32>,
    %swap3A_1084 = arith.constant 1 : i32
    %swap3A_1085 = arith.constant 4 : i32
    %swap3A_1086 = arith.index_cast %swap3A_1084 : i32 to index
    %swap3A_1087 = arith.index_cast %swap3A_1085 : i32 to index
    %swap3A_1088 = arith.constant 32 : index
    %swap3A_1089 = tpu.vector_load %arg5[%swap3A_1086, %swap3A_1087, %swap3A_1088] {strides = array<i32>} : memref<2x32x64xf32, #tpu.memory_space<vmem>>, vector<16xf32>,
    tpu.vector_store %arg5[%swap3A_1086, %swap3A_1087, %swap3A_1088], %broadcast_in_dim3A_16 {strides = array<i32>} : memref<2x32x64xf32, #tpu.memory_space<vmem>>, vector<16xf32>,
    %swap3A_1090 = arith.constant 1 : i32
    %swap3A_1091 = arith.constant 4 : i32
    %swap3A_1092 = arith.index_cast %swap3A_1090 : i32 to index
    %swap3A_1093 = arith.index_cast %swap3A_1091 : i32 to index
    %swap3A_1094 = arith.constant 48 : index
    %swap3A_1095 = tpu.vector_load %arg5[%swap3A_1092, %swap3A_1093, %swap3A_1094] {strides = array<i32>} : memref<2x32x64xf32, #tpu.memory_space<vmem>>, vector<16xf32>,
    tpu.vector_store %arg5[%swap3A_1092, %swap3A_1093, %swap3A_1094], %broadcast_in_dim3A_16 {strides = array<i32>} : memref<2x32x64xf32, #tpu.memory_space<vmem>>, vector<16xf32>,
    %swap3A_1096 = arith.constant 1 : i32
    %swap3A_1097 = arith.constant 5 : i32
    %swap3A_1098 = arith.index_cast %swap3A_1096 : i32 to index
    %swap3A_1099 = arith.index_cast %swap3A_1097 : i32 to index
    %swap3A_1100 = arith.constant 0 : index
    %swap3A_1101 = tpu.vector_load %arg5[%swap3A_1098, %swap3A_1099, %swap3A_1100] {strides = array<i32>} : memref<2x32x64xf32, #tpu.memory_space<vmem>>, vector<16xf32>,
    tpu.vector_store %arg5[%swap3A_1098, %swap3A_1099, %swap3A_1100], %broadcast_in_dim3A_16 {strides = array<i32>} : memref<2x32x64xf32, #tpu.memory_space<vmem>>, vector<16xf32>,
    %swap3A_1102 = arith.constant 1 : i32
    %swap3A_1103 = arith.constant 5 : i32
    %swap3A_1104 = arith.index_cast %swap3A_1102 : i32 to index
    %swap3A_1105 = arith.index_cast %swap3A_1103 : i32 to index
    %swap3A_1106 = arith.constant 16 : index
    %swap3A_1107 = tpu.vector_load %arg5[%swap3A_1104, %swap3A_1105, %swap3A_1106] {strides = array<i32>} : memref<2x32x64xf32, #tpu.memory_space<vmem>>, vector<16xf32>,
    tpu.vector_store %arg5[%swap3A_1104, %swap3A_1105, %swap3A_1106], %broadcast_in_dim3A_16 {strides = array<i32>} : memref<2x32x64xf32, #tpu.memory_space<vmem>>, vector<16xf32>,
    %swap3A_1108 = arith.constant 1 : i32
    %swap3A_1109 = arith.constant 5 : i32
    %swap3A_1110 = arith.index_cast %swap3A_1108 : i32 to index
    %swap3A_1111 = arith.index_cast %swap3A_1109 : i32 to index
    %swap3A_1112 = arith.constant 32 : index
    %swap3A_1113 = tpu.vector_load %arg5[%swap3A_1110, %swap3A_1111, %swap3A_1112] {strides = array<i32>} : memref<2x32x64xf32, #tpu.memory_space<vmem>>, vector<16xf32>,
    tpu.vector_store %arg5[%swap3A_1110, %swap3A_1111, %swap3A_1112], %broadcast_in_dim3A_16 {strides = array<i32>} : memref<2x32x64xf32, #tpu.memory_space<vmem>>, vector<16xf32>,
    %swap3A_1114 = arith.constant 1 : i32
    %swap3A_1115 = arith.constant 5 : i32
    %swap3A_1116 = arith.index_cast %swap3A_1114 : i32 to index
    %swap3A_1117 = arith.index_cast %swap3A_1115 : i32 to index
    %swap3A_1118 = arith.constant 48 : index
    %swap3A_1119 = tpu.vector_load %arg5[%swap3A_1116, %swap3A_1117, %swap3A_1118] {strides = array<i32>} : memref<2x32x64xf32, #tpu.memory_space<vmem>>, vector<16xf32>,
    tpu.vector_store %arg5[%swap3A_1116, %swap3A_1117, %swap3A_1118], %broadcast_in_dim3A_16 {strides = array<i32>} : memref<2x32x64xf32, #tpu.memory_space<vmem>>, vector<16xf32>,
    %swap3A_1120 = arith.constant 1 : i32
    %swap3A_1121 = arith.constant 6 : i32
    %swap3A_1122 = arith.index_cast %swap3A_1120 : i32 to index
    %swap3A_1123 = arith.index_cast %swap3A_1121 : i32 to index
    %swap3A_1124 = arith.constant 0 : index
    %swap3A_1125 = tpu.vector_load %arg5[%swap3A_1122, %swap3A_1123, %swap3A_1124] {strides = array<i32>} : memref<2x32x64xf32, #tpu.memory_space<vmem>>, vector<16xf32>,
    tpu.vector_store %arg5[%swap3A_1122, %swap3A_1123, %swap3A_1124], %broadcast_in_dim3A_16 {strides = array<i32>} : memref<2x32x64xf32, #tpu.memory_space<vmem>>, vector<16xf32>,
    %swap3A_1126 = arith.constant 1 : i32
    %swap3A_1127 = arith.constant 6 : i32
    %swap3A_1128 = arith.index_cast %swap3A_1126 : i32 to index
    %swap3A_1129 = arith.index_cast %swap3A_1127 : i32 to index
    %swap3A_1130 = arith.constant 16 : index
    %swap3A_1131 = tpu.vector_load %arg5[%swap3A_1128, %swap3A_1129, %swap3A_1130] {strides = array<i32>} : memref<2x32x64xf32, #tpu.memory_space<vmem>>, vector<16xf32>,
    tpu.vector_store %arg5[%swap3A_1128, %swap3A_1129, %swap3A_1130], %broadcast_in_dim3A_16 {strides = array<i32>} : memref<2x32x64xf32, #tpu.memory_space<vmem>>, vector<16xf32>,
    %swap3A_1132 = arith.constant 1 : i32
    %swap3A_1133 = arith.constant 6 : i32
    %swap3A_1134 = arith.index_cast %swap3A_1132 : i32 to index
    %swap3A_1135 = arith.index_cast %swap3A_1133 : i32 to index
    %swap3A_1136 = arith.constant 32 : index
    %swap3A_1137 = tpu.vector_load %arg5[%swap3A_1134, %swap3A_1135, %swap3A_1136] {strides = array<i32>} : memref<2x32x64xf32, #tpu.memory_space<vmem>>, vector<16xf32>,
    tpu.vector_store %arg5[%swap3A_1134, %swap3A_1135, %swap3A_1136], %broadcast_in_dim3A_16 {strides = array<i32>} : memref<2x32x64xf32, #tpu.memory_space<vmem>>, vector<16xf32>,
    %swap3A_1138 = arith.constant 1 : i32
    %swap3A_1139 = arith.constant 6 : i32
    %swap3A_1140 = arith.index_cast %swap3A_1138 : i32 to index
    %swap3A_1141 = arith.index_cast %swap3A_1139 : i32 to index
    %swap3A_1142 = arith.constant 48 : index
    %swap3A_1143 = tpu.vector_load %arg5[%swap3A_1140, %swap3A_1141, %swap3A_1142] {strides = array<i32>} : memref<2x32x64xf32, #tpu.memory_space<vmem>>, vector<16xf32>,
    tpu.vector_store %arg5[%swap3A_1140, %swap3A_1141, %swap3A_1142], %broadcast_in_dim3A_16 {strides = array<i32>} : memref<2x32x64xf32, #tpu.memory_space<vmem>>, vector<16xf32>,
    %swap3A_1144 = arith.constant 1 : i32
    %swap3A_1145 = arith.constant 7 : i32
    %swap3A_1146 = arith.index_cast %swap3A_1144 : i32 to index
    %swap3A_1147 = arith.index_cast %swap3A_1145 : i32 to index
    %swap3A_1148 = arith.constant 0 : index
    %swap3A_1149 = tpu.vector_load %arg5[%swap3A_1146, %swap3A_1147, %swap3A_1148] {strides = array<i32>} : memref<2x32x64xf32, #tpu.memory_space<vmem>>, vector<16xf32>,
    tpu.vector_store %arg5[%swap3A_1146, %swap3A_1147, %swap3A_1148], %broadcast_in_dim3A_16 {strides = array<i32>} : memref<2x32x64xf32, #tpu.memory_space<vmem>>, vector<16xf32>,
    %swap3A_1150 = arith.constant 1 : i32
    %swap3A_1151 = arith.constant 7 : i32
    %swap3A_1152 = arith.index_cast %swap3A_1150 : i32 to index
    %swap3A_1153 = arith.index_cast %swap3A_1151 : i32 to index
    %swap3A_1154 = arith.constant 16 : index
    %swap3A_1155 = tpu.vector_load %arg5[%swap3A_1152, %swap3A_1153, %swap3A_1154] {strides = array<i32>} : memref<2x32x64xf32, #tpu.memory_space<vmem>>, vector<16xf32>,
    tpu.vector_store %arg5[%swap3A_1152, %swap3A_1153, %swap3A_1154], %broadcast_in_dim3A_16 {strides = array<i32>} : memref<2x32x64xf32, #tpu.memory_space<vmem>>, vector<16xf32>,
    %swap3A_1156 = arith.constant 1 : i32
    %swap3A_1157 = arith.constant 7 : i32
    %swap3A_1158 = arith.index_cast %swap3A_1156 : i32 to index
    %swap3A_1159 = arith.index_cast %swap3A_1157 : i32 to index
    %swap3A_1160 = arith.constant 32 : index
    %swap3A_1161 = tpu.vector_load %arg5[%swap3A_1158, %swap3A_1159, %swap3A_1160] {strides = array<i32>} : memref<2x32x64xf32, #tpu.memory_space<vmem>>, vector<16xf32>,
    tpu.vector_store %arg5[%swap3A_1158, %swap3A_1159, %swap3A_1160], %broadcast_in_dim3A_16 {strides = array<i32>} : memref<2x32x64xf32, #tpu.memory_space<vmem>>, vector<16xf32>,
    %swap3A_1162 = arith.constant 1 : i32
    %swap3A_1163 = arith.constant 7 : i32
    %swap3A_1164 = arith.index_cast %swap3A_1162 : i32 to index
    %swap3A_1165 = arith.index_cast %swap3A_1163 : i32 to index
    %swap3A_1166 = arith.constant 48 : index
    %swap3A_1167 = tpu.vector_load %arg5[%swap3A_1164, %swap3A_1165, %swap3A_1166] {strides = array<i32>} : memref<2x32x64xf32, #tpu.memory_space<vmem>>, vector<16xf32>,
    tpu.vector_store %arg5[%swap3A_1164, %swap3A_1165, %swap3A_1166], %broadcast_in_dim3A_16 {strides = array<i32>} : memref<2x32x64xf32, #tpu.memory_space<vmem>>, vector<16xf32>,
    %swap3A_1168 = arith.constant 1 : i32
    %swap3A_1169 = arith.constant 8 : i32
    %swap3A_1170 = arith.index_cast %swap3A_1168 : i32 to index
    %swap3A_1171 = arith.index_cast %swap3A_1169 : i32 to index
    %swap3A_1172 = arith.constant 0 : index
    %swap3A_1173 = tpu.vector_load %arg5[%swap3A_1170, %swap3A_1171, %swap3A_1172] {strides = array<i32>} : memref<2x32x64xf32, #tpu.memory_space<vmem>>, vector<16xf32>,
    tpu.vector_store %arg5[%swap3A_1170, %swap3A_1171, %swap3A_1172], %broadcast_in_dim3A_16 {strides = array<i32>} : memref<2x32x64xf32, #tpu.memory_space<vmem>>, vector<16xf32>,
    %swap3A_1174 = arith.constant 1 : i32
    %swap3A_1175 = arith.constant 8 : i32
    %swap3A_1176 = arith.index_cast %swap3A_1174 : i32 to index
    %swap3A_1177 = arith.index_cast %swap3A_1175 : i32 to index
    %swap3A_1178 = arith.constant 16 : index
    %swap3A_1179 = tpu.vector_load %arg5[%swap3A_1176, %swap3A_1177, %swap3A_1178] {strides = array<i32>} : memref<2x32x64xf32, #tpu.memory_space<vmem>>, vector<16xf32>,
    tpu.vector_store %arg5[%swap3A_1176, %swap3A_1177, %swap3A_1178], %broadcast_in_dim3A_16 {strides = array<i32>} : memref<2x32x64xf32, #tpu.memory_space<vmem>>, vector<16xf32>,
    %swap3A_1180 = arith.constant 1 : i32
    %swap3A_1181 = arith.constant 8 : i32
    %swap3A_1182 = arith.index_cast %swap3A_1180 : i32 to index
    %swap3A_1183 = arith.index_cast %swap3A_1181 : i32 to index
    %swap3A_1184 = arith.constant 32 : index
    %swap3A_1185 = tpu.vector_load %arg5[%swap3A_1182, %swap3A_1183, %swap3A_1184] {strides = array<i32>} : memref<2x32x64xf32, #tpu.memory_space<vmem>>, vector<16xf32>,
    tpu.vector_store %arg5[%swap3A_1182, %swap3A_1183, %swap3A_1184], %broadcast_in_dim3A_16 {strides = array<i32>} : memref<2x32x64xf32, #tpu.memory_space<vmem>>, vector<16xf32>,
    %swap3A_1186 = arith.constant 1 : i32
    %swap3A_1187 = arith.constant 8 : i32
    %swap3A_1188 = arith.index_cast %swap3A_1186 : i32 to index
    %swap3A_1189 = arith.index_cast %swap3A_1187 : i32 to index
    %swap3A_1190 = arith.constant 48 : index
    %swap3A_1191 = tpu.vector_load %arg5[%swap3A_1188, %swap3A_1189, %swap3A_1190] {strides = array<i32>} : memref<2x32x64xf32, #tpu.memory_space<vmem>>, vector<16xf32>,
    tpu.vector_store %arg5[%swap3A_1188, %swap3A_1189, %swap3A_1190], %broadcast_in_dim3A_16 {strides = array<i32>} : memref<2x32x64xf32, #tpu.memory_space<vmem>>, vector<16xf32>,
    %swap3A_1192 = arith.constant 1 : i32
    %swap3A_1193 = arith.constant 9 : i32
    %swap3A_1194 = arith.index_cast %swap3A_1192 : i32 to index
    %swap3A_1195 = arith.index_cast %swap3A_1193 : i32 to index
    %swap3A_1196 = arith.constant 0 : index
    %swap3A_1197 = tpu.vector_load %arg5[%swap3A_1194, %swap3A_1195, %swap3A_1196] {strides = array<i32>} : memref<2x32x64xf32, #tpu.memory_space<vmem>>, vector<16xf32>,
    tpu.vector_store %arg5[%swap3A_1194, %swap3A_1195, %swap3A_1196], %broadcast_in_dim3A_16 {strides = array<i32>} : memref<2x32x64xf32, #tpu.memory_space<vmem>>, vector<16xf32>,
    %swap3A_1198 = arith.constant 1 : i32
    %swap3A_1199 = arith.constant 9 : i32
    %swap3A_1200 = arith.index_cast %swap3A_1198 : i32 to index
    %swap3A_1201 = arith.index_cast %swap3A_1199 : i32 to index
    %swap3A_1202 = arith.constant 16 : index
    %swap3A_1203 = tpu.vector_load %arg5[%swap3A_1200, %swap3A_1201, %swap3A_1202] {strides = array<i32>} : memref<2x32x64xf32, #tpu.memory_space<vmem>>, vector<16xf32>,
    tpu.vector_store %arg5[%swap3A_1200, %swap3A_1201, %swap3A_1202], %broadcast_in_dim3A_16 {strides = array<i32>} : memref<2x32x64xf32, #tpu.memory_space<vmem>>, vector<16xf32>,
    %swap3A_1204 = arith.constant 1 : i32
    %swap3A_1205 = arith.constant 9 : i32
    %swap3A_1206 = arith.index_cast %swap3A_1204 : i32 to index
    %swap3A_1207 = arith.index_cast %swap3A_1205 : i32 to index
    %swap3A_1208 = arith.constant 32 : index
    %swap3A_1209 = tpu.vector_load %arg5[%swap3A_1206, %swap3A_1207, %swap3A_1208] {strides = array<i32>} : memref<2x32x64xf32, #tpu.memory_space<vmem>>, vector<16xf32>,
    tpu.vector_store %arg5[%swap3A_1206, %swap3A_1207, %swap3A_1208], %broadcast_in_dim3A_16 {strides = array<i32>} : memref<2x32x64xf32, #tpu.memory_space<vmem>>, vector<16xf32>,
    %swap3A_1210 = arith.constant 1 : i32
    %swap3A_1211 = arith.constant 9 : i32
    %swap3A_1212 = arith.index_cast %swap3A_1210 : i32 to index
    %swap3A_1213 = arith.index_cast %swap3A_1211 : i32 to index
    %swap3A_1214 = arith.constant 48 : index
    %swap3A_1215 = tpu.vector_load %arg5[%swap3A_1212, %swap3A_1213, %swap3A_1214] {strides = array<i32>} : memref<2x32x64xf32, #tpu.memory_space<vmem>>, vector<16xf32>,
    tpu.vector_store %arg5[%swap3A_1212, %swap3A_1213, %swap3A_1214], %broadcast_in_dim3A_16 {strides = array<i32>} : memref<2x32x64xf32, #tpu.memory_space<vmem>>, vector<16xf32>,
    %swap3A_1216 = arith.constant 1 : i32
    %swap3A_1217 = arith.constant 10 : i32
    %swap3A_1218 = arith.index_cast %swap3A_1216 : i32 to index
    %swap3A_1219 = arith.index_cast %swap3A_1217 : i32 to index
    %swap3A_1220 = arith.constant 0 : index
    %swap3A_1221 = tpu.vector_load %arg5[%swap3A_1218, %swap3A_1219, %swap3A_1220] {strides = array<i32>} : memref<2x32x64xf32, #tpu.memory_space<vmem>>, vector<16xf32>,
    tpu.vector_store %arg5[%swap3A_1218, %swap3A_1219, %swap3A_1220], %broadcast_in_dim3A_16 {strides = array<i32>} : memref<2x32x64xf32, #tpu.memory_space<vmem>>, vector<16xf32>,
    %swap3A_1222 = arith.constant 1 : i32
    %swap3A_1223 = arith.constant 10 : i32
    %swap3A_1224 = arith.index_cast %swap3A_1222 : i32 to index
    %swap3A_1225 = arith.index_cast %swap3A_1223 : i32 to index
    %swap3A_1226 = arith.constant 16 : index
    %swap3A_1227 = tpu.vector_load %arg5[%swap3A_1224, %swap3A_1225, %swap3A_1226] {strides = array<i32>} : memref<2x32x64xf32, #tpu.memory_space<vmem>>, vector<16xf32>,
    tpu.vector_store %arg5[%swap3A_1224, %swap3A_1225, %swap3A_1226], %broadcast_in_dim3A_16 {strides = array<i32>} : memref<2x32x64xf32, #tpu.memory_space<vmem>>, vector<16xf32>,
    %swap3A_1228 = arith.constant 1 : i32
    %swap3A_1229 = arith.constant 10 : i32
    %swap3A_1230 = arith.index_cast %swap3A_1228 : i32 to index
    %swap3A_1231 = arith.index_cast %swap3A_1229 : i32 to index
    %swap3A_1232 = arith.constant 32 : index
    %swap3A_1233 = tpu.vector_load %arg5[%swap3A_1230, %swap3A_1231, %swap3A_1232] {strides = array<i32>} : memref<2x32x64xf32, #tpu.memory_space<vmem>>, vector<16xf32>,
    tpu.vector_store %arg5[%swap3A_1230, %swap3A_1231, %swap3A_1232], %broadcast_in_dim3A_16 {strides = array<i32>} : memref<2x32x64xf32, #tpu.memory_space<vmem>>, vector<16xf32>,
    %swap3A_1234 = arith.constant 1 : i32
    %swap3A_1235 = arith.constant 10 : i32
    %swap3A_1236 = arith.index_cast %swap3A_1234 : i32 to index
    %swap3A_1237 = arith.index_cast %swap3A_1235 : i32 to index
    %swap3A_1238 = arith.constant 48 : index
    %swap3A_1239 = tpu.vector_load %arg5[%swap3A_1236, %swap3A_1237, %swap3A_1238] {strides = array<i32>} : memref<2x32x64xf32, #tpu.memory_space<vmem>>, vector<16xf32>,
    tpu.vector_store %arg5[%swap3A_1236, %swap3A_1237, %swap3A_1238], %broadcast_in_dim3A_16 {strides = array<i32>} : memref<2x32x64xf32, #tpu.memory_space<vmem>>, vector<16xf32>,
    %swap3A_1240 = arith.constant 1 : i32
    %swap3A_1241 = arith.constant 11 : i32
    %swap3A_1242 = arith.index_cast %swap3A_1240 : i32 to index
    %swap3A_1243 = arith.index_cast %swap3A_1241 : i32 to index
    %swap3A_1244 = arith.constant 0 : index
    %swap3A_1245 = tpu.vector_load %arg5[%swap3A_1242, %swap3A_1243, %swap3A_1244] {strides = array<i32>} : memref<2x32x64xf32, #tpu.memory_space<vmem>>, vector<16xf32>,
    tpu.vector_store %arg5[%swap3A_1242, %swap3A_1243, %swap3A_1244], %broadcast_in_dim3A_16 {strides = array<i32>} : memref<2x32x64xf32, #tpu.memory_space<vmem>>, vector<16xf32>,
    %swap3A_1246 = arith.constant 1 : i32
    %swap3A_1247 = arith.constant 11 : i32
    %swap3A_1248 = arith.index_cast %swap3A_1246 : i32 to index
    %swap3A_1249 = arith.index_cast %swap3A_1247 : i32 to index
    %swap3A_1250 = arith.constant 16 : index
    %swap3A_1251 = tpu.vector_load %arg5[%swap3A_1248, %swap3A_1249, %swap3A_1250] {strides = array<i32>} : memref<2x32x64xf32, #tpu.memory_space<vmem>>, vector<16xf32>,
    tpu.vector_store %arg5[%swap3A_1248, %swap3A_1249, %swap3A_1250], %broadcast_in_dim3A_16 {strides = array<i32>} : memref<2x32x64xf32, #tpu.memory_space<vmem>>, vector<16xf32>,
    %swap3A_1252 = arith.constant 1 : i32
    %swap3A_1253 = arith.constant 11 : i32
    %swap3A_1254 = arith.index_cast %swap3A_1252 : i32 to index
    %swap3A_1255 = arith.index_cast %swap3A_1253 : i32 to index
    %swap3A_1256 = arith.constant 32 : index
    %swap3A_1257 = tpu.vector_load %arg5[%swap3A_1254, %swap3A_1255, %swap3A_1256] {strides = array<i32>} : memref<2x32x64xf32, #tpu.memory_space<vmem>>, vector<16xf32>,
    tpu.vector_store %arg5[%swap3A_1254, %swap3A_1255, %swap3A_1256], %broadcast_in_dim3A_16 {strides = array<i32>} : memref<2x32x64xf32, #tpu.memory_space<vmem>>, vector<16xf32>,
    %swap3A_1258 = arith.constant 1 : i32
    %swap3A_1259 = arith.constant 11 : i32
    %swap3A_1260 = arith.index_cast %swap3A_1258 : i32 to index
    %swap3A_1261 = arith.index_cast %swap3A_1259 : i32 to index
    %swap3A_1262 = arith.constant 48 : index
    %swap3A_1263 = tpu.vector_load %arg5[%swap3A_1260, %swap3A_1261, %swap3A_1262] {strides = array<i32>} : memref<2x32x64xf32, #tpu.memory_space<vmem>>, vector<16xf32>,
    tpu.vector_store %arg5[%swap3A_1260, %swap3A_1261, %swap3A_1262], %broadcast_in_dim3A_16 {strides = array<i32>} : memref<2x32x64xf32, #tpu.memory_space<vmem>>, vector<16xf32>,
    %swap3A_1264 = arith.constant 1 : i32
    %swap3A_1265 = arith.constant 12 : i32
    %swap3A_1266 = arith.index_cast %swap3A_1264 : i32 to index
    %swap3A_1267 = arith.index_cast %swap3A_1265 : i32 to index
    %swap3A_1268 = arith.constant 0 : index
    %swap3A_1269 = tpu.vector_load %arg5[%swap3A_1266, %swap3A_1267, %swap3A_1268] {strides = array<i32>} : memref<2x32x64xf32, #tpu.memory_space<vmem>>, vector<16xf32>,
    tpu.vector_store %arg5[%swap3A_1266, %swap3A_1267, %swap3A_1268], %broadcast_in_dim3A_16 {strides = array<i32>} : memref<2x32x64xf32, #tpu.memory_space<vmem>>, vector<16xf32>,
    %swap3A_1270 = arith.constant 1 : i32
    %swap3A_1271 = arith.constant 12 : i32
    %swap3A_1272 = arith.index_cast %swap3A_1270 : i32 to index
    %swap3A_1273 = arith.index_cast %swap3A_1271 : i32 to index
    %swap3A_1274 = arith.constant 16 : index
    %swap3A_1275 = tpu.vector_load %arg5[%swap3A_1272, %swap3A_1273, %swap3A_1274] {strides = array<i32>} : memref<2x32x64xf32, #tpu.memory_space<vmem>>, vector<16xf32>,
    tpu.vector_store %arg5[%swap3A_1272, %swap3A_1273, %swap3A_1274], %broadcast_in_dim3A_16 {strides = array<i32>} : memref<2x32x64xf32, #tpu.memory_space<vmem>>, vector<16xf32>,
    %swap3A_1276 = arith.constant 1 : i32
    %swap3A_1277 = arith.constant 12 : i32
    %swap3A_1278 = arith.index_cast %swap3A_1276 : i32 to index
    %swap3A_1279 = arith.index_cast %swap3A_1277 : i32 to index
    %swap3A_1280 = arith.constant 32 : index
    %swap3A_1281 = tpu.vector_load %arg5[%swap3A_1278, %swap3A_1279, %swap3A_1280] {strides = array<i32>} : memref<2x32x64xf32, #tpu.memory_space<vmem>>, vector<16xf32>,
    tpu.vector_store %arg5[%swap3A_1278, %swap3A_1279, %swap3A_1280], %broadcast_in_dim3A_16 {strides = array<i32>} : memref<2x32x64xf32, #tpu.memory_space<vmem>>, vector<16xf32>,
    %swap3A_1282 = arith.constant 1 : i32
    %swap3A_1283 = arith.constant 12 : i32
    %swap3A_1284 = arith.index_cast %swap3A_1282 : i32 to index
    %swap3A_1285 = arith.index_cast %swap3A_1283 : i32 to index
    %swap3A_1286 = arith.constant 48 : index
    %swap3A_1287 = tpu.vector_load %arg5[%swap3A_1284, %swap3A_1285, %swap3A_1286] {strides = array<i32>} : memref<2x32x64xf32, #tpu.memory_space<vmem>>, vector<16xf32>,
    tpu.vector_store %arg5[%swap3A_1284, %swap3A_1285, %swap3A_1286], %broadcast_in_dim3A_16 {strides = array<i32>} : memref<2x32x64xf32, #tpu.memory_space<vmem>>, vector<16xf32>,
    %swap3A_1288 = arith.constant 1 : i32
    %swap3A_1289 = arith.constant 13 : i32
    %swap3A_1290 = arith.index_cast %swap3A_1288 : i32 to index
    %swap3A_1291 = arith.index_cast %swap3A_1289 : i32 to index
    %swap3A_1292 = arith.constant 0 : index
    %swap3A_1293 = tpu.vector_load %arg5[%swap3A_1290, %swap3A_1291, %swap3A_1292] {strides = array<i32>} : memref<2x32x64xf32, #tpu.memory_space<vmem>>, vector<16xf32>,
    tpu.vector_store %arg5[%swap3A_1290, %swap3A_1291, %swap3A_1292], %broadcast_in_dim3A_16 {strides = array<i32>} : memref<2x32x64xf32, #tpu.memory_space<vmem>>, vector<16xf32>,
    %swap3A_1294 = arith.constant 1 : i32
    %swap3A_1295 = arith.constant 13 : i32
    %swap3A_1296 = arith.index_cast %swap3A_1294 : i32 to index
    %swap3A_1297 = arith.index_cast %swap3A_1295 : i32 to index
    %swap3A_1298 = arith.constant 16 : index
    %swap3A_1299 = tpu.vector_load %arg5[%swap3A_1296, %swap3A_1297, %swap3A_1298] {strides = array<i32>} : memref<2x32x64xf32, #tpu.memory_space<vmem>>, vector<16xf32>,
    tpu.vector_store %arg5[%swap3A_1296, %swap3A_1297, %swap3A_1298], %broadcast_in_dim3A_16 {strides = array<i32>} : memref<2x32x64xf32, #tpu.memory_space<vmem>>, vector<16xf32>,
    %swap3A_1300 = arith.constant 1 : i32
    %swap3A_1301 = arith.constant 13 : i32
    %swap3A_1302 = arith.index_cast %swap3A_1300 : i32 to index
    %swap3A_1303 = arith.index_cast %swap3A_1301 : i32 to index
    %swap3A_1304 = arith.constant 32 : index
    %swap3A_1305 = tpu.vector_load %arg5[%swap3A_1302, %swap3A_1303, %swap3A_1304] {strides = array<i32>} : memref<2x32x64xf32, #tpu.memory_space<vmem>>, vector<16xf32>,
    tpu.vector_store %arg5[%swap3A_1302, %swap3A_1303, %swap3A_1304], %broadcast_in_dim3A_16 {strides = array<i32>} : memref<2x32x64xf32, #tpu.memory_space<vmem>>, vector<16xf32>,
    %swap3A_1306 = arith.constant 1 : i32
    %swap3A_1307 = arith.constant 13 : i32
    %swap3A_1308 = arith.index_cast %swap3A_1306 : i32 to index
    %swap3A_1309 = arith.index_cast %swap3A_1307 : i32 to index
    %swap3A_1310 = arith.constant 48 : index
    %swap3A_1311 = tpu.vector_load %arg5[%swap3A_1308, %swap3A_1309, %swap3A_1310] {strides = array<i32>} : memref<2x32x64xf32, #tpu.memory_space<vmem>>, vector<16xf32>,
    tpu.vector_store %arg5[%swap3A_1308, %swap3A_1309, %swap3A_1310], %broadcast_in_dim3A_16 {strides = array<i32>} : memref<2x32x64xf32, #tpu.memory_space<vmem>>, vector<16xf32>,
    %swap3A_1312 = arith.constant 1 : i32
    %swap3A_1313 = arith.constant 14 : i32
    %swap3A_1314 = arith.index_cast %swap3A_1312 : i32 to index
    %swap3A_1315 = arith.index_cast %swap3A_1313 : i32 to index
    %swap3A_1316 = arith.constant 0 : index
    %swap3A_1317 = tpu.vector_load %arg5[%swap3A_1314, %swap3A_1315, %swap3A_1316] {strides = array<i32>} : memref<2x32x64xf32, #tpu.memory_space<vmem>>, vector<16xf32>,
    tpu.vector_store %arg5[%swap3A_1314, %swap3A_1315, %swap3A_1316], %broadcast_in_dim3A_16 {strides = array<i32>} : memref<2x32x64xf32, #tpu.memory_space<vmem>>, vector<16xf32>,
    %swap3A_1318 = arith.constant 1 : i32
    %swap3A_1319 = arith.constant 14 : i32
    %swap3A_1320 = arith.index_cast %swap3A_1318 : i32 to index
    %swap3A_1321 = arith.index_cast %swap3A_1319 : i32 to index
    %swap3A_1322 = arith.constant 16 : index
    %swap3A_1323 = tpu.vector_load %arg5[%swap3A_1320, %swap3A_1321, %swap3A_1322] {strides = array<i32>} : memref<2x32x64xf32, #tpu.memory_space<vmem>>, vector<16xf32>,
    tpu.vector_store %arg5[%swap3A_1320, %swap3A_1321, %swap3A_1322], %broadcast_in_dim3A_16 {strides = array<i32>} : memref<2x32x64xf32, #tpu.memory_space<vmem>>, vector<16xf32>,
    %swap3A_1324 = arith.constant 1 : i32
    %swap3A_1325 = arith.constant 14 : i32
    %swap3A_1326 = arith.index_cast %swap3A_1324 : i32 to index
    %swap3A_1327 = arith.index_cast %swap3A_1325 : i32 to index
    %swap3A_1328 = arith.constant 32 : index
    %swap3A_1329 = tpu.vector_load %arg5[%swap3A_1326, %swap3A_1327, %swap3A_1328] {strides = array<i32>} : memref<2x32x64xf32, #tpu.memory_space<vmem>>, vector<16xf32>,
    tpu.vector_store %arg5[%swap3A_1326, %swap3A_1327, %swap3A_1328], %broadcast_in_dim3A_16 {strides = array<i32>} : memref<2x32x64xf32, #tpu.memory_space<vmem>>, vector<16xf32>,
    %swap3A_1330 = arith.constant 1 : i32
    %swap3A_1331 = arith.constant 14 : i32
    %swap3A_1332 = arith.index_cast %swap3A_1330 : i32 to index
    %swap3A_1333 = arith.index_cast %swap3A_1331 : i32 to index
    %swap3A_1334 = arith.constant 48 : index
    %swap3A_1335 = tpu.vector_load %arg5[%swap3A_1332, %swap3A_1333, %swap3A_1334] {strides = array<i32>} : memref<2x32x64xf32, #tpu.memory_space<vmem>>, vector<16xf32>,
    tpu.vector_store %arg5[%swap3A_1332, %swap3A_1333, %swap3A_1334], %broadcast_in_dim3A_16 {strides = array<i32>} : memref<2x32x64xf32, #tpu.memory_space<vmem>>, vector<16xf32>,
    %swap3A_1336 = arith.constant 1 : i32
    %swap3A_1337 = arith.constant 15 : i32
    %swap3A_1338 = arith.index_cast %swap3A_1336 : i32 to index
    %swap3A_1339 = arith.index_cast %swap3A_1337 : i32 to index
    %swap3A_1340 = arith.constant 0 : index
    %swap3A_1341 = tpu.vector_load %arg5[%swap3A_1338, %swap3A_1339, %swap3A_1340] {strides = array<i32>} : memref<2x32x64xf32, #tpu.memory_space<vmem>>, vector<16xf32>,
    tpu.vector_store %arg5[%swap3A_1338, %swap3A_1339, %swap3A_1340], %broadcast_in_dim3A_16 {strides = array<i32>} : memref<2x32x64xf32, #tpu.memory_space<vmem>>, vector<16xf32>,
    %swap3A_1342 = arith.constant 1 : i32
    %swap3A_1343 = arith.constant 15 : i32
    %swap3A_1344 = arith.index_cast %swap3A_1342 : i32 to index
    %swap3A_1345 = arith.index_cast %swap3A_1343 : i32 to index
    %swap3A_1346 = arith.constant 16 : index
    %swap3A_1347 = tpu.vector_load %arg5[%swap3A_1344, %swap3A_1345, %swap3A_1346] {strides = array<i32>} : memref<2x32x64xf32, #tpu.memory_space<vmem>>, vector<16xf32>,
    tpu.vector_store %arg5[%swap3A_1344, %swap3A_1345, %swap3A_1346], %broadcast_in_dim3A_16 {strides = array<i32>} : memref<2x32x64xf32, #tpu.memory_space<vmem>>, vector<16xf32>,
    %swap3A_1348 = arith.constant 1 : i32
    %swap3A_1349 = arith.constant 15 : i32
    %swap3A_1350 = arith.index_cast %swap3A_1348 : i32 to index
    %swap3A_1351 = arith.index_cast %swap3A_1349 : i32 to index
    %swap3A_1352 = arith.constant 32 : index
    %swap3A_1353 = tpu.vector_load %arg5[%swap3A_1350, %swap3A_1351, %swap3A_1352] {strides = array<i32>} : memref<2x32x64xf32, #tpu.memory_space<vmem>>, vector<16xf32>,
    tpu.vector_store %arg5[%swap3A_1350, %swap3A_1351, %swap3A_1352], %broadcast_in_dim3A_16 {strides = array<i32>} : memref<2x32x64xf32, #tpu.memory_space<vmem>>, vector<16xf32>,
    %swap3A_1354 = arith.constant 1 : i32
    %swap3A_1355 = arith.constant 15 : i32
    %swap3A_1356 = arith.index_cast %swap3A_1354 : i32 to index
    %swap3A_1357 = arith.index_cast %swap3A_1355 : i32 to index
    %swap3A_1358 = arith.constant 48 : index
    %swap3A_1359 = tpu.vector_load %arg5[%swap3A_1356, %swap3A_1357, %swap3A_1358] {strides = array<i32>} : memref<2x32x64xf32, #tpu.memory_space<vmem>>, vector<16xf32>,
    tpu.vector_store %arg5[%swap3A_1356, %swap3A_1357, %swap3A_1358], %broadcast_in_dim3A_16 {strides = array<i32>} : memref<2x32x64xf32, #tpu.memory_space<vmem>>, vector<16xf32>,
    %swap3A_1360 = arith.constant 1 : i32
    %swap3A_1361 = arith.constant 16 : i32
    %swap3A_1362 = arith.index_cast %swap3A_1360 : i32 to index
    %swap3A_1363 = arith.index_cast %swap3A_1361 : i32 to index
    %swap3A_1364 = arith.constant 0 : index
    %swap3A_1365 = tpu.vector_load %arg5[%swap3A_1362, %swap3A_1363, %swap3A_1364] {strides = array<i32>} : memref<2x32x64xf32, #tpu.memory_space<vmem>>, vector<16xf32>,
    tpu.vector_store %arg5[%swap3A_1362, %swap3A_1363, %swap3A_1364], %broadcast_in_dim3A_16 {strides = array<i32>} : memref<2x32x64xf32, #tpu.memory_space<vmem>>, vector<16xf32>,
    %swap3A_1366 = arith.constant 1 : i32
    %swap3A_1367 = arith.constant 16 : i32
    %swap3A_1368 = arith.index_cast %swap3A_1366 : i32 to index
    %swap3A_1369 = arith.index_cast %swap3A_1367 : i32 to index
    %swap3A_1370 = arith.constant 16 : index
    %swap3A_1371 = tpu.vector_load %arg5[%swap3A_1368, %swap3A_1369, %swap3A_1370] {strides = array<i32>} : memref<2x32x64xf32, #tpu.memory_space<vmem>>, vector<16xf32>,
    tpu.vector_store %arg5[%swap3A_1368, %swap3A_1369, %swap3A_1370], %broadcast_in_dim3A_16 {strides = array<i32>} : memref<2x32x64xf32, #tpu.memory_space<vmem>>, vector<16xf32>,
    %swap3A_1372 = arith.constant 1 : i32
    %swap3A_1373 = arith.constant 16 : i32
    %swap3A_1374 = arith.index_cast %swap3A_1372 : i32 to index
    %swap3A_1375 = arith.index_cast %swap3A_1373 : i32 to index
    %swap3A_1376 = arith.constant 32 : index
    %swap3A_1377 = tpu.vector_load %arg5[%swap3A_1374, %swap3A_1375, %swap3A_1376] {strides = array<i32>} : memref<2x32x64xf32, #tpu.memory_space<vmem>>, vector<16xf32>,
    tpu.vector_store %arg5[%swap3A_1374, %swap3A_1375, %swap3A_1376], %broadcast_in_dim3A_16 {strides = array<i32>} : memref<2x32x64xf32, #tpu.memory_space<vmem>>, vector<16xf32>,
    %swap3A_1378 = arith.constant 1 : i32
    %swap3A_1379 = arith.constant 16 : i32
    %swap3A_1380 = arith.index_cast %swap3A_1378 : i32 to index
    %swap3A_1381 = arith.index_cast %swap3A_1379 : i32 to index
    %swap3A_1382 = arith.constant 48 : index
    %swap3A_1383 = tpu.vector_load %arg5[%swap3A_1380, %swap3A_1381, %swap3A_1382] {strides = array<i32>} : memref<2x32x64xf32, #tpu.memory_space<vmem>>, vector<16xf32>,
    tpu.vector_store %arg5[%swap3A_1380, %swap3A_1381, %swap3A_1382], %broadcast_in_dim3A_16 {strides = array<i32>} : memref<2x32x64xf32, #tpu.memory_space<vmem>>, vector<16xf32>,
    %swap3A_1384 = arith.constant 1 : i32
    %swap3A_1385 = arith.constant 17 : i32
    %swap3A_1386 = arith.index_cast %swap3A_1384 : i32 to index
    %swap3A_1387 = arith.index_cast %swap3A_1385 : i32 to index
    %swap3A_1388 = arith.constant 0 : index
    %swap3A_1389 = tpu.vector_load %arg5[%swap3A_1386, %swap3A_1387, %swap3A_1388] {strides = array<i32>} : memref<2x32x64xf32, #tpu.memory_space<vmem>>, vector<16xf32>,
    tpu.vector_store %arg5[%swap3A_1386, %swap3A_1387, %swap3A_1388], %broadcast_in_dim3A_16 {strides = array<i32>} : memref<2x32x64xf32, #tpu.memory_space<vmem>>, vector<16xf32>,
    %swap3A_1390 = arith.constant 1 : i32
    %swap3A_1391 = arith.constant 17 : i32
    %swap3A_1392 = arith.index_cast %swap3A_1390 : i32 to index
    %swap3A_1393 = arith.index_cast %swap3A_1391 : i32 to index
    %swap3A_1394 = arith.constant 16 : index
    %swap3A_1395 = tpu.vector_load %arg5[%swap3A_1392, %swap3A_1393, %swap3A_1394] {strides = array<i32>} : memref<2x32x64xf32, #tpu.memory_space<vmem>>, vector<16xf32>,
    tpu.vector_store %arg5[%swap3A_1392, %swap3A_1393, %swap3A_1394], %broadcast_in_dim3A_16 {strides = array<i32>} : memref<2x32x64xf32, #tpu.memory_space<vmem>>, vector<16xf32>,
    %swap3A_1396 = arith.constant 1 : i32
    %swap3A_1397 = arith.constant 17 : i32
    %swap3A_1398 = arith.index_cast %swap3A_1396 : i32 to index
    %swap3A_1399 = arith.index_cast %swap3A_1397 : i32 to index
    %swap3A_1400 = arith.constant 32 : index
    %swap3A_1401 = tpu.vector_load %arg5[%swap3A_1398, %swap3A_1399, %swap3A_1400] {strides = array<i32>} : memref<2x32x64xf32, #tpu.memory_space<vmem>>, vector<16xf32>,
    tpu.vector_store %arg5[%swap3A_1398, %swap3A_1399, %swap3A_1400], %broadcast_in_dim3A_16 {strides = array<i32>} : memref<2x32x64xf32, #tpu.memory_space<vmem>>, vector<16xf32>,
    %swap3A_1402 = arith.constant 1 : i32
    %swap3A_1403 = arith.constant 17 : i32
    %swap3A_1404 = arith.index_cast %swap3A_1402 : i32 to index
    %swap3A_1405 = arith.index_cast %swap3A_1403 : i32 to index
    %swap3A_1406 = arith.constant 48 : index
    %swap3A_1407 = tpu.vector_load %arg5[%swap3A_1404, %swap3A_1405, %swap3A_1406] {strides = array<i32>} : memref<2x32x64xf32, #tpu.memory_space<vmem>>, vector<16xf32>,
    tpu.vector_store %arg5[%swap3A_1404, %swap3A_1405, %swap3A_1406], %broadcast_in_dim3A_16 {strides = array<i32>} : memref<2x32x64xf32, #tpu.memory_space<vmem>>, vector<16xf32>,
    %swap3A_1408 = arith.constant 1 : i32
    %swap3A_1409 = arith.constant 18 : i32
    %swap3A_1410 = arith.index_cast %swap3A_1408 : i32 to index
    %swap3A_1411 = arith.index_cast %swap3A_1409 : i32 to index
    %swap3A_1412 = arith.constant 0 : index
    %swap3A_1413 = tpu.vector_load %arg5[%swap3A_1410, %swap3A_1411, %swap3A_1412] {strides = array<i32>} : memref<2x32x64xf32, #tpu.memory_space<vmem>>, vector<16xf32>,
    tpu.vector_store %arg5[%swap3A_1410, %swap3A_1411, %swap3A_1412], %broadcast_in_dim3A_16 {strides = array<i32>} : memref<2x32x64xf32, #tpu.memory_space<vmem>>, vector<16xf32>,
    %swap3A_1414 = arith.constant 1 : i32
    %swap3A_1415 = arith.constant 18 : i32
    %swap3A_1416 = arith.index_cast %swap3A_1414 : i32 to index
    %swap3A_1417 = arith.index_cast %swap3A_1415 : i32 to index
    %swap3A_1418 = arith.constant 16 : index
    %swap3A_1419 = tpu.vector_load %arg5[%swap3A_1416, %swap3A_1417, %swap3A_1418] {strides = array<i32>} : memref<2x32x64xf32, #tpu.memory_space<vmem>>, vector<16xf32>,
    tpu.vector_store %arg5[%swap3A_1416, %swap3A_1417, %swap3A_1418], %broadcast_in_dim3A_16 {strides = array<i32>} : memref<2x32x64xf32, #tpu.memory_space<vmem>>, vector<16xf32>,
    %swap3A_1420 = arith.constant 1 : i32
    %swap3A_1421 = arith.constant 18 : i32
    %swap3A_1422 = arith.index_cast %swap3A_1420 : i32 to index
    %swap3A_1423 = arith.index_cast %swap3A_1421 : i32 to index
    %swap3A_1424 = arith.constant 32 : index
    %swap3A_1425 = tpu.vector_load %arg5[%swap3A_1422, %swap3A_1423, %swap3A_1424] {strides = array<i32>} : memref<2x32x64xf32, #tpu.memory_space<vmem>>, vector<16xf32>,
    tpu.vector_store %arg5[%swap3A_1422, %swap3A_1423, %swap3A_1424], %broadcast_in_dim3A_16 {strides = array<i32>} : memref<2x32x64xf32, #tpu.memory_space<vmem>>, vector<16xf32>,
    %swap3A_1426 = arith.constant 1 : i32
    %swap3A_1427 = arith.constant 18 : i32
    %swap3A_1428 = arith.index_cast %swap3A_1426 : i32 to index
    %swap3A_1429 = arith.index_cast %swap3A_1427 : i32 to index
    %swap3A_1430 = arith.constant 48 : index
    %swap3A_1431 = tpu.vector_load %arg5[%swap3A_1428, %swap3A_1429, %swap3A_1430] {strides = array<i32>} : memref<2x32x64xf32, #tpu.memory_space<vmem>>, vector<16xf32>,
    tpu.vector_store %arg5[%swap3A_1428, %swap3A_1429, %swap3A_1430], %broadcast_in_dim3A_16 {strides = array<i32>} : memref<2x32x64xf32, #tpu.memory_space<vmem>>, vector<16xf32>,
    %swap3A_1432 = arith.constant 1 : i32
    %swap3A_1433 = arith.constant 19 : i32
    %swap3A_1434 = arith.index_cast %swap3A_1432 : i32 to index
    %swap3A_1435 = arith.index_cast %swap3A_1433 : i32 to index
    %swap3A_1436 = arith.constant 0 : index
    %swap3A_1437 = tpu.vector_load %arg5[%swap3A_1434, %swap3A_1435, %swap3A_1436] {strides = array<i32>} : memref<2x32x64xf32, #tpu.memory_space<vmem>>, vector<16xf32>,
    tpu.vector_store %arg5[%swap3A_1434, %swap3A_1435, %swap3A_1436], %broadcast_in_dim3A_16 {strides = array<i32>} : memref<2x32x64xf32, #tpu.memory_space<vmem>>, vector<16xf32>,
    %swap3A_1438 = arith.constant 1 : i32
    %swap3A_1439 = arith.constant 19 : i32
    %swap3A_1440 = arith.index_cast %swap3A_1438 : i32 to index
    %swap3A_1441 = arith.index_cast %swap3A_1439 : i32 to index
    %swap3A_1442 = arith.constant 16 : index
    %swap3A_1443 = tpu.vector_load %arg5[%swap3A_1440, %swap3A_1441, %swap3A_1442] {strides = array<i32>} : memref<2x32x64xf32, #tpu.memory_space<vmem>>, vector<16xf32>,
    tpu.vector_store %arg5[%swap3A_1440, %swap3A_1441, %swap3A_1442], %broadcast_in_dim3A_16 {strides = array<i32>} : memref<2x32x64xf32, #tpu.memory_space<vmem>>, vector<16xf32>,
    %swap3A_1444 = arith.constant 1 : i32
    %swap3A_1445 = arith.constant 19 : i32
    %swap3A_1446 = arith.index_cast %swap3A_1444 : i32 to index
    %swap3A_1447 = arith.index_cast %swap3A_1445 : i32 to index
    %swap3A_1448 = arith.constant 32 : index
    %swap3A_1449 = tpu.vector_load %arg5[%swap3A_1446, %swap3A_1447, %swap3A_1448] {strides = array<i32>} : memref<2x32x64xf32, #tpu.memory_space<vmem>>, vector<16xf32>,
    tpu.vector_store %arg5[%swap3A_1446, %swap3A_1447, %swap3A_1448], %broadcast_in_dim3A_16 {strides = array<i32>} : memref<2x32x64xf32, #tpu.memory_space<vmem>>, vector<16xf32>,
    %swap3A_1450 = arith.constant 1 : i32
    %swap3A_1451 = arith.constant 19 : i32
    %swap3A_1452 = arith.index_cast %swap3A_1450 : i32 to index
    %swap3A_1453 = arith.index_cast %swap3A_1451 : i32 to index
    %swap3A_1454 = arith.constant 48 : index
    %swap3A_1455 = tpu.vector_load %arg5[%swap3A_1452, %swap3A_1453, %swap3A_1454] {strides = array<i32>} : memref<2x32x64xf32, #tpu.memory_space<vmem>>, vector<16xf32>,
    tpu.vector_store %arg5[%swap3A_1452, %swap3A_1453, %swap3A_1454], %broadcast_in_dim3A_16 {strides = array<i32>} : memref<2x32x64xf32, #tpu.memory_space<vmem>>, vector<16xf32>,
    %swap3A_1456 = arith.constant 1 : i32
    %swap3A_1457 = arith.constant 20 : i32
    %swap3A_1458 = arith.index_cast %swap3A_1456 : i32 to index
    %swap3A_1459 = arith.index_cast %swap3A_1457 : i32 to index
    %swap3A_1460 = arith.constant 0 : index
    %swap3A_1461 = tpu.vector_load %arg5[%swap3A_1458, %swap3A_1459, %swap3A_1460] {strides = array<i32>} : memref<2x32x64xf32, #tpu.memory_space<vmem>>, vector<16xf32>,
    tpu.vector_store %arg5[%swap3A_1458, %swap3A_1459, %swap3A_1460], %broadcast_in_dim3A_16 {strides = array<i32>} : memref<2x32x64xf32, #tpu.memory_space<vmem>>, vector<16xf32>,
    %swap3A_1462 = arith.constant 1 : i32
    %swap3A_1463 = arith.constant 20 : i32
    %swap3A_1464 = arith.index_cast %swap3A_1462 : i32 to index
    %swap3A_1465 = arith.index_cast %swap3A_1463 : i32 to index
    %swap3A_1466 = arith.constant 16 : index
    %swap3A_1467 = tpu.vector_load %arg5[%swap3A_1464, %swap3A_1465, %swap3A_1466] {strides = array<i32>} : memref<2x32x64xf32, #tpu.memory_space<vmem>>, vector<16xf32>,
    tpu.vector_store %arg5[%swap3A_1464, %swap3A_1465, %swap3A_1466], %broadcast_in_dim3A_16 {strides = array<i32>} : memref<2x32x64xf32, #tpu.memory_space<vmem>>, vector<16xf32>,
    %swap3A_1468 = arith.constant 1 : i32
    %swap3A_1469 = arith.constant 20 : i32
    %swap3A_1470 = arith.index_cast %swap3A_1468 : i32 to index
    %swap3A_1471 = arith.index_cast %swap3A_1469 : i32 to index
    %swap3A_1472 = arith.constant 32 : index
    %swap3A_1473 = tpu.vector_load %arg5[%swap3A_1470, %swap3A_1471, %swap3A_1472] {strides = array<i32>} : memref<2x32x64xf32, #tpu.memory_space<vmem>>, vector<16xf32>,
    tpu.vector_store %arg5[%swap3A_1470, %swap3A_1471, %swap3A_1472], %broadcast_in_dim3A_16 {strides = array<i32>} : memref<2x32x64xf32, #tpu.memory_space<vmem>>, vector<16xf32>,
    %swap3A_1474 = arith.constant 1 : i32
    %swap3A_1475 = arith.constant 20 : i32
    %swap3A_1476 = arith.index_cast %swap3A_1474 : i32 to index
    %swap3A_1477 = arith.index_cast %swap3A_1475 : i32 to index
    %swap3A_1478 = arith.constant 48 : index
    %swap3A_1479 = tpu.vector_load %arg5[%swap3A_1476, %swap3A_1477, %swap3A_1478] {strides = array<i32>} : memref<2x32x64xf32, #tpu.memory_space<vmem>>, vector<16xf32>,
    tpu.vector_store %arg5[%swap3A_1476, %swap3A_1477, %swap3A_1478], %broadcast_in_dim3A_16 {strides = array<i32>} : memref<2x32x64xf32, #tpu.memory_space<vmem>>, vector<16xf32>,
    %swap3A_1480 = arith.constant 1 : i32
    %swap3A_1481 = arith.constant 21 : i32
    %swap3A_1482 = arith.index_cast %swap3A_1480 : i32 to index
    %swap3A_1483 = arith.index_cast %swap3A_1481 : i32 to index
    %swap3A_1484 = arith.constant 0 : index
    %swap3A_1485 = tpu.vector_load %arg5[%swap3A_1482, %swap3A_1483, %swap3A_1484] {strides = array<i32>} : memref<2x32x64xf32, #tpu.memory_space<vmem>>, vector<16xf32>,
    tpu.vector_store %arg5[%swap3A_1482, %swap3A_1483, %swap3A_1484], %broadcast_in_dim3A_16 {strides = array<i32>} : memref<2x32x64xf32, #tpu.memory_space<vmem>>, vector<16xf32>,
    %swap3A_1486 = arith.constant 1 : i32
    %swap3A_1487 = arith.constant 21 : i32
    %swap3A_1488 = arith.index_cast %swap3A_1486 : i32 to index
    %swap3A_1489 = arith.index_cast %swap3A_1487 : i32 to index
    %swap3A_1490 = arith.constant 16 : index
    %swap3A_1491 = tpu.vector_load %arg5[%swap3A_1488, %swap3A_1489, %swap3A_1490] {strides = array<i32>} : memref<2x32x64xf32, #tpu.memory_space<vmem>>, vector<16xf32>,
    tpu.vector_store %arg5[%swap3A_1488, %swap3A_1489, %swap3A_1490], %broadcast_in_dim3A_16 {strides = array<i32>} : memref<2x32x64xf32, #tpu.memory_space<vmem>>, vector<16xf32>,
    %swap3A_1492 = arith.constant 1 : i32
    %swap3A_1493 = arith.constant 21 : i32
    %swap3A_1494 = arith.index_cast %swap3A_1492 : i32 to index
    %swap3A_1495 = arith.index_cast %swap3A_1493 : i32 to index
    %swap3A_1496 = arith.constant 32 : index
    %swap3A_1497 = tpu.vector_load %arg5[%swap3A_1494, %swap3A_1495, %swap3A_1496] {strides = array<i32>} : memref<2x32x64xf32, #tpu.memory_space<vmem>>, vector<16xf32>,
    tpu.vector_store %arg5[%swap3A_1494, %swap3A_1495, %swap3A_1496], %broadcast_in_dim3A_16 {strides = array<i32>} : memref<2x32x64xf32, #tpu.memory_space<vmem>>, vector<16xf32>,
    %swap3A_1498 = arith.constant 1 : i32
    %swap3A_1499 = arith.constant 21 : i32
    %swap3A_1500 = arith.index_cast %swap3A_1498 : i32 to index
    %swap3A_1501 = arith.index_cast %swap3A_1499 : i32 to index
    %swap3A_1502 = arith.constant 48 : index
    %swap3A_1503 = tpu.vector_load %arg5[%swap3A_1500, %swap3A_1501, %swap3A_1502] {strides = array<i32>} : memref<2x32x64xf32, #tpu.memory_space<vmem>>, vector<16xf32>,
    tpu.vector_store %arg5[%swap3A_1500, %swap3A_1501, %swap3A_1502], %broadcast_in_dim3A_16 {strides = array<i32>} : memref<2x32x64xf32, #tpu.memory_space<vmem>>, vector<16xf32>,
    %swap3A_1504 = arith.constant 1 : i32
    %swap3A_1505 = arith.constant 22 : i32
    %swap3A_1506 = arith.index_cast %swap3A_1504 : i32 to index
    %swap3A_1507 = arith.index_cast %swap3A_1505 : i32 to index
    %swap3A_1508 = arith.constant 0 : index
    %swap3A_1509 = tpu.vector_load %arg5[%swap3A_1506, %swap3A_1507, %swap3A_1508] {strides = array<i32>} : memref<2x32x64xf32, #tpu.memory_space<vmem>>, vector<16xf32>,
    tpu.vector_store %arg5[%swap3A_1506, %swap3A_1507, %swap3A_1508], %broadcast_in_dim3A_16 {strides = array<i32>} : memref<2x32x64xf32, #tpu.memory_space<vmem>>, vector<16xf32>,
    %swap3A_1510 = arith.constant 1 : i32
    %swap3A_1511 = arith.constant 22 : i32
    %swap3A_1512 = arith.index_cast %swap3A_1510 : i32 to index
    %swap3A_1513 = arith.index_cast %swap3A_1511 : i32 to index
    %swap3A_1514 = arith.constant 16 : index
    %swap3A_1515 = tpu.vector_load %arg5[%swap3A_1512, %swap3A_1513, %swap3A_1514] {strides = array<i32>} : memref<2x32x64xf32, #tpu.memory_space<vmem>>, vector<16xf32>,
    tpu.vector_store %arg5[%swap3A_1512, %swap3A_1513, %swap3A_1514], %broadcast_in_dim3A_16 {strides = array<i32>} : memref<2x32x64xf32, #tpu.memory_space<vmem>>, vector<16xf32>,
    %swap3A_1516 = arith.constant 1 : i32
    %swap3A_1517 = arith.constant 22 : i32
    %swap3A_1518 = arith.index_cast %swap3A_1516 : i32 to index
    %swap3A_1519 = arith.index_cast %swap3A_1517 : i32 to index
    %swap3A_1520 = arith.constant 32 : index
    %swap3A_1521 = tpu.vector_load %arg5[%swap3A_1518, %swap3A_1519, %swap3A_1520] {strides = array<i32>} : memref<2x32x64xf32, #tpu.memory_space<vmem>>, vector<16xf32>,
    tpu.vector_store %arg5[%swap3A_1518, %swap3A_1519, %swap3A_1520], %broadcast_in_dim3A_16 {strides = array<i32>} : memref<2x32x64xf32, #tpu.memory_space<vmem>>, vector<16xf32>,
    %swap3A_1522 = arith.constant 1 : i32
    %swap3A_1523 = arith.constant 22 : i32
    %swap3A_1524 = arith.index_cast %swap3A_1522 : i32 to index
    %swap3A_1525 = arith.index_cast %swap3A_1523 : i32 to index
    %swap3A_1526 = arith.constant 48 : index
    %swap3A_1527 = tpu.vector_load %arg5[%swap3A_1524, %swap3A_1525, %swap3A_1526] {strides = array<i32>} : memref<2x32x64xf32, #tpu.memory_space<vmem>>, vector<16xf32>,
    tpu.vector_store %arg5[%swap3A_1524, %swap3A_1525, %swap3A_1526], %broadcast_in_dim3A_16 {strides = array<i32>} : memref<2x32x64xf32, #tpu.memory_space<vmem>>, vector<16xf32>,
    %swap3A_1528 = arith.constant 1 : i32
    %swap3A_1529 = arith.constant 23 : i32
    %swap3A_1530 = arith.index_cast %swap3A_1528 : i32 to index
    %swap3A_1531 = arith.index_cast %swap3A_1529 : i32 to index
    %swap3A_1532 = arith.constant 0 : index
    %swap3A_1533 = tpu.vector_load %arg5[%swap3A_1530, %swap3A_1531, %swap3A_1532] {strides = array<i32>} : memref<2x32x64xf32, #tpu.memory_space<vmem>>, vector<16xf32>,
    tpu.vector_store %arg5[%swap3A_1530, %swap3A_1531, %swap3A_1532], %broadcast_in_dim3A_16 {strides = array<i32>} : memref<2x32x64xf32, #tpu.memory_space<vmem>>, vector<16xf32>,
    %swap3A_1534 = arith.constant 1 : i32
    %swap3A_1535 = arith.constant 23 : i32
    %swap3A_1536 = arith.index_cast %swap3A_1534 : i32 to index
    %swap3A_1537 = arith.index_cast %swap3A_1535 : i32 to index
    %swap3A_1538 = arith.constant 16 : index
    %swap3A_1539 = tpu.vector_load %arg5[%swap3A_1536, %swap3A_1537, %swap3A_1538] {strides = array<i32>} : memref<2x32x64xf32, #tpu.memory_space<vmem>>, vector<16xf32>,
    tpu.vector_store %arg5[%swap3A_1536, %swap3A_1537, %swap3A_1538], %broadcast_in_dim3A_16 {strides = array<i32>} : memref<2x32x64xf32, #tpu.memory_space<vmem>>, vector<16xf32>,
    %swap3A_1540 = arith.constant 1 : i32
    %swap3A_1541 = arith.constant 23 : i32
    %swap3A_1542 = arith.index_cast %swap3A_1540 : i32 to index
    %swap3A_1543 = arith.index_cast %swap3A_1541 : i32 to index
    %swap3A_1544 = arith.constant 32 : index
    %swap3A_1545 = tpu.vector_load %arg5[%swap3A_1542, %swap3A_1543, %swap3A_1544] {strides = array<i32>} : memref<2x32x64xf32, #tpu.memory_space<vmem>>, vector<16xf32>,
    tpu.vector_store %arg5[%swap3A_1542, %swap3A_1543, %swap3A_1544], %broadcast_in_dim3A_16 {strides = array<i32>} : memref<2x32x64xf32, #tpu.memory_space<vmem>>, vector<16xf32>,
    %swap3A_1546 = arith.constant 1 : i32
    %swap3A_1547 = arith.constant 23 : i32
    %swap3A_1548 = arith.index_cast %swap3A_1546 : i32 to index
    %swap3A_1549 = arith.index_cast %swap3A_1547 : i32 to index
    %swap3A_1550 = arith.constant 48 : index
    %swap3A_1551 = tpu.vector_load %arg5[%swap3A_1548, %swap3A_1549, %swap3A_1550] {strides = array<i32>} : memref<2x32x64xf32, #tpu.memory_space<vmem>>, vector<16xf32>,
    tpu.vector_store %arg5[%swap3A_1548, %swap3A_1549, %swap3A_1550], %broadcast_in_dim3A_16 {strides = array<i32>} : memref<2x32x64xf32, #tpu.memory_space<vmem>>, vector<16xf32>,
    %swap3A_1552 = arith.constant 1 : i32
    %swap3A_1553 = arith.constant 24 : i32
    %swap3A_1554 = arith.index_cast %swap3A_1552 : i32 to index
    %swap3A_1555 = arith.index_cast %swap3A_1553 : i32 to index
    %swap3A_1556 = arith.constant 0 : index
    %swap3A_1557 = tpu.vector_load %arg5[%swap3A_1554, %swap3A_1555, %swap3A_1556] {strides = array<i32>} : memref<2x32x64xf32, #tpu.memory_space<vmem>>, vector<16xf32>,
    tpu.vector_store %arg5[%swap3A_1554, %swap3A_1555, %swap3A_1556], %broadcast_in_dim3A_16 {strides = array<i32>} : memref<2x32x64xf32, #tpu.memory_space<vmem>>, vector<16xf32>,
    %swap3A_1558 = arith.constant 1 : i32
    %swap3A_1559 = arith.constant 24 : i32
    %swap3A_1560 = arith.index_cast %swap3A_1558 : i32 to index
    %swap3A_1561 = arith.index_cast %swap3A_1559 : i32 to index
    %swap3A_1562 = arith.constant 16 : index
    %swap3A_1563 = tpu.vector_load %arg5[%swap3A_1560, %swap3A_1561, %swap3A_1562] {strides = array<i32>} : memref<2x32x64xf32, #tpu.memory_space<vmem>>, vector<16xf32>,
    tpu.vector_store %arg5[%swap3A_1560, %swap3A_1561, %swap3A_1562], %broadcast_in_dim3A_16 {strides = array<i32>} : memref<2x32x64xf32, #tpu.memory_space<vmem>>, vector<16xf32>,
    %swap3A_1564 = arith.constant 1 : i32
    %swap3A_1565 = arith.constant 24 : i32
    %swap3A_1566 = arith.index_cast %swap3A_1564 : i32 to index
    %swap3A_1567 = arith.index_cast %swap3A_1565 : i32 to index
    %swap3A_1568 = arith.constant 32 : index
    %swap3A_1569 = tpu.vector_load %arg5[%swap3A_1566, %swap3A_1567, %swap3A_1568] {strides = array<i32>} : memref<2x32x64xf32, #tpu.memory_space<vmem>>, vector<16xf32>,
    tpu.vector_store %arg5[%swap3A_1566, %swap3A_1567, %swap3A_1568], %broadcast_in_dim3A_16 {strides = array<i32>} : memref<2x32x64xf32, #tpu.memory_space<vmem>>, vector<16xf32>,
    %swap3A_1570 = arith.constant 1 : i32
    %swap3A_1571 = arith.constant 24 : i32
    %swap3A_1572 = arith.index_cast %swap3A_1570 : i32 to index
    %swap3A_1573 = arith.index_cast %swap3A_1571 : i32 to index
    %swap3A_1574 = arith.constant 48 : index
    %swap3A_1575 = tpu.vector_load %arg5[%swap3A_1572, %swap3A_1573, %swap3A_1574] {strides = array<i32>} : memref<2x32x64xf32, #tpu.memory_space<vmem>>, vector<16xf32>,
    tpu.vector_store %arg5[%swap3A_1572, %swap3A_1573, %swap3A_1574], %broadcast_in_dim3A_16 {strides = array<i32>} : memref<2x32x64xf32, #tpu.memory_space<vmem>>, vector<16xf32>,
    %swap3A_1576 = arith.constant 1 : i32
    %swap3A_1577 = arith.constant 25 : i32
    %swap3A_1578 = arith.index_cast %swap3A_1576 : i32 to index
    %swap3A_1579 = arith.index_cast %swap3A_1577 : i32 to index
    %swap3A_1580 = arith.constant 0 : index
    %swap3A_1581 = tpu.vector_load %arg5[%swap3A_1578, %swap3A_1579, %swap3A_1580] {strides = array<i32>} : memref<2x32x64xf32, #tpu.memory_space<vmem>>, vector<16xf32>,
    tpu.vector_store %arg5[%swap3A_1578, %swap3A_1579, %swap3A_1580], %broadcast_in_dim3A_16 {strides = array<i32>} : memref<2x32x64xf32, #tpu.memory_space<vmem>>, vector<16xf32>,
    %swap3A_1582 = arith.constant 1 : i32
    %swap3A_1583 = arith.constant 25 : i32
    %swap3A_1584 = arith.index_cast %swap3A_1582 : i32 to index
    %swap3A_1585 = arith.index_cast %swap3A_1583 : i32 to index
    %swap3A_1586 = arith.constant 16 : index
    %swap3A_1587 = tpu.vector_load %arg5[%swap3A_1584, %swap3A_1585, %swap3A_1586] {strides = array<i32>} : memref<2x32x64xf32, #tpu.memory_space<vmem>>, vector<16xf32>,
    tpu.vector_store %arg5[%swap3A_1584, %swap3A_1585, %swap3A_1586], %broadcast_in_dim3A_16 {strides = array<i32>} : memref<2x32x64xf32, #tpu.memory_space<vmem>>, vector<16xf32>,
    %swap3A_1588 = arith.constant 1 : i32
    %swap3A_1589 = arith.constant 25 : i32
    %swap3A_1590 = arith.index_cast %swap3A_1588 : i32 to index
    %swap3A_1591 = arith.index_cast %swap3A_1589 : i32 to index
    %swap3A_1592 = arith.constant 32 : index
    %swap3A_1593 = tpu.vector_load %arg5[%swap3A_1590, %swap3A_1591, %swap3A_1592] {strides = array<i32>} : memref<2x32x64xf32, #tpu.memory_space<vmem>>, vector<16xf32>,
    tpu.vector_store %arg5[%swap3A_1590, %swap3A_1591, %swap3A_1592], %broadcast_in_dim3A_16 {strides = array<i32>} : memref<2x32x64xf32, #tpu.memory_space<vmem>>, vector<16xf32>,
    %swap3A_1594 = arith.constant 1 : i32
    %swap3A_1595 = arith.constant 25 : i32
    %swap3A_1596 = arith.index_cast %swap3A_1594 : i32 to index
    %swap3A_1597 = arith.index_cast %swap3A_1595 : i32 to index
    %swap3A_1598 = arith.constant 48 : index
    %swap3A_1599 = tpu.vector_load %arg5[%swap3A_1596, %swap3A_1597, %swap3A_1598] {strides = array<i32>} : memref<2x32x64xf32, #tpu.memory_space<vmem>>, vector<16xf32>,
    tpu.vector_store %arg5[%swap3A_1596, %swap3A_1597, %swap3A_1598], %broadcast_in_dim3A_16 {strides = array<i32>} : memref<2x32x64xf32, #tpu.memory_space<vmem>>, vector<16xf32>,
    %swap3A_1600 = arith.constant 1 : i32
    %swap3A_1601 = arith.constant 26 : i32
    %swap3A_1602 = arith.index_cast %swap3A_1600 : i32 to index
    %swap3A_1603 = arith.index_cast %swap3A_1601 : i32 to index
    %swap3A_1604 = arith.constant 0 : index
    %swap3A_1605 = tpu.vector_load %arg5[%swap3A_1602, %swap3A_1603, %swap3A_1604] {strides = array<i32>} : memref<2x32x64xf32, #tpu.memory_space<vmem>>, vector<16xf32>,
    tpu.vector_store %arg5[%swap3A_1602, %swap3A_1603, %swap3A_1604], %broadcast_in_dim3A_16 {strides = array<i32>} : memref<2x32x64xf32, #tpu.memory_space<vmem>>, vector<16xf32>,
    %swap3A_1606 = arith.constant 1 : i32
    %swap3A_1607 = arith.constant 26 : i32
    %swap3A_1608 = arith.index_cast %swap3A_1606 : i32 to index
    %swap3A_1609 = arith.index_cast %swap3A_1607 : i32 to index
    %swap3A_1610 = arith.constant 16 : index
    %swap3A_1611 = tpu.vector_load %arg5[%swap3A_1608, %swap3A_1609, %swap3A_1610] {strides = array<i32>} : memref<2x32x64xf32, #tpu.memory_space<vmem>>, vector<16xf32>,
    tpu.vector_store %arg5[%swap3A_1608, %swap3A_1609, %swap3A_1610], %broadcast_in_dim3A_16 {strides = array<i32>} : memref<2x32x64xf32, #tpu.memory_space<vmem>>, vector<16xf32>,
    %swap3A_1612 = arith.constant 1 : i32
    %swap3A_1613 = arith.constant 26 : i32
    %swap3A_1614 = arith.index_cast %swap3A_1612 : i32 to index
    %swap3A_1615 = arith.index_cast %swap3A_1613 : i32 to index
    %swap3A_1616 = arith.constant 32 : index
    %swap3A_1617 = tpu.vector_load %arg5[%swap3A_1614, %swap3A_1615, %swap3A_1616] {strides = array<i32>} : memref<2x32x64xf32, #tpu.memory_space<vmem>>, vector<16xf32>,
    tpu.vector_store %arg5[%swap3A_1614, %swap3A_1615, %swap3A_1616], %broadcast_in_dim3A_16 {strides = array<i32>} : memref<2x32x64xf32, #tpu.memory_space<vmem>>, vector<16xf32>,
    %swap3A_1618 = arith.constant 1 : i32
    %swap3A_1619 = arith.constant 26 : i32
    %swap3A_1620 = arith.index_cast %swap3A_1618 : i32 to index
    %swap3A_1621 = arith.index_cast %swap3A_1619 : i32 to index
    %swap3A_1622 = arith.constant 48 : index
    %swap3A_1623 = tpu.vector_load %arg5[%swap3A_1620, %swap3A_1621, %swap3A_1622] {strides = array<i32>} : memref<2x32x64xf32, #tpu.memory_space<vmem>>, vector<16xf32>,
    tpu.vector_store %arg5[%swap3A_1620, %swap3A_1621, %swap3A_1622], %broadcast_in_dim3A_16 {strides = array<i32>} : memref<2x32x64xf32, #tpu.memory_space<vmem>>, vector<16xf32>,
    %swap3A_1624 = arith.constant 1 : i32
    %swap3A_1625 = arith.constant 27 : i32
    %swap3A_1626 = arith.index_cast %swap3A_1624 : i32 to index
    %swap3A_1627 = arith.index_cast %swap3A_1625 : i32 to index
    %swap3A_1628 = arith.constant 0 : index
    %swap3A_1629 = tpu.vector_load %arg5[%swap3A_1626, %swap3A_1627, %swap3A_1628] {strides = array<i32>} : memref<2x32x64xf32, #tpu.memory_space<vmem>>, vector<16xf32>,
    tpu.vector_store %arg5[%swap3A_1626, %swap3A_1627, %swap3A_1628], %broadcast_in_dim3A_16 {strides = array<i32>} : memref<2x32x64xf32, #tpu.memory_space<vmem>>, vector<16xf32>,
    %swap3A_1630 = arith.constant 1 : i32
    %swap3A_1631 = arith.constant 27 : i32
    %swap3A_1632 = arith.index_cast %swap3A_1630 : i32 to index
    %swap3A_1633 = arith.index_cast %swap3A_1631 : i32 to index
    %swap3A_1634 = arith.constant 16 : index
    %swap3A_1635 = tpu.vector_load %arg5[%swap3A_1632, %swap3A_1633, %swap3A_1634] {strides = array<i32>} : memref<2x32x64xf32, #tpu.memory_space<vmem>>, vector<16xf32>,
    tpu.vector_store %arg5[%swap3A_1632, %swap3A_1633, %swap3A_1634], %broadcast_in_dim3A_16 {strides = array<i32>} : memref<2x32x64xf32, #tpu.memory_space<vmem>>, vector<16xf32>,
    %swap3A_1636 = arith.constant 1 : i32
    %swap3A_1637 = arith.constant 27 : i32
    %swap3A_1638 = arith.index_cast %swap3A_1636 : i32 to index
    %swap3A_1639 = arith.index_cast %swap3A_1637 : i32 to index
    %swap3A_1640 = arith.constant 32 : index
    %swap3A_1641 = tpu.vector_load %arg5[%swap3A_1638, %swap3A_1639, %swap3A_1640] {strides = array<i32>} : memref<2x32x64xf32, #tpu.memory_space<vmem>>, vector<16xf32>,
    tpu.vector_store %arg5[%swap3A_1638, %swap3A_1639, %swap3A_1640], %broadcast_in_dim3A_16 {strides = array<i32>} : memref<2x32x64xf32, #tpu.memory_space<vmem>>, vector<16xf32>,
    %swap3A_1642 = arith.constant 1 : i32
    %swap3A_1643 = arith.constant 27 : i32
    %swap3A_1644 = arith.index_cast %swap3A_1642 : i32 to index
    %swap3A_1645 = arith.index_cast %swap3A_1643 : i32 to index
    %swap3A_1646 = arith.constant 48 : index
    %swap3A_1647 = tpu.vector_load %arg5[%swap3A_1644, %swap3A_1645, %swap3A_1646] {strides = array<i32>} : memref<2x32x64xf32, #tpu.memory_space<vmem>>, vector<16xf32>,
    tpu.vector_store %arg5[%swap3A_1644, %swap3A_1645, %swap3A_1646], %broadcast_in_dim3A_16 {strides = array<i32>} : memref<2x32x64xf32, #tpu.memory_space<vmem>>, vector<16xf32>,
    %swap3A_1648 = arith.constant 1 : i32
    %swap3A_1649 = arith.constant 28 : i32
    %swap3A_1650 = arith.index_cast %swap3A_1648 : i32 to index
    %swap3A_1651 = arith.index_cast %swap3A_1649 : i32 to index
    %swap3A_1652 = arith.constant 0 : index
    %swap3A_1653 = tpu.vector_load %arg5[%swap3A_1650, %swap3A_1651, %swap3A_1652] {strides = array<i32>} : memref<2x32x64xf32, #tpu.memory_space<vmem>>, vector<16xf32>,
    tpu.vector_store %arg5[%swap3A_1650, %swap3A_1651, %swap3A_1652], %broadcast_in_dim3A_16 {strides = array<i32>} : memref<2x32x64xf32, #tpu.memory_space<vmem>>, vector<16xf32>,
    %swap3A_1654 = arith.constant 1 : i32
    %swap3A_1655 = arith.constant 28 : i32
    %swap3A_1656 = arith.index_cast %swap3A_1654 : i32 to index
    %swap3A_1657 = arith.index_cast %swap3A_1655 : i32 to index
    %swap3A_1658 = arith.constant 16 : index
    %swap3A_1659 = tpu.vector_load %arg5[%swap3A_1656, %swap3A_1657, %swap3A_1658] {strides = array<i32>} : memref<2x32x64xf32, #tpu.memory_space<vmem>>, vector<16xf32>,
    tpu.vector_store %arg5[%swap3A_1656, %swap3A_1657, %swap3A_1658], %broadcast_in_dim3A_16 {strides = array<i32>} : memref<2x32x64xf32, #tpu.memory_space<vmem>>, vector<16xf32>,
    %swap3A_1660 = arith.constant 1 : i32
    %swap3A_1661 = arith.constant 28 : i32
    %swap3A_1662 = arith.index_cast %swap3A_1660 : i32 to index
    %swap3A_1663 = arith.index_cast %swap3A_1661 : i32 to index
    %swap3A_1664 = arith.constant 32 : index
    %swap3A_1665 = tpu.vector_load %arg5[%swap3A_1662, %swap3A_1663, %swap3A_1664] {strides = array<i32>} : memref<2x32x64xf32, #tpu.memory_space<vmem>>, vector<16xf32>,
    tpu.vector_store %arg5[%swap3A_1662, %swap3A_1663, %swap3A_1664], %broadcast_in_dim3A_16 {strides = array<i32>} : memref<2x32x64xf32, #tpu.memory_space<vmem>>, vector<16xf32>,
    %swap3A_1666 = arith.constant 1 : i32
    %swap3A_1667 = arith.constant 28 : i32
    %swap3A_1668 = arith.index_cast %swap3A_1666 : i32 to index
    %swap3A_1669 = arith.index_cast %swap3A_1667 : i32 to index
    %swap3A_1670 = arith.constant 48 : index
    %swap3A_1671 = tpu.vector_load %arg5[%swap3A_1668, %swap3A_1669, %swap3A_1670] {strides = array<i32>} : memref<2x32x64xf32, #tpu.memory_space<vmem>>, vector<16xf32>,
    tpu.vector_store %arg5[%swap3A_1668, %swap3A_1669, %swap3A_1670], %broadcast_in_dim3A_16 {strides = array<i32>} : memref<2x32x64xf32, #tpu.memory_space<vmem>>, vector<16xf32>,
    %swap3A_1672 = arith.constant 1 : i32
    %swap3A_1673 = arith.constant 29 : i32
    %swap3A_1674 = arith.index_cast %swap3A_1672 : i32 to index
    %swap3A_1675 = arith.index_cast %swap3A_1673 : i32 to index
    %swap3A_1676 = arith.constant 0 : index
    %swap3A_1677 = tpu.vector_load %arg5[%swap3A_1674, %swap3A_1675, %swap3A_1676] {strides = array<i32>} : memref<2x32x64xf32, #tpu.memory_space<vmem>>, vector<16xf32>,
    tpu.vector_store %arg5[%swap3A_1674, %swap3A_1675, %swap3A_1676], %broadcast_in_dim3A_16 {strides = array<i32>} : memref<2x32x64xf32, #tpu.memory_space<vmem>>, vector<16xf32>,
    %swap3A_1678 = arith.constant 1 : i32
    %swap3A_1679 = arith.constant 29 : i32
    %swap3A_1680 = arith.index_cast %swap3A_1678 : i32 to index
    %swap3A_1681 = arith.index_cast %swap3A_1679 : i32 to index
    %swap3A_1682 = arith.constant 16 : index
    %swap3A_1683 = tpu.vector_load %arg5[%swap3A_1680, %swap3A_1681, %swap3A_1682] {strides = array<i32>} : memref<2x32x64xf32, #tpu.memory_space<vmem>>, vector<16xf32>,
    tpu.vector_store %arg5[%swap3A_1680, %swap3A_1681, %swap3A_1682], %broadcast_in_dim3A_16 {strides = array<i32>} : memref<2x32x64xf32, #tpu.memory_space<vmem>>, vector<16xf32>,
    %swap3A_1684 = arith.constant 1 : i32
    %swap3A_1685 = arith.constant 29 : i32
    %swap3A_1686 = arith.index_cast %swap3A_1684 : i32 to index
    %swap3A_1687 = arith.index_cast %swap3A_1685 : i32 to index
    %swap3A_1688 = arith.constant 32 : index
    %swap3A_1689 = tpu.vector_load %arg5[%swap3A_1686, %swap3A_1687, %swap3A_1688] {strides = array<i32>} : memref<2x32x64xf32, #tpu.memory_space<vmem>>, vector<16xf32>,
    tpu.vector_store %arg5[%swap3A_1686, %swap3A_1687, %swap3A_1688], %broadcast_in_dim3A_16 {strides = array<i32>} : memref<2x32x64xf32, #tpu.memory_space<vmem>>, vector<16xf32>,
    %swap3A_1690 = arith.constant 1 : i32
    %swap3A_1691 = arith.constant 29 : i32
    %swap3A_1692 = arith.index_cast %swap3A_1690 : i32 to index
    %swap3A_1693 = arith.index_cast %swap3A_1691 : i32 to index
    %swap3A_1694 = arith.constant 48 : index
    %swap3A_1695 = tpu.vector_load %arg5[%swap3A_1692, %swap3A_1693, %swap3A_1694] {strides = array<i32>} : memref<2x32x64xf32, #tpu.memory_space<vmem>>, vector<16xf32>,
    tpu.vector_store %arg5[%swap3A_1692, %swap3A_1693, %swap3A_1694], %broadcast_in_dim3A_16 {strides = array<i32>} : memref<2x32x64xf32, #tpu.memory_space<vmem>>, vector<16xf32>,
    %swap3A_1696 = arith.constant 1 : i32
    %swap3A_1697 = arith.constant 30 : i32
    %swap3A_1698 = arith.index_cast %swap3A_1696 : i32 to index
    %swap3A_1699 = arith.index_cast %swap3A_1697 : i32 to index
    %swap3A_1700 = arith.constant 0 : index
    %swap3A_1701 = tpu.vector_load %arg5[%swap3A_1698, %swap3A_1699, %swap3A_1700] {strides = array<i32>} : memref<2x32x64xf32, #tpu.memory_space<vmem>>, vector<16xf32>,
    tpu.vector_store %arg5[%swap3A_1698, %swap3A_1699, %swap3A_1700], %broadcast_in_dim3A_16 {strides = array<i32>} : memref<2x32x64xf32, #tpu.memory_space<vmem>>, vector<16xf32>,
    %swap3A_1702 = arith.constant 1 : i32
    %swap3A_1703 = arith.constant 30 : i32
    %swap3A_1704 = arith.index_cast %swap3A_1702 : i32 to index
    %swap3A_1705 = arith.index_cast %swap3A_1703 : i32 to index
    %swap3A_1706 = arith.constant 16 : index
    %swap3A_1707 = tpu.vector_load %arg5[%swap3A_1704, %swap3A_1705, %swap3A_1706] {strides = array<i32>} : memref<2x32x64xf32, #tpu.memory_space<vmem>>, vector<16xf32>,
    tpu.vector_store %arg5[%swap3A_1704, %swap3A_1705, %swap3A_1706], %broadcast_in_dim3A_16 {strides = array<i32>} : memref<2x32x64xf32, #tpu.memory_space<vmem>>, vector<16xf32>,
    %swap3A_1708 = arith.constant 1 : i32
    %swap3A_1709 = arith.constant 30 : i32
    %swap3A_1710 = arith.index_cast %swap3A_1708 : i32 to index
    %swap3A_1711 = arith.index_cast %swap3A_1709 : i32 to index
    %swap3A_1712 = arith.constant 32 : index
    %swap3A_1713 = tpu.vector_load %arg5[%swap3A_1710, %swap3A_1711, %swap3A_1712] {strides = array<i32>} : memref<2x32x64xf32, #tpu.memory_space<vmem>>, vector<16xf32>,
    tpu.vector_store %arg5[%swap3A_1710, %swap3A_1711, %swap3A_1712], %broadcast_in_dim3A_16 {strides = array<i32>} : memref<2x32x64xf32, #tpu.memory_space<vmem>>, vector<16xf32>,
    %swap3A_1714 = arith.constant 1 : i32
    %swap3A_1715 = arith.constant 30 : i32
    %swap3A_1716 = arith.index_cast %swap3A_1714 : i32 to index
    %swap3A_1717 = arith.index_cast %swap3A_1715 : i32 to index
    %swap3A_1718 = arith.constant 48 : index
    %swap3A_1719 = tpu.vector_load %arg5[%swap3A_1716, %swap3A_1717, %swap3A_1718] {strides = array<i32>} : memref<2x32x64xf32, #tpu.memory_space<vmem>>, vector<16xf32>,
    tpu.vector_store %arg5[%swap3A_1716, %swap3A_1717, %swap3A_1718], %broadcast_in_dim3A_16 {strides = array<i32>} : memref<2x32x64xf32, #tpu.memory_space<vmem>>, vector<16xf32>,
    %swap3A_1720 = arith.constant 1 : i32
    %swap3A_1721 = arith.constant 31 : i32
    %swap3A_1722 = arith.index_cast %swap3A_1720 : i32 to index
    %swap3A_1723 = arith.index_cast %swap3A_1721 : i32 to index
    %swap3A_1724 = arith.constant 0 : index
    %swap3A_1725 = tpu.vector_load %arg5[%swap3A_1722, %swap3A_1723, %swap3A_1724] {strides = array<i32>} : memref<2x32x64xf32, #tpu.memory_space<vmem>>, vector<16xf32>,
    tpu.vector_store %arg5[%swap3A_1722, %swap3A_1723, %swap3A_1724], %broadcast_in_dim3A_16 {strides = array<i32>} : memref<2x32x64xf32, #tpu.memory_space<vmem>>, vector<16xf32>,
    %swap3A_1726 = arith.constant 1 : i32
    %swap3A_1727 = arith.constant 31 : i32
    %swap3A_1728 = arith.index_cast %swap3A_1726 : i32 to index
    %swap3A_1729 = arith.index_cast %swap3A_1727 : i32 to index
    %swap3A_1730 = arith.constant 16 : index
    %swap3A_1731 = tpu.vector_load %arg5[%swap3A_1728, %swap3A_1729, %swap3A_1730] {strides = array<i32>} : memref<2x32x64xf32, #tpu.memory_space<vmem>>, vector<16xf32>,
    tpu.vector_store %arg5[%swap3A_1728, %swap3A_1729, %swap3A_1730], %broadcast_in_dim3A_16 {strides = array<i32>} : memref<2x32x64xf32, #tpu.memory_space<vmem>>, vector<16xf32>,
    %swap3A_1732 = arith.constant 1 : i32
    %swap3A_1733 = arith.constant 31 : i32
    %swap3A_1734 = arith.index_cast %swap3A_1732 : i32 to index
    %swap3A_1735 = arith.index_cast %swap3A_1733 : i32 to index
    %swap3A_1736 = arith.constant 32 : index
    %swap3A_1737 = tpu.vector_load %arg5[%swap3A_1734, %swap3A_1735, %swap3A_1736] {strides = array<i32>} : memref<2x32x64xf32, #tpu.memory_space<vmem>>, vector<16xf32>,
    tpu.vector_store %arg5[%swap3A_1734, %swap3A_1735, %swap3A_1736], %broadcast_in_dim3A_16 {strides = array<i32>} : memref<2x32x64xf32, #tpu.memory_space<vmem>>, vector<16xf32>,
    %swap3A_1738 = arith.constant 1 : i32
    %swap3A_1739 = arith.constant 31 : i32
    %swap3A_1740 = arith.index_cast %swap3A_1738 : i32 to index
    %swap3A_1741 = arith.index_cast %swap3A_1739 : i32 to index
    %swap3A_1742 = arith.constant 48 : index
    %swap3A_1743 = tpu.vector_load %arg5[%swap3A_1740, %swap3A_1741, %swap3A_1742] {strides = array<i32>} : memref<2x32x64xf32, #tpu.memory_space<vmem>>, vector<16xf32>,
    tpu.vector_store %arg5[%swap3A_1740, %swap3A_1741, %swap3A_1742], %broadcast_in_dim3A_16 {strides = array<i32>} : memref<2x32x64xf32, #tpu.memory_space<vmem>>, vector<16xf32>,
    %swap3A_1744 = arith.constant 0 : i32
    %swap3A_1745 = arith.index_cast %swap3A_1744 : i32 to index
    %swap3A_1746 = arith.constant 0 : index
    %swap3A_1747 = tpu.vector_load %arg6[%swap3A_1745, %swap3A_1746] {strides = array<i32>} : memref<4x16xi32, #tpu.memory_space<vmem>>, vector<16xi32>,
    tpu.vector_store %arg6[%swap3A_1745, %swap3A_1746], %broadcast_in_dim3A_18 {strides = array<i32>} : memref<4x16xi32, #tpu.memory_space<vmem>>, vector<16xi32>,
    %swap3A_1748 = arith.constant 1 : i32
    %swap3A_1749 = arith.index_cast %swap3A_1748 : i32 to index
    %swap3A_1750 = arith.constant 0 : index
    %swap3A_1751 = tpu.vector_load %arg6[%swap3A_1749, %swap3A_1750] {strides = array<i32>} : memref<4x16xi32, #tpu.memory_space<vmem>>, vector<16xi32>,
    tpu.vector_store %arg6[%swap3A_1749, %swap3A_1750], %broadcast_in_dim3A_18 {strides = array<i32>} : memref<4x16xi32, #tpu.memory_space<vmem>>, vector<16xi32>,
    %swap3A_1752 = arith.constant 2 : i32
    %swap3A_1753 = arith.index_cast %swap3A_1752 : i32 to index
    %swap3A_1754 = arith.constant 0 : index
    %swap3A_1755 = tpu.vector_load %arg6[%swap3A_1753, %swap3A_1754] {strides = array<i32>} : memref<4x16xi32, #tpu.memory_space<vmem>>, vector<16xi32>,
    tpu.vector_store %arg6[%swap3A_1753, %swap3A_1754], %broadcast_in_dim3A_18 {strides = array<i32>} : memref<4x16xi32, #tpu.memory_space<vmem>>, vector<16xi32>,
    %swap3A_1756 = arith.constant 3 : i32
    %swap3A_1757 = arith.index_cast %swap3A_1756 : i32 to index
    %swap3A_1758 = arith.constant 0 : index
    %swap3A_1759 = tpu.vector_load %arg6[%swap3A_1757, %swap3A_1758] {strides = array<i32>} : memref<4x16xi32, #tpu.memory_space<vmem>>, vector<16xi32>,
    tpu.vector_store %arg6[%swap3A_1757, %swap3A_1758], %broadcast_in_dim3A_18 {strides = array<i32>} : memref<4x16xi32, #tpu.memory_space<vmem>>, vector<16xi32>,
    %dma_wait3A_1760 = arith.constant 1 : i32
    %dma_wait3A_1761 = arith.constant 0 : i32
    %dma_wait3A_1762 = arith.constant 0 : i32
    %dma_wait3A_1763 = tpu.memref_slice %arg4[%dma_wait3A_1760, %dma_wait3A_1761, %dma_wait3A_1762] : memref<2x128x64xf32, #tpu.memory_space<vmem>> -> memref<1x128x64xf32, #tpu.memory_space<vmem>>
    %dma_wait3A_1764 = tpu.memref_squeeze %dma_wait3A_1763 : memref<1x128x64xf32, #tpu.memory_space<vmem>> -> memref<128x64xf32, #tpu.memory_space<vmem>>
    %dma_wait3A_1765 = arith.constant 0 : i32
    %dma_wait3A_1766 = arith.constant 0 : i32
    %dma_wait3A_1767 = tpu.memref_slice %arg2[%add3A_975, %dma_wait3A_1765, %dma_wait3A_1766] : memref<64x4096x64xf32, #tpu.memory_space<hbm>> -> memref<1x128x64xf32, #tpu.memory_space<hbm>>
    %dma_wait3A_1768 = tpu.memref_squeeze %dma_wait3A_1767 : memref<1x128x64xf32, #tpu.memory_space<hbm>> -> memref<128x64xf32, #tpu.memory_space<hbm>>
    %dma_wait3A_1769 = arith.constant 0 : i32
    %dma_wait3A_1770 = arith.constant 0 : i32
    %dma_wait3A_1771 = tpu.memref_slice %arg4[%dma_wait3A_1760, %dma_wait3A_1769, %dma_wait3A_1770] : memref<2x128x64xf32, #tpu.memory_space<vmem>> -> memref<1x128x64xf32, #tpu.memory_space<vmem>>
    %dma_wait3A_1772 = tpu.memref_squeeze %dma_wait3A_1771 : memref<1x128x64xf32, #tpu.memory_space<vmem>> -> memref<128x64xf32, #tpu.memory_space<vmem>>
    %dma_wait3A_1773 = arith.constant 0 : i32
    %dma_wait3A_1774 = arith.constant 0 : i32
    %dma_wait3A_1775 = tpu.memref_slice %arg2[%add3A_975, %dma_wait3A_1773, %dma_wait3A_1774] : memref<64x4096x64xf32, #tpu.memory_space<hbm>> -> memref<1x128x64xf32, #tpu.memory_space<hbm>>
    %dma_wait3A_1776 = tpu.memref_squeeze %dma_wait3A_1775 : memref<1x128x64xf32, #tpu.memory_space<hbm>> -> memref<128x64xf32, #tpu.memory_space<hbm>>
    tpu.wait_dma2 semaphore(%arg10 : memref<!tpu.dma_semaphore, #tpu.memory_space<semaphore_mem>>) src(%dma_wait3A_1776 : memref<128x64xf32, #tpu.memory_space<hbm>>) dst(%dma_wait3A_1772 : memref<128x64xf32, #tpu.memory_space<vmem>>)
    %get3A_1777 = arith.constant 0 : i32
    %get3A_1778 = arith.index_cast %get3A_1777 : i32 to index
    %get3A_1779 = arith.constant 0 : index
    %get3A_1780 = tpu.vector_load %arg6[%get3A_1778, %get3A_1779] {strides = array<i32>} : memref<4x16xi32, #tpu.memory_space<vmem>>, vector<16xi32>,
    %get3A_1781 = arith.constant 1 : i32
    %get3A_1782 = arith.index_cast %get3A_1781 : i32 to index
    %get3A_1783 = arith.constant 0 : index
    %get3A_1784 = tpu.vector_load %arg6[%get3A_1782, %get3A_1783] {strides = array<i32>} : memref<4x16xi32, #tpu.memory_space<vmem>>, vector<16xi32>,
    %get3A_1785 = arith.constant 2 : i32
    %get3A_1786 = arith.index_cast %get3A_1785 : i32 to index
    %get3A_1787 = arith.constant 0 : index
    %get3A_1788 = tpu.vector_load %arg6[%get3A_1786, %get3A_1787] {strides = array<i32>} : memref<4x16xi32, #tpu.memory_space<vmem>>, vector<16xi32>,
    %get3A_1789 = arith.constant 3 : i32
    %get3A_1790 = arith.index_cast %get3A_1789 : i32 to index
    %get3A_1791 = arith.constant 0 : index
    %get3A_1792 = tpu.vector_load %arg6[%get3A_1790, %get3A_1791] {strides = array<i32>} : memref<4x16xi32, #tpu.memory_space<vmem>>, vector<16xi32>,
    %parallel_loop3A_1793 = arith.constant 0 : i32
    %parallel_loop3A_1794 = arith.constant 128 : i32
    %parallel_loop3A_1795 = arith.constant 1 : i32
    %parallel_loop3A_1796 = arith.constant 0 : i32
    %parallel_loop3A_1797:4 = scf.for %parallel_loop3A_1937 = %parallel_loop3A_1793 to %parallel_loop3A_1794 step %parallel_loop3A_1795 iter_args(%parallel_loop3A_1938 = %get3A_1780, %parallel_loop3A_1939 = %get3A_1784, %parallel_loop3A_1940 = %get3A_1788, %parallel_loop3A_1941 = %get3A_1792) -> (vector<16xi32>, vector<16xi32>, vector<16xi32>, vector<16xi32>)  : i32 {
      %parallel_loop3A_1942 = arith.addi %parallel_loop3A_1796, %parallel_loop3A_1937 : i32
      %parallel_loop3A_1943 = arith.sitofp %parallel_loop3A_1942 : i32 to f32
      %parallel_loop3A_1944 = arith.constant 1.000000e-03 : f32
      %parallel_loop3A_1945 = arith.mulf %parallel_loop3A_1943, %parallel_loop3A_1944 : f32
      %parallel_loop3A_1946 = vector.broadcast %parallel_loop3A_1945 : f32 to vector<16xf32>
      %parallel_loop3A_1947 = arith.constant 1 : i32
      %parallel_loop3A_1948 = arith.index_cast %parallel_loop3A_1947 : i32 to index
      %parallel_loop3A_1949 = arith.index_cast %parallel_loop3A_1937 : i32 to index
      %parallel_loop3A_1950 = arith.constant 0 : index
      %parallel_loop3A_1951 = tpu.vector_load %arg4[%parallel_loop3A_1948, %parallel_loop3A_1949, %parallel_loop3A_1950] {strides = array<i32>} : memref<2x128x64xf32, #tpu.memory_space<vmem>>, vector<16xf32>,
      %parallel_loop3A_1952 = arith.constant 0.000000e+00 : f32
      %parallel_loop3A_1953 = vector.broadcast %parallel_loop3A_1952 : f32 to vector<16xf32>
      %parallel_loop3A_1954 = arith.cmpf one, %parallel_loop3A_1951, %parallel_loop3A_1953 : vector<16xf32>
      %parallel_loop3A_1955 = arith.constant 32 : i32
      %parallel_loop3A_1956 = vector.broadcast %parallel_loop3A_1955 : i32 to vector<16xi32>
      %parallel_loop3A_1957 = arith.cmpi slt, %parallel_loop3A_1938, %parallel_loop3A_1956 : vector<16xi32>
      %parallel_loop3A_1958 = arith.andi %parallel_loop3A_1954, %parallel_loop3A_1957 : vector<16xi1>
      %parallel_loop3A_1959 = arith.constant 1 : i32
      %parallel_loop3A_1960 = arith.constant 0 : i32
      %parallel_loop3A_1961 = arith.constant 0 : i32
      %parallel_loop3A_1962 = tpu.memref_slice %arg5[%parallel_loop3A_1959, %parallel_loop3A_1960, %parallel_loop3A_1961] : memref<2x32x64xf32, #tpu.memory_space<vmem>> -> memref<1x32x64xf32, #tpu.memory_space<vmem>>
      %parallel_loop3A_1963 = tpu.memref_squeeze %parallel_loop3A_1962 : memref<1x32x64xf32, #tpu.memory_space<vmem>> -> memref<32x64xf32, #tpu.memory_space<vmem>>
      tpu.vector_store_idx %parallel_loop3A_1963[%parallel_loop3A_1938, %add3A_3], %parallel_loop3A_1946 masked %parallel_loop3A_1958 : memref<32x64xf32, #tpu.memory_space<vmem>>[vector<16xi32>, vector<16xi32>], vector<16xf32>, vector<16xi1>
      %parallel_loop3A_1964 = arith.extui %parallel_loop3A_1958 : vector<16xi1> to vector<16xi32>
      %parallel_loop3A_1965 = arith.addi %parallel_loop3A_1938, %parallel_loop3A_1964 : vector<16xi32>
      %parallel_loop3A_1966 = arith.constant 1 : i32
      %parallel_loop3A_1967 = arith.index_cast %parallel_loop3A_1966 : i32 to index
      %parallel_loop3A_1968 = arith.index_cast %parallel_loop3A_1937 : i32 to index
      %parallel_loop3A_1969 = arith.constant 16 : index
      %parallel_loop3A_1970 = tpu.vector_load %arg4[%parallel_loop3A_1967, %parallel_loop3A_1968, %parallel_loop3A_1969] {strides = array<i32>} : memref<2x128x64xf32, #tpu.memory_space<vmem>>, vector<16xf32>,
      %parallel_loop3A_1971 = arith.constant 0.000000e+00 : f32
      %parallel_loop3A_1972 = vector.broadcast %parallel_loop3A_1971 : f32 to vector<16xf32>
      %parallel_loop3A_1973 = arith.cmpf one, %parallel_loop3A_1970, %parallel_loop3A_1972 : vector<16xf32>
      %parallel_loop3A_1974 = arith.constant 32 : i32
      %parallel_loop3A_1975 = vector.broadcast %parallel_loop3A_1974 : i32 to vector<16xi32>
      %parallel_loop3A_1976 = arith.cmpi slt, %parallel_loop3A_1939, %parallel_loop3A_1975 : vector<16xi32>
      %parallel_loop3A_1977 = arith.andi %parallel_loop3A_1973, %parallel_loop3A_1976 : vector<16xi1>
      %parallel_loop3A_1978 = arith.constant 1 : i32
      %parallel_loop3A_1979 = arith.constant 0 : i32
      %parallel_loop3A_1980 = arith.constant 0 : i32
      %parallel_loop3A_1981 = tpu.memref_slice %arg5[%parallel_loop3A_1978, %parallel_loop3A_1979, %parallel_loop3A_1980] : memref<2x32x64xf32, #tpu.memory_space<vmem>> -> memref<1x32x64xf32, #tpu.memory_space<vmem>>
      %parallel_loop3A_1982 = tpu.memref_squeeze %parallel_loop3A_1981 : memref<1x32x64xf32, #tpu.memory_space<vmem>> -> memref<32x64xf32, #tpu.memory_space<vmem>>
      tpu.vector_store_idx %parallel_loop3A_1982[%parallel_loop3A_1939, %add3A_7], %parallel_loop3A_1946 masked %parallel_loop3A_1977 : memref<32x64xf32, #tpu.memory_space<vmem>>[vector<16xi32>, vector<16xi32>], vector<16xf32>, vector<16xi1>
      %parallel_loop3A_1983 = arith.extui %parallel_loop3A_1977 : vector<16xi1> to vector<16xi32>
      %parallel_loop3A_1984 = arith.addi %parallel_loop3A_1939, %parallel_loop3A_1983 : vector<16xi32>
      %parallel_loop3A_1985 = arith.constant 1 : i32
      %parallel_loop3A_1986 = arith.index_cast %parallel_loop3A_1985 : i32 to index
      %parallel_loop3A_1987 = arith.index_cast %parallel_loop3A_1937 : i32 to index
      %parallel_loop3A_1988 = arith.constant 32 : index
      %parallel_loop3A_1989 = tpu.vector_load %arg4[%parallel_loop3A_1986, %parallel_loop3A_1987, %parallel_loop3A_1988] {strides = array<i32>} : memref<2x128x64xf32, #tpu.memory_space<vmem>>, vector<16xf32>,
      %parallel_loop3A_1990 = arith.constant 0.000000e+00 : f32
      %parallel_loop3A_1991 = vector.broadcast %parallel_loop3A_1990 : f32 to vector<16xf32>
      %parallel_loop3A_1992 = arith.cmpf one, %parallel_loop3A_1989, %parallel_loop3A_1991 : vector<16xf32>
      %parallel_loop3A_1993 = arith.constant 32 : i32
      %parallel_loop3A_1994 = vector.broadcast %parallel_loop3A_1993 : i32 to vector<16xi32>
      %parallel_loop3A_1995 = arith.cmpi slt, %parallel_loop3A_1940, %parallel_loop3A_1994 : vector<16xi32>
      %parallel_loop3A_1996 = arith.andi %parallel_loop3A_1992, %parallel_loop3A_1995 : vector<16xi1>
      %parallel_loop3A_1997 = arith.constant 1 : i32
      %parallel_loop3A_1998 = arith.constant 0 : i32
      %parallel_loop3A_1999 = arith.constant 0 : i32
      %parallel_loop3A_2000 = tpu.memref_slice %arg5[%parallel_loop3A_1997, %parallel_loop3A_1998, %parallel_loop3A_1999] : memref<2x32x64xf32, #tpu.memory_space<vmem>> -> memref<1x32x64xf32, #tpu.memory_space<vmem>>
      %parallel_loop3A_2001 = tpu.memref_squeeze %parallel_loop3A_2000 : memref<1x32x64xf32, #tpu.memory_space<vmem>> -> memref<32x64xf32, #tpu.memory_space<vmem>>
      tpu.vector_store_idx %parallel_loop3A_2001[%parallel_loop3A_1940, %add3A_11], %parallel_loop3A_1946 masked %parallel_loop3A_1996 : memref<32x64xf32, #tpu.memory_space<vmem>>[vector<16xi32>, vector<16xi32>], vector<16xf32>, vector<16xi1>
      %parallel_loop3A_2002 = arith.extui %parallel_loop3A_1996 : vector<16xi1> to vector<16xi32>
      %parallel_loop3A_2003 = arith.addi %parallel_loop3A_1940, %parallel_loop3A_2002 : vector<16xi32>
      %parallel_loop3A_2004 = arith.constant 1 : i32
      %parallel_loop3A_2005 = arith.index_cast %parallel_loop3A_2004 : i32 to index
      %parallel_loop3A_2006 = arith.index_cast %parallel_loop3A_1937 : i32 to index
      %parallel_loop3A_2007 = arith.constant 48 : index
      %parallel_loop3A_2008 = tpu.vector_load %arg4[%parallel_loop3A_2005, %parallel_loop3A_2006, %parallel_loop3A_2007] {strides = array<i32>} : memref<2x128x64xf32, #tpu.memory_space<vmem>>, vector<16xf32>,
      %parallel_loop3A_2009 = arith.constant 0.000000e+00 : f32
      %parallel_loop3A_2010 = vector.broadcast %parallel_loop3A_2009 : f32 to vector<16xf32>
      %parallel_loop3A_2011 = arith.cmpf one, %parallel_loop3A_2008, %parallel_loop3A_2010 : vector<16xf32>
      %parallel_loop3A_2012 = arith.constant 32 : i32
      %parallel_loop3A_2013 = vector.broadcast %parallel_loop3A_2012 : i32 to vector<16xi32>
      %parallel_loop3A_2014 = arith.cmpi slt, %parallel_loop3A_1941, %parallel_loop3A_2013 : vector<16xi32>
      %parallel_loop3A_2015 = arith.andi %parallel_loop3A_2011, %parallel_loop3A_2014 : vector<16xi1>
      %parallel_loop3A_2016 = arith.constant 1 : i32
      %parallel_loop3A_2017 = arith.constant 0 : i32
      %parallel_loop3A_2018 = arith.constant 0 : i32
      %parallel_loop3A_2019 = tpu.memref_slice %arg5[%parallel_loop3A_2016, %parallel_loop3A_2017, %parallel_loop3A_2018] : memref<2x32x64xf32, #tpu.memory_space<vmem>> -> memref<1x32x64xf32, #tpu.memory_space<vmem>>
      %parallel_loop3A_2020 = tpu.memref_squeeze %parallel_loop3A_2019 : memref<1x32x64xf32, #tpu.memory_space<vmem>> -> memref<32x64xf32, #tpu.memory_space<vmem>>
      tpu.vector_store_idx %parallel_loop3A_2020[%parallel_loop3A_1941, %add3A_15], %parallel_loop3A_1946 masked %parallel_loop3A_2015 : memref<32x64xf32, #tpu.memory_space<vmem>>[vector<16xi32>, vector<16xi32>], vector<16xf32>, vector<16xi1>
      %parallel_loop3A_2021 = arith.extui %parallel_loop3A_2015 : vector<16xi1> to vector<16xi32>
      %parallel_loop3A_2022 = arith.addi %parallel_loop3A_1941, %parallel_loop3A_2021 : vector<16xi32>
      scf.yield %parallel_loop3A_1965, %parallel_loop3A_1984, %parallel_loop3A_2003, %parallel_loop3A_2022 : vector<16xi32>, vector<16xi32>, vector<16xi32>, vector<16xi32>
    } {sc.loop_unroll_factor = 8 : i64, sc.parallel_access}
    %swap3A_1798 = arith.constant 0 : i32
    %swap3A_1799 = arith.index_cast %swap3A_1798 : i32 to index
    %swap3A_1800 = arith.constant 0 : index
    %swap3A_1801 = tpu.vector_load %arg6[%swap3A_1799, %swap3A_1800] {strides = array<i32>} : memref<4x16xi32, #tpu.memory_space<vmem>>, vector<16xi32>,
    tpu.vector_store %arg6[%swap3A_1799, %swap3A_1800], %parallel_loop3A_1797#0 {strides = array<i32>} : memref<4x16xi32, #tpu.memory_space<vmem>>, vector<16xi32>,
    %swap3A_1802 = arith.constant 1 : i32
    %swap3A_1803 = arith.index_cast %swap3A_1802 : i32 to index
    %swap3A_1804 = arith.constant 0 : index
    %swap3A_1805 = tpu.vector_load %arg6[%swap3A_1803, %swap3A_1804] {strides = array<i32>} : memref<4x16xi32, #tpu.memory_space<vmem>>, vector<16xi32>,
    tpu.vector_store %arg6[%swap3A_1803, %swap3A_1804], %parallel_loop3A_1797#1 {strides = array<i32>} : memref<4x16xi32, #tpu.memory_space<vmem>>, vector<16xi32>,
    %swap3A_1806 = arith.constant 2 : i32
    %swap3A_1807 = arith.index_cast %swap3A_1806 : i32 to index
    %swap3A_1808 = arith.constant 0 : index
    %swap3A_1809 = tpu.vector_load %arg6[%swap3A_1807, %swap3A_1808] {strides = array<i32>} : memref<4x16xi32, #tpu.memory_space<vmem>>, vector<16xi32>,
    tpu.vector_store %arg6[%swap3A_1807, %swap3A_1808], %parallel_loop3A_1797#2 {strides = array<i32>} : memref<4x16xi32, #tpu.memory_space<vmem>>, vector<16xi32>,
    %swap3A_1810 = arith.constant 3 : i32
    %swap3A_1811 = arith.index_cast %swap3A_1810 : i32 to index
    %swap3A_1812 = arith.constant 0 : index
    %swap3A_1813 = tpu.vector_load %arg6[%swap3A_1811, %swap3A_1812] {strides = array<i32>} : memref<4x16xi32, #tpu.memory_space<vmem>>, vector<16xi32>,
    tpu.vector_store %arg6[%swap3A_1811, %swap3A_1812], %parallel_loop3A_1797#3 {strides = array<i32>} : memref<4x16xi32, #tpu.memory_space<vmem>>, vector<16xi32>,
    %min3A_1814 = arith.minsi %parallel_loop3A_1797#0, %parallel_loop3A_1797#1 : vector<16xi32>
    %min3A_1815 = arith.minsi %min3A_1814, %parallel_loop3A_1797#2 : vector<16xi32>
    %min3A_1816 = arith.minsi %min3A_1815, %parallel_loop3A_1797#3 : vector<16xi32>
    %slice3A_1817 = vector.extract_strided_slice %min3A_1816 {offsets = [0], sizes = [1], strides = [1]} : vector<16xi32> to vector<1xi32>
    %squeeze3A_1818 = vector.extract %slice3A_1817[0] : i32 from vector<1xi32>
    %slice3A_1819 = vector.extract_strided_slice %min3A_1816 {offsets = [1], sizes = [1], strides = [1]} : vector<16xi32> to vector<1xi32>
    %squeeze3A_1820 = vector.extract %slice3A_1819[0] : i32 from vector<1xi32>
    %min3A_1821 = arith.minsi %squeeze3A_1818, %squeeze3A_1820 : i32
    %slice3A_1822 = vector.extract_strided_slice %min3A_1816 {offsets = [2], sizes = [1], strides = [1]} : vector<16xi32> to vector<1xi32>
    %squeeze3A_1823 = vector.extract %slice3A_1822[0] : i32 from vector<1xi32>
    %min3A_1824 = arith.minsi %min3A_1821, %squeeze3A_1823 : i32
    %slice3A_1825 = vector.extract_strided_slice %min3A_1816 {offsets = [3], sizes = [1], strides = [1]} : vector<16xi32> to vector<1xi32>
    %squeeze3A_1826 = vector.extract %slice3A_1825[0] : i32 from vector<1xi32>
    %min3A_1827 = arith.minsi %min3A_1824, %squeeze3A_1826 : i32
    %slice3A_1828 = vector.extract_strided_slice %min3A_1816 {offsets = [4], sizes = [1], strides = [1]} : vector<16xi32> to vector<1xi32>
    %squeeze3A_1829 = vector.extract %slice3A_1828[0] : i32 from vector<1xi32>
    %min3A_1830 = arith.minsi %min3A_1827, %squeeze3A_1829 : i32
    %slice3A_1831 = vector.extract_strided_slice %min3A_1816 {offsets = [5], sizes = [1], strides = [1]} : vector<16xi32> to vector<1xi32>
    %squeeze3A_1832 = vector.extract %slice3A_1831[0] : i32 from vector<1xi32>
    %min3A_1833 = arith.minsi %min3A_1830, %squeeze3A_1832 : i32
    %slice3A_1834 = vector.extract_strided_slice %min3A_1816 {offsets = [6], sizes = [1], strides = [1]} : vector<16xi32> to vector<1xi32>
    %squeeze3A_1835 = vector.extract %slice3A_1834[0] : i32 from vector<1xi32>
    %min3A_1836 = arith.minsi %min3A_1833, %squeeze3A_1835 : i32
    %slice3A_1837 = vector.extract_strided_slice %min3A_1816 {offsets = [7], sizes = [1], strides = [1]} : vector<16xi32> to vector<1xi32>
    %squeeze3A_1838 = vector.extract %slice3A_1837[0] : i32 from vector<1xi32>
    %min3A_1839 = arith.minsi %min3A_1836, %squeeze3A_1838 : i32
    %slice3A_1840 = vector.extract_strided_slice %min3A_1816 {offsets = [8], sizes = [1], strides = [1]} : vector<16xi32> to vector<1xi32>
    %squeeze3A_1841 = vector.extract %slice3A_1840[0] : i32 from vector<1xi32>
    %min3A_1842 = arith.minsi %min3A_1839, %squeeze3A_1841 : i32
    %slice3A_1843 = vector.extract_strided_slice %min3A_1816 {offsets = [9], sizes = [1], strides = [1]} : vector<16xi32> to vector<1xi32>
    %squeeze3A_1844 = vector.extract %slice3A_1843[0] : i32 from vector<1xi32>
    %min3A_1845 = arith.minsi %min3A_1842, %squeeze3A_1844 : i32
    %slice3A_1846 = vector.extract_strided_slice %min3A_1816 {offsets = [10], sizes = [1], strides = [1]} : vector<16xi32> to vector<1xi32>
    %squeeze3A_1847 = vector.extract %slice3A_1846[0] : i32 from vector<1xi32>
    %min3A_1848 = arith.minsi %min3A_1845, %squeeze3A_1847 : i32
    %slice3A_1849 = vector.extract_strided_slice %min3A_1816 {offsets = [11], sizes = [1], strides = [1]} : vector<16xi32> to vector<1xi32>
    %squeeze3A_1850 = vector.extract %slice3A_1849[0] : i32 from vector<1xi32>
    %min3A_1851 = arith.minsi %min3A_1848, %squeeze3A_1850 : i32
    %slice3A_1852 = vector.extract_strided_slice %min3A_1816 {offsets = [12], sizes = [1], strides = [1]} : vector<16xi32> to vector<1xi32>
    %squeeze3A_1853 = vector.extract %slice3A_1852[0] : i32 from vector<1xi32>
    %min3A_1854 = arith.minsi %min3A_1851, %squeeze3A_1853 : i32
    %slice3A_1855 = vector.extract_strided_slice %min3A_1816 {offsets = [13], sizes = [1], strides = [1]} : vector<16xi32> to vector<1xi32>
    %squeeze3A_1856 = vector.extract %slice3A_1855[0] : i32 from vector<1xi32>
    %min3A_1857 = arith.minsi %min3A_1854, %squeeze3A_1856 : i32
    %slice3A_1858 = vector.extract_strided_slice %min3A_1816 {offsets = [14], sizes = [1], strides = [1]} : vector<16xi32> to vector<1xi32>
    %squeeze3A_1859 = vector.extract %slice3A_1858[0] : i32 from vector<1xi32>
    %min3A_1860 = arith.minsi %min3A_1857, %squeeze3A_1859 : i32
    %slice3A_1861 = vector.extract_strided_slice %min3A_1816 {offsets = [15], sizes = [1], strides = [1]} : vector<16xi32> to vector<1xi32>
    %squeeze3A_1862 = vector.extract %slice3A_1861[0] : i32 from vector<1xi32>
    %min3A_1863 = arith.minsi %min3A_1860, %squeeze3A_1862 : i32
    %ge3A_1864 = arith.constant 32 : i32
    %ge3A_1865 = arith.cmpi sge, %min3A_1863, %ge3A_1864 : i32
    %convert_element_type3A_1866 = arith.extui %ge3A_1865 : i1 to i32
    %swap3A_1867 = arith.constant 0 : i32
    %swap3A_1868 = arith.index_cast %swap3A_1867 : i32 to index
    %swap3A_1869 = memref.load %arg7[%swap3A_1868] : memref<1xi32, #tpu.memory_space<smem>>
    memref.store %convert_element_type3A_1866, %arg7[%swap3A_1868] : memref<1xi32, #tpu.memory_space<smem>>
    %get3A_1870 = arith.constant 0 : i32
    %get3A_1871 = arith.index_cast %get3A_1870 : i32 to index
    %get3A_1872 = memref.load %arg7[%get3A_1871] : memref<1xi32, #tpu.memory_space<smem>>
    %eq3A_1873 = arith.constant 0 : i32
    %eq3A_1874 = arith.cmpi eq, %get3A_1872, %eq3A_1873 : i32
    %convert_element_type3A_1875 = arith.extui %eq3A_1874 : i1 to i32
    %cond3A_1876 = arith.constant 0 : i32
    %cond3A_1877 = arith.cmpi ne, %convert_element_type3A_1875, %cond3A_1876 : i32
    scf.if %cond3A_1877 {
      %scan3A = arith.constant 0 : i32
      %scan3A_1937 = arith.constant 1 : i32
      %scan3A_1938 = arith.constant 31 : i32
      %scan3A_1939 = arith.addi %scan3A_1937, %scan3A_1938 : i32
      %scan3A_1940 = arith.constant 1 : i32
      %scan3A_1941 = scf.for %scan3A_1943 = %scan3A_1937 to %scan3A_1939 step %scan3A_1940 iter_args(%scan3A_1944 = %scan3A) -> (i32)  : i32 {
        %get3A_1945 = arith.constant 0 : i32
        %get3A_1946 = arith.index_cast %get3A_1945 : i32 to index
        %get3A_1947 = memref.load %arg7[%get3A_1946] : memref<1xi32, #tpu.memory_space<smem>>
        %eq3A_1948 = arith.constant 0 : i32
        %eq3A_1949 = arith.cmpi eq, %get3A_1947, %eq3A_1948 : i32
        %convert_element_type3A_1950 = arith.extui %eq3A_1949 : i1 to i32
        %cond3A_1951 = arith.constant 0 : i32
        %cond3A_1952 = arith.cmpi ne, %convert_element_type3A_1950, %cond3A_1951 : i32
        scf.if %cond3A_1952 {
          %mul3A_1954 = arith.constant 128 : i32
          %mul3A_1955 = arith.muli %scan3A_1943, %mul3A_1954 : i32
          %multiple_of3A = tpu.assume_multiple %mul3A_1955, 128 : i32
          %run_scoped3A = arith.constant 1 : i32
          "tpu.region"() ({
            %run_scoped3A_2048 = tpu.sem_alloc : memref<!tpu.dma_semaphore, #tpu.memory_space<semaphore_mem>>
            %dma_start3A_2049 = arith.constant 0 : i32
            %dma_start3A_2050 = arith.constant 0 : i32
            %dma_start3A_2051 = tpu.memref_slice %arg4[%run_scoped3A, %dma_start3A_2049, %dma_start3A_2050] : memref<2x128x64xf32, #tpu.memory_space<vmem>> -> memref<1x128x64xf32, #tpu.memory_space<vmem>>
            %dma_start3A_2052 = tpu.memref_squeeze %dma_start3A_2051 : memref<1x128x64xf32, #tpu.memory_space<vmem>> -> memref<128x64xf32, #tpu.memory_space<vmem>>
            %dma_start3A_2053 = arith.constant 0 : i32
            %dma_start3A_2054 = tpu.memref_slice %arg2[%add3A_975, %multiple_of3A, %dma_start3A_2053] : memref<64x4096x64xf32, #tpu.memory_space<hbm>> -> memref<1x128x64xf32, #tpu.memory_space<hbm>>
            %dma_start3A_2055 = tpu.memref_squeeze %dma_start3A_2054 : memref<1x128x64xf32, #tpu.memory_space<hbm>> -> memref<128x64xf32, #tpu.memory_space<hbm>>
            %dma_start3A_2056 = arith.constant 0 : i32
            %dma_start3A_2057 = arith.constant 0 : i32
            %dma_start3A_2058 = tpu.memref_slice %arg4[%run_scoped3A, %dma_start3A_2056, %dma_start3A_2057] : memref<2x128x64xf32, #tpu.memory_space<vmem>> -> memref<1x128x64xf32, #tpu.memory_space<vmem>>
            %dma_start3A_2059 = tpu.memref_squeeze %dma_start3A_2058 : memref<1x128x64xf32, #tpu.memory_space<vmem>> -> memref<128x64xf32, #tpu.memory_space<vmem>>
            %dma_start3A_2060 = arith.constant 0 : i32
            %dma_start3A_2061 = tpu.memref_slice %arg2[%add3A_975, %multiple_of3A, %dma_start3A_2060] : memref<64x4096x64xf32, #tpu.memory_space<hbm>> -> memref<1x128x64xf32, #tpu.memory_space<hbm>>
            %dma_start3A_2062 = tpu.memref_squeeze %dma_start3A_2061 : memref<1x128x64xf32, #tpu.memory_space<hbm>> -> memref<128x64xf32, #tpu.memory_space<hbm>>
            tpu.enqueue_dma source(%dma_start3A_2062 : memref<128x64xf32, #tpu.memory_space<hbm>>) target(%dma_start3A_2059 : memref<128x64xf32, #tpu.memory_space<vmem>>) target_semaphore(%run_scoped3A_2048 : memref<!tpu.dma_semaphore, #tpu.memory_space<semaphore_mem>>)
            %dma_wait3A_2063 = arith.constant 0 : i32
            %dma_wait3A_2064 = arith.constant 0 : i32
            %dma_wait3A_2065 = tpu.memref_slice %arg4[%run_scoped3A, %dma_wait3A_2063, %dma_wait3A_2064] : memref<2x128x64xf32, #tpu.memory_space<vmem>> -> memref<1x128x64xf32, #tpu.memory_space<vmem>>
            %dma_wait3A_2066 = tpu.memref_squeeze %dma_wait3A_2065 : memref<1x128x64xf32, #tpu.memory_space<vmem>> -> memref<128x64xf32, #tpu.memory_space<vmem>>
            %dma_wait3A_2067 = arith.constant 0 : i32
            %dma_wait3A_2068 = tpu.memref_slice %arg2[%add3A_975, %multiple_of3A, %dma_wait3A_2067] : memref<64x4096x64xf32, #tpu.memory_space<hbm>> -> memref<1x128x64xf32, #tpu.memory_space<hbm>>
            %dma_wait3A_2069 = tpu.memref_squeeze %dma_wait3A_2068 : memref<1x128x64xf32, #tpu.memory_space<hbm>> -> memref<128x64xf32, #tpu.memory_space<hbm>>
            %dma_wait3A_2070 = arith.constant 0 : i32
            %dma_wait3A_2071 = arith.constant 0 : i32
            %dma_wait3A_2072 = tpu.memref_slice %arg4[%run_scoped3A, %dma_wait3A_2070, %dma_wait3A_2071] : memref<2x128x64xf32, #tpu.memory_space<vmem>> -> memref<1x128x64xf32, #tpu.memory_space<vmem>>
            %dma_wait3A_2073 = tpu.memref_squeeze %dma_wait3A_2072 : memref<1x128x64xf32, #tpu.memory_space<vmem>> -> memref<128x64xf32, #tpu.memory_space<vmem>>
            %dma_wait3A_2074 = arith.constant 0 : i32
            %dma_wait3A_2075 = tpu.memref_slice %arg2[%add3A_975, %multiple_of3A, %dma_wait3A_2074] : memref<64x4096x64xf32, #tpu.memory_space<hbm>> -> memref<1x128x64xf32, #tpu.memory_space<hbm>>
            %dma_wait3A_2076 = tpu.memref_squeeze %dma_wait3A_2075 : memref<1x128x64xf32, #tpu.memory_space<hbm>> -> memref<128x64xf32, #tpu.memory_space<hbm>>
            tpu.wait_dma2 semaphore(%run_scoped3A_2048 : memref<!tpu.dma_semaphore, #tpu.memory_space<semaphore_mem>>) src(%dma_wait3A_2076 : memref<128x64xf32, #tpu.memory_space<hbm>>) dst(%dma_wait3A_2073 : memref<128x64xf32, #tpu.memory_space<vmem>>)
            tpu.yield
          }) : () -> ()
          %get3A_1956 = arith.constant 0 : i32
          %get3A_1957 = arith.index_cast %get3A_1956 : i32 to index
          %get3A_1958 = arith.constant 0 : index
          %get3A_1959 = tpu.vector_load %arg6[%get3A_1957, %get3A_1958] {strides = array<i32>} : memref<4x16xi32, #tpu.memory_space<vmem>>, vector<16xi32>,
          %get3A_1960 = arith.constant 1 : i32
          %get3A_1961 = arith.index_cast %get3A_1960 : i32 to index
          %get3A_1962 = arith.constant 0 : index
          %get3A_1963 = tpu.vector_load %arg6[%get3A_1961, %get3A_1962] {strides = array<i32>} : memref<4x16xi32, #tpu.memory_space<vmem>>, vector<16xi32>,
          %get3A_1964 = arith.constant 2 : i32
          %get3A_1965 = arith.index_cast %get3A_1964 : i32 to index
          %get3A_1966 = arith.constant 0 : index
          %get3A_1967 = tpu.vector_load %arg6[%get3A_1965, %get3A_1966] {strides = array<i32>} : memref<4x16xi32, #tpu.memory_space<vmem>>, vector<16xi32>,
          %get3A_1968 = arith.constant 3 : i32
          %get3A_1969 = arith.index_cast %get3A_1968 : i32 to index
          %get3A_1970 = arith.constant 0 : index
          %get3A_1971 = tpu.vector_load %arg6[%get3A_1969, %get3A_1970] {strides = array<i32>} : memref<4x16xi32, #tpu.memory_space<vmem>>, vector<16xi32>,
          %parallel_loop3A_1972 = arith.constant 0 : i32
          %parallel_loop3A_1973 = arith.constant 128 : i32
          %parallel_loop3A_1974 = arith.constant 1 : i32
          %parallel_loop3A_1975:4 = scf.for %parallel_loop3A_2048 = %parallel_loop3A_1972 to %parallel_loop3A_1973 step %parallel_loop3A_1974 iter_args(%parallel_loop3A_2049 = %get3A_1959, %parallel_loop3A_2050 = %get3A_1963, %parallel_loop3A_2051 = %get3A_1967, %parallel_loop3A_2052 = %get3A_1971) -> (vector<16xi32>, vector<16xi32>, vector<16xi32>, vector<16xi32>)  : i32 {
            %parallel_loop3A_2053 = arith.addi %multiple_of3A, %parallel_loop3A_2048 : i32
            %parallel_loop3A_2054 = arith.sitofp %parallel_loop3A_2053 : i32 to f32
            %parallel_loop3A_2055 = arith.constant 1.000000e-03 : f32
            %parallel_loop3A_2056 = arith.mulf %parallel_loop3A_2054, %parallel_loop3A_2055 : f32
            %parallel_loop3A_2057 = vector.broadcast %parallel_loop3A_2056 : f32 to vector<16xf32>
            %parallel_loop3A_2058 = arith.constant 1 : i32
            %parallel_loop3A_2059 = arith.index_cast %parallel_loop3A_2058 : i32 to index
            %parallel_loop3A_2060 = arith.index_cast %parallel_loop3A_2048 : i32 to index
            %parallel_loop3A_2061 = arith.constant 0 : index
            %parallel_loop3A_2062 = tpu.vector_load %arg4[%parallel_loop3A_2059, %parallel_loop3A_2060, %parallel_loop3A_2061] {strides = array<i32>} : memref<2x128x64xf32, #tpu.memory_space<vmem>>, vector<16xf32>,
            %parallel_loop3A_2063 = arith.constant 0.000000e+00 : f32
            %parallel_loop3A_2064 = vector.broadcast %parallel_loop3A_2063 : f32 to vector<16xf32>
            %parallel_loop3A_2065 = arith.cmpf one, %parallel_loop3A_2062, %parallel_loop3A_2064 : vector<16xf32>
            %parallel_loop3A_2066 = arith.constant 32 : i32
            %parallel_loop3A_2067 = vector.broadcast %parallel_loop3A_2066 : i32 to vector<16xi32>
            %parallel_loop3A_2068 = arith.cmpi slt, %parallel_loop3A_2049, %parallel_loop3A_2067 : vector<16xi32>
            %parallel_loop3A_2069 = arith.andi %parallel_loop3A_2065, %parallel_loop3A_2068 : vector<16xi1>
            %parallel_loop3A_2070 = arith.constant 1 : i32
            %parallel_loop3A_2071 = arith.constant 0 : i32
            %parallel_loop3A_2072 = arith.constant 0 : i32
            %parallel_loop3A_2073 = tpu.memref_slice %arg5[%parallel_loop3A_2070, %parallel_loop3A_2071, %parallel_loop3A_2072] : memref<2x32x64xf32, #tpu.memory_space<vmem>> -> memref<1x32x64xf32, #tpu.memory_space<vmem>>
            %parallel_loop3A_2074 = tpu.memref_squeeze %parallel_loop3A_2073 : memref<1x32x64xf32, #tpu.memory_space<vmem>> -> memref<32x64xf32, #tpu.memory_space<vmem>>
            tpu.vector_store_idx %parallel_loop3A_2074[%parallel_loop3A_2049, %add3A_3], %parallel_loop3A_2057 masked %parallel_loop3A_2069 : memref<32x64xf32, #tpu.memory_space<vmem>>[vector<16xi32>, vector<16xi32>], vector<16xf32>, vector<16xi1>
            %parallel_loop3A_2075 = arith.extui %parallel_loop3A_2069 : vector<16xi1> to vector<16xi32>
            %parallel_loop3A_2076 = arith.addi %parallel_loop3A_2049, %parallel_loop3A_2075 : vector<16xi32>
            %parallel_loop3A_2077 = arith.constant 1 : i32
            %parallel_loop3A_2078 = arith.index_cast %parallel_loop3A_2077 : i32 to index
            %parallel_loop3A_2079 = arith.index_cast %parallel_loop3A_2048 : i32 to index
            %parallel_loop3A_2080 = arith.constant 16 : index
            %parallel_loop3A_2081 = tpu.vector_load %arg4[%parallel_loop3A_2078, %parallel_loop3A_2079, %parallel_loop3A_2080] {strides = array<i32>} : memref<2x128x64xf32, #tpu.memory_space<vmem>>, vector<16xf32>,
            %parallel_loop3A_2082 = arith.constant 0.000000e+00 : f32
            %parallel_loop3A_2083 = vector.broadcast %parallel_loop3A_2082 : f32 to vector<16xf32>
            %parallel_loop3A_2084 = arith.cmpf one, %parallel_loop3A_2081, %parallel_loop3A_2083 : vector<16xf32>
            %parallel_loop3A_2085 = arith.constant 32 : i32
            %parallel_loop3A_2086 = vector.broadcast %parallel_loop3A_2085 : i32 to vector<16xi32>
            %parallel_loop3A_2087 = arith.cmpi slt, %parallel_loop3A_2050, %parallel_loop3A_2086 : vector<16xi32>
            %parallel_loop3A_2088 = arith.andi %parallel_loop3A_2084, %parallel_loop3A_2087 : vector<16xi1>
            %parallel_loop3A_2089 = arith.constant 1 : i32
            %parallel_loop3A_2090 = arith.constant 0 : i32
            %parallel_loop3A_2091 = arith.constant 0 : i32
            %parallel_loop3A_2092 = tpu.memref_slice %arg5[%parallel_loop3A_2089, %parallel_loop3A_2090, %parallel_loop3A_2091] : memref<2x32x64xf32, #tpu.memory_space<vmem>> -> memref<1x32x64xf32, #tpu.memory_space<vmem>>
            %parallel_loop3A_2093 = tpu.memref_squeeze %parallel_loop3A_2092 : memref<1x32x64xf32, #tpu.memory_space<vmem>> -> memref<32x64xf32, #tpu.memory_space<vmem>>
            tpu.vector_store_idx %parallel_loop3A_2093[%parallel_loop3A_2050, %add3A_7], %parallel_loop3A_2057 masked %parallel_loop3A_2088 : memref<32x64xf32, #tpu.memory_space<vmem>>[vector<16xi32>, vector<16xi32>], vector<16xf32>, vector<16xi1>
            %parallel_loop3A_2094 = arith.extui %parallel_loop3A_2088 : vector<16xi1> to vector<16xi32>
            %parallel_loop3A_2095 = arith.addi %parallel_loop3A_2050, %parallel_loop3A_2094 : vector<16xi32>
            %parallel_loop3A_2096 = arith.constant 1 : i32
            %parallel_loop3A_2097 = arith.index_cast %parallel_loop3A_2096 : i32 to index
            %parallel_loop3A_2098 = arith.index_cast %parallel_loop3A_2048 : i32 to index
            %parallel_loop3A_2099 = arith.constant 32 : index
            %parallel_loop3A_2100 = tpu.vector_load %arg4[%parallel_loop3A_2097, %parallel_loop3A_2098, %parallel_loop3A_2099] {strides = array<i32>} : memref<2x128x64xf32, #tpu.memory_space<vmem>>, vector<16xf32>,
            %parallel_loop3A_2101 = arith.constant 0.000000e+00 : f32
            %parallel_loop3A_2102 = vector.broadcast %parallel_loop3A_2101 : f32 to vector<16xf32>
            %parallel_loop3A_2103 = arith.cmpf one, %parallel_loop3A_2100, %parallel_loop3A_2102 : vector<16xf32>
            %parallel_loop3A_2104 = arith.constant 32 : i32
            %parallel_loop3A_2105 = vector.broadcast %parallel_loop3A_2104 : i32 to vector<16xi32>
            %parallel_loop3A_2106 = arith.cmpi slt, %parallel_loop3A_2051, %parallel_loop3A_2105 : vector<16xi32>
            %parallel_loop3A_2107 = arith.andi %parallel_loop3A_2103, %parallel_loop3A_2106 : vector<16xi1>
            %parallel_loop3A_2108 = arith.constant 1 : i32
            %parallel_loop3A_2109 = arith.constant 0 : i32
            %parallel_loop3A_2110 = arith.constant 0 : i32
            %parallel_loop3A_2111 = tpu.memref_slice %arg5[%parallel_loop3A_2108, %parallel_loop3A_2109, %parallel_loop3A_2110] : memref<2x32x64xf32, #tpu.memory_space<vmem>> -> memref<1x32x64xf32, #tpu.memory_space<vmem>>
            %parallel_loop3A_2112 = tpu.memref_squeeze %parallel_loop3A_2111 : memref<1x32x64xf32, #tpu.memory_space<vmem>> -> memref<32x64xf32, #tpu.memory_space<vmem>>
            tpu.vector_store_idx %parallel_loop3A_2112[%parallel_loop3A_2051, %add3A_11], %parallel_loop3A_2057 masked %parallel_loop3A_2107 : memref<32x64xf32, #tpu.memory_space<vmem>>[vector<16xi32>, vector<16xi32>], vector<16xf32>, vector<16xi1>
            %parallel_loop3A_2113 = arith.extui %parallel_loop3A_2107 : vector<16xi1> to vector<16xi32>
            %parallel_loop3A_2114 = arith.addi %parallel_loop3A_2051, %parallel_loop3A_2113 : vector<16xi32>
            %parallel_loop3A_2115 = arith.constant 1 : i32
            %parallel_loop3A_2116 = arith.index_cast %parallel_loop3A_2115 : i32 to index
            %parallel_loop3A_2117 = arith.index_cast %parallel_loop3A_2048 : i32 to index
            %parallel_loop3A_2118 = arith.constant 48 : index
            %parallel_loop3A_2119 = tpu.vector_load %arg4[%parallel_loop3A_2116, %parallel_loop3A_2117, %parallel_loop3A_2118] {strides = array<i32>} : memref<2x128x64xf32, #tpu.memory_space<vmem>>, vector<16xf32>,
            %parallel_loop3A_2120 = arith.constant 0.000000e+00 : f32
            %parallel_loop3A_2121 = vector.broadcast %parallel_loop3A_2120 : f32 to vector<16xf32>
            %parallel_loop3A_2122 = arith.cmpf one, %parallel_loop3A_2119, %parallel_loop3A_2121 : vector<16xf32>
            %parallel_loop3A_2123 = arith.constant 32 : i32
            %parallel_loop3A_2124 = vector.broadcast %parallel_loop3A_2123 : i32 to vector<16xi32>
            %parallel_loop3A_2125 = arith.cmpi slt, %parallel_loop3A_2052, %parallel_loop3A_2124 : vector<16xi32>
            %parallel_loop3A_2126 = arith.andi %parallel_loop3A_2122, %parallel_loop3A_2125 : vector<16xi1>
            %parallel_loop3A_2127 = arith.constant 1 : i32
            %parallel_loop3A_2128 = arith.constant 0 : i32
            %parallel_loop3A_2129 = arith.constant 0 : i32
            %parallel_loop3A_2130 = tpu.memref_slice %arg5[%parallel_loop3A_2127, %parallel_loop3A_2128, %parallel_loop3A_2129] : memref<2x32x64xf32, #tpu.memory_space<vmem>> -> memref<1x32x64xf32, #tpu.memory_space<vmem>>
            %parallel_loop3A_2131 = tpu.memref_squeeze %parallel_loop3A_2130 : memref<1x32x64xf32, #tpu.memory_space<vmem>> -> memref<32x64xf32, #tpu.memory_space<vmem>>
            tpu.vector_store_idx %parallel_loop3A_2131[%parallel_loop3A_2052, %add3A_15], %parallel_loop3A_2057 masked %parallel_loop3A_2126 : memref<32x64xf32, #tpu.memory_space<vmem>>[vector<16xi32>, vector<16xi32>], vector<16xf32>, vector<16xi1>
            %parallel_loop3A_2132 = arith.extui %parallel_loop3A_2126 : vector<16xi1> to vector<16xi32>
            %parallel_loop3A_2133 = arith.addi %parallel_loop3A_2052, %parallel_loop3A_2132 : vector<16xi32>
            scf.yield %parallel_loop3A_2076, %parallel_loop3A_2095, %parallel_loop3A_2114, %parallel_loop3A_2133 : vector<16xi32>, vector<16xi32>, vector<16xi32>, vector<16xi32>
          } {sc.loop_unroll_factor = 8 : i64, sc.parallel_access}
          %swap3A_1976 = arith.constant 0 : i32
          %swap3A_1977 = arith.index_cast %swap3A_1976 : i32 to index
          %swap3A_1978 = arith.constant 0 : index
          %swap3A_1979 = tpu.vector_load %arg6[%swap3A_1977, %swap3A_1978] {strides = array<i32>} : memref<4x16xi32, #tpu.memory_space<vmem>>, vector<16xi32>,
          tpu.vector_store %arg6[%swap3A_1977, %swap3A_1978], %parallel_loop3A_1975#0 {strides = array<i32>} : memref<4x16xi32, #tpu.memory_space<vmem>>, vector<16xi32>,
          %swap3A_1980 = arith.constant 1 : i32
          %swap3A_1981 = arith.index_cast %swap3A_1980 : i32 to index
          %swap3A_1982 = arith.constant 0 : index
          %swap3A_1983 = tpu.vector_load %arg6[%swap3A_1981, %swap3A_1982] {strides = array<i32>} : memref<4x16xi32, #tpu.memory_space<vmem>>, vector<16xi32>,
          tpu.vector_store %arg6[%swap3A_1981, %swap3A_1982], %parallel_loop3A_1975#1 {strides = array<i32>} : memref<4x16xi32, #tpu.memory_space<vmem>>, vector<16xi32>,
          %swap3A_1984 = arith.constant 2 : i32
          %swap3A_1985 = arith.index_cast %swap3A_1984 : i32 to index
          %swap3A_1986 = arith.constant 0 : index
          %swap3A_1987 = tpu.vector_load %arg6[%swap3A_1985, %swap3A_1986] {strides = array<i32>} : memref<4x16xi32, #tpu.memory_space<vmem>>, vector<16xi32>,
          tpu.vector_store %arg6[%swap3A_1985, %swap3A_1986], %parallel_loop3A_1975#2 {strides = array<i32>} : memref<4x16xi32, #tpu.memory_space<vmem>>, vector<16xi32>,
          %swap3A_1988 = arith.constant 3 : i32
          %swap3A_1989 = arith.index_cast %swap3A_1988 : i32 to index
          %swap3A_1990 = arith.constant 0 : index
          %swap3A_1991 = tpu.vector_load %arg6[%swap3A_1989, %swap3A_1990] {strides = array<i32>} : memref<4x16xi32, #tpu.memory_space<vmem>>, vector<16xi32>,
          tpu.vector_store %arg6[%swap3A_1989, %swap3A_1990], %parallel_loop3A_1975#3 {strides = array<i32>} : memref<4x16xi32, #tpu.memory_space<vmem>>, vector<16xi32>,
          %min3A_1992 = arith.minsi %parallel_loop3A_1975#0, %parallel_loop3A_1975#1 : vector<16xi32>
          %min3A_1993 = arith.minsi %min3A_1992, %parallel_loop3A_1975#2 : vector<16xi32>
          %min3A_1994 = arith.minsi %min3A_1993, %parallel_loop3A_1975#3 : vector<16xi32>
          %slice3A_1995 = vector.extract_strided_slice %min3A_1994 {offsets = [0], sizes = [1], strides = [1]} : vector<16xi32> to vector<1xi32>
          %squeeze3A_1996 = vector.extract %slice3A_1995[0] : i32 from vector<1xi32>
          %slice3A_1997 = vector.extract_strided_slice %min3A_1994 {offsets = [1], sizes = [1], strides = [1]} : vector<16xi32> to vector<1xi32>
          %squeeze3A_1998 = vector.extract %slice3A_1997[0] : i32 from vector<1xi32>
          %min3A_1999 = arith.minsi %squeeze3A_1996, %squeeze3A_1998 : i32
          %slice3A_2000 = vector.extract_strided_slice %min3A_1994 {offsets = [2], sizes = [1], strides = [1]} : vector<16xi32> to vector<1xi32>
          %squeeze3A_2001 = vector.extract %slice3A_2000[0] : i32 from vector<1xi32>
          %min3A_2002 = arith.minsi %min3A_1999, %squeeze3A_2001 : i32
          %slice3A_2003 = vector.extract_strided_slice %min3A_1994 {offsets = [3], sizes = [1], strides = [1]} : vector<16xi32> to vector<1xi32>
          %squeeze3A_2004 = vector.extract %slice3A_2003[0] : i32 from vector<1xi32>
          %min3A_2005 = arith.minsi %min3A_2002, %squeeze3A_2004 : i32
          %slice3A_2006 = vector.extract_strided_slice %min3A_1994 {offsets = [4], sizes = [1], strides = [1]} : vector<16xi32> to vector<1xi32>
          %squeeze3A_2007 = vector.extract %slice3A_2006[0] : i32 from vector<1xi32>
          %min3A_2008 = arith.minsi %min3A_2005, %squeeze3A_2007 : i32
          %slice3A_2009 = vector.extract_strided_slice %min3A_1994 {offsets = [5], sizes = [1], strides = [1]} : vector<16xi32> to vector<1xi32>
          %squeeze3A_2010 = vector.extract %slice3A_2009[0] : i32 from vector<1xi32>
          %min3A_2011 = arith.minsi %min3A_2008, %squeeze3A_2010 : i32
          %slice3A_2012 = vector.extract_strided_slice %min3A_1994 {offsets = [6], sizes = [1], strides = [1]} : vector<16xi32> to vector<1xi32>
          %squeeze3A_2013 = vector.extract %slice3A_2012[0] : i32 from vector<1xi32>
          %min3A_2014 = arith.minsi %min3A_2011, %squeeze3A_2013 : i32
          %slice3A_2015 = vector.extract_strided_slice %min3A_1994 {offsets = [7], sizes = [1], strides = [1]} : vector<16xi32> to vector<1xi32>
          %squeeze3A_2016 = vector.extract %slice3A_2015[0] : i32 from vector<1xi32>
          %min3A_2017 = arith.minsi %min3A_2014, %squeeze3A_2016 : i32
          %slice3A_2018 = vector.extract_strided_slice %min3A_1994 {offsets = [8], sizes = [1], strides = [1]} : vector<16xi32> to vector<1xi32>
          %squeeze3A_2019 = vector.extract %slice3A_2018[0] : i32 from vector<1xi32>
          %min3A_2020 = arith.minsi %min3A_2017, %squeeze3A_2019 : i32
          %slice3A_2021 = vector.extract_strided_slice %min3A_1994 {offsets = [9], sizes = [1], strides = [1]} : vector<16xi32> to vector<1xi32>
          %squeeze3A_2022 = vector.extract %slice3A_2021[0] : i32 from vector<1xi32>
          %min3A_2023 = arith.minsi %min3A_2020, %squeeze3A_2022 : i32
          %slice3A_2024 = vector.extract_strided_slice %min3A_1994 {offsets = [10], sizes = [1], strides = [1]} : vector<16xi32> to vector<1xi32>
          %squeeze3A_2025 = vector.extract %slice3A_2024[0] : i32 from vector<1xi32>
          %min3A_2026 = arith.minsi %min3A_2023, %squeeze3A_2025 : i32
          %slice3A_2027 = vector.extract_strided_slice %min3A_1994 {offsets = [11], sizes = [1], strides = [1]} : vector<16xi32> to vector<1xi32>
          %squeeze3A_2028 = vector.extract %slice3A_2027[0] : i32 from vector<1xi32>
          %min3A_2029 = arith.minsi %min3A_2026, %squeeze3A_2028 : i32
          %slice3A_2030 = vector.extract_strided_slice %min3A_1994 {offsets = [12], sizes = [1], strides = [1]} : vector<16xi32> to vector<1xi32>
          %squeeze3A_2031 = vector.extract %slice3A_2030[0] : i32 from vector<1xi32>
          %min3A_2032 = arith.minsi %min3A_2029, %squeeze3A_2031 : i32
          %slice3A_2033 = vector.extract_strided_slice %min3A_1994 {offsets = [13], sizes = [1], strides = [1]} : vector<16xi32> to vector<1xi32>
          %squeeze3A_2034 = vector.extract %slice3A_2033[0] : i32 from vector<1xi32>
          %min3A_2035 = arith.minsi %min3A_2032, %squeeze3A_2034 : i32
          %slice3A_2036 = vector.extract_strided_slice %min3A_1994 {offsets = [14], sizes = [1], strides = [1]} : vector<16xi32> to vector<1xi32>
          %squeeze3A_2037 = vector.extract %slice3A_2036[0] : i32 from vector<1xi32>
          %min3A_2038 = arith.minsi %min3A_2035, %squeeze3A_2037 : i32
          %slice3A_2039 = vector.extract_strided_slice %min3A_1994 {offsets = [15], sizes = [1], strides = [1]} : vector<16xi32> to vector<1xi32>
          %squeeze3A_2040 = vector.extract %slice3A_2039[0] : i32 from vector<1xi32>
          %min3A_2041 = arith.minsi %min3A_2038, %squeeze3A_2040 : i32
          %ge3A_2042 = arith.constant 32 : i32
          %ge3A_2043 = arith.cmpi sge, %min3A_2041, %ge3A_2042 : i32
          %convert_element_type3A_2044 = arith.extui %ge3A_2043 : i1 to i32
          %swap3A_2045 = arith.constant 0 : i32
          %swap3A_2046 = arith.index_cast %swap3A_2045 : i32 to index
          %swap3A_2047 = memref.load %arg7[%swap3A_2046] : memref<1xi32, #tpu.memory_space<smem>>
          memref.store %convert_element_type3A_2044, %arg7[%swap3A_2046] : memref<1xi32, #tpu.memory_space<smem>>
        } else {
        }
        %scan3A_1953 = arith.constant 0 : i32
        scf.yield %scan3A_1953 : i32
      }
      %scan3A_1942 = arith.constant 31 : i32
    } else {
    }
    %dma_start3A_1878 = arith.constant 1 : i32
    %dma_start3A_1879 = arith.constant 0 : i32
    %dma_start3A_1880 = arith.constant 0 : i32
    %dma_start3A_1881 = tpu.memref_slice %arg5[%dma_start3A_1878, %dma_start3A_1879, %dma_start3A_1880] : memref<2x32x64xf32, #tpu.memory_space<vmem>> -> memref<1x32x64xf32, #tpu.memory_space<vmem>>
    %dma_start3A_1882 = tpu.memref_squeeze %dma_start3A_1881 : memref<1x32x64xf32, #tpu.memory_space<vmem>> -> memref<32x64xf32, #tpu.memory_space<vmem>>
    %dma_start3A_1883 = arith.constant 0 : i32
    %dma_start3A_1884 = arith.constant 0 : i32
    %dma_start3A_1885 = tpu.memref_slice %arg3[%add3A_975, %dma_start3A_1883, %dma_start3A_1884] : memref<64x32x64xf32, #tpu.memory_space<hbm>> -> memref<1x32x64xf32, #tpu.memory_space<hbm>>
    %dma_start3A_1886 = tpu.memref_squeeze %dma_start3A_1885 : memref<1x32x64xf32, #tpu.memory_space<hbm>> -> memref<32x64xf32, #tpu.memory_space<hbm>>
    %dma_start3A_1887 = arith.constant 0 : i32
    %dma_start3A_1888 = arith.constant 0 : i32
    %dma_start3A_1889 = tpu.memref_slice %arg3[%add3A_975, %dma_start3A_1887, %dma_start3A_1888] : memref<64x32x64xf32, #tpu.memory_space<hbm>> -> memref<1x32x64xf32, #tpu.memory_space<hbm>>
    %dma_start3A_1890 = tpu.memref_squeeze %dma_start3A_1889 : memref<1x32x64xf32, #tpu.memory_space<hbm>> -> memref<32x64xf32, #tpu.memory_space<hbm>>
    %dma_start3A_1891 = arith.constant 0 : i32
    %dma_start3A_1892 = arith.constant 0 : i32
    %dma_start3A_1893 = tpu.memref_slice %arg5[%dma_start3A_1878, %dma_start3A_1891, %dma_start3A_1892] : memref<2x32x64xf32, #tpu.memory_space<vmem>> -> memref<1x32x64xf32, #tpu.memory_space<vmem>>
    %dma_start3A_1894 = tpu.memref_squeeze %dma_start3A_1893 : memref<1x32x64xf32, #tpu.memory_space<vmem>> -> memref<32x64xf32, #tpu.memory_space<vmem>>
    tpu.enqueue_dma source(%dma_start3A_1894 : memref<32x64xf32, #tpu.memory_space<vmem>>) target(%dma_start3A_1890 : memref<32x64xf32, #tpu.memory_space<hbm>>) target_semaphore(%arg8 : memref<!tpu.dma_semaphore, #tpu.memory_space<semaphore_mem>>)
    %mul3A_1895 = arith.constant 2 : i32
    %mul3A_1896 = arith.muli %add3A, %mul3A_1895 : i32
    %add3A_1897 = arith.constant 0 : i32
    %add3A_1898 = arith.addi %mul3A_1896, %add3A_1897 : i32
    %dma_wait3A_1899 = arith.constant 0 : i32
    %dma_wait3A_1900 = arith.constant 0 : i32
    %dma_wait3A_1901 = arith.constant 0 : i32
    %dma_wait3A_1902 = tpu.memref_slice %arg5[%dma_wait3A_1899, %dma_wait3A_1900, %dma_wait3A_1901] : memref<2x32x64xf32, #tpu.memory_space<vmem>> -> memref<1x32x64xf32, #tpu.memory_space<vmem>>
    %dma_wait3A_1903 = tpu.memref_squeeze %dma_wait3A_1902 : memref<1x32x64xf32, #tpu.memory_space<vmem>> -> memref<32x64xf32, #tpu.memory_space<vmem>>
    %dma_wait3A_1904 = arith.constant 0 : i32
    %dma_wait3A_1905 = arith.constant 0 : i32
    %dma_wait3A_1906 = tpu.memref_slice %arg3[%add3A_1898, %dma_wait3A_1904, %dma_wait3A_1905] : memref<64x32x64xf32, #tpu.memory_space<hbm>> -> memref<1x32x64xf32, #tpu.memory_space<hbm>>
    %dma_wait3A_1907 = tpu.memref_squeeze %dma_wait3A_1906 : memref<1x32x64xf32, #tpu.memory_space<hbm>> -> memref<32x64xf32, #tpu.memory_space<hbm>>
    %dma_wait3A_1908 = arith.constant 0 : i32
    %dma_wait3A_1909 = arith.constant 0 : i32
    %dma_wait3A_1910 = tpu.memref_slice %arg3[%add3A_1898, %dma_wait3A_1908, %dma_wait3A_1909] : memref<64x32x64xf32, #tpu.memory_space<hbm>> -> memref<1x32x64xf32, #tpu.memory_space<hbm>>
    %dma_wait3A_1911 = tpu.memref_squeeze %dma_wait3A_1910 : memref<1x32x64xf32, #tpu.memory_space<hbm>> -> memref<32x64xf32, #tpu.memory_space<hbm>>
    %dma_wait3A_1912 = arith.constant 0 : i32
    %dma_wait3A_1913 = arith.constant 0 : i32
    %dma_wait3A_1914 = tpu.memref_slice %arg5[%dma_wait3A_1899, %dma_wait3A_1912, %dma_wait3A_1913] : memref<2x32x64xf32, #tpu.memory_space<vmem>> -> memref<1x32x64xf32, #tpu.memory_space<vmem>>
    %dma_wait3A_1915 = tpu.memref_squeeze %dma_wait3A_1914 : memref<1x32x64xf32, #tpu.memory_space<vmem>> -> memref<32x64xf32, #tpu.memory_space<vmem>>
    tpu.wait_dma2 semaphore(%arg8 : memref<!tpu.dma_semaphore, #tpu.memory_space<semaphore_mem>>) src(%dma_wait3A_1915 : memref<32x64xf32, #tpu.memory_space<vmem>>) dst(%dma_wait3A_1911 : memref<32x64xf32, #tpu.memory_space<hbm>>)
    %mul3A_1916 = arith.constant 2 : i32
    %mul3A_1917 = arith.muli %add3A, %mul3A_1916 : i32
    %add3A_1918 = arith.constant 1 : i32
    %add3A_1919 = arith.addi %mul3A_1917, %add3A_1918 : i32
    %dma_wait3A_1920 = arith.constant 1 : i32
    %dma_wait3A_1921 = arith.constant 0 : i32
    %dma_wait3A_1922 = arith.constant 0 : i32
    %dma_wait3A_1923 = tpu.memref_slice %arg5[%dma_wait3A_1920, %dma_wait3A_1921, %dma_wait3A_1922] : memref<2x32x64xf32, #tpu.memory_space<vmem>> -> memref<1x32x64xf32, #tpu.memory_space<vmem>>
    %dma_wait3A_1924 = tpu.memref_squeeze %dma_wait3A_1923 : memref<1x32x64xf32, #tpu.memory_space<vmem>> -> memref<32x64xf32, #tpu.memory_space<vmem>>
    %dma_wait3A_1925 = arith.constant 0 : i32
    %dma_wait3A_1926 = arith.constant 0 : i32
    %dma_wait3A_1927 = tpu.memref_slice %arg3[%add3A_1919, %dma_wait3A_1925, %dma_wait3A_1926] : memref<64x32x64xf32, #tpu.memory_space<hbm>> -> memref<1x32x64xf32, #tpu.memory_space<hbm>>
    %dma_wait3A_1928 = tpu.memref_squeeze %dma_wait3A_1927 : memref<1x32x64xf32, #tpu.memory_space<hbm>> -> memref<32x64xf32, #tpu.memory_space<hbm>>
    %dma_wait3A_1929 = arith.constant 0 : i32
    %dma_wait3A_1930 = arith.constant 0 : i32
    %dma_wait3A_1931 = tpu.memref_slice %arg3[%add3A_1919, %dma_wait3A_1929, %dma_wait3A_1930] : memref<64x32x64xf32, #tpu.memory_space<hbm>> -> memref<1x32x64xf32, #tpu.memory_space<hbm>>
    %dma_wait3A_1932 = tpu.memref_squeeze %dma_wait3A_1931 : memref<1x32x64xf32, #tpu.memory_space<hbm>> -> memref<32x64xf32, #tpu.memory_space<hbm>>
    %dma_wait3A_1933 = arith.constant 0 : i32
    %dma_wait3A_1934 = arith.constant 0 : i32
    %dma_wait3A_1935 = tpu.memref_slice %arg5[%dma_wait3A_1920, %dma_wait3A_1933, %dma_wait3A_1934] : memref<2x32x64xf32, #tpu.memory_space<vmem>> -> memref<1x32x64xf32, #tpu.memory_space<vmem>>
    %dma_wait3A_1936 = tpu.memref_squeeze %dma_wait3A_1935 : memref<1x32x64xf32, #tpu.memory_space<vmem>> -> memref<32x64xf32, #tpu.memory_space<vmem>>
    tpu.wait_dma2 semaphore(%arg8 : memref<!tpu.dma_semaphore, #tpu.memory_space<semaphore_mem>>) src(%dma_wait3A_1936 : memref<32x64xf32, #tpu.memory_space<vmem>>) dst(%dma_wait3A_1932 : memref<32x64xf32, #tpu.memory_space<hbm>>)
    return
  }
}

</mosaic_0001>

<sc_bundles>
// kernel: kernel.3.cloned.1.call-start
scs
__scs_entry_jumppad:
0x0: {  	(pc) =	sbr.rel $0x88, $3  }
0x1: {  	(tag) =	ssettag $0x0;
	lr =	simm.s32 $0x1  }
0x2: {  	[smem:$0x3FA0] =	sst lr;
	_ =	strace $0xD0000000  }
0x3: {  	_ = 	snop  }
0x4: {  	_ = 	snop  }
0x5: {  	_ = 	snop  }
0x6: {  	_ = 	snop  }
0x7: {  	_ = 	snop  }
__scs_overlays_trampoline_lowered:
0x8: {  	[smem:$0x3FAF] =	sst s0  }
0x9: {  	[smem:$0x3FB0] =	sst s1  }
0xa: {  	[smem:$0x3FB1] =	sst s2  }
0xb: {  	[smem:$0x3FB2] =	sst s3  }
0xc: {  	[smem:$0x3FB3] =	sst s4  }
0xd: {  	[smem:$0x3FB4] =	sst s5  }
0xe: {  	[smem:$0x3FB5] =	sst s6  }
0xf: {  	[smem:$0x3FB6] =	sst s7  }
0x10: {  	[smem:$0x3FB7] =	sst s8  }
0x11: {  	[smem:$0x3FB8] =	sst s9;
	s0 =	simm.s32 @!p0 $0x0  }
0x12: {  	s1 =	sld [smem:$0x3F9E];
	s0 =	simm.s32 @p0 $0x1  }
0x13: {  	[smem:$0x3FB9] =	sst s0;
	s0 =	simm.s32 @!p1 $0x0  }
0x14: {  	s2 =	sld [smem:$0x3F9D];
	s0 =	simm.s32 @p1 $0x1  }
0x15: {  	[smem:$0x3FBA] =	sst s0;
	s0 =	simm.s32 @!p2 $0x0  }
0x16: {  	s3 =	sld [smem:$0x3FDB];
	s0 =	simm.s32 @p2 $0x1  }
0x17: {  	s4 =	simm.s32 $0x1BF5;
	[smem:$0x3FBC] =	sst s0  }
0x18: {  	s0 =	sld [smem:$0x3F9F];
	_ =	swait.ge [sflag:s4], $0x0  }
0x19: {  	s7 =	sld [smem:$0x3FA0]  }
0x1a: {  	s8 =	sadd.s32 $0xFFFFE003, lr  }
0x1b: {  	s9 =	sadd.s32 $0xFFFFFEF7, lr;
	s5 =	simm.s32 $0xFFFFFFFF;
	p2 =	slt.u32 s8, $0xFFFFF086  }
0x1c: {  	p1 =	slt.u32 s9, $0xF7A;
	s5 =	simm.s32 @!p2 $0x0  }
0x1d: {  	s5 =	simm.s32 @p1 $0x1;
	p0 =	seq.s32 s7, s2  }
0x1e: {  	s7 =	smul.u32 @!p0 $0xF7A, s2;
	p2 =	seq.s32 @!p0 s5, $0x0  }
0x1f: {  	s9 =	smul.u32 $0xF7A, s1;
	s8 =	simm.s32 @!p0 $0x1BF5;
	p2 =	por !p2, p0  }
0x20: {  	[sflag:s8] =	ssyncset.s32 @!p0 $0xFFFFF086;
	s6 =	sadd.s32 @!p0 s3, s7;
	s7 =	simm.s32 @!p0 $0x108  }
0x21: {  	s3 =	sadd.s32 s3, s9;
	s6 =	sadd.s32 @!p0 $0x88, s6;
	s7 =	simm.s32 @p2 $0x1082  }
0x22: {  	[simem:s7], [sflag:s8] =	dma.local @!p0 [hbm:s6], $0xF7A  }
0x23: {  	s9 =	sor.u32 $0xD0000000, s2;
	s6 =	simm.s32 $0x108;
	_ =	swait.ge @!p0 [sflag:s8], $0x0  }
0x24: {  	s3 =	sadd.s32 $0x88, s3;
	s6 =	simm.s32 @!p1 $0x1082;
	[sflag:s4] =	ssyncset.s32 $0xFFFFF086  }
0x25: {  	[simem:s6], [sflag:s4] =	dma.local [hbm:s3], $0xF7A  }
0x26: {  	[smem:$0x3FA0] =	sst s1;
	(tag) =	ssettag s2;
	_ =	strace s9  }
0x27: {  	s1 =	sld [smem:$0x3FB0]  }
0x28: {  	s2 =	sld [smem:$0x3FB1]  }
0x29: {  	s4 =	sld [smem:$0x3FB3]  }
0x2a: {  	p0 =	seq.s32 s5, $0x0;
	s5 =	sld [smem:$0x3FB4]  }
0x2b: {  	s6 =	sld [smem:$0x3FB5]  }
0x2c: {  	s7 =	sld [smem:$0x3FB6]  }
0x2d: {  	s3 =	simm.s32 $0x108;
	s8 =	sld [smem:$0x3FB7]  }
0x2e: {  	s3 =	simm.s32 @!p0 $0x1082;
	s9 =	sld [smem:$0x3FB8]  }
0x2f: {  	lr =	sadd.s32 s0, s3;
	s0 =	sld [smem:$0x3FAF]  }
0x30: {  	s3 =	sld [smem:$0x3FB2]  }
0x31: {  	[smem:$0x3FBB] =	sst s10  }
0x32: {  	s10 =	sld [smem:$0x3FB9];
	_ =	sdelay $0x3  }
0x33: {  	p0 =	seq.s32 s10, $0x1;
	s10 =	sld [smem:$0x3FBB];
	_ =	sdelay $0x3  }
0x34: {  	[smem:$0x3FBB] =	sst s10  }
0x35: {  	s10 =	sld [smem:$0x3FBA];
	_ =	sdelay $0x3  }
0x36: {  	p1 =	seq.s32 s10, $0x1;
	s10 =	sld [smem:$0x3FBB];
	_ =	sdelay $0x3  }
0x37: {  	[smem:$0x3FBB] =	sst s10  }
0x38: {  	s10 =	sld [smem:$0x3FBC]  }
0x39: {  	_ = 	snop;
	(pc) =	sbr.ind lr, $3  }
0x3a: {  	_ = 	snop  }
0x3b: {  	_ = 	snop  }
0x3c: {  	p2 =	seq.s32 s10, $0x1;
	s10 =	sld [smem:$0x3FBB]  }
0x3d: {  	_ =	shalt  }
0x3e: {  	_ =	shalt  }
0x3f: {  	_ =	shalt  }
0x40: {  	_ =	shalt  }
0x41: {  	_ =	shalt  }
0x42: {  	_ =	shalt  }
0x43: {  	_ =	shalt  }
0x44: {  	_ =	shalt  }
0x45: {  	_ =	shalt  }
0x46: {  	_ =	shalt  }
0x47: {  	_ =	shalt  }
0x48: {  	_ =	shalt  }
0x49: {  	_ =	shalt  }
0x4a: {  	_ =	shalt  }
0x4b: {  	_ =	shalt  }
0x4c: {  	_ =	shalt  }
0x4d: {  	_ =	shalt  }
0x4e: {  	_ =	shalt  }
0x4f: {  	_ =	shalt  }
0x50: {  	_ =	shalt  }
0x51: {  	_ =	shalt  }
0x52: {  	_ =	shalt  }
0x53: {  	_ =	shalt  }
0x54: {  	_ =	shalt  }
0x55: {  	_ =	shalt  }
0x56: {  	_ =	shalt  }
0x57: {  	_ =	shalt  }
0x58: {  	_ =	shalt  }
0x59: {  	_ =	shalt  }
0x5a: {  	_ =	shalt  }
0x5b: {  	_ =	shalt  }
0x5c: {  	_ =	shalt  }
0x5d: {  	_ =	shalt  }
0x5e: {  	_ =	shalt  }
0x5f: {  	_ =	shalt  }
0x60: {  	_ =	shalt  }
0x61: {  	_ =	shalt  }
0x62: {  	_ =	shalt  }
0x63: {  	_ =	shalt  }
0x64: {  	_ =	shalt  }
0x65: {  	_ =	shalt  }
0x66: {  	_ =	shalt  }
0x67: {  	_ =	shalt  }
0x68: {  	_ =	shalt  }
0x69: {  	_ =	shalt  }
0x6a: {  	_ =	shalt  }
0x6b: {  	_ =	shalt  }
0x6c: {  	_ =	shalt  }
0x6d: {  	_ =	shalt  }
0x6e: {  	_ =	shalt  }
0x6f: {  	_ =	shalt  }
0x70: {  	_ =	shalt  }
0x71: {  	_ =	shalt  }
0x72: {  	_ =	shalt  }
0x73: {  	_ =	shalt  }
0x74: {  	_ =	shalt  }
0x75: {  	_ =	shalt  }
0x76: {  	_ =	shalt  }
0x77: {  	_ =	shalt  }
0x78: {  	_ =	shalt  }
0x79: {  	_ =	shalt  }
0x7a: {  	_ =	shalt  }
0x7b: {  	_ =	shalt  }
0x7c: {  	_ =	shalt  }
0x7d: {  	_ =	shalt  }
0x7e: {  	_ =	shalt  }
0x7f: {  	_ =	shalt  }
0x80: {  	_ =	shalt  }
0x81: {  	_ =	shalt  }
0x82: {  	_ =	shalt  }
0x83: {  	_ =	shalt  }
0x84: {  	_ =	shalt  }
0x85: {  	_ =	shalt  }
0x86: {  	_ =	shalt  }
0x87: {  	_ =	shalt  }
.Lfunc_end0:
.L_simem_size_0:
called_computation_lowered:
.L_overlay_start_0:
0x88: {  	s2 =	sld [smem:$0x3FD9]  }
0x89: {  	s3 =	sld [smem:$0x3FFE];
	_ =	sdelay $0x1  }
0x8a: {  	s1 =	srdreg.scid  }
0x8b: {  	s0 =	sand.u32 $0x1, s1  }
0x8c: {  	s17 =	sshll.u32 s0, $0xA;
	s2 =	sadd.s32 s3, s2  }
0x8d: {  	s2 =	sadd.s32 s2, s17  }
0x8e: {  	[smem:$0x3FC7] =	sst s2  }
0x8f: {  	_ = 	snop  }
0x90: {  	s2 =	sld [smem:$0x3FD0];
	(tm) =	ssettm $0x1  }
0x91: {  	s18 =	sld [smem:$0x3FFB];
	_ =	sdelay $0x3  }
0x92: {  	_ =	strace s18  }
0x93: {  	s3 =	sld [smem:$0x3FFC];
	_ =	sdelay $0x3  }
0x94: {  	_ =	strace s3  }
0x95: {  	s3 =	sld [smem:$0x3FFD];
	_ =	sdelay $0x3  }
0x96: {  	_ =	strace s3  }
0x97: {  	_ =	strace $0x8FFFFFFF  }
0x98: {  	s19 =	sld [smem:$0x3FDB];
	_ =	sdelay $0x1  }
0x99: {  	s4 =	simm.s32 $_scs_section_size  }
0x9a: {  	s5 =	simm.s32 $_size__tile_overlayer_lowered;
	s6 =	simm.s32 $_tile_overlayer_lowered  }
0x9b: {  	s22 =	simm.s32 $0x1BFF;
	s21 =	sshll.u32 s6, $0x1;
	s3 =	sadd.s32 s4, s19  }
0x9c: {  	s7 =	simm.s32 $0x0;
	s20 =	sshll.u32 s5, $0x1;
	s5 =	sadd.s32 s21, s3  }
0x9d: {  	[timem:s7], [sflag:s22] =	dma.local [hbm:s5], s20  }
0x9e: {  	_ =	swait.ge [sflag:s22], s20  }
0x9f: {  	s4 =	ssub.s32 $0x0, s20;
	[sflag:s22] =	ssyncset.done $0x0  }
0xa0: {  	[sflag:s22] =	ssyncadd.s32 s4;
	_ =	sdelay $0x1  }
0xa1: {  	s23 =	simm.s32 $0x1B8B  }
0xa2: {  	_ =	swait.ge [sflag:s23], $0x1  }
0xa3: {  	[sflag:s23] =	ssyncset.done $0x0  }
0xa4: {  	s25 =	simm.s32 $0x1B8E;
	s24 =	sld [smem:$0x3FFE];
	[sflag:s23] =	ssyncadd.s32 $0xFFFFFFFF  }
0xa5: {  	s26 =	simm.s32 $execute0_lowered;
	[smem:$0x3FD2] =	sst s25  }
0xa6: {  	s5 =	sshll.u32 s26, $0x1;
	_ =	strace $0x80000046;
	[dreg:$0x1] =	wrdreg $0xFFFFFFFF  }
0xa7: {  	s28 =	simm.s32 $_size_execute0_lowered;
	s3 =	sadd.s32 s3, s5;
	[dreg:$0x0] =	wrdreg $0x0  }
0xa8: {  	s5 =	sshll.u32 s28, $0x1;
	[dreg:$0x2] =	wrdreg s3  }
0xa9: {  	[dreg:$0x3] =	wrdreg s5  }
0xaa: {  	[dreg:$0x4] =	wrdreg $0xC0  }
0xab: {  	_ =	task [dreg:s7], $0x5FFFF  }
0xac: {  	[dreg:$0x1] =	wrdreg $0xFFFFFFFF  }
0xad: {  	[dreg:$0x0] =	wrdreg $0x60  }
0xae: {  	[dreg:$0x2] =	wrdreg s24  }
0xaf: {  	[dreg:$0x3] =	wrdreg s2  }
0xb0: {  	[dreg:$0x4] =	wrdreg $0x9  }
0xb1: {  	_ =	task.clear_ibuf [dreg:s7], $0x5FFFF;
	_ =	strace $0x90000046  }
0xb2: {  	s29 =	simm.s32 $0x9;
	_ =	strace $0x80000048  }
0xb3: {  	_ =	swait.ge [sflag:s29], $0x1  }
0xb4: {  	[sflag:s29] =	ssyncadd.s32 $0xFFFFFFFF  }
0xb5: {  	_ =	strace $0x90000048  }
0xb6: {  	_ =	sfence  }
0xb7: {  	s30 =	sld [smem:$0x0];
	_ =	sdelay $0x2  }
0xb8: {  	s31 =	sshll.u32 s1, $0xD;
	s1 =	sshrl.u32 s1, $0x2  }
0xb9: {  	s3 =	sand.u32 $0x4000, s31;
	s1 =	sadd.s32 s1, s30  }
0xba: {  	s0 =	sor.u32 s3, s0;
	s1 =	sshll.u32 s1, $0x11  }
0xbb: {  	s0 =	sor.u32 s1, s0  }
0xbc: {  	s0 =	sadd.s32 $0x8F2B, s0  }
0xbd: {  	[sflag:s0] =	ssyncadd.remote.s32 $0x1  }
0xbe: {  	_ =	sfence.sel $0xFFFF  }
0xbf: {  	[dreg:$0x0] =	wrdreg $0xFFFFFFFF;
	(pc) =	sbr.abs _section_cstart, $3  }
0xc0: {  	[dreg:$0x1] =	wrdreg $0xFFFFFFFF  }
0xc1: {  	_ =	task.clear_ibuf [dreg:s7], $0x2FFFF;
	_ =	strace $0x9FFFFFFF  }
0xc2: {  	(tm) =	ssettm $0x7FFFFFFF  }
0xc3: {  	_ =	shalt  }
tec
execute0_lowered:
.L_overlay_start_1:
0x0: {  	(tag) =	ssettag $0x1  }
0x1: {  	s3 =	rddreg [dreg:$0x0]  }
0x2: {  	s6 =	rddreg [dreg:$0x1]  }
0x3: {  	s0 =	rddreg [dreg:$0x2];
	s4 =	srdreg.scid;
	s2 =	simm.s32 $0x0  }
0x4: {  	s1 =	stileid.u32;
	s11 =	simm.s32 $0x1;
	s12 =	simm.s32 $0x3  }
0x5: {  	s13 =	simm.s32 $0x9000;
	s14 =	simm.s32 $0x4;
	s15 =	simm.s32 $0x0  }
0x6: {  	s4 =	sand.u32 $0x1, s4;
	[smem:$0x7FF] =	sst s2;
	s5 =	sshll.u32 s1, $0x2  }
0x7: {  	s28 =	sadd.s32 $0x400, s3;
	s7 =	sshll.u32 s4, $0x1;
	s4 =	ssub.s32 $0x2, s4  }
0x8: {  	_ =	strace $0x80000047;
	s5 =	sor.u32 s7, s5;
	s29 =	sshrl.u32 s4, $0x1  }
.Ltmp0:
0x9: {  	s8 =	sshll.u32 s5, $0x10;
	s9 =	ssub.s32 s4, s29;
	(pc) =	sbr.rel .LBB2_1-.Ltmp0, $4  }
0xa: {  	s30 =	sor.u32 $0x1, s5;
	s5 =	sshll.u32 s5, $0x9;
	s3 =	sadd.s32 s28, s8  }
0xb: {  	s31 =	sshll.u32 s30, $0x10;
	s10 =	sshll.u32 s30, $0x9;
	s5 =	sadd.s32 s6, s5  }
0xc: {  	v0 =	vimm.f32 $+Inf;
	v1 =	vlaneseq.u32;
	v2 =	vimm.s32 $0x0;
	s7 =	smax.u32 s9, $0x1;
	s8 =	simm.s32 $0x4000;
	s9 =	simm.s32 $0x2  }
0xd: {  	v3 =	vor.u32 $0x10, v1;
	v4 =	vor.u32 $0x20, v1;
	v5 =	vor.u32 $0x30, v1;
	s4 =	sadd.s32 s28, s31;
	s6 =	sadd.s32 s6, s10;
	s10 =	simm.s32 $0x8000  }
.LBB2_17:
0xe: {  	[hbm4b:s6+s2] =	stream.linear.scatter [tilespmem:s13], [sflag:$0x1], $0x1000, $0x38;
	[tilespmem:$0xA200] =	vst v63  }
0xf: {  	s15 =	sadd.s32 $0x1, s15  }
0x10: {  	_ =	swait.ge [sflag:s11], $0x1000;
	p0 =	sne.s32 s15, s7  }
.Ltmp1:
0x11: {  	[sflag:s11] =	ssyncset.done $0x0;
	(pc) =	sbr.rel @!p0 .LBB2_18-.Ltmp1, $4  }
0x12: {  	[sflag:s11] =	ssyncadd.s32 $0xFFFFF000  }
0x13: {  	_ =	swait.ge [sflag:s11], $0x1000  }
0x14: {  	[sflag:s11] =	ssyncset.done $0x0  }
0x15: {  	[sflag:s11] =	ssyncadd.s32 $0xFFFFF000  }
.LBB2_1:
0x16: {  	[tilespmem:s2], [sflag:$0x2] =	stream.linear.gather [hbm4b:s3+s2], $0x4000, $0x38;
	[tilespmem:$0xA200] =	vst v63  }
0x17: {  	_ = 	snop  }
0x18: {  	[tilespmem:s8], [sflag:$0x3] =	stream.linear.gather [hbm4b:s4+s2], $0x4000, $0x38;
	[tilespmem:$0xA200] =	vst v63  }
0x19: {  	[tilespmem:$0x8000] =	vst v0  }
0x1a: {  	[tilespmem:$0x8010] =	vst v0  }
0x1b: {  	[tilespmem:$0x8020] =	vst v0  }
0x1c: {  	[tilespmem:$0x8030] =	vst v0  }
0x1d: {  	[tilespmem:$0x8080] =	vst v0  }
0x1e: {  	[tilespmem:$0x8090] =	vst v0  }
0x1f: {  	[tilespmem:$0x80A0] =	vst v0  }
0x20: {  	[tilespmem:$0x80B0] =	vst v0  }
0x21: {  	[tilespmem:$0x8100] =	vst v0  }
0x22: {  	[tilespmem:$0x8110] =	vst v0  }
0x23: {  	[tilespmem:$0x8120] =	vst v0  }
0x24: {  	[tilespmem:$0x8130] =	vst v0  }
0x25: {  	[tilespmem:$0x8180] =	vst v0  }
0x26: {  	[tilespmem:$0x8190] =	vst v0  }
0x27: {  	[tilespmem:$0x81A0] =	vst v0  }
0x28: {  	[tilespmem:$0x81B0] =	vst v0  }
0x29: {  	[tilespmem:$0x8200] =	vst v0  }
0x2a: {  	[tilespmem:$0x8210] =	vst v0  }
0x2b: {  	[tilespmem:$0x8220] =	vst v0  }
0x2c: {  	[tilespmem:$0x8230] =	vst v0  }
0x2d: {  	[tilespmem:$0x8280] =	vst v0  }
0x2e: {  	[tilespmem:$0x8290] =	vst v0  }
0x2f: {  	[tilespmem:$0x82A0] =	vst v0  }
0x30: {  	[tilespmem:$0x82B0] =	vst v0  }
0x31: {  	[tilespmem:$0x8300] =	vst v0  }
0x32: {  	[tilespmem:$0x8310] =	vst v0  }
0x33: {  	[tilespmem:$0x8320] =	vst v0  }
0x34: {  	[tilespmem:$0x8330] =	vst v0  }
0x35: {  	[tilespmem:$0x8380] =	vst v0  }
0x36: {  	[tilespmem:$0x8390] =	vst v0  }
0x37: {  	[tilespmem:$0x83A0] =	vst v0  }
0x38: {  	[tilespmem:$0x83B0] =	vst v0  }
0x39: {  	[tilespmem:$0x8400] =	vst v0  }
0x3a: {  	[tilespmem:$0x8410] =	vst v0  }
0x3b: {  	[tilespmem:$0x8420] =	vst v0  }
0x3c: {  	[tilespmem:$0x8430] =	vst v0  }
0x3d: {  	[tilespmem:$0x8480] =	vst v0  }
0x3e: {  	[tilespmem:$0x8490] =	vst v0  }
0x3f: {  	[tilespmem:$0x84A0] =	vst v0  }
0x40: {  	[tilespmem:$0x84B0] =	vst v0  }
0x41: {  	[tilespmem:$0x8500] =	vst v0  }
0x42: {  	[tilespmem:$0x8510] =	vst v0  }
0x43: {  	[tilespmem:$0x8520] =	vst v0  }
0x44: {  	[tilespmem:$0x8530] =	vst v0  }
0x45: {  	[tilespmem:$0x8580] =	vst v0  }
0x46: {  	[tilespmem:$0x8590] =	vst v0  }
0x47: {  	[tilespmem:$0x85A0] =	vst v0  }
0x48: {  	[tilespmem:$0x85B0] =	vst v0  }
0x49: {  	[tilespmem:$0x8600] =	vst v0  }
0x4a: {  	[tilespmem:$0x8610] =	vst v0  }
0x4b: {  	[tilespmem:$0x8620] =	vst v0  }
0x4c: {  	[tilespmem:$0x8630] =	vst v0  }
0x4d: {  	[tilespmem:$0x8680] =	vst v0  }
0x4e: {  	[tilespmem:$0x8690] =	vst v0  }
0x4f: {  	[tilespmem:$0x86A0] =	vst v0  }
0x50: {  	[tilespmem:$0x86B0] =	vst v0  }
0x51: {  	[tilespmem:$0x8700] =	vst v0  }
0x52: {  	[tilespmem:$0x8710] =	vst v0  }
0x53: {  	[tilespmem:$0x8720] =	vst v0  }
0x54: {  	[tilespmem:$0x8730] =	vst v0  }
0x55: {  	[tilespmem:$0x8780] =	vst v0  }
0x56: {  	[tilespmem:$0x8790] =	vst v0  }
0x57: {  	[tilespmem:$0x87A0] =	vst v0  }
0x58: {  	[tilespmem:$0x87B0] =	vst v0  }
0x59: {  	[tilespmem:$0x8800] =	vst v0  }
0x5a: {  	[tilespmem:$0x8810] =	vst v0  }
0x5b: {  	[tilespmem:$0x8820] =	vst v0  }
0x5c: {  	[tilespmem:$0x8830] =	vst v0  }
0x5d: {  	[tilespmem:$0x8880] =	vst v0  }
0x5e: {  	[tilespmem:$0x8890] =	vst v0  }
0x5f: {  	[tilespmem:$0x88A0] =	vst v0  }
0x60: {  	[tilespmem:$0x88B0] =	vst v0  }
0x61: {  	[tilespmem:$0x8900] =	vst v0  }
0x62: {  	[tilespmem:$0x8910] =	vst v0  }
0x63: {  	[tilespmem:$0x8920] =	vst v0  }
0x64: {  	[tilespmem:$0x8930] =	vst v0  }
0x65: {  	[tilespmem:$0x8980] =	vst v0  }
0x66: {  	[tilespmem:$0x8990] =	vst v0  }
0x67: {  	[tilespmem:$0x89A0] =	vst v0  }
0x68: {  	[tilespmem:$0x89B0] =	vst v0  }
0x69: {  	[tilespmem:$0x8A00] =	vst v0  }
0x6a: {  	[tilespmem:$0x8A10] =	vst v0  }
0x6b: {  	[tilespmem:$0x8A20] =	vst v0  }
0x6c: {  	[tilespmem:$0x8A30] =	vst v0  }
0x6d: {  	[tilespmem:$0x8A80] =	vst v0  }
0x6e: {  	[tilespmem:$0x8A90] =	vst v0  }
0x6f: {  	[tilespmem:$0x8AA0] =	vst v0  }
0x70: {  	[tilespmem:$0x8AB0] =	vst v0  }
0x71: {  	[tilespmem:$0x8B00] =	vst v0  }
0x72: {  	[tilespmem:$0x8B10] =	vst v0  }
0x73: {  	[tilespmem:$0x8B20] =	vst v0  }
0x74: {  	[tilespmem:$0x8B30] =	vst v0  }
0x75: {  	[tilespmem:$0x8B80] =	vst v0  }
0x76: {  	[tilespmem:$0x8B90] =	vst v0  }
0x77: {  	[tilespmem:$0x8BA0] =	vst v0  }
0x78: {  	[tilespmem:$0x8BB0] =	vst v0  }
0x79: {  	[tilespmem:$0x8C00] =	vst v0  }
0x7a: {  	[tilespmem:$0x8C10] =	vst v0  }
0x7b: {  	[tilespmem:$0x8C20] =	vst v0  }
0x7c: {  	[tilespmem:$0x8C30] =	vst v0  }
0x7d: {  	[tilespmem:$0x8C80] =	vst v0  }
0x7e: {  	[tilespmem:$0x8C90] =	vst v0  }
0x7f: {  	[tilespmem:$0x8CA0] =	vst v0  }
0x80: {  	[tilespmem:$0x8CB0] =	vst v0  }
0x81: {  	[tilespmem:$0x8D00] =	vst v0  }
0x82: {  	[tilespmem:$0x8D10] =	vst v0  }
0x83: {  	[tilespmem:$0x8D20] =	vst v0  }
0x84: {  	[tilespmem:$0x8D30] =	vst v0  }
0x85: {  	[tilespmem:$0x8D80] =	vst v0  }
0x86: {  	[tilespmem:$0x8D90] =	vst v0  }
0x87: {  	[tilespmem:$0x8DA0] =	vst v0  }
0x88: {  	[tilespmem:$0x8DB0] =	vst v0  }
0x89: {  	[tilespmem:$0x8E00] =	vst v0  }
0x8a: {  	[tilespmem:$0x8E10] =	vst v0  }
0x8b: {  	[tilespmem:$0x8E20] =	vst v0  }
0x8c: {  	[tilespmem:$0x8E30] =	vst v0  }
0x8d: {  	[tilespmem:$0x8E80] =	vst v0  }
0x8e: {  	[tilespmem:$0x8E90] =	vst v0  }
0x8f: {  	[tilespmem:$0x8EA0] =	vst v0  }
0x90: {  	[tilespmem:$0x8EB0] =	vst v0  }
0x91: {  	[tilespmem:$0x8F00] =	vst v0  }
0x92: {  	[tilespmem:$0x8F10] =	vst v0  }
0x93: {  	[tilespmem:$0x8F20] =	vst v0  }
0x94: {  	[tilespmem:$0x8F30] =	vst v0  }
0x95: {  	[tilespmem:$0x8F80] =	vst v0  }
0x96: {  	[tilespmem:$0x8F90] =	vst v0  }
0x97: {  	[tilespmem:$0x8FA0] =	vst v0  }
0x98: {  	[tilespmem:$0x8FB0] =	vst v0  }
0x99: {  	[tilespmem:$0xA000] =	vst v2  }
0x9a: {  	[tilespmem:$0xA080] =	vst v2  }
0x9b: {  	[tilespmem:$0xA100] =	vst v2  }
0x9c: {  	[tilespmem:$0xA180] =	vst v2  }
0x9d: {  	_ =	swait.ge [sflag:s9], $0x4000  }
0x9e: {  	v6 =	vimm.s32 $0x0;
	[sflag:s9] =	ssyncset.done $0x0  }
0x9f: {  	s16 =	simm.s32 $0x200;
	v10 =	vimm.s32 $0x0;
	v9 =	vimm.s32 $0x0;
	v8 =	vimm.s32 $0x0;
	s17 =	simm.s32 $0x0;
	[sflag:s9] =	ssyncadd.s32 $0xFFFFC000  }
.LBB2_2:
0xa0: {  	v7 =	vld [tilespmem:s16+$0xFFFFFE00];
	_ =	sdelay $0x4  }
0xa1: {  	vm0 =	vlt.f32 v7, $0.0e+00;
	vm1 =	vgt.f32 v7, $0.0e+00  }
0xa2: {  	vm15 =	vlt.s32 v8, $0x20;
	vm0 =	vmor vm1, vm0  }
0xa3: {  	v7 =	vshll.u32 v8, $0x7;
	vm0 =	vmand vm15, vm0  }
0xa4: {  	s18 =	scvt.s32.f32 s17;
	v11 =	vor.u32 v1, v7;
	_ =	sdelay $0x1  }
0xa5: {  	s18 =	smul.f32 $1.000000050e-03, s18  }
0xa6: {  	v12 =	vld [tilespmem:s16+$0xFFFFFE80]  }
0xa7: {  	v7 =	vmov s18  }
0xa8: {  	[tilespmem:v11+s10+$0x0] =	vst.idx.msk vm0, v7  }
0xa9: {  	v11 =	vld [tilespmem:s16+$0xFFFFFE10]  }
0xaa: {  	v35 =	vld [tilespmem:s16+$0xFFFFFF00];
	v13 =	vsel vm0, $0x1, v2  }
0xab: {  	vm4 =	vlt.f32 v12, $0.0e+00;
	vm5 =	vgt.f32 v12, $0.0e+00;
	v13 =	vadd.s32 v13, v8  }
0xac: {  	vm6 =	vlt.s32 v13, $0x20;
	vm0 =	vmor vm5, vm4  }
0xad: {  	s24 =	sadd.s32 $0x1, s17;
	v8 =	vshll.u32 v13, $0x7;
	vm0 =	vmand vm6, vm0  }
0xae: {  	s18 =	scvt.s32.f32 s24;
	vm7 =	vlt.f32 v11, $0.0e+00;
	vm2 =	vgt.f32 v11, $0.0e+00;
	v11 =	vor.u32 v1, v8  }
0xaf: {  	vm8 =	vlt.s32 v9, $0x20;
	vm9 =	vlt.f32 v35, $0.0e+00;
	vm3 =	vgt.f32 v35, $0.0e+00  }
0xb0: {  	vm10 =	vmor vm3, vm9;
	s18 =	smul.f32 $1.000000050e-03, s18;
	v15 =	vsel vm0, $0x1, v2;
	vm1 =	vmor vm2, vm7  }
0xb1: {  	v13 =	vadd.s32 v15, v13;
	v8 =	vshll.u32 v9, $0x7;
	vm1 =	vmand vm8, vm1  }
0xb2: {  	vm11 =	vlt.s32 v13, $0x20;
	v14 =	vor.u32 v3, v8;
	v8 =	vmov s18  }
0xb3: {  	s25 =	sadd.s32 $0x2, s17;
	v36 =	vshll.u32 v13, $0x7;
	[tilespmem:v11+s10+$0x0] =	vst.idx.msk vm0, v8;
	vm0 =	vmand vm11, vm10  }
0xb4: {  	v12 =	vor.u32 v1, v36;
	s18 =	scvt.s32.f32 s25;
	v11 =	vld [tilespmem:s16+$0xFFFFFE90];
	_ =	sdelay $0x1  }
0xb5: {  	s18 =	smul.f32 $1.000000050e-03, s18  }
0xb6: {  	v37 =	vsel vm1, $0x1, v2;
	[tilespmem:v14+s10+$0x0] =	vst.idx.msk vm1, v7  }
0xb7: {  	v14 =	vadd.s32 v37, v9;
	v9 =	vmov s18;
	v38 =	vld [tilespmem:s16+$0xFFFFFE20]  }
0xb8: {  	vm12 =	vlt.f32 v11, $0.0e+00;
	vm13 =	vgt.f32 v11, $0.0e+00;
	[tilespmem:v12+s10+$0x0] =	vst.idx.msk vm0, v9  }
0xb9: {  	vm14 =	vlt.s32 v14, $0x20;
	vm1 =	vmor vm13, vm12;
	v12 =	vld [tilespmem:s16+$0xFFFFFF10]  }
0xba: {  	v11 =	vshll.u32 v14, $0x7;
	vm1 =	vmand vm14, vm1  }
0xbb: {  	v39 =	vshll.u32 v10, $0x7;
	v11 =	vor.u32 v3, v11  }
0xbc: {  	vm15 =	vlt.f32 v38, $0.0e+00;
	vm6 =	vgt.f32 v38, $0.0e+00;
	v16 =	vsel vm1, $0x1, v2  }
0xbd: {  	vm7 =	vlt.s32 v10, $0x20;
	vm2 =	vmor vm6, vm15;
	v14 =	vadd.s32 v16, v14  }
0xbe: {  	vm3 =	vmand vm7, vm2;
	vm8 =	vlt.f32 v12, $0.0e+00;
	vm4 =	vgt.f32 v12, $0.0e+00  }
0xbf: {  	v40 =	vor.u32 v4, v39;
	vm10 =	vlt.s32 v14, $0x20;
	vm9 =	vmor vm4, vm8  }
0xc0: {  	v46 =	vld [tilespmem:s16+$0x0];
	v41 =	vshll.u32 v14, $0x7;
	[tilespmem:v11+s10+$0x0] =	vst.idx.msk vm1, v8;
	vm2 =	vmand vm10, vm9  }
0xc1: {  	v15 =	vor.u32 v3, v41;
	v11 =	vld [tilespmem:s16+$0xFFFFFEA0];
	_ =	sdelay $0x2  }
0xc2: {  	v44 =	vld [tilespmem:s16+$0xFFFFFF80];
	[tilespmem:v40+s10+$0x0] =	vst.idx.msk vm3, v7  }
0xc3: {  	vm5 =	vlt.s32 v6, $0x20;
	vm6 =	vgt.f32 v46, $0.0e+00;
	v42 =	vsel vm3, $0x1, v2;
	v43 =	vld [tilespmem:s16+$0xFFFFFE30]  }
0xc4: {  	v10 =	vadd.s32 v42, v10;
	vm11 =	vlt.f32 v11, $0.0e+00;
	vm12 =	vgt.f32 v11, $0.0e+00;
	[tilespmem:v15+s10+$0x0] =	vst.idx.msk vm2, v9  }
0xc5: {  	vm13 =	vlt.s32 v10, $0x20;
	v20 =	vsel vm2, $0x1, v2;
	vm1 =	vmor vm12, vm11;
	v15 =	vld [tilespmem:s16+$0xFFFFFF20]  }
0xc6: {  	v14 =	vadd.s32 v20, v14;
	v11 =	vshll.u32 v10, $0x7;
	vm1 =	vmand vm13, vm1  }
0xc7: {  	v52 =	vshll.u32 v14, $0x7;
	v11 =	vor.u32 v4, v11;
	vm11 =	vlt.f32 v44, $0.0e+00  }
0xc8: {  	vm14 =	vlt.f32 v43, $0.0e+00;
	vm15 =	vgt.f32 v43, $0.0e+00;
	v45 =	vsel vm1, $0x1, v2  }
0xc9: {  	vm12 =	vgt.f32 v44, $0.0e+00;
	vm4 =	vmor vm15, vm14;
	v17 =	vadd.s32 v45, v10  }
0xca: {  	v55 =	vld [tilespmem:s16+$0x100];
	v10 =	vsel vm0, $0x1, v2;
	vm8 =	vlt.f32 v15, $0.0e+00;
	vm9 =	vgt.f32 v15, $0.0e+00  }
0xcb: {  	v10 =	vadd.s32 v10, v13;
	vm10 =	vlt.s32 v17, $0x20;
	vm0 =	vmor vm9, vm8  }
0xcc: {  	s26 =	sadd.s32 $0x3, s17;
	v12 =	vshll.u32 v17, $0x7;
	vm13 =	vlt.s32 v10, $0x20;
	[tilespmem:v11+s10+$0x0] =	vst.idx.msk vm1, v8;
	vm3 =	vmand vm10, vm0  }
0xcd: {  	s18 =	scvt.s32.f32 s26;
	v47 =	vor.u32 v4, v12;
	v48 =	vshll.u32 v10, $0x7;
	vm0 =	vmor vm12, vm11;
	v11 =	vld [tilespmem:s16+$0xFFFFFEB0]  }
0xce: {  	vm15 =	vlt.f32 v46, $0.0e+00;
	v49 =	vor.u32 v1, v48;
	vm1 =	vmand vm13, vm0  }
0xcf: {  	v51 =	vld [tilespmem:s16+$0x80];
	s18 =	smul.f32 $1.000000050e-03, s18;
	vm8 =	vlt.f32 v55, $0.0e+00;
	vm0 =	vmand vm5, vm4;
	v18 =	vsel vm1, $0x1, v2  }
0xd0: {  	vm5 =	vmor vm6, vm15;
	v50 =	vsel vm0, $0x1, v2;
	v18 =	vadd.s32 v18, v10  }
0xd1: {  	v12 =	vadd.s32 v50, v6;
	v10 =	vmov s18;
	vm9 =	vlt.s32 v18, $0x20  }
0xd2: {  	s28 =	sadd.s32 $0x4, s17;
	vm11 =	vlt.s32 v12, $0x20;
	vm14 =	vlt.f32 v11, $0.0e+00;
	[tilespmem:v47+s10+$0x0] =	vst.idx.msk vm3, v9;
	vm7 =	vgt.f32 v11, $0.0e+00  }
0xd3: {  	s18 =	scvt.s32.f32 s28;
	vm5 =	vmand vm9, vm5;
	v11 =	vshll.u32 v18, $0x7;
	v15 =	vld [tilespmem:s16+$0xFFFFFF30];
	vm10 =	vmor vm7, vm14  }
0xd4: {  	vm15 =	vlt.f32 v51, $0.0e+00;
	[tilespmem:v49+s10+$0x0] =	vst.idx.msk vm1, v10;
	v19 =	vor.u32 v1, v11;
	vm1 =	vmand vm11, vm10  }
0xd5: {  	s18 =	smul.f32 $1.000000050e-03, s18;
	vm9 =	vgt.f32 v51, $0.0e+00;
	v54 =	vsel vm5, $0x1, v2;
	v16 =	vld [tilespmem:s16+$0xFFFFFF90];
	v11 =	vsel vm1, $0x1, v2  }
0xd6: {  	vm14 =	vlt.s32 v14, $0x20;
	v13 =	vadd.s32 v11, v12;
	v11 =	vsel vm3, $0x1, v2  }
0xd7: {  	v21 =	vadd.s32 v11, v17;
	v11 =	vmov s18;
	v17 =	vadd.s32 v54, v18  }
0xd8: {  	vm3 =	vlt.f32 v15, $0.0e+00;
	vm4 =	vgt.f32 v15, $0.0e+00;
	v15 =	vor.u32 v3, v52  }
0xd9: {  	s29 =	sadd.s32 $0x5, s17;
	[tilespmem:v19+s10+$0x0] =	vst.idx.msk vm5, v11;
	vm5 =	vmor vm9, vm15;
	vm10 =	vlt.s32 v17, $0x20;
	v57 =	vshll.u32 v17, $0x7  }
0xda: {  	s18 =	scvt.s32.f32 s29;
	vm12 =	vlt.f32 v16, $0.0e+00;
	vm13 =	vgt.f32 v16, $0.0e+00;
	v53 =	vld [tilespmem:s16+$0x10];
	vm6 =	vmand vm10, vm5  }
0xdb: {  	vm9 =	vgt.f32 v55, $0.0e+00;
	vm2 =	vmor vm13, vm12;
	v59 =	vsel vm6, $0x1, v2  }
0xdc: {  	v58 =	vor.u32 v1, v57;
	s18 =	smul.f32 $1.000000050e-03, s18;
	vm2 =	vmand vm14, vm2;
	v17 =	vadd.s32 v59, v17  }
0xdd: {  	v60 =	vld [tilespmem:s16+$0x180];
	vm14 =	vmor vm9, vm8;
	v56 =	vsel vm2, $0x1, v2;
	vm15 =	vlt.s32 v17, $0x20  }
0xde: {  	v62 =	vshll.u32 v17, $0x7;
	v19 =	vadd.s32 v56, v14;
	v14 =	vmov s18  }
0xdf: {  	s30 =	sadd.s32 $0x6, s17;
	vm7 =	vmand vm15, vm14;
	vm11 =	vlt.f32 v53, $0.0e+00;
	vm12 =	vgt.f32 v53, $0.0e+00  }
0xe0: {  	s18 =	scvt.s32.f32 s30;
	v23 =	vor.u32 v1, v62;
	vm13 =	vlt.s32 v19, $0x20;
	vm5 =	vmor vm12, vm11  }
0xe1: {  	v22 =	vshll.u32 v19, $0x7;
	v63 =	vsel vm7, $0x1, v2;
	[tilespmem:v58+s10+$0x0] =	vst.idx.msk vm6, v14;
	vm5 =	vmand vm13, vm5  }
0xe2: {  	s18 =	smul.f32 $1.000000050e-03, s18;
	vm11 =	vlt.f32 v60, $0.0e+00;
	vm12 =	vgt.f32 v60, $0.0e+00;
	v27 =	vor.u32 v3, v22;
	v24 =	vld [tilespmem:s16+$0x90];
	[tilespmem:v15+s10+$0x0] =	vst.idx.msk vm2, v10  }
0xe3: {  	v34 =	vshll.u32 v21, $0x7;
	v15 =	vadd.s32 v63, v17;
	vm2 =	vmor vm12, vm11;
	v61 =	vld [tilespmem:s16+$0xFFFFFFA0]  }
0xe4: {  	v16 =	vmov s18;
	v30 =	vsel vm5, $0x1, v2;
	vm13 =	vlt.s32 v15, $0x20  }
0xe5: {  	s31 =	sadd.s32 $0x7, s17;
	v28 =	vshll.u32 v15, $0x7;
	v19 =	vadd.s32 v30, v19;
	vm2 =	vmand vm13, vm2;
	[tilespmem:v23+s10+$0x0] =	vst.idx.msk vm7, v16  }
0xe6: {  	vm4 =	vmor vm4, vm3;
	s18 =	scvt.s32.f32 s31;
	v29 =	vor.u32 v1, v28;
	v35 =	vshll.u32 v19, $0x7;
	v31 =	vld [tilespmem:s16+$0x110]  }
0xe7: {  	v36 =	vor.u32 v4, v34;
	vm10 =	vlt.s32 v19, $0x20;
	v37 =	vor.u32 v3, v35;
	[tilespmem:v27+s10+$0x0] =	vst.idx.msk vm5, v11  }
0xe8: {  	s18 =	smul.f32 $1.000000050e-03, s18;
	vm13 =	vlt.f32 v24, $0.0e+00;
	vm14 =	vlt.f32 v61, $0.0e+00;
	vm15 =	vgt.f32 v61, $0.0e+00;
	v32 =	vld [tilespmem:s16+$0x20]  }
0xe9: {  	vm12 =	vmor vm15, vm14;
	vm14 =	vgt.f32 v24, $0.0e+00;
	vm15 =	vlt.s32 v21, $0x20  }
0xea: {  	v33 =	vmov s18;
	vm9 =	vmor vm14, vm13;
	vm3 =	vmand vm15, vm12  }
0xeb: {  	[tilespmem:v29+s10+$0x0] =	vst.idx.msk vm2, v33;
	vm11 =	vlt.f32 v31, $0.0e+00;
	vm12 =	vgt.f32 v31, $0.0e+00;
	vm5 =	vmand vm10, vm9  }
0xec: {  	v38 =	vld [tilespmem:s16+$0x190];
	v39 =	vsel vm3, $0x1, v2;
	vm6 =	vmor vm12, vm11;
	v25 =	vsel vm5, $0x1, v2  }
0xed: {  	v40 =	vadd.s32 v39, v21;
	v19 =	vadd.s32 v25, v19;
	vm14 =	vlt.f32 v32, $0.0e+00  }
0xee: {  	vm15 =	vgt.f32 v32, $0.0e+00;
	v25 =	vshll.u32 v40, $0x7;
	vm13 =	vlt.s32 v19, $0x20  }
0xef: {  	v41 =	vshll.u32 v19, $0x7;
	vm7 =	vmor vm15, vm14;
	vm6 =	vmand vm13, vm6  }
0xf0: {  	vm15 =	vlt.s32 v40, $0x20;
	v21 =	vor.u32 v3, v41;
	v42 =	vsel vm6, $0x1, v2  }
0xf1: {  	vm12 =	vlt.f32 v38, $0.0e+00;
	vm13 =	vgt.f32 v38, $0.0e+00;
	[tilespmem:v37+s10+$0x0] =	vst.idx.msk vm5, v14;
	v19 =	vadd.s32 v42, v19  }
0xf2: {  	vm7 =	vmand vm15, vm7;
	vm5 =	vmor vm13, vm12;
	v43 =	vld [tilespmem:s16+$0xA0];
	vm14 =	vlt.s32 v19, $0x20  }
0xf3: {  	v25 =	vor.u32 v4, v25;
	[tilespmem:v36+s10+$0x0] =	vst.idx.msk vm3, v10;
	v44 =	vshll.u32 v19, $0x7;
	vm3 =	vmand vm14, vm5  }
0xf4: {  	vm11 =	vlt.s32 v13, $0x20;
	v46 =	vsel vm7, $0x1, v2;
	v45 =	vld [tilespmem:s16+$0xFFFFFFB0];
	v18 =	vor.u32 v3, v44  }
0xf5: {  	vm4 =	vmand vm11, vm4;
	v20 =	vadd.s32 v46, v40;
	[tilespmem:v21+s10+$0x0] =	vst.idx.msk vm6, v16  }
0xf6: {  	v47 =	vsel vm4, $0x1, v2;
	v49 =	vshll.u32 v20, $0x7;
	v48 =	vld [tilespmem:s16+$0x120]  }
0xf7: {  	vm14 =	vlt.s32 v20, $0x20;
	vm12 =	vlt.f32 v43, $0.0e+00;
	vm13 =	vgt.f32 v43, $0.0e+00  }
0xf8: {  	v50 =	vor.u32 v4, v49;
	v21 =	vadd.s32 v47, v13;
	[tilespmem:v25+s10+$0x0] =	vst.idx.msk vm7, v11;
	vm5 =	vmor vm13, vm12  }
0xf9: {  	vm15 =	vlt.f32 v45, $0.0e+00;
	v53 =	vld [tilespmem:s16+$0x30];
	vm12 =	vgt.f32 v45, $0.0e+00;
	vm6 =	vmand vm14, vm5;
	[tilespmem:v18+s10+$0x0] =	vst.idx.msk vm3, v33  }
0xfa: {  	vm5 =	vmor vm12, vm15;
	vm12 =	vlt.s32 v21, $0x20;
	v51 =	vsel vm6, $0x1, v2;
	v52 =	vld [tilespmem:s16+$0x1A0]  }
0xfb: {  	v20 =	vadd.s32 v51, v20;
	vm13 =	vlt.f32 v48, $0.0e+00;
	vm10 =	vgt.f32 v48, $0.0e+00  }
0xfc: {  	vm5 =	vmand vm12, vm5;
	vm14 =	vmor vm10, vm13;
	vm15 =	vlt.s32 v20, $0x20  }
0xfd: {  	v57 =	vsel vm5, $0x1, v2;
	v54 =	vshll.u32 v20, $0x7;
	vm7 =	vmand vm15, vm14  }
0xfe: {  	vm12 =	vlt.f32 v53, $0.0e+00;
	v24 =	vor.u32 v4, v54;
	v55 =	vsel vm7, $0x1, v2  }
0xff: {  	[tilespmem:v50+s10+$0x0] =	vst.idx.msk vm6, v14;
	v56 =	vadd.s32 v55, v20;
	vm13 =	vlt.f32 v52, $0.0e+00;
	vm14 =	vgt.f32 v52, $0.0e+00  }
0x100: {  	v20 =	vadd.s32 v57, v21;
	v58 =	vld [tilespmem:s16+$0xB0];
	vm6 =	vmor vm14, vm13;
	vm15 =	vlt.s32 v56, $0x20  }
0x101: {  	v25 =	vshll.u32 v56, $0x7;
	vm13 =	vgt.f32 v53, $0.0e+00;
	vm6 =	vmand vm15, vm6  }
0x102: {  	vm14 =	vlt.s32 v20, $0x20;
	v59 =	vor.u32 v4, v25;
	vm8 =	vmor vm13, vm12  }
0x103: {  	[tilespmem:v24+s10+$0x0] =	vst.idx.msk vm7, v16;
	vm7 =	vmand vm14, vm8  }
0x104: {  	v24 =	vld [tilespmem:s16+$0x130];
	v60 =	vsel vm7, $0x1, v2  }
0x105: {  	vm15 =	vlt.f32 v58, $0.0e+00;
	vm12 =	vgt.f32 v58, $0.0e+00;
	v61 =	vadd.s32 v60, v20  }
0x106: {  	v6 =	vshll.u32 v6, $0x7;
	vm8 =	vmor vm12, vm15;
	vm13 =	vlt.s32 v61, $0x20  }
0x107: {  	v6 =	vor.u32 v5, v6;
	v12 =	vshll.u32 v12, $0x7;
	[tilespmem:v59+s10+$0x0] =	vst.idx.msk vm6, v33;
	vm8 =	vmand vm13, vm8  }
0x108: {  	v12 =	vor.u32 v5, v12;
	v13 =	vshll.u32 v13, $0x7;
	v22 =	vld [tilespmem:s16+$0x1B0];
	v62 =	vsel vm8, $0x1, v2  }
0x109: {  	vm14 =	vlt.f32 v24, $0.0e+00;
	vm15 =	vgt.f32 v24, $0.0e+00;
	v24 =	vadd.s32 v62, v61  }
0x10a: {  	v13 =	vor.u32 v5, v13;
	vm9 =	vmor vm15, vm14;
	vm12 =	vlt.s32 v24, $0x20  }
0x10b: {  	v21 =	vshll.u32 v21, $0x7;
	v20 =	vshll.u32 v20, $0x7;
	vm9 =	vmand vm12, vm9  }
0x10c: {  	v21 =	vor.u32 v5, v21;
	v20 =	vor.u32 v5, v20;
	v63 =	vsel vm9, $0x1, v2  }
0x10d: {  	vm13 =	vlt.f32 v22, $0.0e+00;
	vm11 =	vgt.f32 v22, $0.0e+00;
	v22 =	vadd.s32 v63, v24  }
0x10e: {  	[tilespmem:v6+s10+$0x0] =	vst.idx.msk vm0, v7;
	v6 =	vshll.u32 v24, $0x7;
	vm14 =	vmor vm11, vm13;
	vm15 =	vlt.s32 v22, $0x20  }
0x10f: {  	v6 =	vor.u32 v5, v6;
	v7 =	vshll.u32 v22, $0x7;
	vm0 =	vmand vm15, vm14  }
0x110: {  	[tilespmem:v12+s10+$0x0] =	vst.idx.msk vm1, v8;
	v23 =	vshll.u32 v61, $0x7;
	v7 =	vor.u32 v5, v7  }
0x111: {  	p0 =	slt.u32 s17, $0x78;
	[tilespmem:v13+s10+$0x0] =	vst.idx.msk vm4, v9;
	v23 =	vor.u32 v5, v23  }
.Ltmp2:
0x112: {  	[tilespmem:v21+s10+$0x0] =	vst.idx.msk vm5, v10;
	(pc) =	sbr.rel @p0 .LBB2_2-.Ltmp2, $4  }
0x113: {  	v9 =	vsel vm3, $0x1, v2;
	[tilespmem:v20+s10+$0x0] =	vst.idx.msk vm7, v11  }
0x114: {  	v9 =	vadd.s32 v9, v19;
	[tilespmem:v6+s10+$0x0] =	vst.idx.msk vm9, v16;
	v6 =	vsel vm2, $0x1, v2  }
0x115: {  	v8 =	vadd.s32 v6, v15;
	v6 =	vsel vm6, $0x1, v2;
	[tilespmem:v7+s10+$0x0] =	vst.idx.msk vm0, v33;
	v7 =	vsel vm0, $0x1, v2  }
0x116: {  	s17 =	sadd.s32 $0x8, s17;
	s16 =	sadd.s32 $0x400, s16;
	[tilespmem:v23+s10+$0x0] =	vst.idx.msk vm8, v14;
	v10 =	vadd.s32 v6, v56;
	v6 =	vadd.s32 v7, v22  }
0x117: {  	vm0 =	vlt.s32 v8, v9  }
0x118: {  	v7 =	vsel vm0, v8, v9  }
0x119: {  	vm0 =	vlt.s32 v7, v10  }
0x11a: {  	v7 =	vsel vm0, v7, v10  }
0x11b: {  	vm0 =	vlt.s32 v7, v6  }
0x11c: {  	v7 =	vsel vm0, v7, v6  }
0x11d: {  	(v2sf) =	vpush v7, $0x0  }
0x11e: {  	(v2sf) =	vpush v7, $0x1;
	_ =	sdelay $0x1  }
0x11f: {  	(v2sf) =	vpush v7, $0x2;
	_ =	sdelay $0x1  }
0x120: {  	(v2sf) =	vpush v7, $0x3;
	_ =	sdelay $0x1  }
0x121: {  	(v2sf) =	vpush v7, $0x4;
	_ =	sdelay $0x1  }
0x122: {  	(v2sf) =	vpush v7, $0x5;
	_ =	sdelay $0x1  }
0x123: {  	(v2sf) =	vpush v7, $0x6;
	_ =	sdelay $0x1  }
0x124: {  	(v2sf) =	vpush v7, $0x7;
	_ =	sdelay $0x1  }
0x125: {  	s16 =	spop (v2sf);
	(v2sf) =	vpush v7, $0x8  }
0x126: {  	s17 =	spop (v2sf)  }
0x127: {  	(v2sf) =	vpush v7, $0x9;
	p0 =	slt.s32 s16, s17  }
0x128: {  	s17 =	smov.u32 @p0 s16;
	s16 =	spop (v2sf)  }
0x129: {  	(v2sf) =	vpush v7, $0xA;
	p0 =	slt.s32 s17, s16  }
0x12a: {  	s16 =	smov.u32 @p0 s17;
	s17 =	spop (v2sf)  }
0x12b: {  	(v2sf) =	vpush v7, $0xB;
	p0 =	slt.s32 s16, s17  }
0x12c: {  	s17 =	smov.u32 @p0 s16;
	s16 =	spop (v2sf)  }
0x12d: {  	(v2sf) =	vpush v7, $0xC;
	p0 =	slt.s32 s17, s16  }
0x12e: {  	s16 =	smov.u32 @p0 s17;
	s17 =	spop (v2sf)  }
0x12f: {  	(v2sf) =	vpush v7, $0xD;
	p0 =	slt.s32 s16, s17  }
0x130: {  	s17 =	smov.u32 @p0 s16;
	s16 =	spop (v2sf)  }
0x131: {  	(v2sf) =	vpush v7, $0xE;
	p0 =	slt.s32 s17, s16  }
0x132: {  	s16 =	smov.u32 @p0 s17;
	s17 =	spop (v2sf)  }
0x133: {  	(v2sf) =	vpush v7, $0xF;
	p0 =	slt.s32 s16, s17  }
0x134: {  	s18 =	spop (v2sf);
	s17 =	smov.u32 @p0 s16  }
0x135: {  	p0 =	slt.s32 s17, s18  }
0x136: {  	s16 =	spop (v2sf);
	s18 =	smov.u32 @p0 s17  }
0x137: {  	p0 =	slt.s32 s18, s16  }
0x138: {  	s17 =	spop (v2sf);
	s16 =	smov.u32 @p0 s18  }
0x139: {  	p0 =	slt.s32 s16, s17  }
0x13a: {  	s18 =	spop (v2sf);
	s17 =	smov.u32 @p0 s16  }
0x13b: {  	p0 =	slt.s32 s17, s18  }
0x13c: {  	s16 =	spop (v2sf);
	s18 =	smov.u32 @p0 s17  }
0x13d: {  	p0 =	slt.s32 s18, s16  }
0x13e: {  	s17 =	spop (v2sf);
	s16 =	smov.u32 @p0 s18  }
0x13f: {  	p0 =	slt.s32 s16, s17  }
0x140: {  	s18 =	spop (v2sf);
	s17 =	smov.u32 @p0 s16  }
0x141: {  	p0 =	slt.s32 s17, s18  }
0x142: {  	s16 =	spop (v2sf);
	s18 =	smov.u32 @p0 s17  }
0x143: {  	p0 =	slt.s32 s18, s16  }
0x144: {  	s16 =	smov.u32 @p0 s18  }
0x145: {  	p0 =	sgt.s32 s16, $0x1F  }
.Ltmp3:
0x146: {  	_ = 	snop;
	(pc) =	sbr.rel @!p0 .LBB2_4-.Ltmp3, $4  }
0x147: {  	[tilespmem:$0xA000] =	vst v8  }
0x148: {  	[tilespmem:$0xA080] =	vst v9;
	s16 =	simm.s32 $0x1  }
0x149: {  	[tilespmem:$0xA100] =	vst v10;
	s17 =	simm.s32 $0x0;
	s16 =	simm.s32 @!p0 $0x0  }
0x14a: {  	[tilespmem:$0xA180] =	vst v6;
	s18 =	simm.s32 $0x0;
	[smem:$0x0] =	sst s16;
	s16 =	simm.s32 $0x1  }
.LBB2_9:
0x14b: {  	s16 =	simm.s32 $0x0  }
0x14c: {  	[hbm4b:s5+s16] =	stream.linear.scatter [tilespmem:s10], [sflag:$0x1], $0x1000, $0x38;
	[tilespmem:$0xA200] =	vst v63  }
0x14d: {  	[tilespmem:$0x9000] =	vst v0  }
0x14e: {  	[tilespmem:$0x9010] =	vst v0  }
0x14f: {  	[tilespmem:$0x9020] =	vst v0  }
0x150: {  	[tilespmem:$0x9030] =	vst v0  }
0x151: {  	[tilespmem:$0x9080] =	vst v0  }
0x152: {  	[tilespmem:$0x9090] =	vst v0  }
0x153: {  	[tilespmem:$0x90A0] =	vst v0  }
0x154: {  	[tilespmem:$0x90B0] =	vst v0  }
0x155: {  	[tilespmem:$0x9100] =	vst v0  }
0x156: {  	[tilespmem:$0x9110] =	vst v0  }
0x157: {  	[tilespmem:$0x9120] =	vst v0  }
0x158: {  	[tilespmem:$0x9130] =	vst v0  }
0x159: {  	[tilespmem:$0x9180] =	vst v0  }
0x15a: {  	[tilespmem:$0x9190] =	vst v0  }
0x15b: {  	[tilespmem:$0x91A0] =	vst v0  }
0x15c: {  	[tilespmem:$0x91B0] =	vst v0  }
0x15d: {  	[tilespmem:$0x9200] =	vst v0  }
0x15e: {  	[tilespmem:$0x9210] =	vst v0  }
0x15f: {  	[tilespmem:$0x9220] =	vst v0  }
0x160: {  	[tilespmem:$0x9230] =	vst v0  }
0x161: {  	[tilespmem:$0x9280] =	vst v0  }
0x162: {  	[tilespmem:$0x9290] =	vst v0  }
0x163: {  	[tilespmem:$0x92A0] =	vst v0  }
0x164: {  	[tilespmem:$0x92B0] =	vst v0  }
0x165: {  	[tilespmem:$0x9300] =	vst v0  }
0x166: {  	[tilespmem:$0x9310] =	vst v0  }
0x167: {  	[tilespmem:$0x9320] =	vst v0  }
0x168: {  	[tilespmem:$0x9330] =	vst v0  }
0x169: {  	[tilespmem:$0x9380] =	vst v0  }
0x16a: {  	[tilespmem:$0x9390] =	vst v0  }
0x16b: {  	[tilespmem:$0x93A0] =	vst v0  }
0x16c: {  	[tilespmem:$0x93B0] =	vst v0  }
0x16d: {  	[tilespmem:$0x9400] =	vst v0  }
0x16e: {  	[tilespmem:$0x9410] =	vst v0  }
0x16f: {  	[tilespmem:$0x9420] =	vst v0  }
0x170: {  	[tilespmem:$0x9430] =	vst v0  }
0x171: {  	[tilespmem:$0x9480] =	vst v0  }
0x172: {  	[tilespmem:$0x9490] =	vst v0  }
0x173: {  	[tilespmem:$0x94A0] =	vst v0  }
0x174: {  	[tilespmem:$0x94B0] =	vst v0  }
0x175: {  	[tilespmem:$0x9500] =	vst v0  }
0x176: {  	[tilespmem:$0x9510] =	vst v0  }
0x177: {  	[tilespmem:$0x9520] =	vst v0  }
0x178: {  	[tilespmem:$0x9530] =	vst v0  }
0x179: {  	[tilespmem:$0x9580] =	vst v0  }
0x17a: {  	[tilespmem:$0x9590] =	vst v0  }
0x17b: {  	[tilespmem:$0x95A0] =	vst v0  }
0x17c: {  	[tilespmem:$0x95B0] =	vst v0  }
0x17d: {  	[tilespmem:$0x9600] =	vst v0  }
0x17e: {  	[tilespmem:$0x9610] =	vst v0  }
0x17f: {  	[tilespmem:$0x9620] =	vst v0  }
0x180: {  	[tilespmem:$0x9630] =	vst v0  }
0x181: {  	[tilespmem:$0x9680] =	vst v0  }
0x182: {  	[tilespmem:$0x9690] =	vst v0  }
0x183: {  	[tilespmem:$0x96A0] =	vst v0  }
0x184: {  	[tilespmem:$0x96B0] =	vst v0  }
0x185: {  	[tilespmem:$0x9700] =	vst v0  }
0x186: {  	[tilespmem:$0x9710] =	vst v0  }
0x187: {  	[tilespmem:$0x9720] =	vst v0  }
0x188: {  	[tilespmem:$0x9730] =	vst v0  }
0x189: {  	[tilespmem:$0x9780] =	vst v0  }
0x18a: {  	[tilespmem:$0x9790] =	vst v0  }
0x18b: {  	[tilespmem:$0x97A0] =	vst v0  }
0x18c: {  	[tilespmem:$0x97B0] =	vst v0  }
0x18d: {  	[tilespmem:$0x9800] =	vst v0  }
0x18e: {  	[tilespmem:$0x9810] =	vst v0  }
0x18f: {  	[tilespmem:$0x9820] =	vst v0  }
0x190: {  	[tilespmem:$0x9830] =	vst v0  }
0x191: {  	[tilespmem:$0x9880] =	vst v0  }
0x192: {  	[tilespmem:$0x9890] =	vst v0  }
0x193: {  	[tilespmem:$0x98A0] =	vst v0  }
0x194: {  	[tilespmem:$0x98B0] =	vst v0  }
0x195: {  	[tilespmem:$0x9900] =	vst v0  }
0x196: {  	[tilespmem:$0x9910] =	vst v0  }
0x197: {  	[tilespmem:$0x9920] =	vst v0  }
0x198: {  	[tilespmem:$0x9930] =	vst v0  }
0x199: {  	[tilespmem:$0x9980] =	vst v0  }
0x19a: {  	[tilespmem:$0x9990] =	vst v0  }
0x19b: {  	[tilespmem:$0x99A0] =	vst v0  }
0x19c: {  	[tilespmem:$0x99B0] =	vst v0  }
0x19d: {  	[tilespmem:$0x9A00] =	vst v0  }
0x19e: {  	[tilespmem:$0x9A10] =	vst v0  }
0x19f: {  	[tilespmem:$0x9A20] =	vst v0  }
0x1a0: {  	[tilespmem:$0x9A30] =	vst v0  }
0x1a1: {  	[tilespmem:$0x9A80] =	vst v0  }
0x1a2: {  	[tilespmem:$0x9A90] =	vst v0  }
0x1a3: {  	[tilespmem:$0x9AA0] =	vst v0  }
0x1a4: {  	[tilespmem:$0x9AB0] =	vst v0  }
0x1a5: {  	[tilespmem:$0x9B00] =	vst v0  }
0x1a6: {  	[tilespmem:$0x9B10] =	vst v0  }
0x1a7: {  	[tilespmem:$0x9B20] =	vst v0  }
0x1a8: {  	[tilespmem:$0x9B30] =	vst v0  }
0x1a9: {  	[tilespmem:$0x9B80] =	vst v0  }
0x1aa: {  	[tilespmem:$0x9B90] =	vst v0  }
0x1ab: {  	[tilespmem:$0x9BA0] =	vst v0  }
0x1ac: {  	[tilespmem:$0x9BB0] =	vst v0  }
0x1ad: {  	[tilespmem:$0x9C00] =	vst v0  }
0x1ae: {  	[tilespmem:$0x9C10] =	vst v0  }
0x1af: {  	[tilespmem:$0x9C20] =	vst v0  }
0x1b0: {  	[tilespmem:$0x9C30] =	vst v0  }
0x1b1: {  	[tilespmem:$0x9C80] =	vst v0  }
0x1b2: {  	[tilespmem:$0x9C90] =	vst v0  }
0x1b3: {  	[tilespmem:$0x9CA0] =	vst v0  }
0x1b4: {  	[tilespmem:$0x9CB0] =	vst v0  }
0x1b5: {  	[tilespmem:$0x9D00] =	vst v0  }
0x1b6: {  	[tilespmem:$0x9D10] =	vst v0  }
0x1b7: {  	[tilespmem:$0x9D20] =	vst v0  }
0x1b8: {  	[tilespmem:$0x9D30] =	vst v0  }
0x1b9: {  	[tilespmem:$0x9D80] =	vst v0  }
0x1ba: {  	[tilespmem:$0x9D90] =	vst v0  }
0x1bb: {  	[tilespmem:$0x9DA0] =	vst v0  }
0x1bc: {  	[tilespmem:$0x9DB0] =	vst v0  }
0x1bd: {  	[tilespmem:$0x9E00] =	vst v0  }
0x1be: {  	[tilespmem:$0x9E10] =	vst v0  }
0x1bf: {  	[tilespmem:$0x9E20] =	vst v0  }
0x1c0: {  	[tilespmem:$0x9E30] =	vst v0  }
0x1c1: {  	[tilespmem:$0x9E80] =	vst v0  }
0x1c2: {  	[tilespmem:$0x9E90] =	vst v0  }
0x1c3: {  	[tilespmem:$0x9EA0] =	vst v0  }
0x1c4: {  	[tilespmem:$0x9EB0] =	vst v0  }
0x1c5: {  	[tilespmem:$0x9F00] =	vst v0  }
0x1c6: {  	[tilespmem:$0x9F10] =	vst v0  }
0x1c7: {  	[tilespmem:$0x9F20] =	vst v0  }
0x1c8: {  	[tilespmem:$0x9F30] =	vst v0  }
0x1c9: {  	[tilespmem:$0x9F80] =	vst v0  }
0x1ca: {  	[tilespmem:$0x9F90] =	vst v0  }
0x1cb: {  	[tilespmem:$0x9FA0] =	vst v0  }
0x1cc: {  	v6 =	vimm.s32 $0x0;
	[tilespmem:$0x9FB0] =	vst v0  }
0x1cd: {  	[tilespmem:$0xA000] =	vst v6  }
0x1ce: {  	[tilespmem:$0xA080] =	vst v6  }
0x1cf: {  	[tilespmem:$0xA100] =	vst v6  }
0x1d0: {  	[tilespmem:$0xA180] =	vst v6  }
0x1d1: {  	_ =	swait.ge [sflag:s12], $0x4000  }
0x1d2: {  	[sflag:s12] =	ssyncset.done $0x0  }
0x1d3: {  	s17 =	simm.s32 $0x43B0;
	v10 =	vimm.s32 $0x0;
	v9 =	vimm.s32 $0x0;
	v8 =	vimm.s32 $0x0;
	[sflag:s12] =	ssyncadd.s32 $0xFFFFC000  }
.LBB2_10:
0x1d4: {  	v7 =	vld [tilespmem:s17+$0xFFFFFC50];
	_ =	sdelay $0x4  }
0x1d5: {  	vm0 =	vlt.f32 v7, $0.0e+00;
	vm1 =	vgt.f32 v7, $0.0e+00  }
0x1d6: {  	vm15 =	vlt.s32 v8, $0x20;
	vm0 =	vmor vm1, vm0  }
0x1d7: {  	v7 =	vshll.u32 v8, $0x7;
	vm0 =	vmand vm15, vm0  }
0x1d8: {  	s18 =	scvt.s32.f32 s16;
	v11 =	vor.u32 v1, v7;
	_ =	sdelay $0x1  }
0x1d9: {  	s18 =	smul.f32 $1.000000050e-03, s18  }
0x1da: {  	v12 =	vld [tilespmem:s17+$0xFFFFFCD0]  }
0x1db: {  	v7 =	vmov s18  }
0x1dc: {  	[tilespmem:v11+s13+$0x0] =	vst.idx.msk vm0, v7  }
0x1dd: {  	v11 =	vld [tilespmem:s17+$0xFFFFFC60]  }
0x1de: {  	v35 =	vld [tilespmem:s17+$0xFFFFFD50];
	v13 =	vsel vm0, $0x1, v2  }
0x1df: {  	vm4 =	vlt.f32 v12, $0.0e+00;
	vm5 =	vgt.f32 v12, $0.0e+00;
	v13 =	vadd.s32 v13, v8  }
0x1e0: {  	vm6 =	vlt.s32 v13, $0x20;
	vm0 =	vmor vm5, vm4  }
0x1e1: {  	s24 =	sadd.s32 $0x1, s16;
	v8 =	vshll.u32 v13, $0x7;
	vm0 =	vmand vm6, vm0  }
0x1e2: {  	s18 =	scvt.s32.f32 s24;
	vm7 =	vlt.f32 v11, $0.0e+00;
	vm2 =	vgt.f32 v11, $0.0e+00;
	v11 =	vor.u32 v1, v8  }
0x1e3: {  	vm8 =	vlt.s32 v9, $0x20;
	vm9 =	vlt.f32 v35, $0.0e+00;
	vm3 =	vgt.f32 v35, $0.0e+00  }
0x1e4: {  	vm10 =	vmor vm3, vm9;
	s18 =	smul.f32 $1.000000050e-03, s18;
	v15 =	vsel vm0, $0x1, v2;
	vm1 =	vmor vm2, vm7  }
0x1e5: {  	v13 =	vadd.s32 v15, v13;
	v8 =	vshll.u32 v9, $0x7;
	vm1 =	vmand vm8, vm1  }
0x1e6: {  	vm11 =	vlt.s32 v13, $0x20;
	v14 =	vor.u32 v3, v8;
	v8 =	vmov s18  }
0x1e7: {  	s25 =	sadd.s32 $0x2, s16;
	v36 =	vshll.u32 v13, $0x7;
	[tilespmem:v11+s13+$0x0] =	vst.idx.msk vm0, v8;
	vm0 =	vmand vm11, vm10  }
0x1e8: {  	v12 =	vor.u32 v1, v36;
	s18 =	scvt.s32.f32 s25;
	v11 =	vld [tilespmem:s17+$0xFFFFFCE0];
	_ =	sdelay $0x1  }
0x1e9: {  	s18 =	smul.f32 $1.000000050e-03, s18  }
0x1ea: {  	v37 =	vsel vm1, $0x1, v2;
	[tilespmem:v14+s13+$0x0] =	vst.idx.msk vm1, v7  }
0x1eb: {  	v14 =	vadd.s32 v37, v9;
	v9 =	vmov s18;
	v38 =	vld [tilespmem:s17+$0xFFFFFC70]  }
0x1ec: {  	vm12 =	vlt.f32 v11, $0.0e+00;
	vm13 =	vgt.f32 v11, $0.0e+00;
	[tilespmem:v12+s13+$0x0] =	vst.idx.msk vm0, v9  }
0x1ed: {  	vm14 =	vlt.s32 v14, $0x20;
	vm1 =	vmor vm13, vm12;
	v12 =	vld [tilespmem:s17+$0xFFFFFD60]  }
0x1ee: {  	v11 =	vshll.u32 v14, $0x7;
	vm1 =	vmand vm14, vm1  }
0x1ef: {  	v39 =	vshll.u32 v10, $0x7;
	v11 =	vor.u32 v3, v11  }
0x1f0: {  	vm15 =	vlt.f32 v38, $0.0e+00;
	vm6 =	vgt.f32 v38, $0.0e+00;
	v16 =	vsel vm1, $0x1, v2  }
0x1f1: {  	vm7 =	vlt.s32 v10, $0x20;
	vm2 =	vmor vm6, vm15;
	v14 =	vadd.s32 v16, v14  }
0x1f2: {  	vm3 =	vmand vm7, vm2;
	vm8 =	vlt.f32 v12, $0.0e+00;
	vm4 =	vgt.f32 v12, $0.0e+00  }
0x1f3: {  	v40 =	vor.u32 v4, v39;
	vm10 =	vlt.s32 v14, $0x20;
	vm9 =	vmor vm4, vm8  }
0x1f4: {  	v46 =	vld [tilespmem:s17+$0xFFFFFE50];
	v41 =	vshll.u32 v14, $0x7;
	[tilespmem:v11+s13+$0x0] =	vst.idx.msk vm1, v8;
	vm2 =	vmand vm10, vm9  }
0x1f5: {  	v15 =	vor.u32 v3, v41;
	v11 =	vld [tilespmem:s17+$0xFFFFFCF0];
	_ =	sdelay $0x2  }
0x1f6: {  	v44 =	vld [tilespmem:s17+$0xFFFFFDD0];
	[tilespmem:v40+s13+$0x0] =	vst.idx.msk vm3, v7  }
0x1f7: {  	vm5 =	vlt.s32 v6, $0x20;
	vm6 =	vgt.f32 v46, $0.0e+00;
	v42 =	vsel vm3, $0x1, v2;
	v43 =	vld [tilespmem:s17+$0xFFFFFC80]  }
0x1f8: {  	v10 =	vadd.s32 v42, v10;
	vm11 =	vlt.f32 v11, $0.0e+00;
	vm12 =	vgt.f32 v11, $0.0e+00;
	[tilespmem:v15+s13+$0x0] =	vst.idx.msk vm2, v9  }
0x1f9: {  	vm13 =	vlt.s32 v10, $0x20;
	v20 =	vsel vm2, $0x1, v2;
	vm1 =	vmor vm12, vm11;
	v15 =	vld [tilespmem:s17+$0xFFFFFD70]  }
0x1fa: {  	v14 =	vadd.s32 v20, v14;
	v11 =	vshll.u32 v10, $0x7;
	vm1 =	vmand vm13, vm1  }
0x1fb: {  	v52 =	vshll.u32 v14, $0x7;
	v11 =	vor.u32 v4, v11;
	vm11 =	vlt.f32 v44, $0.0e+00  }
0x1fc: {  	vm14 =	vlt.f32 v43, $0.0e+00;
	vm15 =	vgt.f32 v43, $0.0e+00;
	v45 =	vsel vm1, $0x1, v2  }
0x1fd: {  	vm12 =	vgt.f32 v44, $0.0e+00;
	vm4 =	vmor vm15, vm14;
	v17 =	vadd.s32 v45, v10  }
0x1fe: {  	v55 =	vld [tilespmem:s17+$0xFFFFFF50];
	v10 =	vsel vm0, $0x1, v2;
	vm8 =	vlt.f32 v15, $0.0e+00;
	vm9 =	vgt.f32 v15, $0.0e+00  }
0x1ff: {  	v10 =	vadd.s32 v10, v13;
	vm10 =	vlt.s32 v17, $0x20;
	vm0 =	vmor vm9, vm8  }
0x200: {  	s26 =	sadd.s32 $0x3, s16;
	v12 =	vshll.u32 v17, $0x7;
	vm13 =	vlt.s32 v10, $0x20;
	[tilespmem:v11+s13+$0x0] =	vst.idx.msk vm1, v8;
	vm3 =	vmand vm10, vm0  }
0x201: {  	s18 =	scvt.s32.f32 s26;
	v47 =	vor.u32 v4, v12;
	v48 =	vshll.u32 v10, $0x7;
	vm0 =	vmor vm12, vm11;
	v11 =	vld [tilespmem:s17+$0xFFFFFD00]  }
0x202: {  	vm15 =	vlt.f32 v46, $0.0e+00;
	v49 =	vor.u32 v1, v48;
	vm1 =	vmand vm13, vm0  }
0x203: {  	v51 =	vld [tilespmem:s17+$0xFFFFFED0];
	s18 =	smul.f32 $1.000000050e-03, s18;
	vm8 =	vlt.f32 v55, $0.0e+00;
	vm0 =	vmand vm5, vm4;
	v18 =	vsel vm1, $0x1, v2  }
0x204: {  	vm5 =	vmor vm6, vm15;
	v50 =	vsel vm0, $0x1, v2;
	v18 =	vadd.s32 v18, v10  }
0x205: {  	v12 =	vadd.s32 v50, v6;
	v10 =	vmov s18;
	vm9 =	vlt.s32 v18, $0x20  }
0x206: {  	s28 =	sadd.s32 $0x4, s16;
	vm11 =	vlt.s32 v12, $0x20;
	vm14 =	vlt.f32 v11, $0.0e+00;
	[tilespmem:v47+s13+$0x0] =	vst.idx.msk vm3, v9;
	vm7 =	vgt.f32 v11, $0.0e+00  }
0x207: {  	s18 =	scvt.s32.f32 s28;
	vm5 =	vmand vm9, vm5;
	v11 =	vshll.u32 v18, $0x7;
	v15 =	vld [tilespmem:s17+$0xFFFFFD80];
	vm10 =	vmor vm7, vm14  }
0x208: {  	vm15 =	vlt.f32 v51, $0.0e+00;
	[tilespmem:v49+s13+$0x0] =	vst.idx.msk vm1, v10;
	v19 =	vor.u32 v1, v11;
	vm1 =	vmand vm11, vm10  }
0x209: {  	s18 =	smul.f32 $1.000000050e-03, s18;
	vm9 =	vgt.f32 v51, $0.0e+00;
	v54 =	vsel vm5, $0x1, v2;
	v16 =	vld [tilespmem:s17+$0xFFFFFDE0];
	v11 =	vsel vm1, $0x1, v2  }
0x20a: {  	vm14 =	vlt.s32 v14, $0x20;
	v13 =	vadd.s32 v11, v12;
	v11 =	vsel vm3, $0x1, v2  }
0x20b: {  	v21 =	vadd.s32 v11, v17;
	v11 =	vmov s18;
	v17 =	vadd.s32 v54, v18  }
0x20c: {  	vm3 =	vlt.f32 v15, $0.0e+00;
	vm4 =	vgt.f32 v15, $0.0e+00;
	v15 =	vor.u32 v3, v52  }
0x20d: {  	s29 =	sadd.s32 $0x5, s16;
	[tilespmem:v19+s13+$0x0] =	vst.idx.msk vm5, v11;
	vm5 =	vmor vm9, vm15;
	vm10 =	vlt.s32 v17, $0x20;
	v57 =	vshll.u32 v17, $0x7  }
0x20e: {  	s18 =	scvt.s32.f32 s29;
	vm12 =	vlt.f32 v16, $0.0e+00;
	vm13 =	vgt.f32 v16, $0.0e+00;
	v53 =	vld [tilespmem:s17+$0xFFFFFE60];
	vm6 =	vmand vm10, vm5  }
0x20f: {  	vm9 =	vgt.f32 v55, $0.0e+00;
	vm2 =	vmor vm13, vm12;
	v59 =	vsel vm6, $0x1, v2  }
0x210: {  	v58 =	vor.u32 v1, v57;
	s18 =	smul.f32 $1.000000050e-03, s18;
	vm2 =	vmand vm14, vm2;
	v17 =	vadd.s32 v59, v17  }
0x211: {  	v60 =	vld [tilespmem:s17+$0xFFFFFFD0];
	vm14 =	vmor vm9, vm8;
	v56 =	vsel vm2, $0x1, v2;
	vm15 =	vlt.s32 v17, $0x20  }
0x212: {  	v62 =	vshll.u32 v17, $0x7;
	v19 =	vadd.s32 v56, v14;
	v14 =	vmov s18  }
0x213: {  	s30 =	sadd.s32 $0x6, s16;
	vm7 =	vmand vm15, vm14;
	vm11 =	vlt.f32 v53, $0.0e+00;
	vm12 =	vgt.f32 v53, $0.0e+00  }
0x214: {  	s18 =	scvt.s32.f32 s30;
	v23 =	vor.u32 v1, v62;
	vm13 =	vlt.s32 v19, $0x20;
	vm5 =	vmor vm12, vm11  }
0x215: {  	v22 =	vshll.u32 v19, $0x7;
	v63 =	vsel vm7, $0x1, v2;
	[tilespmem:v58+s13+$0x0] =	vst.idx.msk vm6, v14;
	vm5 =	vmand vm13, vm5  }
0x216: {  	s18 =	smul.f32 $1.000000050e-03, s18;
	vm11 =	vlt.f32 v60, $0.0e+00;
	vm12 =	vgt.f32 v60, $0.0e+00;
	v27 =	vor.u32 v3, v22;
	v24 =	vld [tilespmem:s17+$0xFFFFFEE0];
	[tilespmem:v15+s13+$0x0] =	vst.idx.msk vm2, v10  }
0x217: {  	v34 =	vshll.u32 v21, $0x7;
	v15 =	vadd.s32 v63, v17;
	vm2 =	vmor vm12, vm11;
	v61 =	vld [tilespmem:s17+$0xFFFFFDF0]  }
0x218: {  	v16 =	vmov s18;
	v30 =	vsel vm5, $0x1, v2;
	vm13 =	vlt.s32 v15, $0x20  }
0x219: {  	s31 =	sadd.s32 $0x7, s16;
	v28 =	vshll.u32 v15, $0x7;
	v19 =	vadd.s32 v30, v19;
	vm2 =	vmand vm13, vm2;
	[tilespmem:v23+s13+$0x0] =	vst.idx.msk vm7, v16  }
0x21a: {  	vm4 =	vmor vm4, vm3;
	s18 =	scvt.s32.f32 s31;
	v29 =	vor.u32 v1, v28;
	v35 =	vshll.u32 v19, $0x7;
	v31 =	vld [tilespmem:s17+$0xFFFFFF60]  }
0x21b: {  	v36 =	vor.u32 v4, v34;
	vm10 =	vlt.s32 v19, $0x20;
	v37 =	vor.u32 v3, v35;
	[tilespmem:v27+s13+$0x0] =	vst.idx.msk vm5, v11  }
0x21c: {  	s18 =	smul.f32 $1.000000050e-03, s18;
	vm13 =	vlt.f32 v24, $0.0e+00;
	vm14 =	vlt.f32 v61, $0.0e+00;
	vm15 =	vgt.f32 v61, $0.0e+00;
	v32 =	vld [tilespmem:s17+$0xFFFFFE70]  }
0x21d: {  	vm12 =	vmor vm15, vm14;
	vm14 =	vgt.f32 v24, $0.0e+00;
	vm15 =	vlt.s32 v21, $0x20  }
0x21e: {  	v33 =	vmov s18;
	vm9 =	vmor vm14, vm13;
	vm3 =	vmand vm15, vm12  }
0x21f: {  	[tilespmem:v29+s13+$0x0] =	vst.idx.msk vm2, v33;
	vm11 =	vlt.f32 v31, $0.0e+00;
	vm12 =	vgt.f32 v31, $0.0e+00;
	vm5 =	vmand vm10, vm9  }
0x220: {  	v38 =	vld [tilespmem:s17+$0xFFFFFFE0];
	v39 =	vsel vm3, $0x1, v2;
	vm6 =	vmor vm12, vm11;
	v25 =	vsel vm5, $0x1, v2  }
0x221: {  	v40 =	vadd.s32 v39, v21;
	v19 =	vadd.s32 v25, v19;
	vm14 =	vlt.f32 v32, $0.0e+00  }
0x222: {  	vm15 =	vgt.f32 v32, $0.0e+00;
	v25 =	vshll.u32 v40, $0x7;
	vm13 =	vlt.s32 v19, $0x20  }
0x223: {  	v41 =	vshll.u32 v19, $0x7;
	vm7 =	vmor vm15, vm14;
	vm6 =	vmand vm13, vm6  }
0x224: {  	vm15 =	vlt.s32 v40, $0x20;
	v21 =	vor.u32 v3, v41;
	v42 =	vsel vm6, $0x1, v2  }
0x225: {  	vm12 =	vlt.f32 v38, $0.0e+00;
	vm13 =	vgt.f32 v38, $0.0e+00;
	[tilespmem:v37+s13+$0x0] =	vst.idx.msk vm5, v14;
	v19 =	vadd.s32 v42, v19  }
0x226: {  	vm7 =	vmand vm15, vm7;
	vm5 =	vmor vm13, vm12;
	v43 =	vld [tilespmem:s17+$0xFFFFFEF0];
	vm14 =	vlt.s32 v19, $0x20  }
0x227: {  	v25 =	vor.u32 v4, v25;
	[tilespmem:v36+s13+$0x0] =	vst.idx.msk vm3, v10;
	v44 =	vshll.u32 v19, $0x7;
	vm3 =	vmand vm14, vm5  }
0x228: {  	vm11 =	vlt.s32 v13, $0x20;
	v46 =	vsel vm7, $0x1, v2;
	v45 =	vld [tilespmem:s17+$0xFFFFFE00];
	v18 =	vor.u32 v3, v44  }
0x229: {  	vm4 =	vmand vm11, vm4;
	v20 =	vadd.s32 v46, v40;
	[tilespmem:v21+s13+$0x0] =	vst.idx.msk vm6, v16  }
0x22a: {  	v47 =	vsel vm4, $0x1, v2;
	v49 =	vshll.u32 v20, $0x7;
	v48 =	vld [tilespmem:s17+$0xFFFFFF70]  }
0x22b: {  	vm14 =	vlt.s32 v20, $0x20;
	vm12 =	vlt.f32 v43, $0.0e+00;
	vm13 =	vgt.f32 v43, $0.0e+00  }
0x22c: {  	v50 =	vor.u32 v4, v49;
	v21 =	vadd.s32 v47, v13;
	[tilespmem:v25+s13+$0x0] =	vst.idx.msk vm7, v11;
	vm5 =	vmor vm13, vm12  }
0x22d: {  	vm15 =	vlt.f32 v45, $0.0e+00;
	v53 =	vld [tilespmem:s17+$0xFFFFFE80];
	vm12 =	vgt.f32 v45, $0.0e+00;
	vm6 =	vmand vm14, vm5;
	[tilespmem:v18+s13+$0x0] =	vst.idx.msk vm3, v33  }
0x22e: {  	vm5 =	vmor vm12, vm15;
	vm12 =	vlt.s32 v21, $0x20;
	v51 =	vsel vm6, $0x1, v2;
	v52 =	vld [tilespmem:s17+$0xFFFFFFF0]  }
0x22f: {  	v20 =	vadd.s32 v51, v20;
	vm13 =	vlt.f32 v48, $0.0e+00;
	vm10 =	vgt.f32 v48, $0.0e+00  }
0x230: {  	vm5 =	vmand vm12, vm5;
	vm14 =	vmor vm10, vm13;
	vm15 =	vlt.s32 v20, $0x20  }
0x231: {  	v57 =	vsel vm5, $0x1, v2;
	v54 =	vshll.u32 v20, $0x7;
	vm7 =	vmand vm15, vm14  }
0x232: {  	vm12 =	vlt.f32 v53, $0.0e+00;
	v24 =	vor.u32 v4, v54;
	v55 =	vsel vm7, $0x1, v2  }
0x233: {  	[tilespmem:v50+s13+$0x0] =	vst.idx.msk vm6, v14;
	v56 =	vadd.s32 v55, v20;
	vm13 =	vlt.f32 v52, $0.0e+00;
	vm14 =	vgt.f32 v52, $0.0e+00  }
0x234: {  	v20 =	vadd.s32 v57, v21;
	v58 =	vld [tilespmem:s17+$0xFFFFFF00];
	vm6 =	vmor vm14, vm13;
	vm15 =	vlt.s32 v56, $0x20  }
0x235: {  	v25 =	vshll.u32 v56, $0x7;
	vm13 =	vgt.f32 v53, $0.0e+00;
	vm6 =	vmand vm15, vm6  }
0x236: {  	vm14 =	vlt.s32 v20, $0x20;
	v59 =	vor.u32 v4, v25;
	vm8 =	vmor vm13, vm12  }
0x237: {  	[tilespmem:v24+s13+$0x0] =	vst.idx.msk vm7, v16;
	vm7 =	vmand vm14, vm8  }
0x238: {  	v24 =	vld [tilespmem:s17+$0xFFFFFF80];
	v60 =	vsel vm7, $0x1, v2  }
0x239: {  	vm15 =	vlt.f32 v58, $0.0e+00;
	vm12 =	vgt.f32 v58, $0.0e+00;
	v61 =	vadd.s32 v60, v20  }
0x23a: {  	v6 =	vshll.u32 v6, $0x7;
	vm8 =	vmor vm12, vm15;
	vm13 =	vlt.s32 v61, $0x20  }
0x23b: {  	v6 =	vor.u32 v5, v6;
	v12 =	vshll.u32 v12, $0x7;
	[tilespmem:v59+s13+$0x0] =	vst.idx.msk vm6, v33;
	vm8 =	vmand vm13, vm8  }
0x23c: {  	v12 =	vor.u32 v5, v12;
	v13 =	vshll.u32 v13, $0x7;
	v22 =	vld [tilespmem:s17+$0x0];
	v62 =	vsel vm8, $0x1, v2  }
0x23d: {  	vm14 =	vlt.f32 v24, $0.0e+00;
	vm15 =	vgt.f32 v24, $0.0e+00;
	v24 =	vadd.s32 v62, v61  }
0x23e: {  	v13 =	vor.u32 v5, v13;
	vm9 =	vmor vm15, vm14;
	vm12 =	vlt.s32 v24, $0x20  }
0x23f: {  	v21 =	vshll.u32 v21, $0x7;
	v20 =	vshll.u32 v20, $0x7;
	vm9 =	vmand vm12, vm9  }
0x240: {  	v21 =	vor.u32 v5, v21;
	v20 =	vor.u32 v5, v20;
	v63 =	vsel vm9, $0x1, v2  }
0x241: {  	vm13 =	vlt.f32 v22, $0.0e+00;
	vm11 =	vgt.f32 v22, $0.0e+00;
	v22 =	vadd.s32 v63, v24  }
0x242: {  	[tilespmem:v6+s13+$0x0] =	vst.idx.msk vm0, v7;
	v6 =	vshll.u32 v24, $0x7;
	vm14 =	vmor vm11, vm13;
	vm15 =	vlt.s32 v22, $0x20  }
0x243: {  	v6 =	vor.u32 v5, v6;
	v7 =	vshll.u32 v22, $0x7;
	vm0 =	vmand vm15, vm14  }
0x244: {  	[tilespmem:v12+s13+$0x0] =	vst.idx.msk vm1, v8;
	v23 =	vshll.u32 v61, $0x7;
	v7 =	vor.u32 v5, v7  }
0x245: {  	p0 =	slt.u32 s16, $0x78;
	[tilespmem:v13+s13+$0x0] =	vst.idx.msk vm4, v9;
	v23 =	vor.u32 v5, v23  }
.Ltmp4:
0x246: {  	[tilespmem:v21+s13+$0x0] =	vst.idx.msk vm5, v10;
	(pc) =	sbr.rel @p0 .LBB2_10-.Ltmp4, $4  }
0x247: {  	v9 =	vsel vm3, $0x1, v2;
	[tilespmem:v20+s13+$0x0] =	vst.idx.msk vm7, v11  }
0x248: {  	v9 =	vadd.s32 v9, v19;
	[tilespmem:v6+s13+$0x0] =	vst.idx.msk vm9, v16;
	v6 =	vsel vm2, $0x1, v2  }
0x249: {  	v8 =	vadd.s32 v6, v15;
	v6 =	vsel vm6, $0x1, v2;
	[tilespmem:v7+s13+$0x0] =	vst.idx.msk vm0, v33;
	v7 =	vsel vm0, $0x1, v2  }
0x24a: {  	s16 =	sadd.s32 $0x8, s16;
	s17 =	sadd.s32 $0x400, s17;
	[tilespmem:v23+s13+$0x0] =	vst.idx.msk vm8, v14;
	v10 =	vadd.s32 v6, v56;
	v6 =	vadd.s32 v7, v22  }
0x24b: {  	vm0 =	vlt.s32 v8, v9  }
0x24c: {  	v7 =	vsel vm0, v8, v9  }
0x24d: {  	vm0 =	vlt.s32 v7, v10  }
0x24e: {  	v7 =	vsel vm0, v7, v10  }
0x24f: {  	vm0 =	vlt.s32 v7, v6  }
0x250: {  	v7 =	vsel vm0, v7, v6  }
0x251: {  	(v2sf) =	vpush v7, $0x0  }
0x252: {  	(v2sf) =	vpush v7, $0x1;
	_ =	sdelay $0x1  }
0x253: {  	(v2sf) =	vpush v7, $0x2;
	_ =	sdelay $0x1  }
0x254: {  	(v2sf) =	vpush v7, $0x3;
	_ =	sdelay $0x1  }
0x255: {  	(v2sf) =	vpush v7, $0x4;
	_ =	sdelay $0x1  }
0x256: {  	(v2sf) =	vpush v7, $0x5;
	_ =	sdelay $0x1  }
0x257: {  	(v2sf) =	vpush v7, $0x6;
	_ =	sdelay $0x1  }
0x258: {  	(v2sf) =	vpush v7, $0x7;
	_ =	sdelay $0x1  }
0x259: {  	s16 =	spop (v2sf);
	(v2sf) =	vpush v7, $0x8  }
0x25a: {  	s17 =	spop (v2sf)  }
0x25b: {  	(v2sf) =	vpush v7, $0x9;
	p0 =	slt.s32 s16, s17  }
0x25c: {  	s17 =	smov.u32 @p0 s16;
	s16 =	spop (v2sf)  }
0x25d: {  	(v2sf) =	vpush v7, $0xA;
	p0 =	slt.s32 s17, s16  }
0x25e: {  	s16 =	smov.u32 @p0 s17;
	s17 =	spop (v2sf)  }
0x25f: {  	(v2sf) =	vpush v7, $0xB;
	p0 =	slt.s32 s16, s17  }
0x260: {  	s17 =	smov.u32 @p0 s16;
	s16 =	spop (v2sf)  }
0x261: {  	(v2sf) =	vpush v7, $0xC;
	p0 =	slt.s32 s17, s16  }
0x262: {  	s16 =	smov.u32 @p0 s17;
	s17 =	spop (v2sf)  }
0x263: {  	(v2sf) =	vpush v7, $0xD;
	p0 =	slt.s32 s16, s17  }
0x264: {  	s17 =	smov.u32 @p0 s16;
	s16 =	spop (v2sf)  }
0x265: {  	(v2sf) =	vpush v7, $0xE;
	p0 =	slt.s32 s17, s16  }
0x266: {  	s16 =	smov.u32 @p0 s17;
	s17 =	spop (v2sf)  }
0x267: {  	(v2sf) =	vpush v7, $0xF;
	p0 =	slt.s32 s16, s17  }
0x268: {  	s18 =	spop (v2sf);
	s17 =	smov.u32 @p0 s16  }
0x269: {  	p0 =	slt.s32 s17, s18  }
0x26a: {  	s16 =	spop (v2sf);
	s18 =	smov.u32 @p0 s17  }
0x26b: {  	p0 =	slt.s32 s18, s16  }
0x26c: {  	s17 =	spop (v2sf);
	s16 =	smov.u32 @p0 s18  }
0x26d: {  	p0 =	slt.s32 s16, s17  }
0x26e: {  	s18 =	spop (v2sf);
	s17 =	smov.u32 @p0 s16  }
0x26f: {  	p0 =	slt.s32 s17, s18  }
0x270: {  	s16 =	spop (v2sf);
	s18 =	smov.u32 @p0 s17  }
0x271: {  	p0 =	slt.s32 s18, s16  }
0x272: {  	s17 =	spop (v2sf);
	s16 =	smov.u32 @p0 s18  }
0x273: {  	p0 =	slt.s32 s16, s17  }
0x274: {  	s18 =	spop (v2sf);
	s17 =	smov.u32 @p0 s16  }
0x275: {  	p0 =	slt.s32 s17, s18  }
0x276: {  	s16 =	spop (v2sf);
	s18 =	smov.u32 @p0 s17  }
0x277: {  	p0 =	slt.s32 s18, s16  }
0x278: {  	s16 =	smov.u32 @p0 s18  }
0x279: {  	p0 =	sgt.s32 s16, $0x1F  }
.Ltmp5:
0x27a: {  	_ = 	snop;
	(pc) =	sbr.rel @p0 .LBB2_17-.Ltmp5, $4  }
.Ltmp6:
0x27b: {  	[tilespmem:$0xA000] =	vst v8;
	(pc) =	sbr.rel @!p0 .LBB2_12-.Ltmp6, $4  }
0x27c: {  	[tilespmem:$0xA080] =	vst v9;
	s16 =	simm.s32 $0x1  }
0x27d: {  	[tilespmem:$0xA100] =	vst v10;
	s17 =	simm.s32 $0x0;
	s16 =	simm.s32 @!p0 $0x0  }
0x27e: {  	[tilespmem:$0xA180] =	vst v6;
	s18 =	simm.s32 $0x0;
	[smem:$0x0] =	sst s16;
	s16 =	simm.s32 $0x1  }
0x27f: {  	_ = 	snop  }
.LBB2_8:
0x280: {  	s16 =	sadd.s32 $0x1, s16  }
0x281: {  	p0 =	sne.s32 s16, $0x20  }
.Ltmp7:
0x282: {  	_ = 	snop;
	(pc) =	sbr.rel @!p0 .LBB2_9-.Ltmp7, $2  }
0x283: {  	_ =	sdelay $0x2  }
0x284: {  	s17 =	sadd.s32 $0x80, s17  }
.LBB2_4:
0x285: {  	p0 =	sne.s32 s18, $0x0  }
.Ltmp8:
0x286: {  	_ = 	snop;
	(pc) =	sbr.rel @p0 .LBB2_8-.Ltmp8, $2  }
0x287: {  	_ =	sdelay $0x2  }
0x288: {  	s18 =	simm.s32 $0x1  }
0x289: {  	s18 =	sshll.u32 s16, $0xB  }
0x28a: {  	s18 =	sadd.s32 s18, s3  }
0x28b: {  	[tilespmem:s2], [sflag:$0x4] =	stream.linear.gather [hbm4b:s18+s2], $0x4000, $0x38;
	[tilespmem:$0xA200] =	vst v63  }
0x28c: {  	_ =	swait.ge [sflag:s14], $0x4000  }
0x28d: {  	[sflag:s14] =	ssyncset.done $0x0  }
0x28e: {  	[sflag:s14] =	ssyncadd.s32 $0xFFFFC000  }
0x28f: {  	v8 =	vld [tilespmem:$0xA000]  }
0x290: {  	v9 =	vld [tilespmem:$0xA080]  }
0x291: {  	v10 =	vld [tilespmem:$0xA100]  }
0x292: {  	s19 =	simm.s32 $0x200;
	s18 =	simm.s32 $0xFFFFFFF8;
	v6 =	vld [tilespmem:$0xA180]  }
.LBB2_6:
0x293: {  	v7 =	vld [tilespmem:s19+$0xFFFFFE00];
	_ =	sdelay $0x4  }
0x294: {  	vm0 =	vlt.f32 v7, $0.0e+00;
	vm1 =	vgt.f32 v7, $0.0e+00  }
0x295: {  	s20 =	sadd.s32 s18, s17;
	vm6 =	vlt.s32 v8, $0x20;
	vm0 =	vmor vm1, vm0  }
0x296: {  	s21 =	sadd.s32 $0x88, s20;
	v7 =	vshll.u32 v8, $0x7;
	vm0 =	vmand vm6, vm0  }
0x297: {  	s21 =	scvt.s32.f32 s21;
	v11 =	vor.u32 v1, v7;
	_ =	sdelay $0x1  }
0x298: {  	s21 =	smul.f32 $1.000000050e-03, s21  }
0x299: {  	v12 =	vld [tilespmem:s19+$0xFFFFFE80]  }
0x29a: {  	v7 =	vmov s21  }
0x29b: {  	[tilespmem:v11+s10+$0x0] =	vst.idx.msk vm0, v7  }
0x29c: {  	v11 =	vld [tilespmem:s19+$0xFFFFFE10]  }
0x29d: {  	v39 =	vld [tilespmem:s19+$0xFFFFFF00];
	v13 =	vsel vm0, $0x1, v2  }
0x29e: {  	vm7 =	vlt.f32 v12, $0.0e+00;
	vm8 =	vgt.f32 v12, $0.0e+00;
	v13 =	vadd.s32 v13, v8  }
0x29f: {  	vm9 =	vlt.s32 v13, $0x20;
	vm0 =	vmor vm8, vm7  }
0x2a0: {  	s25 =	sadd.s32 $0x89, s20;
	v8 =	vshll.u32 v13, $0x7;
	vm0 =	vmand vm9, vm0  }
0x2a1: {  	s21 =	scvt.s32.f32 s25;
	vm10 =	vlt.f32 v11, $0.0e+00;
	vm2 =	vgt.f32 v11, $0.0e+00;
	v11 =	vor.u32 v1, v8  }
0x2a2: {  	vm12 =	vlt.f32 v39, $0.0e+00;
	vm3 =	vgt.f32 v39, $0.0e+00;
	v15 =	vsel vm0, $0x1, v2  }
0x2a3: {  	vm11 =	vlt.s32 v9, $0x20;
	vm13 =	vmor vm3, vm12;
	s21 =	smul.f32 $1.000000050e-03, s21;
	v13 =	vadd.s32 v15, v13  }
0x2a4: {  	vm14 =	vlt.s32 v13, $0x20;
	v8 =	vshll.u32 v9, $0x7;
	vm1 =	vmor vm2, vm10  }
0x2a5: {  	v14 =	vor.u32 v3, v8;
	v8 =	vmov s21;
	vm1 =	vmand vm11, vm1  }
0x2a6: {  	s26 =	sadd.s32 $0x8A, s20;
	v40 =	vshll.u32 v13, $0x7;
	[tilespmem:v11+s10+$0x0] =	vst.idx.msk vm0, v8;
	vm0 =	vmand vm14, vm13  }
0x2a7: {  	v12 =	vor.u32 v1, v40;
	s21 =	scvt.s32.f32 s26  }
0x2a8: {  	v11 =	vld [tilespmem:s19+$0xFFFFFE90]  }
0x2a9: {  	s21 =	smul.f32 $1.000000050e-03, s21  }
0x2aa: {  	v41 =	vsel vm1, $0x1, v2  }
0x2ab: {  	[tilespmem:v14+s10+$0x0] =	vst.idx.msk vm1, v7;
	v14 =	vadd.s32 v41, v9;
	v9 =	vmov s21  }
0x2ac: {  	v42 =	vld [tilespmem:s19+$0xFFFFFE20];
	[tilespmem:v12+s10+$0x0] =	vst.idx.msk vm0, v9  }
0x2ad: {  	vm15 =	vlt.f32 v11, $0.0e+00;
	vm4 =	vgt.f32 v11, $0.0e+00;
	v12 =	vld [tilespmem:s19+$0xFFFFFF10]  }
0x2ae: {  	vm5 =	vlt.s32 v14, $0x20;
	vm1 =	vmor vm4, vm15  }
0x2af: {  	v11 =	vshll.u32 v14, $0x7;
	vm1 =	vmand vm5, vm1  }
0x2b0: {  	vm8 =	vlt.s32 v10, $0x20;
	v11 =	vor.u32 v3, v11  }
0x2b1: {  	vm6 =	vlt.f32 v42, $0.0e+00;
	vm7 =	vgt.f32 v42, $0.0e+00;
	v16 =	vsel vm1, $0x1, v2  }
0x2b2: {  	v14 =	vadd.s32 v16, v14;
	vm9 =	vlt.f32 v12, $0.0e+00;
	vm4 =	vgt.f32 v12, $0.0e+00  }
0x2b3: {  	vm2 =	vmor vm7, vm6;
	vm11 =	vlt.s32 v14, $0x20;
	vm10 =	vmor vm4, vm9  }
0x2b4: {  	vm3 =	vmand vm8, vm2;
	v45 =	vshll.u32 v14, $0x7;
	vm2 =	vmand vm11, vm10  }
0x2b5: {  	v15 =	vor.u32 v3, v45;
	[tilespmem:v11+s10+$0x0] =	vst.idx.msk vm1, v8  }
0x2b6: {  	v11 =	vld [tilespmem:s19+$0xFFFFFEA0]  }
0x2b7: {  	v43 =	vshll.u32 v10, $0x7  }
0x2b8: {  	v50 =	vld [tilespmem:s19+$0x0];
	v44 =	vor.u32 v4, v43;
	_ =	sdelay $0x1  }
0x2b9: {  	v48 =	vld [tilespmem:s19+$0xFFFFFF80];
	v46 =	vsel vm3, $0x1, v2;
	[tilespmem:v15+s10+$0x0] =	vst.idx.msk vm2, v9  }
0x2ba: {  	v10 =	vadd.s32 v46, v10;
	vm12 =	vlt.f32 v11, $0.0e+00;
	vm13 =	vgt.f32 v11, $0.0e+00;
	v15 =	vld [tilespmem:s19+$0xFFFFFF20]  }
0x2bb: {  	vm5 =	vlt.s32 v6, $0x20;
	vm14 =	vlt.s32 v10, $0x20;
	vm1 =	vmor vm13, vm12  }
0x2bc: {  	vm6 =	vgt.f32 v50, $0.0e+00;
	[tilespmem:v44+s10+$0x0] =	vst.idx.msk vm3, v7;
	v11 =	vshll.u32 v10, $0x7;
	vm1 =	vmand vm14, vm1  }
0x2bd: {  	v20 =	vsel vm2, $0x1, v2;
	v47 =	vld [tilespmem:s19+$0xFFFFFE30];
	v11 =	vor.u32 v4, v11;
	v49 =	vsel vm1, $0x1, v2  }
0x2be: {  	vm12 =	vlt.f32 v48, $0.0e+00;
	vm13 =	vgt.f32 v48, $0.0e+00;
	v17 =	vadd.s32 v49, v10  }
0x2bf: {  	v10 =	vsel vm0, $0x1, v2;
	vm9 =	vlt.f32 v15, $0.0e+00;
	vm10 =	vgt.f32 v15, $0.0e+00  }
0x2c0: {  	v10 =	vadd.s32 v10, v13;
	vm11 =	vlt.s32 v17, $0x20;
	vm0 =	vmor vm10, vm9  }
0x2c1: {  	v55 =	vld [tilespmem:s19+$0x80];
	vm14 =	vlt.s32 v10, $0x20;
	vm3 =	vmand vm11, vm0;
	vm0 =	vmor vm13, vm12  }
0x2c2: {  	s28 =	sadd.s32 $0x8B, s20;
	vm15 =	vlt.f32 v47, $0.0e+00;
	v52 =	vshll.u32 v10, $0x7;
	[tilespmem:v11+s10+$0x0] =	vst.idx.msk vm1, v8;
	vm1 =	vmand vm14, vm0  }
0x2c3: {  	s21 =	scvt.s32.f32 s28;
	vm8 =	vgt.f32 v47, $0.0e+00;
	v12 =	vshll.u32 v17, $0x7;
	v53 =	vor.u32 v1, v52;
	v11 =	vld [tilespmem:s19+$0xFFFFFEB0]  }
0x2c4: {  	v14 =	vadd.s32 v20, v14;
	vm4 =	vmor vm8, vm15;
	v51 =	vor.u32 v4, v12  }
0x2c5: {  	s21 =	smul.f32 $1.000000050e-03, s21;
	v56 =	vshll.u32 v14, $0x7;
	vm9 =	vlt.f32 v50, $0.0e+00;
	vm0 =	vmand vm5, vm4  }
0x2c6: {  	vm5 =	vmor vm6, vm9;
	vm9 =	vlt.f32 v55, $0.0e+00;
	v18 =	vsel vm1, $0x1, v2  }
0x2c7: {  	v54 =	vsel vm0, $0x1, v2;
	v18 =	vadd.s32 v18, v10;
	v10 =	vmov s21  }
0x2c8: {  	s29 =	sadd.s32 $0x8C, s20;
	v12 =	vadd.s32 v54, v6;
	vm15 =	vlt.f32 v11, $0.0e+00;
	vm7 =	vgt.f32 v11, $0.0e+00;
	[tilespmem:v53+s10+$0x0] =	vst.idx.msk vm1, v10  }
0x2c9: {  	s21 =	scvt.s32.f32 s29;
	vm10 =	vlt.s32 v18, $0x20;
	vm12 =	vlt.s32 v12, $0x20;
	[tilespmem:v51+s10+$0x0] =	vst.idx.msk vm3, v9;
	vm11 =	vmor vm7, vm15;
	v16 =	vld [tilespmem:s19+$0xFFFFFF90]  }
0x2ca: {  	vm5 =	vmand vm10, vm5;
	v11 =	vshll.u32 v18, $0x7;
	v15 =	vld [tilespmem:s19+$0xFFFFFF30];
	vm1 =	vmand vm12, vm11  }
0x2cb: {  	s21 =	smul.f32 $1.000000050e-03, s21;
	vm10 =	vgt.f32 v55, $0.0e+00;
	v19 =	vor.u32 v1, v11;
	v11 =	vsel vm1, $0x1, v2  }
0x2cc: {  	v58 =	vsel vm5, $0x1, v2;
	v13 =	vadd.s32 v11, v12;
	v11 =	vsel vm3, $0x1, v2  }
0x2cd: {  	s30 =	sadd.s32 $0x8D, s20;
	s31 =	sadd.s32 $0x8E, s20;
	s20 =	sadd.s32 $0x8F, s20;
	vm15 =	vlt.s32 v14, $0x20;
	v21 =	vadd.s32 v11, v17;
	v11 =	vmov s21  }
0x2ce: {  	v59 =	vld [tilespmem:s19+$0x100];
	s20 =	scvt.s32.f32 s20;
	v17 =	vadd.s32 v58, v18;
	vm13 =	vlt.f32 v16, $0.0e+00;
	vm14 =	vgt.f32 v16, $0.0e+00  }
0x2cf: {  	vm3 =	vlt.f32 v15, $0.0e+00;
	vm4 =	vgt.f32 v15, $0.0e+00;
	vm2 =	vmor vm14, vm13  }
0x2d0: {  	s20 =	smul.f32 $1.000000050e-03, s20;
	[tilespmem:v19+s10+$0x0] =	vst.idx.msk vm5, v11;
	vm5 =	vmor vm10, vm9;
	vm11 =	vlt.s32 v17, $0x20;
	vm2 =	vmand vm15, vm2  }
0x2d1: {  	s21 =	scvt.s32.f32 s30;
	v15 =	vor.u32 v3, v56;
	v61 =	vshll.u32 v17, $0x7;
	v57 =	vld [tilespmem:s19+$0x10];
	vm6 =	vmand vm11, vm5  }
0x2d2: {  	v35 =	vmov s20;
	v62 =	vor.u32 v1, v61;
	v63 =	vsel vm6, $0x1, v2  }
0x2d3: {  	v24 =	vld [tilespmem:s19+$0x180];
	vm8 =	vgt.f32 v59, $0.0e+00;
	s21 =	smul.f32 $1.000000050e-03, s21;
	v25 =	vadd.s32 v63, v17;
	vm15 =	vlt.f32 v59, $0.0e+00  }
0x2d4: {  	v60 =	vsel vm2, $0x1, v2;
	vm11 =	vlt.s32 v25, $0x20;
	v27 =	vshll.u32 v25, $0x7  }
0x2d5: {  	v19 =	vadd.s32 v60, v14;
	v14 =	vmov s21;
	v18 =	vor.u32 v1, v27  }
0x2d6: {  	vm12 =	vlt.f32 v57, $0.0e+00;
	vm13 =	vgt.f32 v57, $0.0e+00;
	[tilespmem:v15+s10+$0x0] =	vst.idx.msk vm2, v10;
	vm2 =	vmor vm8, vm15  }
0x2d7: {  	vm14 =	vlt.s32 v19, $0x20;
	v22 =	vshll.u32 v19, $0x7;
	[tilespmem:v62+s10+$0x0] =	vst.idx.msk vm6, v14;
	vm7 =	vmand vm11, vm2  }
0x2d8: {  	s21 =	scvt.s32.f32 s31;
	vm5 =	vmor vm13, vm12;
	vm12 =	vlt.f32 v24, $0.0e+00;
	v23 =	vld [tilespmem:s19+$0x90];
	v28 =	vsel vm7, $0x1, v2  }
0x2d9: {  	vm13 =	vgt.f32 v24, $0.0e+00;
	vm5 =	vmand vm14, vm5;
	v26 =	vld [tilespmem:s19+$0xFFFFFFA0];
	v15 =	vadd.s32 v28, v25  }
0x2da: {  	v29 =	vor.u32 v3, v22;
	s21 =	smul.f32 $1.000000050e-03, s21;
	vm2 =	vmor vm13, vm12;
	vm14 =	vlt.s32 v15, $0x20  }
0x2db: {  	v36 =	vshll.u32 v21, $0x7;
	v30 =	vshll.u32 v15, $0x7;
	vm2 =	vmand vm14, vm2  }
0x2dc: {  	v31 =	vmov s21;
	v32 =	vsel vm5, $0x1, v2;
	v22 =	vor.u32 v1, v30  }
0x2dd: {  	vm4 =	vmor vm4, vm3;
	v33 =	vadd.s32 v32, v19;
	vm13 =	vlt.f32 v23, $0.0e+00;
	[tilespmem:v18+s10+$0x0] =	vst.idx.msk vm7, v31  }
0x2de: {  	vm14 =	vgt.f32 v23, $0.0e+00;
	vm15 =	vlt.f32 v26, $0.0e+00;
	vm11 =	vgt.f32 v26, $0.0e+00;
	v34 =	vld [tilespmem:s19+$0x110]  }
0x2df: {  	[tilespmem:v29+s10+$0x0] =	vst.idx.msk vm5, v11;
	vm10 =	vmor vm14, vm13;
	vm12 =	vmor vm11, vm15;
	vm11 =	vlt.s32 v33, $0x20  }
0x2e0: {  	v24 =	vshll.u32 v33, $0x7;
	v20 =	vld [tilespmem:s19+$0x20];
	vm15 =	vlt.s32 v21, $0x20;
	vm5 =	vmand vm11, vm10  }
0x2e1: {  	v37 =	vor.u32 v4, v36;
	v38 =	vor.u32 v3, v24;
	vm3 =	vmand vm15, vm12;
	[tilespmem:v22+s10+$0x0] =	vst.idx.msk vm2, v35  }
0x2e2: {  	vm11 =	vlt.s32 v13, $0x20;
	v25 =	vsel vm5, $0x1, v2;
	v40 =	vsel vm3, $0x1, v2;
	v39 =	vld [tilespmem:s19+$0x190]  }
0x2e3: {  	v18 =	vadd.s32 v25, v33;
	vm12 =	vlt.f32 v34, $0.0e+00;
	vm13 =	vgt.f32 v34, $0.0e+00  }
0x2e4: {  	v41 =	vadd.s32 v40, v21;
	vm14 =	vlt.s32 v18, $0x20;
	vm6 =	vmor vm13, vm12  }
0x2e5: {  	vm15 =	vlt.f32 v20, $0.0e+00;
	v42 =	vshll.u32 v18, $0x7;
	vm6 =	vmand vm14, vm6  }
0x2e6: {  	v43 =	vor.u32 v3, v42;
	vm12 =	vgt.f32 v20, $0.0e+00;
	[tilespmem:v38+s10+$0x0] =	vst.idx.msk vm5, v14;
	v44 =	vsel vm6, $0x1, v2  }
0x2e7: {  	v45 =	vld [tilespmem:s19+$0xA0];
	v18 =	vadd.s32 v44, v18;
	vm13 =	vlt.f32 v39, $0.0e+00;
	vm9 =	vgt.f32 v39, $0.0e+00  }
0x2e8: {  	vm7 =	vmor vm12, vm15;
	vm5 =	vmor vm9, vm13;
	vm14 =	vlt.s32 v18, $0x20  }
0x2e9: {  	[tilespmem:v37+s10+$0x0] =	vst.idx.msk vm3, v10;
	vm15 =	vlt.s32 v41, $0x20;
	v46 =	vshll.u32 v18, $0x7;
	vm3 =	vmand vm14, vm5  }
0x2ea: {  	v25 =	vshll.u32 v41, $0x7;
	v47 =	vld [tilespmem:s19+$0xFFFFFFB0];
	vm7 =	vmand vm15, vm7;
	v22 =	vor.u32 v3, v46  }
0x2eb: {  	vm4 =	vmand vm11, vm4;
	v25 =	vor.u32 v4, v25;
	v48 =	vsel vm7, $0x1, v2;
	[tilespmem:v43+s10+$0x0] =	vst.idx.msk vm6, v31  }
0x2ec: {  	v19 =	vadd.s32 v48, v41;
	vm12 =	vlt.f32 v45, $0.0e+00;
	vm13 =	vgt.f32 v45, $0.0e+00;
	v50 =	vld [tilespmem:s19+$0x120]  }
0x2ed: {  	v49 =	vsel vm4, $0x1, v2;
	vm14 =	vlt.s32 v19, $0x20;
	vm5 =	vmor vm13, vm12  }
0x2ee: {  	v20 =	vadd.s32 v49, v13;
	v51 =	vshll.u32 v19, $0x7;
	vm6 =	vmand vm14, vm5  }
0x2ef: {  	vm15 =	vlt.f32 v47, $0.0e+00;
	v21 =	vor.u32 v4, v51;
	vm12 =	vgt.f32 v47, $0.0e+00;
	[tilespmem:v22+s10+$0x0] =	vst.idx.msk vm3, v35  }
0x2f0: {  	vm5 =	vmor vm12, vm15;
	[tilespmem:v25+s10+$0x0] =	vst.idx.msk vm7, v11;
	vm12 =	vlt.s32 v20, $0x20;
	v52 =	vsel vm6, $0x1, v2;
	v53 =	vld [tilespmem:s19+$0x1A0]  }
0x2f1: {  	v54 =	vld [tilespmem:s19+$0x30];
	v19 =	vadd.s32 v52, v19;
	vm13 =	vlt.f32 v50, $0.0e+00;
	vm10 =	vgt.f32 v50, $0.0e+00  }
0x2f2: {  	vm5 =	vmand vm12, vm5;
	vm15 =	vlt.s32 v19, $0x20;
	vm14 =	vmor vm10, vm13  }
0x2f3: {  	v57 =	vsel vm5, $0x1, v2;
	v55 =	vshll.u32 v19, $0x7;
	vm7 =	vmand vm15, vm14  }
0x2f4: {  	v24 =	vor.u32 v4, v55;
	[tilespmem:v21+s10+$0x0] =	vst.idx.msk vm6, v14;
	v21 =	vadd.s32 v57, v20;
	v56 =	vsel vm7, $0x1, v2  }
0x2f5: {  	v19 =	vadd.s32 v56, v19;
	vm13 =	vlt.f32 v53, $0.0e+00;
	vm14 =	vgt.f32 v53, $0.0e+00  }
0x2f6: {  	vm12 =	vlt.f32 v54, $0.0e+00;
	v58 =	vld [tilespmem:s19+$0xB0];
	vm6 =	vmor vm14, vm13;
	vm15 =	vlt.s32 v19, $0x20  }
0x2f7: {  	v25 =	vshll.u32 v19, $0x7;
	vm13 =	vgt.f32 v54, $0.0e+00;
	vm6 =	vmand vm15, vm6  }
0x2f8: {  	vm14 =	vlt.s32 v21, $0x20;
	v59 =	vor.u32 v4, v25;
	vm8 =	vmor vm13, vm12  }
0x2f9: {  	[tilespmem:v24+s10+$0x0] =	vst.idx.msk vm7, v31;
	vm7 =	vmand vm14, vm8  }
0x2fa: {  	v24 =	vld [tilespmem:s19+$0x130];
	v60 =	vsel vm7, $0x1, v2  }
0x2fb: {  	vm15 =	vlt.f32 v58, $0.0e+00;
	vm12 =	vgt.f32 v58, $0.0e+00;
	v61 =	vadd.s32 v60, v21  }
0x2fc: {  	v6 =	vshll.u32 v6, $0x7;
	vm8 =	vmor vm12, vm15;
	vm13 =	vlt.s32 v61, $0x20  }
0x2fd: {  	v6 =	vor.u32 v5, v6;
	v12 =	vshll.u32 v12, $0x7;
	[tilespmem:v59+s10+$0x0] =	vst.idx.msk vm6, v35;
	vm8 =	vmand vm13, vm8  }
0x2fe: {  	v12 =	vor.u32 v5, v12;
	v13 =	vshll.u32 v13, $0x7;
	v22 =	vld [tilespmem:s19+$0x1B0];
	v62 =	vsel vm8, $0x1, v2  }
0x2ff: {  	vm14 =	vlt.f32 v24, $0.0e+00;
	vm15 =	vgt.f32 v24, $0.0e+00;
	v24 =	vadd.s32 v62, v61  }
0x300: {  	v13 =	vor.u32 v5, v13;
	vm9 =	vmor vm15, vm14;
	vm12 =	vlt.s32 v24, $0x20  }
0x301: {  	v20 =	vshll.u32 v20, $0x7;
	v21 =	vshll.u32 v21, $0x7;
	vm9 =	vmand vm12, vm9  }
0x302: {  	v20 =	vor.u32 v5, v20;
	v21 =	vor.u32 v5, v21;
	v63 =	vsel vm9, $0x1, v2  }
0x303: {  	vm13 =	vlt.f32 v22, $0.0e+00;
	vm11 =	vgt.f32 v22, $0.0e+00;
	v22 =	vadd.s32 v63, v24  }
0x304: {  	[tilespmem:v6+s10+$0x0] =	vst.idx.msk vm0, v7;
	v6 =	vshll.u32 v24, $0x7;
	vm14 =	vmor vm11, vm13;
	vm15 =	vlt.s32 v22, $0x20  }
0x305: {  	v6 =	vor.u32 v5, v6;
	v7 =	vshll.u32 v22, $0x7;
	vm0 =	vmand vm15, vm14  }
0x306: {  	s18 =	sadd.s32 $0x8, s18;
	[tilespmem:v12+s10+$0x0] =	vst.idx.msk vm1, v8;
	v23 =	vshll.u32 v61, $0x7;
	v7 =	vor.u32 v5, v7  }
0x307: {  	p0 =	slt.u32 s18, $0x78;
	[tilespmem:v13+s10+$0x0] =	vst.idx.msk vm4, v9;
	v23 =	vor.u32 v5, v23  }
.Ltmp9:
0x308: {  	[tilespmem:v20+s10+$0x0] =	vst.idx.msk vm5, v10;
	(pc) =	sbr.rel @p0 .LBB2_6-.Ltmp9, $4  }
0x309: {  	v9 =	vsel vm3, $0x1, v2;
	[tilespmem:v21+s10+$0x0] =	vst.idx.msk vm7, v11  }
0x30a: {  	v9 =	vadd.s32 v9, v18;
	[tilespmem:v6+s10+$0x0] =	vst.idx.msk vm9, v31;
	v6 =	vsel vm2, $0x1, v2  }
0x30b: {  	v8 =	vadd.s32 v6, v15;
	v6 =	vsel vm6, $0x1, v2;
	[tilespmem:v7+s10+$0x0] =	vst.idx.msk vm0, v35;
	v7 =	vsel vm0, $0x1, v2  }
0x30c: {  	s19 =	sadd.s32 $0x400, s19;
	[tilespmem:v23+s10+$0x0] =	vst.idx.msk vm8, v14;
	v10 =	vadd.s32 v6, v19;
	v6 =	vadd.s32 v7, v22  }
0x30d: {  	vm0 =	vlt.s32 v8, v9  }
0x30e: {  	v7 =	vsel vm0, v8, v9  }
0x30f: {  	vm0 =	vlt.s32 v7, v10  }
0x310: {  	v7 =	vsel vm0, v7, v10  }
0x311: {  	vm0 =	vlt.s32 v7, v6  }
0x312: {  	v7 =	vsel vm0, v7, v6  }
0x313: {  	(v2sf) =	vpush v7, $0x0  }
0x314: {  	(v2sf) =	vpush v7, $0x1;
	_ =	sdelay $0x1  }
0x315: {  	(v2sf) =	vpush v7, $0x2;
	_ =	sdelay $0x1  }
0x316: {  	(v2sf) =	vpush v7, $0x3;
	_ =	sdelay $0x1  }
0x317: {  	(v2sf) =	vpush v7, $0x4;
	_ =	sdelay $0x1  }
0x318: {  	(v2sf) =	vpush v7, $0x5;
	_ =	sdelay $0x1  }
0x319: {  	(v2sf) =	vpush v7, $0x6;
	_ =	sdelay $0x1  }
0x31a: {  	(v2sf) =	vpush v7, $0x7;
	_ =	sdelay $0x1  }
0x31b: {  	s18 =	spop (v2sf);
	(v2sf) =	vpush v7, $0x8  }
0x31c: {  	s19 =	spop (v2sf)  }
0x31d: {  	(v2sf) =	vpush v7, $0x9;
	p0 =	slt.s32 s18, s19  }
0x31e: {  	s19 =	smov.u32 @p0 s18;
	s18 =	spop (v2sf)  }
0x31f: {  	(v2sf) =	vpush v7, $0xA;
	p0 =	slt.s32 s19, s18  }
0x320: {  	s18 =	smov.u32 @p0 s19;
	s19 =	spop (v2sf)  }
0x321: {  	(v2sf) =	vpush v7, $0xB;
	p0 =	slt.s32 s18, s19  }
0x322: {  	s19 =	smov.u32 @p0 s18;
	s18 =	spop (v2sf)  }
0x323: {  	(v2sf) =	vpush v7, $0xC;
	p0 =	slt.s32 s19, s18  }
0x324: {  	s18 =	smov.u32 @p0 s19;
	s19 =	spop (v2sf)  }
0x325: {  	(v2sf) =	vpush v7, $0xD;
	p0 =	slt.s32 s18, s19  }
0x326: {  	s19 =	smov.u32 @p0 s18;
	s18 =	spop (v2sf)  }
0x327: {  	(v2sf) =	vpush v7, $0xE;
	p0 =	slt.s32 s19, s18  }
0x328: {  	s18 =	smov.u32 @p0 s19;
	s19 =	spop (v2sf)  }
0x329: {  	(v2sf) =	vpush v7, $0xF;
	p0 =	slt.s32 s18, s19  }
0x32a: {  	s19 =	smov.u32 @p0 s18;
	s18 =	spop (v2sf)  }
0x32b: {  	p0 =	slt.s32 s19, s18  }
0x32c: {  	s18 =	smov.u32 @p0 s19;
	s19 =	spop (v2sf)  }
0x32d: {  	p0 =	slt.s32 s18, s19  }
0x32e: {  	s19 =	smov.u32 @p0 s18;
	s18 =	spop (v2sf)  }
0x32f: {  	p0 =	slt.s32 s19, s18  }
0x330: {  	s18 =	smov.u32 @p0 s19;
	s19 =	spop (v2sf)  }
0x331: {  	p0 =	slt.s32 s18, s19  }
0x332: {  	s19 =	smov.u32 @p0 s18;
	s18 =	spop (v2sf)  }
0x333: {  	p0 =	slt.s32 s19, s18  }
0x334: {  	s18 =	smov.u32 @p0 s19;
	s19 =	spop (v2sf)  }
0x335: {  	p0 =	slt.s32 s18, s19  }
0x336: {  	s19 =	smov.u32 @p0 s18;
	s18 =	spop (v2sf)  }
0x337: {  	p0 =	slt.s32 s19, s18  }
0x338: {  	s18 =	smov.u32 @p0 s19;
	s19 =	spop (v2sf)  }
.Ltmp10:
0x339: {  	p0 =	slt.s32 s18, s19;
	(pc) =	sbr.rel .LBB2_8-.Ltmp10, $4  }
0x33a: {  	[tilespmem:$0xA000] =	vst v8;
	s19 =	smov.u32 @p0 s18  }
0x33b: {  	[tilespmem:$0xA080] =	vst v9;
	s18 =	simm.s32 $0x1;
	p0 =	sgt.s32 s19, $0x1F  }
0x33c: {  	[tilespmem:$0xA100] =	vst v10;
	s18 =	simm.s32 @!p0 $0x0  }
0x33d: {  	[tilespmem:$0xA180] =	vst v6;
	[smem:$0x0] =	sst s18  }
.LBB2_16:
0x33e: {  	s16 =	sadd.s32 $0x1, s16  }
0x33f: {  	p0 =	sne.s32 s16, $0x20  }
.Ltmp11:
0x340: {  	_ = 	snop;
	(pc) =	sbr.rel @!p0 .LBB2_17-.Ltmp11, $2  }
0x341: {  	_ =	sdelay $0x2  }
0x342: {  	s17 =	sadd.s32 $0x80, s17  }
.LBB2_12:
0x343: {  	p0 =	sne.s32 s18, $0x0  }
.Ltmp12:
0x344: {  	_ = 	snop;
	(pc) =	sbr.rel @p0 .LBB2_16-.Ltmp12, $2  }
0x345: {  	_ =	sdelay $0x2  }
0x346: {  	s18 =	simm.s32 $0x1  }
0x347: {  	s18 =	sshll.u32 s16, $0xB  }
0x348: {  	s18 =	sadd.s32 s18, s4  }
0x349: {  	[tilespmem:s8], [sflag:$0x4] =	stream.linear.gather [hbm4b:s18+s2], $0x4000, $0x38;
	[tilespmem:$0xA200] =	vst v63  }
0x34a: {  	_ =	swait.ge [sflag:s14], $0x4000  }
0x34b: {  	[sflag:s14] =	ssyncset.done $0x0  }
0x34c: {  	[sflag:s14] =	ssyncadd.s32 $0xFFFFC000  }
0x34d: {  	v8 =	vld [tilespmem:$0xA000]  }
0x34e: {  	v9 =	vld [tilespmem:$0xA080]  }
0x34f: {  	v10 =	vld [tilespmem:$0xA100]  }
0x350: {  	s19 =	simm.s32 $0x43B0;
	s18 =	simm.s32 $0xFFFFFFF8;
	v6 =	vld [tilespmem:$0xA180]  }
.LBB2_14:
0x351: {  	v7 =	vld [tilespmem:s19+$0xFFFFFC50];
	_ =	sdelay $0x4  }
0x352: {  	vm0 =	vlt.f32 v7, $0.0e+00;
	vm1 =	vgt.f32 v7, $0.0e+00  }
0x353: {  	s20 =	sadd.s32 s18, s17;
	vm6 =	vlt.s32 v8, $0x20;
	vm0 =	vmor vm1, vm0  }
0x354: {  	s21 =	sadd.s32 $0x88, s20;
	v7 =	vshll.u32 v8, $0x7;
	vm0 =	vmand vm6, vm0  }
0x355: {  	s21 =	scvt.s32.f32 s21;
	v11 =	vor.u32 v1, v7;
	_ =	sdelay $0x1  }
0x356: {  	s21 =	smul.f32 $1.000000050e-03, s21  }
0x357: {  	v12 =	vld [tilespmem:s19+$0xFFFFFCD0]  }
0x358: {  	v7 =	vmov s21  }
0x359: {  	[tilespmem:v11+s13+$0x0] =	vst.idx.msk vm0, v7  }
0x35a: {  	v11 =	vld [tilespmem:s19+$0xFFFFFC60]  }
0x35b: {  	v39 =	vld [tilespmem:s19+$0xFFFFFD50];
	v13 =	vsel vm0, $0x1, v2  }
0x35c: {  	vm7 =	vlt.f32 v12, $0.0e+00;
	vm8 =	vgt.f32 v12, $0.0e+00;
	v13 =	vadd.s32 v13, v8  }
0x35d: {  	vm9 =	vlt.s32 v13, $0x20;
	vm0 =	vmor vm8, vm7  }
0x35e: {  	s25 =	sadd.s32 $0x89, s20;
	v8 =	vshll.u32 v13, $0x7;
	vm0 =	vmand vm9, vm0  }
0x35f: {  	s21 =	scvt.s32.f32 s25;
	vm10 =	vlt.f32 v11, $0.0e+00;
	vm2 =	vgt.f32 v11, $0.0e+00;
	v11 =	vor.u32 v1, v8  }
0x360: {  	vm12 =	vlt.f32 v39, $0.0e+00;
	vm3 =	vgt.f32 v39, $0.0e+00;
	v15 =	vsel vm0, $0x1, v2  }
0x361: {  	vm11 =	vlt.s32 v9, $0x20;
	vm13 =	vmor vm3, vm12;
	s21 =	smul.f32 $1.000000050e-03, s21;
	v13 =	vadd.s32 v15, v13  }
0x362: {  	vm14 =	vlt.s32 v13, $0x20;
	v8 =	vshll.u32 v9, $0x7;
	vm1 =	vmor vm2, vm10  }
0x363: {  	v14 =	vor.u32 v3, v8;
	v8 =	vmov s21;
	vm1 =	vmand vm11, vm1  }
0x364: {  	s26 =	sadd.s32 $0x8A, s20;
	v40 =	vshll.u32 v13, $0x7;
	[tilespmem:v11+s13+$0x0] =	vst.idx.msk vm0, v8;
	vm0 =	vmand vm14, vm13  }
0x365: {  	v12 =	vor.u32 v1, v40;
	s21 =	scvt.s32.f32 s26  }
0x366: {  	v11 =	vld [tilespmem:s19+$0xFFFFFCE0]  }
0x367: {  	s21 =	smul.f32 $1.000000050e-03, s21  }
0x368: {  	v41 =	vsel vm1, $0x1, v2  }
0x369: {  	[tilespmem:v14+s13+$0x0] =	vst.idx.msk vm1, v7;
	v14 =	vadd.s32 v41, v9;
	v9 =	vmov s21  }
0x36a: {  	v42 =	vld [tilespmem:s19+$0xFFFFFC70];
	[tilespmem:v12+s13+$0x0] =	vst.idx.msk vm0, v9  }
0x36b: {  	vm15 =	vlt.f32 v11, $0.0e+00;
	vm4 =	vgt.f32 v11, $0.0e+00;
	v12 =	vld [tilespmem:s19+$0xFFFFFD60]  }
0x36c: {  	vm5 =	vlt.s32 v14, $0x20;
	vm1 =	vmor vm4, vm15  }
0x36d: {  	v11 =	vshll.u32 v14, $0x7;
	vm1 =	vmand vm5, vm1  }
0x36e: {  	vm8 =	vlt.s32 v10, $0x20;
	v11 =	vor.u32 v3, v11  }
0x36f: {  	vm6 =	vlt.f32 v42, $0.0e+00;
	vm7 =	vgt.f32 v42, $0.0e+00;
	v16 =	vsel vm1, $0x1, v2  }
0x370: {  	v14 =	vadd.s32 v16, v14;
	vm9 =	vlt.f32 v12, $0.0e+00;
	vm4 =	vgt.f32 v12, $0.0e+00  }
0x371: {  	vm2 =	vmor vm7, vm6;
	vm11 =	vlt.s32 v14, $0x20;
	vm10 =	vmor vm4, vm9  }
0x372: {  	vm3 =	vmand vm8, vm2;
	v45 =	vshll.u32 v14, $0x7;
	vm2 =	vmand vm11, vm10  }
0x373: {  	v15 =	vor.u32 v3, v45;
	[tilespmem:v11+s13+$0x0] =	vst.idx.msk vm1, v8  }
0x374: {  	v11 =	vld [tilespmem:s19+$0xFFFFFCF0]  }
0x375: {  	v43 =	vshll.u32 v10, $0x7  }
0x376: {  	v50 =	vld [tilespmem:s19+$0xFFFFFE50];
	v44 =	vor.u32 v4, v43;
	_ =	sdelay $0x1  }
0x377: {  	v48 =	vld [tilespmem:s19+$0xFFFFFDD0];
	v46 =	vsel vm3, $0x1, v2;
	[tilespmem:v15+s13+$0x0] =	vst.idx.msk vm2, v9  }
0x378: {  	v10 =	vadd.s32 v46, v10;
	vm12 =	vlt.f32 v11, $0.0e+00;
	vm13 =	vgt.f32 v11, $0.0e+00;
	v15 =	vld [tilespmem:s19+$0xFFFFFD70]  }
0x379: {  	vm5 =	vlt.s32 v6, $0x20;
	vm14 =	vlt.s32 v10, $0x20;
	vm1 =	vmor vm13, vm12  }
0x37a: {  	vm6 =	vgt.f32 v50, $0.0e+00;
	[tilespmem:v44+s13+$0x0] =	vst.idx.msk vm3, v7;
	v11 =	vshll.u32 v10, $0x7;
	vm1 =	vmand vm14, vm1  }
0x37b: {  	v20 =	vsel vm2, $0x1, v2;
	v47 =	vld [tilespmem:s19+$0xFFFFFC80];
	v11 =	vor.u32 v4, v11;
	v49 =	vsel vm1, $0x1, v2  }
0x37c: {  	vm12 =	vlt.f32 v48, $0.0e+00;
	vm13 =	vgt.f32 v48, $0.0e+00;
	v17 =	vadd.s32 v49, v10  }
0x37d: {  	v10 =	vsel vm0, $0x1, v2;
	vm9 =	vlt.f32 v15, $0.0e+00;
	vm10 =	vgt.f32 v15, $0.0e+00  }
0x37e: {  	v10 =	vadd.s32 v10, v13;
	vm11 =	vlt.s32 v17, $0x20;
	vm0 =	vmor vm10, vm9  }
0x37f: {  	v55 =	vld [tilespmem:s19+$0xFFFFFED0];
	vm14 =	vlt.s32 v10, $0x20;
	vm3 =	vmand vm11, vm0;
	vm0 =	vmor vm13, vm12  }
0x380: {  	s28 =	sadd.s32 $0x8B, s20;
	vm15 =	vlt.f32 v47, $0.0e+00;
	v52 =	vshll.u32 v10, $0x7;
	[tilespmem:v11+s13+$0x0] =	vst.idx.msk vm1, v8;
	vm1 =	vmand vm14, vm0  }
0x381: {  	s21 =	scvt.s32.f32 s28;
	vm8 =	vgt.f32 v47, $0.0e+00;
	v12 =	vshll.u32 v17, $0x7;
	v53 =	vor.u32 v1, v52;
	v11 =	vld [tilespmem:s19+$0xFFFFFD00]  }
0x382: {  	v14 =	vadd.s32 v20, v14;
	vm4 =	vmor vm8, vm15;
	v51 =	vor.u32 v4, v12  }
0x383: {  	s21 =	smul.f32 $1.000000050e-03, s21;
	v56 =	vshll.u32 v14, $0x7;
	vm9 =	vlt.f32 v50, $0.0e+00;
	vm0 =	vmand vm5, vm4  }
0x384: {  	vm5 =	vmor vm6, vm9;
	vm9 =	vlt.f32 v55, $0.0e+00;
	v18 =	vsel vm1, $0x1, v2  }
0x385: {  	v54 =	vsel vm0, $0x1, v2;
	v18 =	vadd.s32 v18, v10;
	v10 =	vmov s21  }
0x386: {  	s29 =	sadd.s32 $0x8C, s20;
	v12 =	vadd.s32 v54, v6;
	vm15 =	vlt.f32 v11, $0.0e+00;
	vm7 =	vgt.f32 v11, $0.0e+00;
	[tilespmem:v53+s13+$0x0] =	vst.idx.msk vm1, v10  }
0x387: {  	s21 =	scvt.s32.f32 s29;
	vm10 =	vlt.s32 v18, $0x20;
	vm12 =	vlt.s32 v12, $0x20;
	[tilespmem:v51+s13+$0x0] =	vst.idx.msk vm3, v9;
	vm11 =	vmor vm7, vm15;
	v16 =	vld [tilespmem:s19+$0xFFFFFDE0]  }
0x388: {  	vm5 =	vmand vm10, vm5;
	v11 =	vshll.u32 v18, $0x7;
	v15 =	vld [tilespmem:s19+$0xFFFFFD80];
	vm1 =	vmand vm12, vm11  }
0x389: {  	s21 =	smul.f32 $1.000000050e-03, s21;
	vm10 =	vgt.f32 v55, $0.0e+00;
	v19 =	vor.u32 v1, v11;
	v11 =	vsel vm1, $0x1, v2  }
0x38a: {  	v58 =	vsel vm5, $0x1, v2;
	v13 =	vadd.s32 v11, v12;
	v11 =	vsel vm3, $0x1, v2  }
0x38b: {  	s30 =	sadd.s32 $0x8D, s20;
	s31 =	sadd.s32 $0x8E, s20;
	s20 =	sadd.s32 $0x8F, s20;
	vm15 =	vlt.s32 v14, $0x20;
	v21 =	vadd.s32 v11, v17;
	v11 =	vmov s21  }
0x38c: {  	v59 =	vld [tilespmem:s19+$0xFFFFFF50];
	s20 =	scvt.s32.f32 s20;
	v17 =	vadd.s32 v58, v18;
	vm13 =	vlt.f32 v16, $0.0e+00;
	vm14 =	vgt.f32 v16, $0.0e+00  }
0x38d: {  	vm3 =	vlt.f32 v15, $0.0e+00;
	vm4 =	vgt.f32 v15, $0.0e+00;
	vm2 =	vmor vm14, vm13  }
0x38e: {  	s20 =	smul.f32 $1.000000050e-03, s20;
	[tilespmem:v19+s13+$0x0] =	vst.idx.msk vm5, v11;
	vm5 =	vmor vm10, vm9;
	vm11 =	vlt.s32 v17, $0x20;
	vm2 =	vmand vm15, vm2  }
0x38f: {  	s21 =	scvt.s32.f32 s30;
	v15 =	vor.u32 v3, v56;
	v61 =	vshll.u32 v17, $0x7;
	v57 =	vld [tilespmem:s19+$0xFFFFFE60];
	vm6 =	vmand vm11, vm5  }
0x390: {  	v35 =	vmov s20;
	v62 =	vor.u32 v1, v61;
	v63 =	vsel vm6, $0x1, v2  }
0x391: {  	v24 =	vld [tilespmem:s19+$0xFFFFFFD0];
	vm8 =	vgt.f32 v59, $0.0e+00;
	s21 =	smul.f32 $1.000000050e-03, s21;
	v25 =	vadd.s32 v63, v17;
	vm15 =	vlt.f32 v59, $0.0e+00  }
0x392: {  	v60 =	vsel vm2, $0x1, v2;
	vm11 =	vlt.s32 v25, $0x20;
	v27 =	vshll.u32 v25, $0x7  }
0x393: {  	v19 =	vadd.s32 v60, v14;
	v14 =	vmov s21;
	v18 =	vor.u32 v1, v27  }
0x394: {  	vm12 =	vlt.f32 v57, $0.0e+00;
	vm13 =	vgt.f32 v57, $0.0e+00;
	[tilespmem:v15+s13+$0x0] =	vst.idx.msk vm2, v10;
	vm2 =	vmor vm8, vm15  }
0x395: {  	vm14 =	vlt.s32 v19, $0x20;
	v22 =	vshll.u32 v19, $0x7;
	[tilespmem:v62+s13+$0x0] =	vst.idx.msk vm6, v14;
	vm7 =	vmand vm11, vm2  }
0x396: {  	s21 =	scvt.s32.f32 s31;
	vm5 =	vmor vm13, vm12;
	vm12 =	vlt.f32 v24, $0.0e+00;
	v23 =	vld [tilespmem:s19+$0xFFFFFEE0];
	v28 =	vsel vm7, $0x1, v2  }
0x397: {  	vm13 =	vgt.f32 v24, $0.0e+00;
	vm5 =	vmand vm14, vm5;
	v26 =	vld [tilespmem:s19+$0xFFFFFDF0];
	v15 =	vadd.s32 v28, v25  }
0x398: {  	v29 =	vor.u32 v3, v22;
	s21 =	smul.f32 $1.000000050e-03, s21;
	vm2 =	vmor vm13, vm12;
	vm14 =	vlt.s32 v15, $0x20  }
0x399: {  	v36 =	vshll.u32 v21, $0x7;
	v30 =	vshll.u32 v15, $0x7;
	vm2 =	vmand vm14, vm2  }
0x39a: {  	v31 =	vmov s21;
	v32 =	vsel vm5, $0x1, v2;
	v22 =	vor.u32 v1, v30  }
0x39b: {  	vm4 =	vmor vm4, vm3;
	v33 =	vadd.s32 v32, v19;
	vm13 =	vlt.f32 v23, $0.0e+00;
	[tilespmem:v18+s13+$0x0] =	vst.idx.msk vm7, v31  }
0x39c: {  	vm14 =	vgt.f32 v23, $0.0e+00;
	vm15 =	vlt.f32 v26, $0.0e+00;
	vm11 =	vgt.f32 v26, $0.0e+00;
	v34 =	vld [tilespmem:s19+$0xFFFFFF60]  }
0x39d: {  	[tilespmem:v29+s13+$0x0] =	vst.idx.msk vm5, v11;
	vm10 =	vmor vm14, vm13;
	vm12 =	vmor vm11, vm15;
	vm11 =	vlt.s32 v33, $0x20  }
0x39e: {  	v24 =	vshll.u32 v33, $0x7;
	v20 =	vld [tilespmem:s19+$0xFFFFFE70];
	vm15 =	vlt.s32 v21, $0x20;
	vm5 =	vmand vm11, vm10  }
0x39f: {  	v37 =	vor.u32 v4, v36;
	v38 =	vor.u32 v3, v24;
	vm3 =	vmand vm15, vm12;
	[tilespmem:v22+s13+$0x0] =	vst.idx.msk vm2, v35  }
0x3a0: {  	vm11 =	vlt.s32 v13, $0x20;
	v25 =	vsel vm5, $0x1, v2;
	v40 =	vsel vm3, $0x1, v2;
	v39 =	vld [tilespmem:s19+$0xFFFFFFE0]  }
0x3a1: {  	v18 =	vadd.s32 v25, v33;
	vm12 =	vlt.f32 v34, $0.0e+00;
	vm13 =	vgt.f32 v34, $0.0e+00  }
0x3a2: {  	v41 =	vadd.s32 v40, v21;
	vm14 =	vlt.s32 v18, $0x20;
	vm6 =	vmor vm13, vm12  }
0x3a3: {  	vm15 =	vlt.f32 v20, $0.0e+00;
	v42 =	vshll.u32 v18, $0x7;
	vm6 =	vmand vm14, vm6  }
0x3a4: {  	v43 =	vor.u32 v3, v42;
	vm12 =	vgt.f32 v20, $0.0e+00;
	[tilespmem:v38+s13+$0x0] =	vst.idx.msk vm5, v14;
	v44 =	vsel vm6, $0x1, v2  }
0x3a5: {  	v45 =	vld [tilespmem:s19+$0xFFFFFEF0];
	v18 =	vadd.s32 v44, v18;
	vm13 =	vlt.f32 v39, $0.0e+00;
	vm9 =	vgt.f32 v39, $0.0e+00  }
0x3a6: {  	vm7 =	vmor vm12, vm15;
	vm5 =	vmor vm9, vm13;
	vm14 =	vlt.s32 v18, $0x20  }
0x3a7: {  	[tilespmem:v37+s13+$0x0] =	vst.idx.msk vm3, v10;
	vm15 =	vlt.s32 v41, $0x20;
	v46 =	vshll.u32 v18, $0x7;
	vm3 =	vmand vm14, vm5  }
0x3a8: {  	v25 =	vshll.u32 v41, $0x7;
	v47 =	vld [tilespmem:s19+$0xFFFFFE00];
	vm7 =	vmand vm15, vm7;
	v22 =	vor.u32 v3, v46  }
0x3a9: {  	vm4 =	vmand vm11, vm4;
	v25 =	vor.u32 v4, v25;
	v48 =	vsel vm7, $0x1, v2;
	[tilespmem:v43+s13+$0x0] =	vst.idx.msk vm6, v31  }
0x3aa: {  	v19 =	vadd.s32 v48, v41;
	vm12 =	vlt.f32 v45, $0.0e+00;
	vm13 =	vgt.f32 v45, $0.0e+00;
	v50 =	vld [tilespmem:s19+$0xFFFFFF70]  }
0x3ab: {  	v49 =	vsel vm4, $0x1, v2;
	vm14 =	vlt.s32 v19, $0x20;
	vm5 =	vmor vm13, vm12  }
0x3ac: {  	v20 =	vadd.s32 v49, v13;
	v51 =	vshll.u32 v19, $0x7;
	vm6 =	vmand vm14, vm5  }
0x3ad: {  	vm15 =	vlt.f32 v47, $0.0e+00;
	v21 =	vor.u32 v4, v51;
	vm12 =	vgt.f32 v47, $0.0e+00;
	[tilespmem:v22+s13+$0x0] =	vst.idx.msk vm3, v35  }
0x3ae: {  	vm5 =	vmor vm12, vm15;
	[tilespmem:v25+s13+$0x0] =	vst.idx.msk vm7, v11;
	vm12 =	vlt.s32 v20, $0x20;
	v52 =	vsel vm6, $0x1, v2;
	v53 =	vld [tilespmem:s19+$0xFFFFFFF0]  }
0x3af: {  	v54 =	vld [tilespmem:s19+$0xFFFFFE80];
	v19 =	vadd.s32 v52, v19;
	vm13 =	vlt.f32 v50, $0.0e+00;
	vm10 =	vgt.f32 v50, $0.0e+00  }
0x3b0: {  	vm5 =	vmand vm12, vm5;
	vm15 =	vlt.s32 v19, $0x20;
	vm14 =	vmor vm10, vm13  }
0x3b1: {  	v57 =	vsel vm5, $0x1, v2;
	v55 =	vshll.u32 v19, $0x7;
	vm7 =	vmand vm15, vm14  }
0x3b2: {  	v24 =	vor.u32 v4, v55;
	[tilespmem:v21+s13+$0x0] =	vst.idx.msk vm6, v14;
	v21 =	vadd.s32 v57, v20;
	v56 =	vsel vm7, $0x1, v2  }
0x3b3: {  	v19 =	vadd.s32 v56, v19;
	vm13 =	vlt.f32 v53, $0.0e+00;
	vm14 =	vgt.f32 v53, $0.0e+00  }
0x3b4: {  	vm12 =	vlt.f32 v54, $0.0e+00;
	v58 =	vld [tilespmem:s19+$0xFFFFFF00];
	vm6 =	vmor vm14, vm13;
	vm15 =	vlt.s32 v19, $0x20  }
0x3b5: {  	v25 =	vshll.u32 v19, $0x7;
	vm13 =	vgt.f32 v54, $0.0e+00;
	vm6 =	vmand vm15, vm6  }
0x3b6: {  	vm14 =	vlt.s32 v21, $0x20;
	v59 =	vor.u32 v4, v25;
	vm8 =	vmor vm13, vm12  }
0x3b7: {  	[tilespmem:v24+s13+$0x0] =	vst.idx.msk vm7, v31;
	vm7 =	vmand vm14, vm8  }
0x3b8: {  	v24 =	vld [tilespmem:s19+$0xFFFFFF80];
	v60 =	vsel vm7, $0x1, v2  }
0x3b9: {  	vm15 =	vlt.f32 v58, $0.0e+00;
	vm12 =	vgt.f32 v58, $0.0e+00;
	v61 =	vadd.s32 v60, v21  }
0x3ba: {  	v6 =	vshll.u32 v6, $0x7;
	vm8 =	vmor vm12, vm15;
	vm13 =	vlt.s32 v61, $0x20  }
0x3bb: {  	v6 =	vor.u32 v5, v6;
	v12 =	vshll.u32 v12, $0x7;
	[tilespmem:v59+s13+$0x0] =	vst.idx.msk vm6, v35;
	vm8 =	vmand vm13, vm8  }
0x3bc: {  	v12 =	vor.u32 v5, v12;
	v13 =	vshll.u32 v13, $0x7;
	v22 =	vld [tilespmem:s19+$0x0];
	v62 =	vsel vm8, $0x1, v2  }
0x3bd: {  	vm14 =	vlt.f32 v24, $0.0e+00;
	vm15 =	vgt.f32 v24, $0.0e+00;
	v24 =	vadd.s32 v62, v61  }
0x3be: {  	v13 =	vor.u32 v5, v13;
	vm9 =	vmor vm15, vm14;
	vm12 =	vlt.s32 v24, $0x20  }
0x3bf: {  	v20 =	vshll.u32 v20, $0x7;
	v21 =	vshll.u32 v21, $0x7;
	vm9 =	vmand vm12, vm9  }
0x3c0: {  	v20 =	vor.u32 v5, v20;
	v21 =	vor.u32 v5, v21;
	v63 =	vsel vm9, $0x1, v2  }
0x3c1: {  	vm13 =	vlt.f32 v22, $0.0e+00;
	vm11 =	vgt.f32 v22, $0.0e+00;
	v22 =	vadd.s32 v63, v24  }
0x3c2: {  	[tilespmem:v6+s13+$0x0] =	vst.idx.msk vm0, v7;
	v6 =	vshll.u32 v24, $0x7;
	vm14 =	vmor vm11, vm13;
	vm15 =	vlt.s32 v22, $0x20  }
0x3c3: {  	v6 =	vor.u32 v5, v6;
	v7 =	vshll.u32 v22, $0x7;
	vm0 =	vmand vm15, vm14  }
0x3c4: {  	s18 =	sadd.s32 $0x8, s18;
	[tilespmem:v12+s13+$0x0] =	vst.idx.msk vm1, v8;
	v23 =	vshll.u32 v61, $0x7;
	v7 =	vor.u32 v5, v7  }
0x3c5: {  	p0 =	slt.u32 s18, $0x78;
	[tilespmem:v13+s13+$0x0] =	vst.idx.msk vm4, v9;
	v23 =	vor.u32 v5, v23  }
.Ltmp13:
0x3c6: {  	[tilespmem:v20+s13+$0x0] =	vst.idx.msk vm5, v10;
	(pc) =	sbr.rel @p0 .LBB2_14-.Ltmp13, $4  }
0x3c7: {  	v9 =	vsel vm3, $0x1, v2;
	[tilespmem:v21+s13+$0x0] =	vst.idx.msk vm7, v11  }
0x3c8: {  	v9 =	vadd.s32 v9, v18;
	[tilespmem:v6+s13+$0x0] =	vst.idx.msk vm9, v31;
	v6 =	vsel vm2, $0x1, v2  }
0x3c9: {  	v8 =	vadd.s32 v6, v15;
	v6 =	vsel vm6, $0x1, v2;
	[tilespmem:v7+s13+$0x0] =	vst.idx.msk vm0, v35;
	v7 =	vsel vm0, $0x1, v2  }
0x3ca: {  	s19 =	sadd.s32 $0x400, s19;
	[tilespmem:v23+s13+$0x0] =	vst.idx.msk vm8, v14;
	v10 =	vadd.s32 v6, v19;
	v6 =	vadd.s32 v7, v22  }
0x3cb: {  	vm0 =	vlt.s32 v8, v9  }
0x3cc: {  	v7 =	vsel vm0, v8, v9  }
0x3cd: {  	vm0 =	vlt.s32 v7, v10  }
0x3ce: {  	v7 =	vsel vm0, v7, v10  }
0x3cf: {  	vm0 =	vlt.s32 v7, v6  }
0x3d0: {  	v7 =	vsel vm0, v7, v6  }
0x3d1: {  	(v2sf) =	vpush v7, $0x0  }
0x3d2: {  	(v2sf) =	vpush v7, $0x1;
	_ =	sdelay $0x1  }
0x3d3: {  	(v2sf) =	vpush v7, $0x2;
	_ =	sdelay $0x1  }
0x3d4: {  	(v2sf) =	vpush v7, $0x3;
	_ =	sdelay $0x1  }
0x3d5: {  	(v2sf) =	vpush v7, $0x4;
	_ =	sdelay $0x1  }
0x3d6: {  	(v2sf) =	vpush v7, $0x5;
	_ =	sdelay $0x1  }
0x3d7: {  	(v2sf) =	vpush v7, $0x6;
	_ =	sdelay $0x1  }
0x3d8: {  	(v2sf) =	vpush v7, $0x7;
	_ =	sdelay $0x1  }
0x3d9: {  	s18 =	spop (v2sf);
	(v2sf) =	vpush v7, $0x8  }
0x3da: {  	s19 =	spop (v2sf)  }
0x3db: {  	(v2sf) =	vpush v7, $0x9;
	p0 =	slt.s32 s18, s19  }
0x3dc: {  	s19 =	smov.u32 @p0 s18;
	s18 =	spop (v2sf)  }
0x3dd: {  	(v2sf) =	vpush v7, $0xA;
	p0 =	slt.s32 s19, s18  }
0x3de: {  	s18 =	smov.u32 @p0 s19;
	s19 =	spop (v2sf)  }
0x3df: {  	(v2sf) =	vpush v7, $0xB;
	p0 =	slt.s32 s18, s19  }
0x3e0: {  	s19 =	smov.u32 @p0 s18;
	s18 =	spop (v2sf)  }
0x3e1: {  	(v2sf) =	vpush v7, $0xC;
	p0 =	slt.s32 s19, s18  }
0x3e2: {  	s18 =	smov.u32 @p0 s19;
	s19 =	spop (v2sf)  }
0x3e3: {  	(v2sf) =	vpush v7, $0xD;
	p0 =	slt.s32 s18, s19  }
0x3e4: {  	s19 =	smov.u32 @p0 s18;
	s18 =	spop (v2sf)  }
0x3e5: {  	(v2sf) =	vpush v7, $0xE;
	p0 =	slt.s32 s19, s18  }
0x3e6: {  	s18 =	smov.u32 @p0 s19;
	s19 =	spop (v2sf)  }
0x3e7: {  	(v2sf) =	vpush v7, $0xF;
	p0 =	slt.s32 s18, s19  }
0x3e8: {  	s19 =	smov.u32 @p0 s18;
	s18 =	spop (v2sf)  }
0x3e9: {  	p0 =	slt.s32 s19, s18  }
0x3ea: {  	s18 =	smov.u32 @p0 s19;
	s19 =	spop (v2sf)  }
0x3eb: {  	p0 =	slt.s32 s18, s19  }
0x3ec: {  	s19 =	smov.u32 @p0 s18;
	s18 =	spop (v2sf)  }
0x3ed: {  	p0 =	slt.s32 s19, s18  }
0x3ee: {  	s18 =	smov.u32 @p0 s19;
	s19 =	spop (v2sf)  }
0x3ef: {  	p0 =	slt.s32 s18, s19  }
0x3f0: {  	s19 =	smov.u32 @p0 s18;
	s18 =	spop (v2sf)  }
0x3f1: {  	p0 =	slt.s32 s19, s18  }
0x3f2: {  	s18 =	smov.u32 @p0 s19;
	s19 =	spop (v2sf)  }
0x3f3: {  	p0 =	slt.s32 s18, s19  }
0x3f4: {  	s19 =	smov.u32 @p0 s18;
	s18 =	spop (v2sf)  }
0x3f5: {  	p0 =	slt.s32 s19, s18  }
0x3f6: {  	s18 =	smov.u32 @p0 s19;
	s19 =	spop (v2sf)  }
.Ltmp14:
0x3f7: {  	p0 =	slt.s32 s18, s19;
	(pc) =	sbr.rel .LBB2_16-.Ltmp14, $4  }
0x3f8: {  	[tilespmem:$0xA000] =	vst v8;
	s19 =	smov.u32 @p0 s18  }
0x3f9: {  	[tilespmem:$0xA080] =	vst v9;
	s18 =	simm.s32 $0x1;
	p0 =	sgt.s32 s19, $0x1F  }
0x3fa: {  	[tilespmem:$0xA100] =	vst v10;
	s18 =	simm.s32 @!p0 $0x0  }
0x3fb: {  	[tilespmem:$0xA180] =	vst v6;
	[smem:$0x0] =	sst s18  }
.LBB2_18:
0x3fc: {  	_ =	sfence.sel $0x180000  }
0x3fd: {  	[bflag:$0x0] =	sbarrier.arrive $0xFFFF  }
0x3fe: {  	p0 =	sne.s32 s1, $0x0;
	_ =	strace $0x90000047  }
0x3ff: {  	s0 =	sadd.s32 @!p0 $0x100000, s0;
	[bflag:$0x2] =	sbarrier.arrive $0xFFFF  }
0x400: {  	[sflag:s0] =	ssyncadd.tile.s32 @!p0 $0x1;
	_ =	shalt  }
.Lfunc_end2:
_tile_overlayer_lowered:
.L_overlay_start_2:
0x401: {  	(tag) =	ssettag $0x2  }
0x402: {  	s0 =	rddreg [dreg:$0x0];
	s2 =	stileid.u32  }
0x403: {  	s1 =	rddreg [dreg:$0x1];
	p0 =	sne.s32 s2, $0x0  }
0x404: {  	s3 =	rddreg [dreg:$0x2];
	[bflag:$0x3] =	sbarrier.arrive $0xFFFF;
	s2 =	simm.s32 @!p0 $0x1C04  }
0x405: {  	[timem:s3], [sflag:s2] =	dma.local @!p0 [hbm:s0], s1  }
0x406: {  	s0 =	simm.s32 @!p0 $0x4  }
0x407: {  	_ =	swait.ge @!p0 [sflag:s0], s1  }
0x408: {  	s1 =	ssub.s32 @!p0 $0x0, s1;
	[sflag:s0] =	ssyncset.done @!p0 $0x0  }
0x409: {  	[sflag:s0] =	ssyncadd.s32 @!p0 s1  }
0x40a: {  	[bflag:$0x3] =	sbarrier.arrive $0xFFFF  }
0x40b: {  	_ =	shalt  }

</sc_bundles>
